<compile_context>
chip_gen: v7x
topology: tpu7x:2x2x1
jax: 0.10.2.dev20260603
libtpu: 0.0.44.dev20260713+nightly
codegen_flags: <defaults>
</compile_context>

<pallas_src>
import functools

import jax
import jax.numpy as jnp
from jax import lax
from jax.experimental import pallas as pl
from jax.experimental.pallas import tpu as pltpu
from jax.experimental.pallas import tpu_sc as plsc

_H = 8

_EB = 48


def _qkv_matmul(x_pad, wt, b):
    rows, dim = x_pad.shape
    cols = wt.shape[1]
    br = 512

    def body(x_ref, w_ref, b_ref, o_ref):
        o_ref[...] = (
            jnp.dot(x_ref[...], w_ref[...], preferred_element_type=jnp.float32)
            + b_ref[...]
        )

    return pl.pallas_call(
        body,
        grid=(rows // br,),
        in_specs=[
            pl.BlockSpec((br, dim), lambda i: (i, 0)),
            pl.BlockSpec((dim, cols), lambda i: (0, 0)),
            pl.BlockSpec((1, cols), lambda i: (0, 0)),
        ],
        out_specs=pl.BlockSpec((br, cols), lambda i: (i, 0)),
        out_shape=jax.ShapeDtypeStruct((rows, cols), jnp.float32),
    )(x_pad, wt, b.reshape(1, cols))


def _epilogue(q, acc, den, kg_exp, vg_exp, m_mat, bmat, wo_t, bo):
    rows, dim = q.shape
    gh = kg_exp.shape[1]
    br = 512

    def body(q_ref, a_ref, d_ref, kge_ref, vge_ref, m_ref, bm_ref, wo_ref,
             bo_ref, o_ref):
        ex = jnp.exp(
            jnp.dot(q_ref[...], kge_ref[...], preferred_element_type=jnp.float32)
        )
        den_tot = d_ref[...] + jnp.dot(
            ex, m_ref[...], preferred_element_type=jnp.float32
        )
        numer = a_ref[...] + jnp.dot(
            ex, vge_ref[...], preferred_element_type=jnp.float32
        )
        dfull = jnp.dot(
            1.0 / den_tot, bm_ref[...], preferred_element_type=jnp.float32
        )
        o_ref[...] = (
            jnp.dot(numer * dfull, wo_ref[...], preferred_element_type=jnp.float32)
            + bo_ref[...]
        )

    return pl.pallas_call(
        body,
        grid=(rows // br,),
        in_specs=[
            pl.BlockSpec((br, dim), lambda i: (i, 0)),
            pl.BlockSpec((br, dim), lambda i: (i, 0)),
            pl.BlockSpec((br, _H), lambda i: (i, 0)),
            pl.BlockSpec((dim, gh), lambda i: (0, 0)),
            pl.BlockSpec((gh, dim), lambda i: (0, 0)),
            pl.BlockSpec((gh, _H), lambda i: (0, 0)),
            pl.BlockSpec((_H, dim), lambda i: (0, 0)),
            pl.BlockSpec((dim, dim), lambda i: (0, 0)),
            pl.BlockSpec((1, dim), lambda i: (0, 0)),
        ],
        out_specs=pl.BlockSpec((br, dim), lambda i: (i, 0)),
        out_shape=jax.ShapeDtypeStruct((rows, dim), jnp.float32),
    )(q, acc, den, kg_exp, vg_exp, m_mat, bmat, wo_t, bo.reshape(1, dim))


def _sc_edge_pass(qtab, ktab, vtab, sidx3, didx3, zacc, nt, nta):
    nblk = sidx3.shape[2]
    per_sub = nblk * _EB
    ep = per_sub * 16
    zrows = nta // 16
    mesh = plsc.VectorSubcoreMesh(core_axis_name="c", subcore_axis_name="s")

    @functools.partial(
        pl.kernel,
        out_type=[
            jax.ShapeDtypeStruct((2 * nta, 128), jnp.float32),
            jax.ShapeDtypeStruct((2 * ep, 16), jnp.float32),
        ],
        mesh=mesh,
        compiler_params=pltpu.CompilerParams(needs_layout_passes=False),
        scratch_types=[
            pltpu.VMEM_SHARED((nta, 128), jnp.float32),
            [pltpu.VMEM((_EB,), jnp.int32)] * 2,
            [pltpu.VMEM((_EB,), jnp.int32)] * 2,
            pltpu.VMEM((_EB,), jnp.int32),
            [pltpu.VMEM((_EB, 128), jnp.float32)] * 2,
            [pltpu.VMEM((_EB, 128), jnp.float32)] * 2,
            [pltpu.VMEM((_EB, 128), jnp.float32)] * 2,
            pltpu.VMEM((_EB, 16), jnp.float32),
            [pltpu.SemaphoreType.DMA] * 2,
            [pltpu.SemaphoreType.DMA] * 2,
        ],
    )
    def k(qtab_ref, ktab_ref, vtab_ref, sidx_ref, didx_ref, zacc_ref,
          acc_out, ex_out, acc_sh, sidx, didx, didxr,
          qrows, krows, vrows, ex_blk, semi, semg):
        c = lax.axis_index("c")
        s = lax.axis_index("s")
        pltpu.sync_copy(zacc_ref, acc_sh.at[pl.ds(s * zrows, zrows)])
        zv = jnp.zeros((16,), jnp.float32)

        @pl.loop(0, _EB)
        def _(e):
            ex_blk[e, :] = zv

        plsc.subcore_barrier()
        coff = c * nt
        ngrp = _EB // 16

        def idx_start(g, b):
            pltpu.async_copy(sidx_ref.at[c, s, g], sidx[b], semi[b])
            pltpu.async_copy(didx_ref.at[c, s, g], didx[b], semi[b])

        def idx_wait(b):
            pltpu.make_async_copy(sidx_ref.at[c, s, 0], sidx[b], semi[b]).wait()
            pltpu.make_async_copy(didx_ref.at[c, s, 0], didx[b], semi[b]).wait()

        def gat_start(b):
            pltpu.async_copy(qtab_ref.at[didx[b]], qrows[b], semg[b])
            pltpu.async_copy(ktab_ref.at[sidx[b]], krows[b], semg[b])
            pltpu.async_copy(vtab_ref.at[sidx[b]], vrows[b], semg[b])

        def gat_wait(b):
            pltpu.make_async_copy(qtab_ref.at[didx[b]], qrows[b], semg[b]).wait()
            pltpu.make_async_copy(ktab_ref.at[sidx[b]], krows[b], semg[b]).wait()
            pltpu.make_async_copy(vtab_ref.at[sidx[b]], vrows[b], semg[b]).wait()

        idx_start(0, 0)
        idx_wait(0)
        gat_start(0)
        idx_start(1, 1)

        lanes = lax.iota(jnp.int32, 16)

        @pl.loop(0, nblk)
        def _(g):
            for b in range(2):

                @pl.when(g % 2 == b)
                def _():
                    ob = 1 - b
                    gp1 = g + 1

                    @pl.when(gp1 < nblk)
                    def _():
                        idx_wait(ob)
                        gat_start(ob)

                    for t in range(ngrp):
                        sl = pl.ds(t * 16, 16)
                        didxr[sl] = didx[b][sl] - coff

                    gat_wait(b)

                    @pl.when(g + 2 < nblk)
                    def _():
                        idx_start(g + 2, b)

                    for ge in range(ngrp):
                        r16 = lanes + ge * 16

                        def dbody(dd, accs):
                            out = []
                            for h in range(4):
                                cidx = jnp.full((16,), h * 32 + dd, jnp.int32)
                                qv = plsc.load_gather(qrows[b], [r16, cidx])
                                kv = plsc.load_gather(krows[b], [r16, cidx])
                                out.append(accs[h] + qv * kv)
                            return tuple(out)

                        z16 = jnp.zeros((16,), jnp.float32)
                        accs = lax.fori_loop(0, 32, dbody, (z16,) * 4,
                                             unroll=4)
                        exs = [jnp.exp(a) for a in accs]
                        for h in range(4):
                            plsc.store_scatter(
                                ex_blk,
                                [r16, jnp.full((16,), h, jnp.int32)], exs[h])

                        def wbody(dd, carry):
                            for h in range(4):
                                cidx = jnp.full((16,), h * 32 + dd, jnp.int32)
                                vv = plsc.load_gather(vrows[b], [r16, cidx])
                                plsc.store_scatter(vrows[b], [r16, cidx],
                                                   vv * exs[h])
                            return carry

                        lax.fori_loop(0, 32, wbody, 0, unroll=4)

                    pltpu.sync_copy(vrows[b], acc_sh.at[didxr], add=True)
                    base = c * ep + s * per_sub + g * _EB
                    pltpu.sync_copy(ex_blk, ex_out.at[pl.ds(base, _EB)])

        plsc.subcore_barrier()
        row0 = c * nta + s * zrows
        pltpu.sync_copy(acc_sh.at[pl.ds(s * zrows, zrows)],
                        acc_out.at[pl.ds(row0, zrows)])

    return k(qtab, ktab, vtab, sidx3, didx3, zacc)


def _sc_den_pass(ex, dstp, zacc, nta):
    ep = dstp.shape[0]
    per_sub = ep // 16
    nblk = per_sub // _EB
    zrows = nta // 16
    mesh = plsc.VectorSubcoreMesh(core_axis_name="c", subcore_axis_name="s")

    @functools.partial(
        pl.kernel,
        out_type=jax.ShapeDtypeStruct((2 * nta, 128), jnp.float32),
        mesh=mesh,
        scratch_types=[
            pltpu.VMEM_SHARED((nta, 128), jnp.float32),
            pltpu.VMEM((_EB,), jnp.int32),
            pltpu.VMEM((_EB, 16), jnp.float32),
            pltpu.VMEM((_EB, 128), jnp.float32),
        ],
    )
    def k(ex_ref, dst_ref, zacc_ref, den_out, den_sh, didx, exd, drows):
        c = lax.axis_index("c")
        s = lax.axis_index("s")
        pltpu.sync_copy(zacc_ref, den_sh.at[pl.ds(s * zrows, zrows)])
        zv = jnp.zeros((16,), jnp.float32)

        @pl.loop(0, _EB)
        def _(e):
            for t in range(8):
                drows[e, pl.ds(t * 16, 16)] = zv

        plsc.subcore_barrier()

        @pl.loop(0, nblk)
        def _(blk):
            base = s * per_sub + blk * _EB
            pltpu.sync_copy(dst_ref.at[pl.ds(base, _EB)], didx)
            pltpu.sync_copy(ex_ref.at[pl.ds(c * ep + base, _EB)], exd)

            @pl.loop(0, _EB)
            def _(e):
                drows[e, pl.ds(0, 16)] = exd[e, :]

            pltpu.sync_copy(drows, den_sh.at[didx], add=True)

        plsc.subcore_barrier()
        row0 = c * nta + s * zrows
        pltpu.sync_copy(den_sh.at[pl.ds(s * zrows, zrows)],
                        den_out.at[pl.ds(row0, zrows)])

    return k(ex, dstp, zacc)


def kernel(x, edge_index, expander_edge_index, W_qkv, b_qkv, W_out, b_out,
           global_tokens):
    n, dim = x.shape
    g = global_tokens.shape[0]
    d = dim // _H
    scale = d ** -0.5
    half = dim // 2

    rows = ((n + g + 511) // 512) * 512

    x_full = jnp.concatenate([x, global_tokens], axis=0)
    x_pad = jnp.pad(x_full, ((0, rows - (n + g)), (0, 0)))

    colscale = jnp.where(jnp.arange(3 * dim) < dim, scale, 1.0).astype(
        jnp.float32)
    wt = W_qkv.T * colscale[None, :]
    bq = b_qkv * colscale

    qkv = _qkv_matmul(x_pad, wt, bq)
    q_all = qkv[:, :dim]
    k_all = qkv[:, dim:2 * dim]
    v_all = qkv[:, 2 * dim:]

    nt = n + 1
    zrow = jnp.zeros((1, half), jnp.float32)
    qtab = jnp.concatenate(
        [q_all[:n, :half], zrow, q_all[:n, half:], zrow], axis=0)
    ktab = jnp.concatenate(
        [k_all[:n, :half], zrow, k_all[:n, half:], zrow], axis=0)
    vtab = jnp.concatenate(
        [v_all[:n, :half], zrow, v_all[:n, half:], zrow], axis=0)

    e_total = edge_index.shape[1] + expander_edge_index.shape[1] + n
    per_sub = -(-e_total // (16 * _EB)) * _EB
    pad = per_sub * 16 - e_total
    ar = jnp.arange(n, dtype=jnp.int32)
    padv = jnp.full((pad,), n, dtype=jnp.int32)
    srcp = jnp.concatenate(
        [edge_index[0].astype(jnp.int32),
         expander_edge_index[0].astype(jnp.int32), ar, padv])
    dstp = jnp.concatenate(
        [edge_index[1].astype(jnp.int32),
         expander_edge_index[1].astype(jnp.int32), ar, padv])

    nta = ((nt + 127) // 128) * 128
    zacc = jnp.zeros((nta // 16, 128), jnp.float32)

    nblk = per_sub // _EB
    coff = (jnp.arange(2, dtype=jnp.int32) * nt)[:, None, None, None]
    sidx3 = srcp.reshape(1, 16, nblk, _EB) + coff
    didx3 = dstp.reshape(1, 16, nblk, _EB) + coff

    acc, ex = _sc_edge_pass(qtab, ktab, vtab, sidx3, didx3, zacc, nt, nta)
    den = _sc_den_pass(ex, dstp, zacc, nta)

    acc_cat = jnp.pad(
        jnp.concatenate([acc[:nta], acc[nta:]], axis=1),
        ((0, rows - nta), (0, 0)))
    den_cat = jnp.pad(
        jnp.concatenate([den[:nta, :4], den[nta:2 * nta, :4]], axis=1),
        ((0, rows - nta), (0, 0)), constant_values=1.0)

    kg = k_all[n:n + g]
    vg = v_all[n:n + g]
    ar_c = jnp.arange(dim)
    ar_j = jnp.arange(g * _H)
    mask = (ar_c[:, None] // d) == (ar_j[None, :] % _H)
    kg_exp = jnp.where(mask, kg.T[:, ar_j // _H], 0.0)
    vg_exp = jnp.where(mask.T, vg[ar_j // _H, :], 0.0)
    m_mat = (ar_j[:, None] % _H == jnp.arange(_H)[None, :]).astype(jnp.float32)
    bmat = (jnp.arange(_H)[:, None] == ar_c[None, :] // d).astype(jnp.float32)

    out_full = _epilogue(q_all, acc_cat, den_cat, kg_exp, vg_exp, m_mat, bmat,
                         W_out.T, b_out)
    return out_full[:n]

# --- scband reference (transcript-rebuilt; emitter-appended) ---
"""Pipeline reference for scband-sparse-attention-62612033241318 (READ-ONLY COPY).

The authoritative reference and input builder live on the scoring server;
editing this copy changes nothing except your own understanding.
"""

import jax, jax.numpy as jnp
import numpy as np

N = 10000
E = 160000
E2 = 160000
DIM = 256
HEADS = 8
G = 4


def setup_inputs(seed: int = 0) -> dict:
    key = jax.random.key(seed)
    k1, k2, k3, k4, k5, k6 = jax.random.split(key, 6)
    x = jax.random.normal(k1, (N, DIM), dtype=jnp.float32)
    edge_index = jax.random.randint(k2, (2, E), 0, N)
    expander_edge_index = jax.random.randint(k3, (2, E2), 0, N)
    W_qkv = jax.random.normal(k4, (3 * DIM, DIM), dtype=jnp.float32) * 0.02
    b_qkv = jnp.zeros((3 * DIM,), dtype=jnp.float32)
    W_out = jax.random.normal(k5, (DIM, DIM), dtype=jnp.float32) * 0.02
    b_out = jnp.zeros((DIM,), dtype=jnp.float32)
    global_tokens = jax.random.normal(k6, (G, DIM), dtype=jnp.float32)
    return {
        "x": x,
        "edge_index": edge_index,
        "expander_edge_index": expander_edge_index,
        "W_qkv": W_qkv,
        "b_qkv": b_qkv,
        "W_out": W_out,
        "b_out": b_out,
        "global_tokens": global_tokens,
    }


def reference(x, edge_index, expander_edge_index, W_qkv, b_qkv, W_out, b_out, global_tokens):
    n = x.shape[0]
    g = global_tokens.shape[0]
    dim = x.shape[1]
    H = HEADS
    D = dim // H
    scale = D ** (-0.5)

    x_full = jnp.concatenate([x, global_tokens], axis=0)
    qkv = (x_full @ W_qkv.T + b_qkv).reshape(n + g, 3, H, D)
    Q, K, V = qkv[:, 0], qkv[:, 1], qkv[:, 2]

    # add self loops
    self_loops = jnp.stack([jnp.arange(n), jnp.arange(n)], axis=0)
    local_edges = jnp.concatenate([edge_index, self_loops], axis=1)

    # node <-> global edges (meshgrid ij then reshape(2, -1))
    global_nodes = jnp.arange(n, n + g)
    node_to_global = jnp.stack(
        [jnp.repeat(jnp.arange(n), g), jnp.tile(global_nodes, n)], axis=0
    )
    global_to_node = node_to_global[::-1]

    combined_edges = jnp.concatenate(
        [local_edges, expander_edge_index, node_to_global, global_to_node], axis=1
    )
    src = combined_edges[0]
    dst = combined_edges[1]

    q = Q[dst]  # [Etot, H, D]
    k = K[src]
    v = V[src]
    scores = (q * k).sum(axis=-1) * scale  # [Etot, H]

    num_seg = n + g
    smax = jax.ops.segment_max(scores, dst, num_segments=num_seg)
    smax = jnp.where(jnp.isfinite(smax), smax, 0.0)
    ex = jnp.exp(scores - smax[dst])
    denom = jax.ops.segment_sum(ex, dst, num_segments=num_seg)
    attn = ex / denom[dst]

    out = jnp.zeros_like(Q).at[dst].add(attn[..., None] * v)
    out = out[:n].reshape(n, H * D)
    return out @ W_out.T + b_out

if __name__ == "__main__":
    import jax
    _d = setup_inputs()
    print(jax.jit(kernel)(*tuple(_d.values())))

</pallas_src>

<mosaic_0001>
#map = affine_map<(d0, d1) -> (0, 0)>
#map1 = affine_map<(d0, d1) -> (0, 0, 0, 0)>
module attributes {stable_mosaic.version = 14 : i64} {
  func.func @k(%arg0: i32, %arg1: i32, %arg2: memref<20002x128xf32, #tpu.memory_space<hbm>>, %arg3: memref<20002x128xf32, #tpu.memory_space<hbm>>, %arg4: memref<20002x128xf32, #tpu.memory_space<hbm>>, %arg5: memref<2x16x430x48xi32, #tpu.memory_space<hbm>>, %arg6: memref<2x16x430x48xi32, #tpu.memory_space<hbm>>, %arg7: memref<632x128xf32, #tpu.memory_space<hbm>>, %arg8: memref<20224x128xf32, #tpu.memory_space<hbm>>, %arg9: memref<660480x16xf32, #tpu.memory_space<hbm>>, %arg10: memref<10112x128xf32, #tpu.memory_space<vmem_shared>>, %arg11: memref<48xi32, #tpu.memory_space<vmem>>, %arg12: memref<48xi32, #tpu.memory_space<vmem>>, %arg13: memref<48xi32, #tpu.memory_space<vmem>>, %arg14: memref<48xi32, #tpu.memory_space<vmem>>, %arg15: memref<48xi32, #tpu.memory_space<vmem>>, %arg16: memref<48x128xf32, #tpu.memory_space<vmem>>, %arg17: memref<48x128xf32, #tpu.memory_space<vmem>>, %arg18: memref<48x128xf32, #tpu.memory_space<vmem>>, %arg19: memref<48x128xf32, #tpu.memory_space<vmem>>, %arg20: memref<48x128xf32, #tpu.memory_space<vmem>>, %arg21: memref<48x128xf32, #tpu.memory_space<vmem>>, %arg22: memref<48x16xf32, #tpu.memory_space<vmem>>, %arg23: memref<!tpu.dma_semaphore, #tpu.memory_space<semaphore_mem>>, %arg24: memref<!tpu.dma_semaphore, #tpu.memory_space<semaphore_mem>>, %arg25: memref<!tpu.dma_semaphore, #tpu.memory_space<semaphore_mem>>, %arg26: memref<!tpu.dma_semaphore, #tpu.memory_space<semaphore_mem>>) attributes {dimension_semantics = [#tpu.dimension_semantics<core_parallel>, #tpu.dimension_semantics<subcore_parallel>], iteration_bounds = array<i64: 2, 16>, scalar_prefetch = 0 : i64, scratch_operands = 17 : i64, tpu.core_type = #tpu.core_type<sc_vector_subcore>, window_params = [{transform_indices = #map}, {transform_indices = #map}, {transform_indices = #map}, {transform_indices = #map1}, {transform_indices = #map1}, {transform_indices = #map}, {transform_indices = #map}, {transform_indices = #map}]} {
    %mul3A = arith.constant 632 : i32
    %mul3A_0 = arith.muli %arg1, %mul3A : i32
    "tpu.region"() ({
      %run_scoped3A = tpu.sem_alloc : memref<!tpu.dma_semaphore, #tpu.memory_space<semaphore_mem>>
      %dma_start3A_69 = arith.constant 0 : i32
      %dma_start3A_70 = tpu.memref_slice %arg10[%mul3A_0, %dma_start3A_69] : memref<10112x128xf32, #tpu.memory_space<vmem_shared>> -> memref<632x128xf32, #tpu.memory_space<vmem_shared>>
      tpu.enqueue_dma source(%arg7 : memref<632x128xf32, #tpu.memory_space<hbm>>) target(%dma_start3A_70 : memref<632x128xf32, #tpu.memory_space<vmem_shared>>) target_semaphore(%run_scoped3A : memref<!tpu.dma_semaphore, #tpu.memory_space<semaphore_mem>>)
      %dma_wait3A_71 = arith.constant 0 : i32
      %dma_wait3A_72 = tpu.memref_slice %arg10[%mul3A_0, %dma_wait3A_71] : memref<10112x128xf32, #tpu.memory_space<vmem_shared>> -> memref<632x128xf32, #tpu.memory_space<vmem_shared>>
      tpu.wait_dma2 semaphore(%run_scoped3A : memref<!tpu.dma_semaphore, #tpu.memory_space<semaphore_mem>>) src(%arg7 : memref<632x128xf32, #tpu.memory_space<hbm>>) dst(%dma_wait3A_72 : memref<632x128xf32, #tpu.memory_space<vmem_shared>>)
      tpu.yield
    }) : () -> ()
    %broadcast_in_dim3A = arith.constant 0.000000e+00 : f32
    %broadcast_in_dim3A_1 = vector.broadcast %broadcast_in_dim3A : f32 to vector<16xf32>
    %scan3A = arith.constant 0 : i32
    %scan3A_2 = arith.constant 48 : i32
    %scan3A_3 = arith.addi %scan3A, %scan3A_2 : i32
    %scan3A_4 = arith.constant 1 : i32
    scf.for %scan3A_69 = %scan3A to %scan3A_3 step %scan3A_4  : i32 {
      %mul3A_70 = arith.constant 1 : i32
      %mul3A_71 = arith.muli %scan3A_69, %mul3A_70 : i32
      %add3A_72 = arith.constant 0 : i32
      %add3A_73 = arith.addi %add3A_72, %mul3A_71 : i32
      %swap3A = arith.index_cast %add3A_73 : i32 to index
      %swap3A_74 = arith.constant 0 : index
      %swap3A_75 = tpu.vector_load %arg22[%swap3A, %swap3A_74] {strides = array<i32>} : memref<48x16xf32, #tpu.memory_space<vmem>>, vector<16xf32>,
      tpu.vector_store %arg22[%swap3A, %swap3A_74], %broadcast_in_dim3A_1 {strides = array<i32>} : memref<48x16xf32, #tpu.memory_space<vmem>>, vector<16xf32>,
    }
    %scan3A_5 = arith.constant 48 : i32
    %barrier3A = arith.constant 0 : index
    tpu.barrier barrier_id(%barrier3A)
    %mul3A_6 = arith.constant 10001 : i32
    %mul3A_7 = arith.muli %arg0, %mul3A_6 : i32
    %dma_start3A = arith.constant 0 : i32
    %dma_start3A_8 = arith.constant 0 : i32
    %dma_start3A_9 = tpu.memref_slice %arg5[%arg0, %arg1, %dma_start3A, %dma_start3A_8] : memref<2x16x430x48xi32, #tpu.memory_space<hbm>> -> memref<1x1x1x48xi32, #tpu.memory_space<hbm>>
    %dma_start3A_10 = tpu.memref_squeeze %dma_start3A_9 : memref<1x1x1x48xi32, #tpu.memory_space<hbm>> -> memref<48xi32, #tpu.memory_space<hbm>>
    %dma_start3A_11 = arith.constant 0 : i32
    %dma_start3A_12 = tpu.memref_slice %arg5[%arg0, %arg1, %dma_start3A, %dma_start3A_11] : memref<2x16x430x48xi32, #tpu.memory_space<hbm>> -> memref<1x1x1x48xi32, #tpu.memory_space<hbm>>
    %dma_start3A_13 = tpu.memref_squeeze %dma_start3A_12 : memref<1x1x1x48xi32, #tpu.memory_space<hbm>> -> memref<48xi32, #tpu.memory_space<hbm>>
    tpu.enqueue_dma source(%dma_start3A_13 : memref<48xi32, #tpu.memory_space<hbm>>) target(%arg11 : memref<48xi32, #tpu.memory_space<vmem>>) target_semaphore(%arg23 : memref<!tpu.dma_semaphore, #tpu.memory_space<semaphore_mem>>)
    %dma_start3A_14 = arith.constant 0 : i32
    %dma_start3A_15 = arith.constant 0 : i32
    %dma_start3A_16 = tpu.memref_slice %arg6[%arg0, %arg1, %dma_start3A_14, %dma_start3A_15] : memref<2x16x430x48xi32, #tpu.memory_space<hbm>> -> memref<1x1x1x48xi32, #tpu.memory_space<hbm>>
    %dma_start3A_17 = tpu.memref_squeeze %dma_start3A_16 : memref<1x1x1x48xi32, #tpu.memory_space<hbm>> -> memref<48xi32, #tpu.memory_space<hbm>>
    %dma_start3A_18 = arith.constant 0 : i32
    %dma_start3A_19 = tpu.memref_slice %arg6[%arg0, %arg1, %dma_start3A_14, %dma_start3A_18] : memref<2x16x430x48xi32, #tpu.memory_space<hbm>> -> memref<1x1x1x48xi32, #tpu.memory_space<hbm>>
    %dma_start3A_20 = tpu.memref_squeeze %dma_start3A_19 : memref<1x1x1x48xi32, #tpu.memory_space<hbm>> -> memref<48xi32, #tpu.memory_space<hbm>>
    tpu.enqueue_dma source(%dma_start3A_20 : memref<48xi32, #tpu.memory_space<hbm>>) target(%arg13 : memref<48xi32, #tpu.memory_space<vmem>>) target_semaphore(%arg23 : memref<!tpu.dma_semaphore, #tpu.memory_space<semaphore_mem>>)
    %dma_wait3A = arith.constant 0 : i32
    %dma_wait3A_21 = arith.constant 0 : i32
    %dma_wait3A_22 = tpu.memref_slice %arg5[%arg0, %arg1, %dma_wait3A, %dma_wait3A_21] : memref<2x16x430x48xi32, #tpu.memory_space<hbm>> -> memref<1x1x1x48xi32, #tpu.memory_space<hbm>>
    %dma_wait3A_23 = tpu.memref_squeeze %dma_wait3A_22 : memref<1x1x1x48xi32, #tpu.memory_space<hbm>> -> memref<48xi32, #tpu.memory_space<hbm>>
    %dma_wait3A_24 = arith.constant 0 : i32
    %dma_wait3A_25 = tpu.memref_slice %arg5[%arg0, %arg1, %dma_wait3A, %dma_wait3A_24] : memref<2x16x430x48xi32, #tpu.memory_space<hbm>> -> memref<1x1x1x48xi32, #tpu.memory_space<hbm>>
    %dma_wait3A_26 = tpu.memref_squeeze %dma_wait3A_25 : memref<1x1x1x48xi32, #tpu.memory_space<hbm>> -> memref<48xi32, #tpu.memory_space<hbm>>
    tpu.wait_dma2 semaphore(%arg23 : memref<!tpu.dma_semaphore, #tpu.memory_space<semaphore_mem>>) src(%dma_wait3A_26 : memref<48xi32, #tpu.memory_space<hbm>>) dst(%arg11 : memref<48xi32, #tpu.memory_space<vmem>>)
    %dma_wait3A_27 = arith.constant 0 : i32
    %dma_wait3A_28 = arith.constant 0 : i32
    %dma_wait3A_29 = tpu.memref_slice %arg6[%arg0, %arg1, %dma_wait3A_27, %dma_wait3A_28] : memref<2x16x430x48xi32, #tpu.memory_space<hbm>> -> memref<1x1x1x48xi32, #tpu.memory_space<hbm>>
    %dma_wait3A_30 = tpu.memref_squeeze %dma_wait3A_29 : memref<1x1x1x48xi32, #tpu.memory_space<hbm>> -> memref<48xi32, #tpu.memory_space<hbm>>
    %dma_wait3A_31 = arith.constant 0 : i32
    %dma_wait3A_32 = tpu.memref_slice %arg6[%arg0, %arg1, %dma_wait3A_27, %dma_wait3A_31] : memref<2x16x430x48xi32, #tpu.memory_space<hbm>> -> memref<1x1x1x48xi32, #tpu.memory_space<hbm>>
    %dma_wait3A_33 = tpu.memref_squeeze %dma_wait3A_32 : memref<1x1x1x48xi32, #tpu.memory_space<hbm>> -> memref<48xi32, #tpu.memory_space<hbm>>
    tpu.wait_dma2 semaphore(%arg23 : memref<!tpu.dma_semaphore, #tpu.memory_space<semaphore_mem>>) src(%dma_wait3A_33 : memref<48xi32, #tpu.memory_space<hbm>>) dst(%arg13 : memref<48xi32, #tpu.memory_space<vmem>>)
    %dma_start3A_34 = arith.constant 0 : i32
    %dma_start3A_35 = arith.constant 0 : i32
    %dma_start3A_36 = tpu.memref_slice %arg2[%dma_start3A_34, %dma_start3A_35] : memref<20002x128xf32, #tpu.memory_space<hbm>> -> memref<20002x128xf32, #tpu.memory_space<hbm>>
    tpu.enqueue_indirect_dma source(%dma_start3A_36 : memref<20002x128xf32, #tpu.memory_space<hbm>>) target(%arg16 : memref<48x128xf32, #tpu.memory_space<vmem>>) offsets(%arg13 : memref<48xi32, #tpu.memory_space<vmem>>) semaphore(%arg25 : memref<!tpu.dma_semaphore, #tpu.memory_space<semaphore_mem>>)
    %dma_start3A_37 = arith.constant 0 : i32
    %dma_start3A_38 = arith.constant 0 : i32
    %dma_start3A_39 = tpu.memref_slice %arg3[%dma_start3A_37, %dma_start3A_38] : memref<20002x128xf32, #tpu.memory_space<hbm>> -> memref<20002x128xf32, #tpu.memory_space<hbm>>
    tpu.enqueue_indirect_dma source(%dma_start3A_39 : memref<20002x128xf32, #tpu.memory_space<hbm>>) target(%arg18 : memref<48x128xf32, #tpu.memory_space<vmem>>) offsets(%arg11 : memref<48xi32, #tpu.memory_space<vmem>>) semaphore(%arg25 : memref<!tpu.dma_semaphore, #tpu.memory_space<semaphore_mem>>)
    %dma_start3A_40 = arith.constant 0 : i32
    %dma_start3A_41 = arith.constant 0 : i32
    %dma_start3A_42 = tpu.memref_slice %arg4[%dma_start3A_40, %dma_start3A_41] : memref<20002x128xf32, #tpu.memory_space<hbm>> -> memref<20002x128xf32, #tpu.memory_space<hbm>>
    tpu.enqueue_indirect_dma source(%dma_start3A_42 : memref<20002x128xf32, #tpu.memory_space<hbm>>) target(%arg20 : memref<48x128xf32, #tpu.memory_space<vmem>>) offsets(%arg11 : memref<48xi32, #tpu.memory_space<vmem>>) semaphore(%arg25 : memref<!tpu.dma_semaphore, #tpu.memory_space<semaphore_mem>>)
    %dma_start3A_43 = arith.constant 1 : i32
    %dma_start3A_44 = arith.constant 0 : i32
    %dma_start3A_45 = tpu.memref_slice %arg5[%arg0, %arg1, %dma_start3A_43, %dma_start3A_44] : memref<2x16x430x48xi32, #tpu.memory_space<hbm>> -> memref<1x1x1x48xi32, #tpu.memory_space<hbm>>
    %dma_start3A_46 = tpu.memref_squeeze %dma_start3A_45 : memref<1x1x1x48xi32, #tpu.memory_space<hbm>> -> memref<48xi32, #tpu.memory_space<hbm>>
    %dma_start3A_47 = arith.constant 0 : i32
    %dma_start3A_48 = tpu.memref_slice %arg5[%arg0, %arg1, %dma_start3A_43, %dma_start3A_47] : memref<2x16x430x48xi32, #tpu.memory_space<hbm>> -> memref<1x1x1x48xi32, #tpu.memory_space<hbm>>
    %dma_start3A_49 = tpu.memref_squeeze %dma_start3A_48 : memref<1x1x1x48xi32, #tpu.memory_space<hbm>> -> memref<48xi32, #tpu.memory_space<hbm>>
    tpu.enqueue_dma source(%dma_start3A_49 : memref<48xi32, #tpu.memory_space<hbm>>) target(%arg12 : memref<48xi32, #tpu.memory_space<vmem>>) target_semaphore(%arg24 : memref<!tpu.dma_semaphore, #tpu.memory_space<semaphore_mem>>)
    %dma_start3A_50 = arith.constant 1 : i32
    %dma_start3A_51 = arith.constant 0 : i32
    %dma_start3A_52 = tpu.memref_slice %arg6[%arg0, %arg1, %dma_start3A_50, %dma_start3A_51] : memref<2x16x430x48xi32, #tpu.memory_space<hbm>> -> memref<1x1x1x48xi32, #tpu.memory_space<hbm>>
    %dma_start3A_53 = tpu.memref_squeeze %dma_start3A_52 : memref<1x1x1x48xi32, #tpu.memory_space<hbm>> -> memref<48xi32, #tpu.memory_space<hbm>>
    %dma_start3A_54 = arith.constant 0 : i32
    %dma_start3A_55 = tpu.memref_slice %arg6[%arg0, %arg1, %dma_start3A_50, %dma_start3A_54] : memref<2x16x430x48xi32, #tpu.memory_space<hbm>> -> memref<1x1x1x48xi32, #tpu.memory_space<hbm>>
    %dma_start3A_56 = tpu.memref_squeeze %dma_start3A_55 : memref<1x1x1x48xi32, #tpu.memory_space<hbm>> -> memref<48xi32, #tpu.memory_space<hbm>>
    tpu.enqueue_dma source(%dma_start3A_56 : memref<48xi32, #tpu.memory_space<hbm>>) target(%arg14 : memref<48xi32, #tpu.memory_space<vmem>>) target_semaphore(%arg24 : memref<!tpu.dma_semaphore, #tpu.memory_space<semaphore_mem>>)
    %iota3A = tpu.iota {dimensions = array<i32: 0>} : vector<16xi32>
    %scan3A_57 = arith.constant 0 : i32
    %scan3A_58 = arith.constant 430 : i32
    %scan3A_59 = arith.addi %scan3A_57, %scan3A_58 : i32
    %scan3A_60 = arith.constant 1 : i32
    scf.for %scan3A_69 = %scan3A_57 to %scan3A_59 step %scan3A_60  : i32 {
      %mul3A_70 = arith.constant 1 : i32
      %mul3A_71 = arith.muli %scan3A_69, %mul3A_70 : i32
      %add3A_72 = arith.constant 0 : i32
      %add3A_73 = arith.addi %add3A_72, %mul3A_71 : i32
      %jit3A = arith.constant 2 : i32
      %eq3A = arith.constant 0 : i32
      %eq3A_74 = arith.cmpi eq, %jit3A, %eq3A : i32
      %jit3A_75 = arith.constant 1 : i32
      %select_n3A = arith.select %eq3A_74, %jit3A_75, %jit3A : i32
      %rem3A = arith.remsi %add3A_73, %select_n3A : i32
      %ne3A = arith.constant 0 : i32
      %ne3A_76 = arith.cmpi ne, %rem3A, %ne3A : i32
      %lt3A = arith.constant 0 : i32
      %lt3A_77 = arith.cmpi slt, %rem3A, %lt3A : i32
      %lt3A_78 = arith.constant 0 : i32
      %lt3A_79 = arith.cmpi slt, %select_n3A, %lt3A_78 : i32
      %ne3A_80 = arith.xori %lt3A_77, %lt3A_79 : i1
      %and3A = arith.andi %ne3A_80, %ne3A_76 : i1
      %add3A_81 = arith.addi %rem3A, %select_n3A : i32
      %select_n3A_82 = arith.select %and3A, %add3A_81, %rem3A : i32
      %eq3A_83 = arith.constant 0 : i32
      %eq3A_84 = arith.cmpi eq, %select_n3A_82, %eq3A_83 : i32
      %convert_element_type3A = arith.extui %eq3A_84 : i1 to i32
      %cond3A = arith.constant 0 : i32
      %cond3A_85 = arith.cmpi ne, %convert_element_type3A, %cond3A : i32
      scf.if %cond3A_85 {
        %add3A_107 = arith.constant 1 : i32
        %add3A_108 = arith.addi %add3A_73, %add3A_107 : i32
        %lt3A_109 = arith.constant 430 : i32
        %lt3A_110 = arith.cmpi slt, %add3A_108, %lt3A_109 : i32
        %convert_element_type3A_111 = arith.extui %lt3A_110 : i1 to i32
        %cond3A_112 = arith.constant 0 : i32
        %cond3A_113 = arith.cmpi ne, %convert_element_type3A_111, %cond3A_112 : i32
        scf.if %cond3A_113 {
          %dma_wait3A_239 = arith.constant 0 : i32
          %dma_wait3A_240 = arith.constant 0 : i32
          %dma_wait3A_241 = tpu.memref_slice %arg5[%arg0, %arg1, %dma_wait3A_239, %dma_wait3A_240] : memref<2x16x430x48xi32, #tpu.memory_space<hbm>> -> memref<1x1x1x48xi32, #tpu.memory_space<hbm>>
          %dma_wait3A_242 = tpu.memref_squeeze %dma_wait3A_241 : memref<1x1x1x48xi32, #tpu.memory_space<hbm>> -> memref<48xi32, #tpu.memory_space<hbm>>
          %dma_wait3A_243 = arith.constant 0 : i32
          %dma_wait3A_244 = tpu.memref_slice %arg5[%arg0, %arg1, %dma_wait3A_239, %dma_wait3A_243] : memref<2x16x430x48xi32, #tpu.memory_space<hbm>> -> memref<1x1x1x48xi32, #tpu.memory_space<hbm>>
          %dma_wait3A_245 = tpu.memref_squeeze %dma_wait3A_244 : memref<1x1x1x48xi32, #tpu.memory_space<hbm>> -> memref<48xi32, #tpu.memory_space<hbm>>
          tpu.wait_dma2 semaphore(%arg24 : memref<!tpu.dma_semaphore, #tpu.memory_space<semaphore_mem>>) src(%dma_wait3A_245 : memref<48xi32, #tpu.memory_space<hbm>>) dst(%arg12 : memref<48xi32, #tpu.memory_space<vmem>>)
          %dma_wait3A_246 = arith.constant 0 : i32
          %dma_wait3A_247 = arith.constant 0 : i32
          %dma_wait3A_248 = tpu.memref_slice %arg6[%arg0, %arg1, %dma_wait3A_246, %dma_wait3A_247] : memref<2x16x430x48xi32, #tpu.memory_space<hbm>> -> memref<1x1x1x48xi32, #tpu.memory_space<hbm>>
          %dma_wait3A_249 = tpu.memref_squeeze %dma_wait3A_248 : memref<1x1x1x48xi32, #tpu.memory_space<hbm>> -> memref<48xi32, #tpu.memory_space<hbm>>
          %dma_wait3A_250 = arith.constant 0 : i32
          %dma_wait3A_251 = tpu.memref_slice %arg6[%arg0, %arg1, %dma_wait3A_246, %dma_wait3A_250] : memref<2x16x430x48xi32, #tpu.memory_space<hbm>> -> memref<1x1x1x48xi32, #tpu.memory_space<hbm>>
          %dma_wait3A_252 = tpu.memref_squeeze %dma_wait3A_251 : memref<1x1x1x48xi32, #tpu.memory_space<hbm>> -> memref<48xi32, #tpu.memory_space<hbm>>
          tpu.wait_dma2 semaphore(%arg24 : memref<!tpu.dma_semaphore, #tpu.memory_space<semaphore_mem>>) src(%dma_wait3A_252 : memref<48xi32, #tpu.memory_space<hbm>>) dst(%arg14 : memref<48xi32, #tpu.memory_space<vmem>>)
          %dma_start3A_253 = arith.constant 0 : i32
          %dma_start3A_254 = arith.constant 0 : i32
          %dma_start3A_255 = tpu.memref_slice %arg2[%dma_start3A_253, %dma_start3A_254] : memref<20002x128xf32, #tpu.memory_space<hbm>> -> memref<20002x128xf32, #tpu.memory_space<hbm>>
          tpu.enqueue_indirect_dma source(%dma_start3A_255 : memref<20002x128xf32, #tpu.memory_space<hbm>>) target(%arg17 : memref<48x128xf32, #tpu.memory_space<vmem>>) offsets(%arg14 : memref<48xi32, #tpu.memory_space<vmem>>) semaphore(%arg26 : memref<!tpu.dma_semaphore, #tpu.memory_space<semaphore_mem>>)
          %dma_start3A_256 = arith.constant 0 : i32
          %dma_start3A_257 = arith.constant 0 : i32
          %dma_start3A_258 = tpu.memref_slice %arg3[%dma_start3A_256, %dma_start3A_257] : memref<20002x128xf32, #tpu.memory_space<hbm>> -> memref<20002x128xf32, #tpu.memory_space<hbm>>
          tpu.enqueue_indirect_dma source(%dma_start3A_258 : memref<20002x128xf32, #tpu.memory_space<hbm>>) target(%arg19 : memref<48x128xf32, #tpu.memory_space<vmem>>) offsets(%arg12 : memref<48xi32, #tpu.memory_space<vmem>>) semaphore(%arg26 : memref<!tpu.dma_semaphore, #tpu.memory_space<semaphore_mem>>)
          %dma_start3A_259 = arith.constant 0 : i32
          %dma_start3A_260 = arith.constant 0 : i32
          %dma_start3A_261 = tpu.memref_slice %arg4[%dma_start3A_259, %dma_start3A_260] : memref<20002x128xf32, #tpu.memory_space<hbm>> -> memref<20002x128xf32, #tpu.memory_space<hbm>>
          tpu.enqueue_indirect_dma source(%dma_start3A_261 : memref<20002x128xf32, #tpu.memory_space<hbm>>) target(%arg21 : memref<48x128xf32, #tpu.memory_space<vmem>>) offsets(%arg12 : memref<48xi32, #tpu.memory_space<vmem>>) semaphore(%arg26 : memref<!tpu.dma_semaphore, #tpu.memory_space<semaphore_mem>>)
        } else {
        }
        %get3A = arith.constant 0 : index
        %get3A_114 = tpu.vector_load %arg13[%get3A] {strides = array<i32>} : memref<48xi32, #tpu.memory_space<vmem>>, vector<16xi32>,
        %sub3A = vector.broadcast %mul3A_7 : i32 to vector<16xi32>
        %sub3A_115 = arith.subi %get3A_114, %sub3A : vector<16xi32>
        %swap3A = arith.constant 0 : index
        %swap3A_116 = tpu.vector_load %arg15[%swap3A] {strides = array<i32>} : memref<48xi32, #tpu.memory_space<vmem>>, vector<16xi32>,
        tpu.vector_store %arg15[%swap3A], %sub3A_115 {strides = array<i32>} : memref<48xi32, #tpu.memory_space<vmem>>, vector<16xi32>,
        %get3A_117 = arith.constant 16 : index
        %get3A_118 = tpu.vector_load %arg13[%get3A_117] {strides = array<i32>} : memref<48xi32, #tpu.memory_space<vmem>>, vector<16xi32>,
        %sub3A_119 = vector.broadcast %mul3A_7 : i32 to vector<16xi32>
        %sub3A_120 = arith.subi %get3A_118, %sub3A_119 : vector<16xi32>
        %swap3A_121 = arith.constant 16 : index
        %swap3A_122 = tpu.vector_load %arg15[%swap3A_121] {strides = array<i32>} : memref<48xi32, #tpu.memory_space<vmem>>, vector<16xi32>,
        tpu.vector_store %arg15[%swap3A_121], %sub3A_120 {strides = array<i32>} : memref<48xi32, #tpu.memory_space<vmem>>, vector<16xi32>,
        %get3A_123 = arith.constant 32 : index
        %get3A_124 = tpu.vector_load %arg13[%get3A_123] {strides = array<i32>} : memref<48xi32, #tpu.memory_space<vmem>>, vector<16xi32>,
        %sub3A_125 = vector.broadcast %mul3A_7 : i32 to vector<16xi32>
        %sub3A_126 = arith.subi %get3A_124, %sub3A_125 : vector<16xi32>
        %swap3A_127 = arith.constant 32 : index
        %swap3A_128 = tpu.vector_load %arg15[%swap3A_127] {strides = array<i32>} : memref<48xi32, #tpu.memory_space<vmem>>, vector<16xi32>,
        tpu.vector_store %arg15[%swap3A_127], %sub3A_126 {strides = array<i32>} : memref<48xi32, #tpu.memory_space<vmem>>, vector<16xi32>,
        %dma_wait3A_129 = arith.constant 0 : i32
        %dma_wait3A_130 = arith.constant 0 : i32
        %dma_wait3A_131 = tpu.memref_slice %arg2[%dma_wait3A_129, %dma_wait3A_130] : memref<20002x128xf32, #tpu.memory_space<hbm>> -> memref<20002x128xf32, #tpu.memory_space<hbm>>
        tpu.wait_indirect_dma semaphore(%arg25 : memref<!tpu.dma_semaphore, #tpu.memory_space<semaphore_mem>>) src(%dma_wait3A_131 : memref<20002x128xf32, #tpu.memory_space<hbm>>) dst(%arg16 : memref<48x128xf32, #tpu.memory_space<vmem>>)
        %dma_wait3A_132 = arith.constant 0 : i32
        %dma_wait3A_133 = arith.constant 0 : i32
        %dma_wait3A_134 = tpu.memref_slice %arg3[%dma_wait3A_132, %dma_wait3A_133] : memref<20002x128xf32, #tpu.memory_space<hbm>> -> memref<20002x128xf32, #tpu.memory_space<hbm>>
        tpu.wait_indirect_dma semaphore(%arg25 : memref<!tpu.dma_semaphore, #tpu.memory_space<semaphore_mem>>) src(%dma_wait3A_134 : memref<20002x128xf32, #tpu.memory_space<hbm>>) dst(%arg18 : memref<48x128xf32, #tpu.memory_space<vmem>>)
        %dma_wait3A_135 = arith.constant 0 : i32
        %dma_wait3A_136 = arith.constant 0 : i32
        %dma_wait3A_137 = tpu.memref_slice %arg4[%dma_wait3A_135, %dma_wait3A_136] : memref<20002x128xf32, #tpu.memory_space<hbm>> -> memref<20002x128xf32, #tpu.memory_space<hbm>>
        tpu.wait_indirect_dma semaphore(%arg25 : memref<!tpu.dma_semaphore, #tpu.memory_space<semaphore_mem>>) src(%dma_wait3A_137 : memref<20002x128xf32, #tpu.memory_space<hbm>>) dst(%arg20 : memref<48x128xf32, #tpu.memory_space<vmem>>)
        %add3A_138 = arith.constant 2 : i32
        %add3A_139 = arith.addi %add3A_73, %add3A_138 : i32
        %lt3A_140 = arith.constant 430 : i32
        %lt3A_141 = arith.cmpi slt, %add3A_139, %lt3A_140 : i32
        %convert_element_type3A_142 = arith.extui %lt3A_141 : i1 to i32
        %cond3A_143 = arith.constant 0 : i32
        %cond3A_144 = arith.cmpi ne, %convert_element_type3A_142, %cond3A_143 : i32
        scf.if %cond3A_144 {
          %add3A_239 = arith.constant 2 : i32
          %add3A_240 = arith.addi %add3A_73, %add3A_239 : i32
          %dma_start3A_241 = arith.constant 0 : i32
          %dma_start3A_242 = tpu.memref_slice %arg5[%arg0, %arg1, %add3A_240, %dma_start3A_241] : memref<2x16x430x48xi32, #tpu.memory_space<hbm>> -> memref<1x1x1x48xi32, #tpu.memory_space<hbm>>
          %dma_start3A_243 = tpu.memref_squeeze %dma_start3A_242 : memref<1x1x1x48xi32, #tpu.memory_space<hbm>> -> memref<48xi32, #tpu.memory_space<hbm>>
          %dma_start3A_244 = arith.constant 0 : i32
          %dma_start3A_245 = tpu.memref_slice %arg5[%arg0, %arg1, %add3A_240, %dma_start3A_244] : memref<2x16x430x48xi32, #tpu.memory_space<hbm>> -> memref<1x1x1x48xi32, #tpu.memory_space<hbm>>
          %dma_start3A_246 = tpu.memref_squeeze %dma_start3A_245 : memref<1x1x1x48xi32, #tpu.memory_space<hbm>> -> memref<48xi32, #tpu.memory_space<hbm>>
          tpu.enqueue_dma source(%dma_start3A_246 : memref<48xi32, #tpu.memory_space<hbm>>) target(%arg11 : memref<48xi32, #tpu.memory_space<vmem>>) target_semaphore(%arg23 : memref<!tpu.dma_semaphore, #tpu.memory_space<semaphore_mem>>)
          %dma_start3A_247 = arith.constant 0 : i32
          %dma_start3A_248 = tpu.memref_slice %arg6[%arg0, %arg1, %add3A_240, %dma_start3A_247] : memref<2x16x430x48xi32, #tpu.memory_space<hbm>> -> memref<1x1x1x48xi32, #tpu.memory_space<hbm>>
          %dma_start3A_249 = tpu.memref_squeeze %dma_start3A_248 : memref<1x1x1x48xi32, #tpu.memory_space<hbm>> -> memref<48xi32, #tpu.memory_space<hbm>>
          %dma_start3A_250 = arith.constant 0 : i32
          %dma_start3A_251 = tpu.memref_slice %arg6[%arg0, %arg1, %add3A_240, %dma_start3A_250] : memref<2x16x430x48xi32, #tpu.memory_space<hbm>> -> memref<1x1x1x48xi32, #tpu.memory_space<hbm>>
          %dma_start3A_252 = tpu.memref_squeeze %dma_start3A_251 : memref<1x1x1x48xi32, #tpu.memory_space<hbm>> -> memref<48xi32, #tpu.memory_space<hbm>>
          tpu.enqueue_dma source(%dma_start3A_252 : memref<48xi32, #tpu.memory_space<hbm>>) target(%arg13 : memref<48xi32, #tpu.memory_space<vmem>>) target_semaphore(%arg23 : memref<!tpu.dma_semaphore, #tpu.memory_space<semaphore_mem>>)
        } else {
        }
        %add3A_145 = arith.constant 0 : i32
        %add3A_146 = vector.broadcast %add3A_145 : i32 to vector<16xi32>
        %add3A_147 = arith.addi %iota3A, %add3A_146 : vector<16xi32>
        %broadcast_in_dim3A_148 = arith.constant 0.000000e+00 : f32
        %broadcast_in_dim3A_149 = vector.broadcast %broadcast_in_dim3A_148 : f32 to vector<16xf32>
        %scan3A_150 = arith.constant 0 : i32
        %scan3A_151 = arith.constant 32 : i32
        %scan3A_152 = arith.addi %scan3A_150, %scan3A_151 : i32
        %scan3A_153 = arith.constant 4 : i32
        %scan3A_154:4 = scf.for %scan3A_239 = %scan3A_150 to %scan3A_152 step %scan3A_153 iter_args(%scan3A_240 = %broadcast_in_dim3A_149, %scan3A_241 = %broadcast_in_dim3A_149, %scan3A_242 = %broadcast_in_dim3A_149, %scan3A_243 = %broadcast_in_dim3A_149) -> (vector<16xf32>, vector<16xf32>, vector<16xf32>, vector<16xf32>)  : i32 {
          %add3A_244 = arith.constant 0 : i32
          %add3A_245 = arith.addi %add3A_244, %scan3A_239 : i32
          %broadcast_in_dim3A_246 = vector.broadcast %add3A_245 : i32 to vector<16xi32>
          %gather3A = tpu.vector_load_idx %arg16[%add3A_147, %broadcast_in_dim3A_246] : memref<48x128xf32, #tpu.memory_space<vmem>>[vector<16xi32>, vector<16xi32>], vector<16xf32>,
          %gather3A_247 = tpu.vector_load_idx %arg18[%add3A_147, %broadcast_in_dim3A_246] : memref<48x128xf32, #tpu.memory_space<vmem>>[vector<16xi32>, vector<16xi32>], vector<16xf32>,
          %mul3A_248 = arith.mulf %gather3A, %gather3A_247 : vector<16xf32>
          %add3A_249 = arith.addf %scan3A_240, %mul3A_248 : vector<16xf32>
          %add3A_250 = arith.constant 32 : i32
          %add3A_251 = arith.addi %add3A_250, %scan3A_239 : i32
          %broadcast_in_dim3A_252 = vector.broadcast %add3A_251 : i32 to vector<16xi32>
          %gather3A_253 = tpu.vector_load_idx %arg16[%add3A_147, %broadcast_in_dim3A_252] : memref<48x128xf32, #tpu.memory_space<vmem>>[vector<16xi32>, vector<16xi32>], vector<16xf32>,
          %gather3A_254 = tpu.vector_load_idx %arg18[%add3A_147, %broadcast_in_dim3A_252] : memref<48x128xf32, #tpu.memory_space<vmem>>[vector<16xi32>, vector<16xi32>], vector<16xf32>,
          %mul3A_255 = arith.mulf %gather3A_253, %gather3A_254 : vector<16xf32>
          %add3A_256 = arith.addf %scan3A_241, %mul3A_255 : vector<16xf32>
          %add3A_257 = arith.constant 64 : i32
          %add3A_258 = arith.addi %add3A_257, %scan3A_239 : i32
          %broadcast_in_dim3A_259 = vector.broadcast %add3A_258 : i32 to vector<16xi32>
          %gather3A_260 = tpu.vector_load_idx %arg16[%add3A_147, %broadcast_in_dim3A_259] : memref<48x128xf32, #tpu.memory_space<vmem>>[vector<16xi32>, vector<16xi32>], vector<16xf32>,
          %gather3A_261 = tpu.vector_load_idx %arg18[%add3A_147, %broadcast_in_dim3A_259] : memref<48x128xf32, #tpu.memory_space<vmem>>[vector<16xi32>, vector<16xi32>], vector<16xf32>,
          %mul3A_262 = arith.mulf %gather3A_260, %gather3A_261 : vector<16xf32>
          %add3A_263 = arith.addf %scan3A_242, %mul3A_262 : vector<16xf32>
          %add3A_264 = arith.constant 96 : i32
          %add3A_265 = arith.addi %add3A_264, %scan3A_239 : i32
          %broadcast_in_dim3A_266 = vector.broadcast %add3A_265 : i32 to vector<16xi32>
          %gather3A_267 = tpu.vector_load_idx %arg16[%add3A_147, %broadcast_in_dim3A_266] : memref<48x128xf32, #tpu.memory_space<vmem>>[vector<16xi32>, vector<16xi32>], vector<16xf32>,
          %gather3A_268 = tpu.vector_load_idx %arg18[%add3A_147, %broadcast_in_dim3A_266] : memref<48x128xf32, #tpu.memory_space<vmem>>[vector<16xi32>, vector<16xi32>], vector<16xf32>,
          %mul3A_269 = arith.mulf %gather3A_267, %gather3A_268 : vector<16xf32>
          %add3A_270 = arith.addf %scan3A_243, %mul3A_269 : vector<16xf32>
          %scan3A_271 = arith.constant 1 : i32
          %scan3A_272 = arith.addi %scan3A_239, %scan3A_271 : i32
          %add3A_273 = arith.constant 0 : i32
          %add3A_274 = arith.addi %add3A_273, %scan3A_272 : i32
          %broadcast_in_dim3A_275 = vector.broadcast %add3A_274 : i32 to vector<16xi32>
          %gather3A_276 = tpu.vector_load_idx %arg16[%add3A_147, %broadcast_in_dim3A_275] : memref<48x128xf32, #tpu.memory_space<vmem>>[vector<16xi32>, vector<16xi32>], vector<16xf32>,
          %gather3A_277 = tpu.vector_load_idx %arg18[%add3A_147, %broadcast_in_dim3A_275] : memref<48x128xf32, #tpu.memory_space<vmem>>[vector<16xi32>, vector<16xi32>], vector<16xf32>,
          %mul3A_278 = arith.mulf %gather3A_276, %gather3A_277 : vector<16xf32>
          %add3A_279 = arith.addf %add3A_249, %mul3A_278 : vector<16xf32>
          %add3A_280 = arith.constant 32 : i32
          %add3A_281 = arith.addi %add3A_280, %scan3A_272 : i32
          %broadcast_in_dim3A_282 = vector.broadcast %add3A_281 : i32 to vector<16xi32>
          %gather3A_283 = tpu.vector_load_idx %arg16[%add3A_147, %broadcast_in_dim3A_282] : memref<48x128xf32, #tpu.memory_space<vmem>>[vector<16xi32>, vector<16xi32>], vector<16xf32>,
          %gather3A_284 = tpu.vector_load_idx %arg18[%add3A_147, %broadcast_in_dim3A_282] : memref<48x128xf32, #tpu.memory_space<vmem>>[vector<16xi32>, vector<16xi32>], vector<16xf32>,
          %mul3A_285 = arith.mulf %gather3A_283, %gather3A_284 : vector<16xf32>
          %add3A_286 = arith.addf %add3A_256, %mul3A_285 : vector<16xf32>
          %add3A_287 = arith.constant 64 : i32
          %add3A_288 = arith.addi %add3A_287, %scan3A_272 : i32
          %broadcast_in_dim3A_289 = vector.broadcast %add3A_288 : i32 to vector<16xi32>
          %gather3A_290 = tpu.vector_load_idx %arg16[%add3A_147, %broadcast_in_dim3A_289] : memref<48x128xf32, #tpu.memory_space<vmem>>[vector<16xi32>, vector<16xi32>], vector<16xf32>,
          %gather3A_291 = tpu.vector_load_idx %arg18[%add3A_147, %broadcast_in_dim3A_289] : memref<48x128xf32, #tpu.memory_space<vmem>>[vector<16xi32>, vector<16xi32>], vector<16xf32>,
          %mul3A_292 = arith.mulf %gather3A_290, %gather3A_291 : vector<16xf32>
          %add3A_293 = arith.addf %add3A_263, %mul3A_292 : vector<16xf32>
          %add3A_294 = arith.constant 96 : i32
          %add3A_295 = arith.addi %add3A_294, %scan3A_272 : i32
          %broadcast_in_dim3A_296 = vector.broadcast %add3A_295 : i32 to vector<16xi32>
          %gather3A_297 = tpu.vector_load_idx %arg16[%add3A_147, %broadcast_in_dim3A_296] : memref<48x128xf32, #tpu.memory_space<vmem>>[vector<16xi32>, vector<16xi32>], vector<16xf32>,
          %gather3A_298 = tpu.vector_load_idx %arg18[%add3A_147, %broadcast_in_dim3A_296] : memref<48x128xf32, #tpu.memory_space<vmem>>[vector<16xi32>, vector<16xi32>], vector<16xf32>,
          %mul3A_299 = arith.mulf %gather3A_297, %gather3A_298 : vector<16xf32>
          %add3A_300 = arith.addf %add3A_270, %mul3A_299 : vector<16xf32>
          %scan3A_301 = arith.constant 2 : i32
          %scan3A_302 = arith.addi %scan3A_239, %scan3A_301 : i32
          %add3A_303 = arith.constant 0 : i32
          %add3A_304 = arith.addi %add3A_303, %scan3A_302 : i32
          %broadcast_in_dim3A_305 = vector.broadcast %add3A_304 : i32 to vector<16xi32>
          %gather3A_306 = tpu.vector_load_idx %arg16[%add3A_147, %broadcast_in_dim3A_305] : memref<48x128xf32, #tpu.memory_space<vmem>>[vector<16xi32>, vector<16xi32>], vector<16xf32>,
          %gather3A_307 = tpu.vector_load_idx %arg18[%add3A_147, %broadcast_in_dim3A_305] : memref<48x128xf32, #tpu.memory_space<vmem>>[vector<16xi32>, vector<16xi32>], vector<16xf32>,
          %mul3A_308 = arith.mulf %gather3A_306, %gather3A_307 : vector<16xf32>
          %add3A_309 = arith.addf %add3A_279, %mul3A_308 : vector<16xf32>
          %add3A_310 = arith.constant 32 : i32
          %add3A_311 = arith.addi %add3A_310, %scan3A_302 : i32
          %broadcast_in_dim3A_312 = vector.broadcast %add3A_311 : i32 to vector<16xi32>
          %gather3A_313 = tpu.vector_load_idx %arg16[%add3A_147, %broadcast_in_dim3A_312] : memref<48x128xf32, #tpu.memory_space<vmem>>[vector<16xi32>, vector<16xi32>], vector<16xf32>,
          %gather3A_314 = tpu.vector_load_idx %arg18[%add3A_147, %broadcast_in_dim3A_312] : memref<48x128xf32, #tpu.memory_space<vmem>>[vector<16xi32>, vector<16xi32>], vector<16xf32>,
          %mul3A_315 = arith.mulf %gather3A_313, %gather3A_314 : vector<16xf32>
          %add3A_316 = arith.addf %add3A_286, %mul3A_315 : vector<16xf32>
          %add3A_317 = arith.constant 64 : i32
          %add3A_318 = arith.addi %add3A_317, %scan3A_302 : i32
          %broadcast_in_dim3A_319 = vector.broadcast %add3A_318 : i32 to vector<16xi32>
          %gather3A_320 = tpu.vector_load_idx %arg16[%add3A_147, %broadcast_in_dim3A_319] : memref<48x128xf32, #tpu.memory_space<vmem>>[vector<16xi32>, vector<16xi32>], vector<16xf32>,
          %gather3A_321 = tpu.vector_load_idx %arg18[%add3A_147, %broadcast_in_dim3A_319] : memref<48x128xf32, #tpu.memory_space<vmem>>[vector<16xi32>, vector<16xi32>], vector<16xf32>,
          %mul3A_322 = arith.mulf %gather3A_320, %gather3A_321 : vector<16xf32>
          %add3A_323 = arith.addf %add3A_293, %mul3A_322 : vector<16xf32>
          %add3A_324 = arith.constant 96 : i32
          %add3A_325 = arith.addi %add3A_324, %scan3A_302 : i32
          %broadcast_in_dim3A_326 = vector.broadcast %add3A_325 : i32 to vector<16xi32>
          %gather3A_327 = tpu.vector_load_idx %arg16[%add3A_147, %broadcast_in_dim3A_326] : memref<48x128xf32, #tpu.memory_space<vmem>>[vector<16xi32>, vector<16xi32>], vector<16xf32>,
          %gather3A_328 = tpu.vector_load_idx %arg18[%add3A_147, %broadcast_in_dim3A_326] : memref<48x128xf32, #tpu.memory_space<vmem>>[vector<16xi32>, vector<16xi32>], vector<16xf32>,
          %mul3A_329 = arith.mulf %gather3A_327, %gather3A_328 : vector<16xf32>
          %add3A_330 = arith.addf %add3A_300, %mul3A_329 : vector<16xf32>
          %scan3A_331 = arith.constant 3 : i32
          %scan3A_332 = arith.addi %scan3A_239, %scan3A_331 : i32
          %add3A_333 = arith.constant 0 : i32
          %add3A_334 = arith.addi %add3A_333, %scan3A_332 : i32
          %broadcast_in_dim3A_335 = vector.broadcast %add3A_334 : i32 to vector<16xi32>
          %gather3A_336 = tpu.vector_load_idx %arg16[%add3A_147, %broadcast_in_dim3A_335] : memref<48x128xf32, #tpu.memory_space<vmem>>[vector<16xi32>, vector<16xi32>], vector<16xf32>,
          %gather3A_337 = tpu.vector_load_idx %arg18[%add3A_147, %broadcast_in_dim3A_335] : memref<48x128xf32, #tpu.memory_space<vmem>>[vector<16xi32>, vector<16xi32>], vector<16xf32>,
          %mul3A_338 = arith.mulf %gather3A_336, %gather3A_337 : vector<16xf32>
          %add3A_339 = arith.addf %add3A_309, %mul3A_338 : vector<16xf32>
          %add3A_340 = arith.constant 32 : i32
          %add3A_341 = arith.addi %add3A_340, %scan3A_332 : i32
          %broadcast_in_dim3A_342 = vector.broadcast %add3A_341 : i32 to vector<16xi32>
          %gather3A_343 = tpu.vector_load_idx %arg16[%add3A_147, %broadcast_in_dim3A_342] : memref<48x128xf32, #tpu.memory_space<vmem>>[vector<16xi32>, vector<16xi32>], vector<16xf32>,
          %gather3A_344 = tpu.vector_load_idx %arg18[%add3A_147, %broadcast_in_dim3A_342] : memref<48x128xf32, #tpu.memory_space<vmem>>[vector<16xi32>, vector<16xi32>], vector<16xf32>,
          %mul3A_345 = arith.mulf %gather3A_343, %gather3A_344 : vector<16xf32>
          %add3A_346 = arith.addf %add3A_316, %mul3A_345 : vector<16xf32>
          %add3A_347 = arith.constant 64 : i32
          %add3A_348 = arith.addi %add3A_347, %scan3A_332 : i32
          %broadcast_in_dim3A_349 = vector.broadcast %add3A_348 : i32 to vector<16xi32>
          %gather3A_350 = tpu.vector_load_idx %arg16[%add3A_147, %broadcast_in_dim3A_349] : memref<48x128xf32, #tpu.memory_space<vmem>>[vector<16xi32>, vector<16xi32>], vector<16xf32>,
          %gather3A_351 = tpu.vector_load_idx %arg18[%add3A_147, %broadcast_in_dim3A_349] : memref<48x128xf32, #tpu.memory_space<vmem>>[vector<16xi32>, vector<16xi32>], vector<16xf32>,
          %mul3A_352 = arith.mulf %gather3A_350, %gather3A_351 : vector<16xf32>
          %add3A_353 = arith.addf %add3A_323, %mul3A_352 : vector<16xf32>
          %add3A_354 = arith.constant 96 : i32
          %add3A_355 = arith.addi %add3A_354, %scan3A_332 : i32
          %broadcast_in_dim3A_356 = vector.broadcast %add3A_355 : i32 to vector<16xi32>
          %gather3A_357 = tpu.vector_load_idx %arg16[%add3A_147, %broadcast_in_dim3A_356] : memref<48x128xf32, #tpu.memory_space<vmem>>[vector<16xi32>, vector<16xi32>], vector<16xf32>,
          %gather3A_358 = tpu.vector_load_idx %arg18[%add3A_147, %broadcast_in_dim3A_356] : memref<48x128xf32, #tpu.memory_space<vmem>>[vector<16xi32>, vector<16xi32>], vector<16xf32>,
          %mul3A_359 = arith.mulf %gather3A_357, %gather3A_358 : vector<16xf32>
          %add3A_360 = arith.addf %add3A_330, %mul3A_359 : vector<16xf32>
          scf.yield %add3A_339, %add3A_346, %add3A_353, %add3A_360 : vector<16xf32>, vector<16xf32>, vector<16xf32>, vector<16xf32>
        }
        %scan3A_155 = arith.constant 32 : i32
        %exp3A = math.exp %scan3A_154#0 : vector<16xf32>
        %exp3A_156 = math.exp %scan3A_154#1 : vector<16xf32>
        %exp3A_157 = math.exp %scan3A_154#2 : vector<16xf32>
        %exp3A_158 = math.exp %scan3A_154#3 : vector<16xf32>
        %broadcast_in_dim3A_159 = arith.constant 0 : i32
        %broadcast_in_dim3A_160 = vector.broadcast %broadcast_in_dim3A_159 : i32 to vector<16xi32>
        tpu.vector_store_idx %arg22[%add3A_147, %broadcast_in_dim3A_160], %exp3A : memref<48x16xf32, #tpu.memory_space<vmem>>[vector<16xi32>, vector<16xi32>], vector<16xf32>,
        %broadcast_in_dim3A_161 = arith.constant 1 : i32
        %broadcast_in_dim3A_162 = vector.broadcast %broadcast_in_dim3A_161 : i32 to vector<16xi32>
        tpu.vector_store_idx %arg22[%add3A_147, %broadcast_in_dim3A_162], %exp3A_156 : memref<48x16xf32, #tpu.memory_space<vmem>>[vector<16xi32>, vector<16xi32>], vector<16xf32>,
        %broadcast_in_dim3A_163 = arith.constant 2 : i32
        %broadcast_in_dim3A_164 = vector.broadcast %broadcast_in_dim3A_163 : i32 to vector<16xi32>
        tpu.vector_store_idx %arg22[%add3A_147, %broadcast_in_dim3A_164], %exp3A_157 : memref<48x16xf32, #tpu.memory_space<vmem>>[vector<16xi32>, vector<16xi32>], vector<16xf32>,
        %broadcast_in_dim3A_165 = arith.constant 3 : i32
        %broadcast_in_dim3A_166 = vector.broadcast %broadcast_in_dim3A_165 : i32 to vector<16xi32>
        tpu.vector_store_idx %arg22[%add3A_147, %broadcast_in_dim3A_166], %exp3A_158 : memref<48x16xf32, #tpu.memory_space<vmem>>[vector<16xi32>, vector<16xi32>], vector<16xf32>,
        %scan3A_167 = arith.constant 0 : i32
        %scan3A_168 = arith.constant 0 : i32
        %scan3A_169 = arith.constant 32 : i32
        %scan3A_170 = arith.addi %scan3A_168, %scan3A_169 : i32
        %scan3A_171 = arith.constant 4 : i32
        scf.for %scan3A_239 = %scan3A_168 to %scan3A_170 step %scan3A_171  : i32 {
          %add3A_240 = arith.constant 0 : i32
          %add3A_241 = arith.addi %add3A_240, %scan3A_239 : i32
          %broadcast_in_dim3A_242 = vector.broadcast %add3A_241 : i32 to vector<16xi32>
          %gather3A = tpu.vector_load_idx %arg20[%add3A_147, %broadcast_in_dim3A_242] : memref<48x128xf32, #tpu.memory_space<vmem>>[vector<16xi32>, vector<16xi32>], vector<16xf32>,
          %mul3A_243 = arith.mulf %gather3A, %exp3A : vector<16xf32>
          tpu.vector_store_idx %arg20[%add3A_147, %broadcast_in_dim3A_242], %mul3A_243 : memref<48x128xf32, #tpu.memory_space<vmem>>[vector<16xi32>, vector<16xi32>], vector<16xf32>,
          %add3A_244 = arith.constant 32 : i32
          %add3A_245 = arith.addi %add3A_244, %scan3A_239 : i32
          %broadcast_in_dim3A_246 = vector.broadcast %add3A_245 : i32 to vector<16xi32>
          %gather3A_247 = tpu.vector_load_idx %arg20[%add3A_147, %broadcast_in_dim3A_246] : memref<48x128xf32, #tpu.memory_space<vmem>>[vector<16xi32>, vector<16xi32>], vector<16xf32>,
          %mul3A_248 = arith.mulf %gather3A_247, %exp3A_156 : vector<16xf32>
          tpu.vector_store_idx %arg20[%add3A_147, %broadcast_in_dim3A_246], %mul3A_248 : memref<48x128xf32, #tpu.memory_space<vmem>>[vector<16xi32>, vector<16xi32>], vector<16xf32>,
          %add3A_249 = arith.constant 64 : i32
          %add3A_250 = arith.addi %add3A_249, %scan3A_239 : i32
          %broadcast_in_dim3A_251 = vector.broadcast %add3A_250 : i32 to vector<16xi32>
          %gather3A_252 = tpu.vector_load_idx %arg20[%add3A_147, %broadcast_in_dim3A_251] : memref<48x128xf32, #tpu.memory_space<vmem>>[vector<16xi32>, vector<16xi32>], vector<16xf32>,
          %mul3A_253 = arith.mulf %gather3A_252, %exp3A_157 : vector<16xf32>
          tpu.vector_store_idx %arg20[%add3A_147, %broadcast_in_dim3A_251], %mul3A_253 : memref<48x128xf32, #tpu.memory_space<vmem>>[vector<16xi32>, vector<16xi32>], vector<16xf32>,
          %add3A_254 = arith.constant 96 : i32
          %add3A_255 = arith.addi %add3A_254, %scan3A_239 : i32
          %broadcast_in_dim3A_256 = vector.broadcast %add3A_255 : i32 to vector<16xi32>
          %gather3A_257 = tpu.vector_load_idx %arg20[%add3A_147, %broadcast_in_dim3A_256] : memref<48x128xf32, #tpu.memory_space<vmem>>[vector<16xi32>, vector<16xi32>], vector<16xf32>,
          %mul3A_258 = arith.mulf %gather3A_257, %exp3A_158 : vector<16xf32>
          tpu.vector_store_idx %arg20[%add3A_147, %broadcast_in_dim3A_256], %mul3A_258 : memref<48x128xf32, #tpu.memory_space<vmem>>[vector<16xi32>, vector<16xi32>], vector<16xf32>,
          %scan3A_259 = arith.constant 1 : i32
          %scan3A_260 = arith.addi %scan3A_239, %scan3A_259 : i32
          %add3A_261 = arith.constant 0 : i32
          %add3A_262 = arith.addi %add3A_261, %scan3A_260 : i32
          %broadcast_in_dim3A_263 = vector.broadcast %add3A_262 : i32 to vector<16xi32>
          %gather3A_264 = tpu.vector_load_idx %arg20[%add3A_147, %broadcast_in_dim3A_263] : memref<48x128xf32, #tpu.memory_space<vmem>>[vector<16xi32>, vector<16xi32>], vector<16xf32>,
          %mul3A_265 = arith.mulf %gather3A_264, %exp3A : vector<16xf32>
          tpu.vector_store_idx %arg20[%add3A_147, %broadcast_in_dim3A_263], %mul3A_265 : memref<48x128xf32, #tpu.memory_space<vmem>>[vector<16xi32>, vector<16xi32>], vector<16xf32>,
          %add3A_266 = arith.constant 32 : i32
          %add3A_267 = arith.addi %add3A_266, %scan3A_260 : i32
          %broadcast_in_dim3A_268 = vector.broadcast %add3A_267 : i32 to vector<16xi32>
          %gather3A_269 = tpu.vector_load_idx %arg20[%add3A_147, %broadcast_in_dim3A_268] : memref<48x128xf32, #tpu.memory_space<vmem>>[vector<16xi32>, vector<16xi32>], vector<16xf32>,
          %mul3A_270 = arith.mulf %gather3A_269, %exp3A_156 : vector<16xf32>
          tpu.vector_store_idx %arg20[%add3A_147, %broadcast_in_dim3A_268], %mul3A_270 : memref<48x128xf32, #tpu.memory_space<vmem>>[vector<16xi32>, vector<16xi32>], vector<16xf32>,
          %add3A_271 = arith.constant 64 : i32
          %add3A_272 = arith.addi %add3A_271, %scan3A_260 : i32
          %broadcast_in_dim3A_273 = vector.broadcast %add3A_272 : i32 to vector<16xi32>
          %gather3A_274 = tpu.vector_load_idx %arg20[%add3A_147, %broadcast_in_dim3A_273] : memref<48x128xf32, #tpu.memory_space<vmem>>[vector<16xi32>, vector<16xi32>], vector<16xf32>,
          %mul3A_275 = arith.mulf %gather3A_274, %exp3A_157 : vector<16xf32>
          tpu.vector_store_idx %arg20[%add3A_147, %broadcast_in_dim3A_273], %mul3A_275 : memref<48x128xf32, #tpu.memory_space<vmem>>[vector<16xi32>, vector<16xi32>], vector<16xf32>,
          %add3A_276 = arith.constant 96 : i32
          %add3A_277 = arith.addi %add3A_276, %scan3A_260 : i32
          %broadcast_in_dim3A_278 = vector.broadcast %add3A_277 : i32 to vector<16xi32>
          %gather3A_279 = tpu.vector_load_idx %arg20[%add3A_147, %broadcast_in_dim3A_278] : memref<48x128xf32, #tpu.memory_space<vmem>>[vector<16xi32>, vector<16xi32>], vector<16xf32>,
          %mul3A_280 = arith.mulf %gather3A_279, %exp3A_158 : vector<16xf32>
          tpu.vector_store_idx %arg20[%add3A_147, %broadcast_in_dim3A_278], %mul3A_280 : memref<48x128xf32, #tpu.memory_space<vmem>>[vector<16xi32>, vector<16xi32>], vector<16xf32>,
          %scan3A_281 = arith.constant 2 : i32
          %scan3A_282 = arith.addi %scan3A_239, %scan3A_281 : i32
          %add3A_283 = arith.constant 0 : i32
          %add3A_284 = arith.addi %add3A_283, %scan3A_282 : i32
          %broadcast_in_dim3A_285 = vector.broadcast %add3A_284 : i32 to vector<16xi32>
          %gather3A_286 = tpu.vector_load_idx %arg20[%add3A_147, %broadcast_in_dim3A_285] : memref<48x128xf32, #tpu.memory_space<vmem>>[vector<16xi32>, vector<16xi32>], vector<16xf32>,
          %mul3A_287 = arith.mulf %gather3A_286, %exp3A : vector<16xf32>
          tpu.vector_store_idx %arg20[%add3A_147, %broadcast_in_dim3A_285], %mul3A_287 : memref<48x128xf32, #tpu.memory_space<vmem>>[vector<16xi32>, vector<16xi32>], vector<16xf32>,
          %add3A_288 = arith.constant 32 : i32
          %add3A_289 = arith.addi %add3A_288, %scan3A_282 : i32
          %broadcast_in_dim3A_290 = vector.broadcast %add3A_289 : i32 to vector<16xi32>
          %gather3A_291 = tpu.vector_load_idx %arg20[%add3A_147, %broadcast_in_dim3A_290] : memref<48x128xf32, #tpu.memory_space<vmem>>[vector<16xi32>, vector<16xi32>], vector<16xf32>,
          %mul3A_292 = arith.mulf %gather3A_291, %exp3A_156 : vector<16xf32>
          tpu.vector_store_idx %arg20[%add3A_147, %broadcast_in_dim3A_290], %mul3A_292 : memref<48x128xf32, #tpu.memory_space<vmem>>[vector<16xi32>, vector<16xi32>], vector<16xf32>,
          %add3A_293 = arith.constant 64 : i32
          %add3A_294 = arith.addi %add3A_293, %scan3A_282 : i32
          %broadcast_in_dim3A_295 = vector.broadcast %add3A_294 : i32 to vector<16xi32>
          %gather3A_296 = tpu.vector_load_idx %arg20[%add3A_147, %broadcast_in_dim3A_295] : memref<48x128xf32, #tpu.memory_space<vmem>>[vector<16xi32>, vector<16xi32>], vector<16xf32>,
          %mul3A_297 = arith.mulf %gather3A_296, %exp3A_157 : vector<16xf32>
          tpu.vector_store_idx %arg20[%add3A_147, %broadcast_in_dim3A_295], %mul3A_297 : memref<48x128xf32, #tpu.memory_space<vmem>>[vector<16xi32>, vector<16xi32>], vector<16xf32>,
          %add3A_298 = arith.constant 96 : i32
          %add3A_299 = arith.addi %add3A_298, %scan3A_282 : i32
          %broadcast_in_dim3A_300 = vector.broadcast %add3A_299 : i32 to vector<16xi32>
          %gather3A_301 = tpu.vector_load_idx %arg20[%add3A_147, %broadcast_in_dim3A_300] : memref<48x128xf32, #tpu.memory_space<vmem>>[vector<16xi32>, vector<16xi32>], vector<16xf32>,
          %mul3A_302 = arith.mulf %gather3A_301, %exp3A_158 : vector<16xf32>
          tpu.vector_store_idx %arg20[%add3A_147, %broadcast_in_dim3A_300], %mul3A_302 : memref<48x128xf32, #tpu.memory_space<vmem>>[vector<16xi32>, vector<16xi32>], vector<16xf32>,
          %scan3A_303 = arith.constant 3 : i32
          %scan3A_304 = arith.addi %scan3A_239, %scan3A_303 : i32
          %add3A_305 = arith.constant 0 : i32
          %add3A_306 = arith.addi %add3A_305, %scan3A_304 : i32
          %broadcast_in_dim3A_307 = vector.broadcast %add3A_306 : i32 to vector<16xi32>
          %gather3A_308 = tpu.vector_load_idx %arg20[%add3A_147, %broadcast_in_dim3A_307] : memref<48x128xf32, #tpu.memory_space<vmem>>[vector<16xi32>, vector<16xi32>], vector<16xf32>,
          %mul3A_309 = arith.mulf %gather3A_308, %exp3A : vector<16xf32>
          tpu.vector_store_idx %arg20[%add3A_147, %broadcast_in_dim3A_307], %mul3A_309 : memref<48x128xf32, #tpu.memory_space<vmem>>[vector<16xi32>, vector<16xi32>], vector<16xf32>,
          %add3A_310 = arith.constant 32 : i32
          %add3A_311 = arith.addi %add3A_310, %scan3A_304 : i32
          %broadcast_in_dim3A_312 = vector.broadcast %add3A_311 : i32 to vector<16xi32>
          %gather3A_313 = tpu.vector_load_idx %arg20[%add3A_147, %broadcast_in_dim3A_312] : memref<48x128xf32, #tpu.memory_space<vmem>>[vector<16xi32>, vector<16xi32>], vector<16xf32>,
          %mul3A_314 = arith.mulf %gather3A_313, %exp3A_156 : vector<16xf32>
          tpu.vector_store_idx %arg20[%add3A_147, %broadcast_in_dim3A_312], %mul3A_314 : memref<48x128xf32, #tpu.memory_space<vmem>>[vector<16xi32>, vector<16xi32>], vector<16xf32>,
          %add3A_315 = arith.constant 64 : i32
          %add3A_316 = arith.addi %add3A_315, %scan3A_304 : i32
          %broadcast_in_dim3A_317 = vector.broadcast %add3A_316 : i32 to vector<16xi32>
          %gather3A_318 = tpu.vector_load_idx %arg20[%add3A_147, %broadcast_in_dim3A_317] : memref<48x128xf32, #tpu.memory_space<vmem>>[vector<16xi32>, vector<16xi32>], vector<16xf32>,
          %mul3A_319 = arith.mulf %gather3A_318, %exp3A_157 : vector<16xf32>
          tpu.vector_store_idx %arg20[%add3A_147, %broadcast_in_dim3A_317], %mul3A_319 : memref<48x128xf32, #tpu.memory_space<vmem>>[vector<16xi32>, vector<16xi32>], vector<16xf32>,
          %add3A_320 = arith.constant 96 : i32
          %add3A_321 = arith.addi %add3A_320, %scan3A_304 : i32
          %broadcast_in_dim3A_322 = vector.broadcast %add3A_321 : i32 to vector<16xi32>
          %gather3A_323 = tpu.vector_load_idx %arg20[%add3A_147, %broadcast_in_dim3A_322] : memref<48x128xf32, #tpu.memory_space<vmem>>[vector<16xi32>, vector<16xi32>], vector<16xf32>,
          %mul3A_324 = arith.mulf %gather3A_323, %exp3A_158 : vector<16xf32>
          tpu.vector_store_idx %arg20[%add3A_147, %broadcast_in_dim3A_322], %mul3A_324 : memref<48x128xf32, #tpu.memory_space<vmem>>[vector<16xi32>, vector<16xi32>], vector<16xf32>,
        }
        %scan3A_172 = arith.constant 32 : i32
        %add3A_173 = arith.constant 16 : i32
        %add3A_174 = vector.broadcast %add3A_173 : i32 to vector<16xi32>
        %add3A_175 = arith.addi %iota3A, %add3A_174 : vector<16xi32>
        %broadcast_in_dim3A_176 = arith.constant 0.000000e+00 : f32
        %broadcast_in_dim3A_177 = vector.broadcast %broadcast_in_dim3A_176 : f32 to vector<16xf32>
        %scan3A_178 = arith.constant 0 : i32
        %scan3A_179 = arith.constant 32 : i32
        %scan3A_180 = arith.addi %scan3A_178, %scan3A_179 : i32
        %scan3A_181 = arith.constant 4 : i32
        %scan3A_182:4 = scf.for %scan3A_239 = %scan3A_178 to %scan3A_180 step %scan3A_181 iter_args(%scan3A_240 = %broadcast_in_dim3A_177, %scan3A_241 = %broadcast_in_dim3A_177, %scan3A_242 = %broadcast_in_dim3A_177, %scan3A_243 = %broadcast_in_dim3A_177) -> (vector<16xf32>, vector<16xf32>, vector<16xf32>, vector<16xf32>)  : i32 {
          %add3A_244 = arith.constant 0 : i32
          %add3A_245 = arith.addi %add3A_244, %scan3A_239 : i32
          %broadcast_in_dim3A_246 = vector.broadcast %add3A_245 : i32 to vector<16xi32>
          %gather3A = tpu.vector_load_idx %arg16[%add3A_175, %broadcast_in_dim3A_246] : memref<48x128xf32, #tpu.memory_space<vmem>>[vector<16xi32>, vector<16xi32>], vector<16xf32>,
          %gather3A_247 = tpu.vector_load_idx %arg18[%add3A_175, %broadcast_in_dim3A_246] : memref<48x128xf32, #tpu.memory_space<vmem>>[vector<16xi32>, vector<16xi32>], vector<16xf32>,
          %mul3A_248 = arith.mulf %gather3A, %gather3A_247 : vector<16xf32>
          %add3A_249 = arith.addf %scan3A_240, %mul3A_248 : vector<16xf32>
          %add3A_250 = arith.constant 32 : i32
          %add3A_251 = arith.addi %add3A_250, %scan3A_239 : i32
          %broadcast_in_dim3A_252 = vector.broadcast %add3A_251 : i32 to vector<16xi32>
          %gather3A_253 = tpu.vector_load_idx %arg16[%add3A_175, %broadcast_in_dim3A_252] : memref<48x128xf32, #tpu.memory_space<vmem>>[vector<16xi32>, vector<16xi32>], vector<16xf32>,
          %gather3A_254 = tpu.vector_load_idx %arg18[%add3A_175, %broadcast_in_dim3A_252] : memref<48x128xf32, #tpu.memory_space<vmem>>[vector<16xi32>, vector<16xi32>], vector<16xf32>,
          %mul3A_255 = arith.mulf %gather3A_253, %gather3A_254 : vector<16xf32>
          %add3A_256 = arith.addf %scan3A_241, %mul3A_255 : vector<16xf32>
          %add3A_257 = arith.constant 64 : i32
          %add3A_258 = arith.addi %add3A_257, %scan3A_239 : i32
          %broadcast_in_dim3A_259 = vector.broadcast %add3A_258 : i32 to vector<16xi32>
          %gather3A_260 = tpu.vector_load_idx %arg16[%add3A_175, %broadcast_in_dim3A_259] : memref<48x128xf32, #tpu.memory_space<vmem>>[vector<16xi32>, vector<16xi32>], vector<16xf32>,
          %gather3A_261 = tpu.vector_load_idx %arg18[%add3A_175, %broadcast_in_dim3A_259] : memref<48x128xf32, #tpu.memory_space<vmem>>[vector<16xi32>, vector<16xi32>], vector<16xf32>,
          %mul3A_262 = arith.mulf %gather3A_260, %gather3A_261 : vector<16xf32>
          %add3A_263 = arith.addf %scan3A_242, %mul3A_262 : vector<16xf32>
          %add3A_264 = arith.constant 96 : i32
          %add3A_265 = arith.addi %add3A_264, %scan3A_239 : i32
          %broadcast_in_dim3A_266 = vector.broadcast %add3A_265 : i32 to vector<16xi32>
          %gather3A_267 = tpu.vector_load_idx %arg16[%add3A_175, %broadcast_in_dim3A_266] : memref<48x128xf32, #tpu.memory_space<vmem>>[vector<16xi32>, vector<16xi32>], vector<16xf32>,
          %gather3A_268 = tpu.vector_load_idx %arg18[%add3A_175, %broadcast_in_dim3A_266] : memref<48x128xf32, #tpu.memory_space<vmem>>[vector<16xi32>, vector<16xi32>], vector<16xf32>,
          %mul3A_269 = arith.mulf %gather3A_267, %gather3A_268 : vector<16xf32>
          %add3A_270 = arith.addf %scan3A_243, %mul3A_269 : vector<16xf32>
          %scan3A_271 = arith.constant 1 : i32
          %scan3A_272 = arith.addi %scan3A_239, %scan3A_271 : i32
          %add3A_273 = arith.constant 0 : i32
          %add3A_274 = arith.addi %add3A_273, %scan3A_272 : i32
          %broadcast_in_dim3A_275 = vector.broadcast %add3A_274 : i32 to vector<16xi32>
          %gather3A_276 = tpu.vector_load_idx %arg16[%add3A_175, %broadcast_in_dim3A_275] : memref<48x128xf32, #tpu.memory_space<vmem>>[vector<16xi32>, vector<16xi32>], vector<16xf32>,
          %gather3A_277 = tpu.vector_load_idx %arg18[%add3A_175, %broadcast_in_dim3A_275] : memref<48x128xf32, #tpu.memory_space<vmem>>[vector<16xi32>, vector<16xi32>], vector<16xf32>,
          %mul3A_278 = arith.mulf %gather3A_276, %gather3A_277 : vector<16xf32>
          %add3A_279 = arith.addf %add3A_249, %mul3A_278 : vector<16xf32>
          %add3A_280 = arith.constant 32 : i32
          %add3A_281 = arith.addi %add3A_280, %scan3A_272 : i32
          %broadcast_in_dim3A_282 = vector.broadcast %add3A_281 : i32 to vector<16xi32>
          %gather3A_283 = tpu.vector_load_idx %arg16[%add3A_175, %broadcast_in_dim3A_282] : memref<48x128xf32, #tpu.memory_space<vmem>>[vector<16xi32>, vector<16xi32>], vector<16xf32>,
          %gather3A_284 = tpu.vector_load_idx %arg18[%add3A_175, %broadcast_in_dim3A_282] : memref<48x128xf32, #tpu.memory_space<vmem>>[vector<16xi32>, vector<16xi32>], vector<16xf32>,
          %mul3A_285 = arith.mulf %gather3A_283, %gather3A_284 : vector<16xf32>
          %add3A_286 = arith.addf %add3A_256, %mul3A_285 : vector<16xf32>
          %add3A_287 = arith.constant 64 : i32
          %add3A_288 = arith.addi %add3A_287, %scan3A_272 : i32
          %broadcast_in_dim3A_289 = vector.broadcast %add3A_288 : i32 to vector<16xi32>
          %gather3A_290 = tpu.vector_load_idx %arg16[%add3A_175, %broadcast_in_dim3A_289] : memref<48x128xf32, #tpu.memory_space<vmem>>[vector<16xi32>, vector<16xi32>], vector<16xf32>,
          %gather3A_291 = tpu.vector_load_idx %arg18[%add3A_175, %broadcast_in_dim3A_289] : memref<48x128xf32, #tpu.memory_space<vmem>>[vector<16xi32>, vector<16xi32>], vector<16xf32>,
          %mul3A_292 = arith.mulf %gather3A_290, %gather3A_291 : vector<16xf32>
          %add3A_293 = arith.addf %add3A_263, %mul3A_292 : vector<16xf32>
          %add3A_294 = arith.constant 96 : i32
          %add3A_295 = arith.addi %add3A_294, %scan3A_272 : i32
          %broadcast_in_dim3A_296 = vector.broadcast %add3A_295 : i32 to vector<16xi32>
          %gather3A_297 = tpu.vector_load_idx %arg16[%add3A_175, %broadcast_in_dim3A_296] : memref<48x128xf32, #tpu.memory_space<vmem>>[vector<16xi32>, vector<16xi32>], vector<16xf32>,
          %gather3A_298 = tpu.vector_load_idx %arg18[%add3A_175, %broadcast_in_dim3A_296] : memref<48x128xf32, #tpu.memory_space<vmem>>[vector<16xi32>, vector<16xi32>], vector<16xf32>,
          %mul3A_299 = arith.mulf %gather3A_297, %gather3A_298 : vector<16xf32>
          %add3A_300 = arith.addf %add3A_270, %mul3A_299 : vector<16xf32>
          %scan3A_301 = arith.constant 2 : i32
          %scan3A_302 = arith.addi %scan3A_239, %scan3A_301 : i32
          %add3A_303 = arith.constant 0 : i32
          %add3A_304 = arith.addi %add3A_303, %scan3A_302 : i32
          %broadcast_in_dim3A_305 = vector.broadcast %add3A_304 : i32 to vector<16xi32>
          %gather3A_306 = tpu.vector_load_idx %arg16[%add3A_175, %broadcast_in_dim3A_305] : memref<48x128xf32, #tpu.memory_space<vmem>>[vector<16xi32>, vector<16xi32>], vector<16xf32>,
          %gather3A_307 = tpu.vector_load_idx %arg18[%add3A_175, %broadcast_in_dim3A_305] : memref<48x128xf32, #tpu.memory_space<vmem>>[vector<16xi32>, vector<16xi32>], vector<16xf32>,
          %mul3A_308 = arith.mulf %gather3A_306, %gather3A_307 : vector<16xf32>
          %add3A_309 = arith.addf %add3A_279, %mul3A_308 : vector<16xf32>
          %add3A_310 = arith.constant 32 : i32
          %add3A_311 = arith.addi %add3A_310, %scan3A_302 : i32
          %broadcast_in_dim3A_312 = vector.broadcast %add3A_311 : i32 to vector<16xi32>
          %gather3A_313 = tpu.vector_load_idx %arg16[%add3A_175, %broadcast_in_dim3A_312] : memref<48x128xf32, #tpu.memory_space<vmem>>[vector<16xi32>, vector<16xi32>], vector<16xf32>,
          %gather3A_314 = tpu.vector_load_idx %arg18[%add3A_175, %broadcast_in_dim3A_312] : memref<48x128xf32, #tpu.memory_space<vmem>>[vector<16xi32>, vector<16xi32>], vector<16xf32>,
          %mul3A_315 = arith.mulf %gather3A_313, %gather3A_314 : vector<16xf32>
          %add3A_316 = arith.addf %add3A_286, %mul3A_315 : vector<16xf32>
          %add3A_317 = arith.constant 64 : i32
          %add3A_318 = arith.addi %add3A_317, %scan3A_302 : i32
          %broadcast_in_dim3A_319 = vector.broadcast %add3A_318 : i32 to vector<16xi32>
          %gather3A_320 = tpu.vector_load_idx %arg16[%add3A_175, %broadcast_in_dim3A_319] : memref<48x128xf32, #tpu.memory_space<vmem>>[vector<16xi32>, vector<16xi32>], vector<16xf32>,
          %gather3A_321 = tpu.vector_load_idx %arg18[%add3A_175, %broadcast_in_dim3A_319] : memref<48x128xf32, #tpu.memory_space<vmem>>[vector<16xi32>, vector<16xi32>], vector<16xf32>,
          %mul3A_322 = arith.mulf %gather3A_320, %gather3A_321 : vector<16xf32>
          %add3A_323 = arith.addf %add3A_293, %mul3A_322 : vector<16xf32>
          %add3A_324 = arith.constant 96 : i32
          %add3A_325 = arith.addi %add3A_324, %scan3A_302 : i32
          %broadcast_in_dim3A_326 = vector.broadcast %add3A_325 : i32 to vector<16xi32>
          %gather3A_327 = tpu.vector_load_idx %arg16[%add3A_175, %broadcast_in_dim3A_326] : memref<48x128xf32, #tpu.memory_space<vmem>>[vector<16xi32>, vector<16xi32>], vector<16xf32>,
          %gather3A_328 = tpu.vector_load_idx %arg18[%add3A_175, %broadcast_in_dim3A_326] : memref<48x128xf32, #tpu.memory_space<vmem>>[vector<16xi32>, vector<16xi32>], vector<16xf32>,
          %mul3A_329 = arith.mulf %gather3A_327, %gather3A_328 : vector<16xf32>
          %add3A_330 = arith.addf %add3A_300, %mul3A_329 : vector<16xf32>
          %scan3A_331 = arith.constant 3 : i32
          %scan3A_332 = arith.addi %scan3A_239, %scan3A_331 : i32
          %add3A_333 = arith.constant 0 : i32
          %add3A_334 = arith.addi %add3A_333, %scan3A_332 : i32
          %broadcast_in_dim3A_335 = vector.broadcast %add3A_334 : i32 to vector<16xi32>
          %gather3A_336 = tpu.vector_load_idx %arg16[%add3A_175, %broadcast_in_dim3A_335] : memref<48x128xf32, #tpu.memory_space<vmem>>[vector<16xi32>, vector<16xi32>], vector<16xf32>,
          %gather3A_337 = tpu.vector_load_idx %arg18[%add3A_175, %broadcast_in_dim3A_335] : memref<48x128xf32, #tpu.memory_space<vmem>>[vector<16xi32>, vector<16xi32>], vector<16xf32>,
          %mul3A_338 = arith.mulf %gather3A_336, %gather3A_337 : vector<16xf32>
          %add3A_339 = arith.addf %add3A_309, %mul3A_338 : vector<16xf32>
          %add3A_340 = arith.constant 32 : i32
          %add3A_341 = arith.addi %add3A_340, %scan3A_332 : i32
          %broadcast_in_dim3A_342 = vector.broadcast %add3A_341 : i32 to vector<16xi32>
          %gather3A_343 = tpu.vector_load_idx %arg16[%add3A_175, %broadcast_in_dim3A_342] : memref<48x128xf32, #tpu.memory_space<vmem>>[vector<16xi32>, vector<16xi32>], vector<16xf32>,
          %gather3A_344 = tpu.vector_load_idx %arg18[%add3A_175, %broadcast_in_dim3A_342] : memref<48x128xf32, #tpu.memory_space<vmem>>[vector<16xi32>, vector<16xi32>], vector<16xf32>,
          %mul3A_345 = arith.mulf %gather3A_343, %gather3A_344 : vector<16xf32>
          %add3A_346 = arith.addf %add3A_316, %mul3A_345 : vector<16xf32>
          %add3A_347 = arith.constant 64 : i32
          %add3A_348 = arith.addi %add3A_347, %scan3A_332 : i32
          %broadcast_in_dim3A_349 = vector.broadcast %add3A_348 : i32 to vector<16xi32>
          %gather3A_350 = tpu.vector_load_idx %arg16[%add3A_175, %broadcast_in_dim3A_349] : memref<48x128xf32, #tpu.memory_space<vmem>>[vector<16xi32>, vector<16xi32>], vector<16xf32>,
          %gather3A_351 = tpu.vector_load_idx %arg18[%add3A_175, %broadcast_in_dim3A_349] : memref<48x128xf32, #tpu.memory_space<vmem>>[vector<16xi32>, vector<16xi32>], vector<16xf32>,
          %mul3A_352 = arith.mulf %gather3A_350, %gather3A_351 : vector<16xf32>
          %add3A_353 = arith.addf %add3A_323, %mul3A_352 : vector<16xf32>
          %add3A_354 = arith.constant 96 : i32
          %add3A_355 = arith.addi %add3A_354, %scan3A_332 : i32
          %broadcast_in_dim3A_356 = vector.broadcast %add3A_355 : i32 to vector<16xi32>
          %gather3A_357 = tpu.vector_load_idx %arg16[%add3A_175, %broadcast_in_dim3A_356] : memref<48x128xf32, #tpu.memory_space<vmem>>[vector<16xi32>, vector<16xi32>], vector<16xf32>,
          %gather3A_358 = tpu.vector_load_idx %arg18[%add3A_175, %broadcast_in_dim3A_356] : memref<48x128xf32, #tpu.memory_space<vmem>>[vector<16xi32>, vector<16xi32>], vector<16xf32>,
          %mul3A_359 = arith.mulf %gather3A_357, %gather3A_358 : vector<16xf32>
          %add3A_360 = arith.addf %add3A_330, %mul3A_359 : vector<16xf32>
          scf.yield %add3A_339, %add3A_346, %add3A_353, %add3A_360 : vector<16xf32>, vector<16xf32>, vector<16xf32>, vector<16xf32>
        }
        %scan3A_183 = arith.constant 32 : i32
        %exp3A_184 = math.exp %scan3A_182#0 : vector<16xf32>
        %exp3A_185 = math.exp %scan3A_182#1 : vector<16xf32>
        %exp3A_186 = math.exp %scan3A_182#2 : vector<16xf32>
        %exp3A_187 = math.exp %scan3A_182#3 : vector<16xf32>
        %broadcast_in_dim3A_188 = arith.constant 0 : i32
        %broadcast_in_dim3A_189 = vector.broadcast %broadcast_in_dim3A_188 : i32 to vector<16xi32>
        tpu.vector_store_idx %arg22[%add3A_175, %broadcast_in_dim3A_189], %exp3A_184 : memref<48x16xf32, #tpu.memory_space<vmem>>[vector<16xi32>, vector<16xi32>], vector<16xf32>,
        %broadcast_in_dim3A_190 = arith.constant 1 : i32
        %broadcast_in_dim3A_191 = vector.broadcast %broadcast_in_dim3A_190 : i32 to vector<16xi32>
        tpu.vector_store_idx %arg22[%add3A_175, %broadcast_in_dim3A_191], %exp3A_185 : memref<48x16xf32, #tpu.memory_space<vmem>>[vector<16xi32>, vector<16xi32>], vector<16xf32>,
        %broadcast_in_dim3A_192 = arith.constant 2 : i32
        %broadcast_in_dim3A_193 = vector.broadcast %broadcast_in_dim3A_192 : i32 to vector<16xi32>
        tpu.vector_store_idx %arg22[%add3A_175, %broadcast_in_dim3A_193], %exp3A_186 : memref<48x16xf32, #tpu.memory_space<vmem>>[vector<16xi32>, vector<16xi32>], vector<16xf32>,
        %broadcast_in_dim3A_194 = arith.constant 3 : i32
        %broadcast_in_dim3A_195 = vector.broadcast %broadcast_in_dim3A_194 : i32 to vector<16xi32>
        tpu.vector_store_idx %arg22[%add3A_175, %broadcast_in_dim3A_195], %exp3A_187 : memref<48x16xf32, #tpu.memory_space<vmem>>[vector<16xi32>, vector<16xi32>], vector<16xf32>,
        %scan3A_196 = arith.constant 0 : i32
        %scan3A_197 = arith.constant 0 : i32
        %scan3A_198 = arith.constant 32 : i32
        %scan3A_199 = arith.addi %scan3A_197, %scan3A_198 : i32
        %scan3A_200 = arith.constant 4 : i32
        scf.for %scan3A_239 = %scan3A_197 to %scan3A_199 step %scan3A_200  : i32 {
          %add3A_240 = arith.constant 0 : i32
          %add3A_241 = arith.addi %add3A_240, %scan3A_239 : i32
          %broadcast_in_dim3A_242 = vector.broadcast %add3A_241 : i32 to vector<16xi32>
          %gather3A = tpu.vector_load_idx %arg20[%add3A_175, %broadcast_in_dim3A_242] : memref<48x128xf32, #tpu.memory_space<vmem>>[vector<16xi32>, vector<16xi32>], vector<16xf32>,
          %mul3A_243 = arith.mulf %gather3A, %exp3A_184 : vector<16xf32>
          tpu.vector_store_idx %arg20[%add3A_175, %broadcast_in_dim3A_242], %mul3A_243 : memref<48x128xf32, #tpu.memory_space<vmem>>[vector<16xi32>, vector<16xi32>], vector<16xf32>,
          %add3A_244 = arith.constant 32 : i32
          %add3A_245 = arith.addi %add3A_244, %scan3A_239 : i32
          %broadcast_in_dim3A_246 = vector.broadcast %add3A_245 : i32 to vector<16xi32>
          %gather3A_247 = tpu.vector_load_idx %arg20[%add3A_175, %broadcast_in_dim3A_246] : memref<48x128xf32, #tpu.memory_space<vmem>>[vector<16xi32>, vector<16xi32>], vector<16xf32>,
          %mul3A_248 = arith.mulf %gather3A_247, %exp3A_185 : vector<16xf32>
          tpu.vector_store_idx %arg20[%add3A_175, %broadcast_in_dim3A_246], %mul3A_248 : memref<48x128xf32, #tpu.memory_space<vmem>>[vector<16xi32>, vector<16xi32>], vector<16xf32>,
          %add3A_249 = arith.constant 64 : i32
          %add3A_250 = arith.addi %add3A_249, %scan3A_239 : i32
          %broadcast_in_dim3A_251 = vector.broadcast %add3A_250 : i32 to vector<16xi32>
          %gather3A_252 = tpu.vector_load_idx %arg20[%add3A_175, %broadcast_in_dim3A_251] : memref<48x128xf32, #tpu.memory_space<vmem>>[vector<16xi32>, vector<16xi32>], vector<16xf32>,
          %mul3A_253 = arith.mulf %gather3A_252, %exp3A_186 : vector<16xf32>
          tpu.vector_store_idx %arg20[%add3A_175, %broadcast_in_dim3A_251], %mul3A_253 : memref<48x128xf32, #tpu.memory_space<vmem>>[vector<16xi32>, vector<16xi32>], vector<16xf32>,
          %add3A_254 = arith.constant 96 : i32
          %add3A_255 = arith.addi %add3A_254, %scan3A_239 : i32
          %broadcast_in_dim3A_256 = vector.broadcast %add3A_255 : i32 to vector<16xi32>
          %gather3A_257 = tpu.vector_load_idx %arg20[%add3A_175, %broadcast_in_dim3A_256] : memref<48x128xf32, #tpu.memory_space<vmem>>[vector<16xi32>, vector<16xi32>], vector<16xf32>,
          %mul3A_258 = arith.mulf %gather3A_257, %exp3A_187 : vector<16xf32>
          tpu.vector_store_idx %arg20[%add3A_175, %broadcast_in_dim3A_256], %mul3A_258 : memref<48x128xf32, #tpu.memory_space<vmem>>[vector<16xi32>, vector<16xi32>], vector<16xf32>,
          %scan3A_259 = arith.constant 1 : i32
          %scan3A_260 = arith.addi %scan3A_239, %scan3A_259 : i32
          %add3A_261 = arith.constant 0 : i32
          %add3A_262 = arith.addi %add3A_261, %scan3A_260 : i32
          %broadcast_in_dim3A_263 = vector.broadcast %add3A_262 : i32 to vector<16xi32>
          %gather3A_264 = tpu.vector_load_idx %arg20[%add3A_175, %broadcast_in_dim3A_263] : memref<48x128xf32, #tpu.memory_space<vmem>>[vector<16xi32>, vector<16xi32>], vector<16xf32>,
          %mul3A_265 = arith.mulf %gather3A_264, %exp3A_184 : vector<16xf32>
          tpu.vector_store_idx %arg20[%add3A_175, %broadcast_in_dim3A_263], %mul3A_265 : memref<48x128xf32, #tpu.memory_space<vmem>>[vector<16xi32>, vector<16xi32>], vector<16xf32>,
          %add3A_266 = arith.constant 32 : i32
          %add3A_267 = arith.addi %add3A_266, %scan3A_260 : i32
          %broadcast_in_dim3A_268 = vector.broadcast %add3A_267 : i32 to vector<16xi32>
          %gather3A_269 = tpu.vector_load_idx %arg20[%add3A_175, %broadcast_in_dim3A_268] : memref<48x128xf32, #tpu.memory_space<vmem>>[vector<16xi32>, vector<16xi32>], vector<16xf32>,
          %mul3A_270 = arith.mulf %gather3A_269, %exp3A_185 : vector<16xf32>
          tpu.vector_store_idx %arg20[%add3A_175, %broadcast_in_dim3A_268], %mul3A_270 : memref<48x128xf32, #tpu.memory_space<vmem>>[vector<16xi32>, vector<16xi32>], vector<16xf32>,
          %add3A_271 = arith.constant 64 : i32
          %add3A_272 = arith.addi %add3A_271, %scan3A_260 : i32
          %broadcast_in_dim3A_273 = vector.broadcast %add3A_272 : i32 to vector<16xi32>
          %gather3A_274 = tpu.vector_load_idx %arg20[%add3A_175, %broadcast_in_dim3A_273] : memref<48x128xf32, #tpu.memory_space<vmem>>[vector<16xi32>, vector<16xi32>], vector<16xf32>,
          %mul3A_275 = arith.mulf %gather3A_274, %exp3A_186 : vector<16xf32>
          tpu.vector_store_idx %arg20[%add3A_175, %broadcast_in_dim3A_273], %mul3A_275 : memref<48x128xf32, #tpu.memory_space<vmem>>[vector<16xi32>, vector<16xi32>], vector<16xf32>,
          %add3A_276 = arith.constant 96 : i32
          %add3A_277 = arith.addi %add3A_276, %scan3A_260 : i32
          %broadcast_in_dim3A_278 = vector.broadcast %add3A_277 : i32 to vector<16xi32>
          %gather3A_279 = tpu.vector_load_idx %arg20[%add3A_175, %broadcast_in_dim3A_278] : memref<48x128xf32, #tpu.memory_space<vmem>>[vector<16xi32>, vector<16xi32>], vector<16xf32>,
          %mul3A_280 = arith.mulf %gather3A_279, %exp3A_187 : vector<16xf32>
          tpu.vector_store_idx %arg20[%add3A_175, %broadcast_in_dim3A_278], %mul3A_280 : memref<48x128xf32, #tpu.memory_space<vmem>>[vector<16xi32>, vector<16xi32>], vector<16xf32>,
          %scan3A_281 = arith.constant 2 : i32
          %scan3A_282 = arith.addi %scan3A_239, %scan3A_281 : i32
          %add3A_283 = arith.constant 0 : i32
          %add3A_284 = arith.addi %add3A_283, %scan3A_282 : i32
          %broadcast_in_dim3A_285 = vector.broadcast %add3A_284 : i32 to vector<16xi32>
          %gather3A_286 = tpu.vector_load_idx %arg20[%add3A_175, %broadcast_in_dim3A_285] : memref<48x128xf32, #tpu.memory_space<vmem>>[vector<16xi32>, vector<16xi32>], vector<16xf32>,
          %mul3A_287 = arith.mulf %gather3A_286, %exp3A_184 : vector<16xf32>
          tpu.vector_store_idx %arg20[%add3A_175, %broadcast_in_dim3A_285], %mul3A_287 : memref<48x128xf32, #tpu.memory_space<vmem>>[vector<16xi32>, vector<16xi32>], vector<16xf32>,
          %add3A_288 = arith.constant 32 : i32
          %add3A_289 = arith.addi %add3A_288, %scan3A_282 : i32
          %broadcast_in_dim3A_290 = vector.broadcast %add3A_289 : i32 to vector<16xi32>
          %gather3A_291 = tpu.vector_load_idx %arg20[%add3A_175, %broadcast_in_dim3A_290] : memref<48x128xf32, #tpu.memory_space<vmem>>[vector<16xi32>, vector<16xi32>], vector<16xf32>,
          %mul3A_292 = arith.mulf %gather3A_291, %exp3A_185 : vector<16xf32>
          tpu.vector_store_idx %arg20[%add3A_175, %broadcast_in_dim3A_290], %mul3A_292 : memref<48x128xf32, #tpu.memory_space<vmem>>[vector<16xi32>, vector<16xi32>], vector<16xf32>,
          %add3A_293 = arith.constant 64 : i32
          %add3A_294 = arith.addi %add3A_293, %scan3A_282 : i32
          %broadcast_in_dim3A_295 = vector.broadcast %add3A_294 : i32 to vector<16xi32>
          %gather3A_296 = tpu.vector_load_idx %arg20[%add3A_175, %broadcast_in_dim3A_295] : memref<48x128xf32, #tpu.memory_space<vmem>>[vector<16xi32>, vector<16xi32>], vector<16xf32>,
          %mul3A_297 = arith.mulf %gather3A_296, %exp3A_186 : vector<16xf32>
          tpu.vector_store_idx %arg20[%add3A_175, %broadcast_in_dim3A_295], %mul3A_297 : memref<48x128xf32, #tpu.memory_space<vmem>>[vector<16xi32>, vector<16xi32>], vector<16xf32>,
          %add3A_298 = arith.constant 96 : i32
          %add3A_299 = arith.addi %add3A_298, %scan3A_282 : i32
          %broadcast_in_dim3A_300 = vector.broadcast %add3A_299 : i32 to vector<16xi32>
          %gather3A_301 = tpu.vector_load_idx %arg20[%add3A_175, %broadcast_in_dim3A_300] : memref<48x128xf32, #tpu.memory_space<vmem>>[vector<16xi32>, vector<16xi32>], vector<16xf32>,
          %mul3A_302 = arith.mulf %gather3A_301, %exp3A_187 : vector<16xf32>
          tpu.vector_store_idx %arg20[%add3A_175, %broadcast_in_dim3A_300], %mul3A_302 : memref<48x128xf32, #tpu.memory_space<vmem>>[vector<16xi32>, vector<16xi32>], vector<16xf32>,
          %scan3A_303 = arith.constant 3 : i32
          %scan3A_304 = arith.addi %scan3A_239, %scan3A_303 : i32
          %add3A_305 = arith.constant 0 : i32
          %add3A_306 = arith.addi %add3A_305, %scan3A_304 : i32
          %broadcast_in_dim3A_307 = vector.broadcast %add3A_306 : i32 to vector<16xi32>
          %gather3A_308 = tpu.vector_load_idx %arg20[%add3A_175, %broadcast_in_dim3A_307] : memref<48x128xf32, #tpu.memory_space<vmem>>[vector<16xi32>, vector<16xi32>], vector<16xf32>,
          %mul3A_309 = arith.mulf %gather3A_308, %exp3A_184 : vector<16xf32>
          tpu.vector_store_idx %arg20[%add3A_175, %broadcast_in_dim3A_307], %mul3A_309 : memref<48x128xf32, #tpu.memory_space<vmem>>[vector<16xi32>, vector<16xi32>], vector<16xf32>,
          %add3A_310 = arith.constant 32 : i32
          %add3A_311 = arith.addi %add3A_310, %scan3A_304 : i32
          %broadcast_in_dim3A_312 = vector.broadcast %add3A_311 : i32 to vector<16xi32>
          %gather3A_313 = tpu.vector_load_idx %arg20[%add3A_175, %broadcast_in_dim3A_312] : memref<48x128xf32, #tpu.memory_space<vmem>>[vector<16xi32>, vector<16xi32>], vector<16xf32>,
          %mul3A_314 = arith.mulf %gather3A_313, %exp3A_185 : vector<16xf32>
          tpu.vector_store_idx %arg20[%add3A_175, %broadcast_in_dim3A_312], %mul3A_314 : memref<48x128xf32, #tpu.memory_space<vmem>>[vector<16xi32>, vector<16xi32>], vector<16xf32>,
          %add3A_315 = arith.constant 64 : i32
          %add3A_316 = arith.addi %add3A_315, %scan3A_304 : i32
          %broadcast_in_dim3A_317 = vector.broadcast %add3A_316 : i32 to vector<16xi32>
          %gather3A_318 = tpu.vector_load_idx %arg20[%add3A_175, %broadcast_in_dim3A_317] : memref<48x128xf32, #tpu.memory_space<vmem>>[vector<16xi32>, vector<16xi32>], vector<16xf32>,
          %mul3A_319 = arith.mulf %gather3A_318, %exp3A_186 : vector<16xf32>
          tpu.vector_store_idx %arg20[%add3A_175, %broadcast_in_dim3A_317], %mul3A_319 : memref<48x128xf32, #tpu.memory_space<vmem>>[vector<16xi32>, vector<16xi32>], vector<16xf32>,
          %add3A_320 = arith.constant 96 : i32
          %add3A_321 = arith.addi %add3A_320, %scan3A_304 : i32
          %broadcast_in_dim3A_322 = vector.broadcast %add3A_321 : i32 to vector<16xi32>
          %gather3A_323 = tpu.vector_load_idx %arg20[%add3A_175, %broadcast_in_dim3A_322] : memref<48x128xf32, #tpu.memory_space<vmem>>[vector<16xi32>, vector<16xi32>], vector<16xf32>,
          %mul3A_324 = arith.mulf %gather3A_323, %exp3A_187 : vector<16xf32>
          tpu.vector_store_idx %arg20[%add3A_175, %broadcast_in_dim3A_322], %mul3A_324 : memref<48x128xf32, #tpu.memory_space<vmem>>[vector<16xi32>, vector<16xi32>], vector<16xf32>,
        }
        %scan3A_201 = arith.constant 32 : i32
        %add3A_202 = arith.constant 32 : i32
        %add3A_203 = vector.broadcast %add3A_202 : i32 to vector<16xi32>
        %add3A_204 = arith.addi %iota3A, %add3A_203 : vector<16xi32>
        %broadcast_in_dim3A_205 = arith.constant 0.000000e+00 : f32
        %broadcast_in_dim3A_206 = vector.broadcast %broadcast_in_dim3A_205 : f32 to vector<16xf32>
        %scan3A_207 = arith.constant 0 : i32
        %scan3A_208 = arith.constant 32 : i32
        %scan3A_209 = arith.addi %scan3A_207, %scan3A_208 : i32
        %scan3A_210 = arith.constant 4 : i32
        %scan3A_211:4 = scf.for %scan3A_239 = %scan3A_207 to %scan3A_209 step %scan3A_210 iter_args(%scan3A_240 = %broadcast_in_dim3A_206, %scan3A_241 = %broadcast_in_dim3A_206, %scan3A_242 = %broadcast_in_dim3A_206, %scan3A_243 = %broadcast_in_dim3A_206) -> (vector<16xf32>, vector<16xf32>, vector<16xf32>, vector<16xf32>)  : i32 {
          %add3A_244 = arith.constant 0 : i32
          %add3A_245 = arith.addi %add3A_244, %scan3A_239 : i32
          %broadcast_in_dim3A_246 = vector.broadcast %add3A_245 : i32 to vector<16xi32>
          %gather3A = tpu.vector_load_idx %arg16[%add3A_204, %broadcast_in_dim3A_246] : memref<48x128xf32, #tpu.memory_space<vmem>>[vector<16xi32>, vector<16xi32>], vector<16xf32>,
          %gather3A_247 = tpu.vector_load_idx %arg18[%add3A_204, %broadcast_in_dim3A_246] : memref<48x128xf32, #tpu.memory_space<vmem>>[vector<16xi32>, vector<16xi32>], vector<16xf32>,
          %mul3A_248 = arith.mulf %gather3A, %gather3A_247 : vector<16xf32>
          %add3A_249 = arith.addf %scan3A_240, %mul3A_248 : vector<16xf32>
          %add3A_250 = arith.constant 32 : i32
          %add3A_251 = arith.addi %add3A_250, %scan3A_239 : i32
          %broadcast_in_dim3A_252 = vector.broadcast %add3A_251 : i32 to vector<16xi32>
          %gather3A_253 = tpu.vector_load_idx %arg16[%add3A_204, %broadcast_in_dim3A_252] : memref<48x128xf32, #tpu.memory_space<vmem>>[vector<16xi32>, vector<16xi32>], vector<16xf32>,
          %gather3A_254 = tpu.vector_load_idx %arg18[%add3A_204, %broadcast_in_dim3A_252] : memref<48x128xf32, #tpu.memory_space<vmem>>[vector<16xi32>, vector<16xi32>], vector<16xf32>,
          %mul3A_255 = arith.mulf %gather3A_253, %gather3A_254 : vector<16xf32>
          %add3A_256 = arith.addf %scan3A_241, %mul3A_255 : vector<16xf32>
          %add3A_257 = arith.constant 64 : i32
          %add3A_258 = arith.addi %add3A_257, %scan3A_239 : i32
          %broadcast_in_dim3A_259 = vector.broadcast %add3A_258 : i32 to vector<16xi32>
          %gather3A_260 = tpu.vector_load_idx %arg16[%add3A_204, %broadcast_in_dim3A_259] : memref<48x128xf32, #tpu.memory_space<vmem>>[vector<16xi32>, vector<16xi32>], vector<16xf32>,
          %gather3A_261 = tpu.vector_load_idx %arg18[%add3A_204, %broadcast_in_dim3A_259] : memref<48x128xf32, #tpu.memory_space<vmem>>[vector<16xi32>, vector<16xi32>], vector<16xf32>,
          %mul3A_262 = arith.mulf %gather3A_260, %gather3A_261 : vector<16xf32>
          %add3A_263 = arith.addf %scan3A_242, %mul3A_262 : vector<16xf32>
          %add3A_264 = arith.constant 96 : i32
          %add3A_265 = arith.addi %add3A_264, %scan3A_239 : i32
          %broadcast_in_dim3A_266 = vector.broadcast %add3A_265 : i32 to vector<16xi32>
          %gather3A_267 = tpu.vector_load_idx %arg16[%add3A_204, %broadcast_in_dim3A_266] : memref<48x128xf32, #tpu.memory_space<vmem>>[vector<16xi32>, vector<16xi32>], vector<16xf32>,
          %gather3A_268 = tpu.vector_load_idx %arg18[%add3A_204, %broadcast_in_dim3A_266] : memref<48x128xf32, #tpu.memory_space<vmem>>[vector<16xi32>, vector<16xi32>], vector<16xf32>,
          %mul3A_269 = arith.mulf %gather3A_267, %gather3A_268 : vector<16xf32>
          %add3A_270 = arith.addf %scan3A_243, %mul3A_269 : vector<16xf32>
          %scan3A_271 = arith.constant 1 : i32
          %scan3A_272 = arith.addi %scan3A_239, %scan3A_271 : i32
          %add3A_273 = arith.constant 0 : i32
          %add3A_274 = arith.addi %add3A_273, %scan3A_272 : i32
          %broadcast_in_dim3A_275 = vector.broadcast %add3A_274 : i32 to vector<16xi32>
          %gather3A_276 = tpu.vector_load_idx %arg16[%add3A_204, %broadcast_in_dim3A_275] : memref<48x128xf32, #tpu.memory_space<vmem>>[vector<16xi32>, vector<16xi32>], vector<16xf32>,
          %gather3A_277 = tpu.vector_load_idx %arg18[%add3A_204, %broadcast_in_dim3A_275] : memref<48x128xf32, #tpu.memory_space<vmem>>[vector<16xi32>, vector<16xi32>], vector<16xf32>,
          %mul3A_278 = arith.mulf %gather3A_276, %gather3A_277 : vector<16xf32>
          %add3A_279 = arith.addf %add3A_249, %mul3A_278 : vector<16xf32>
          %add3A_280 = arith.constant 32 : i32
          %add3A_281 = arith.addi %add3A_280, %scan3A_272 : i32
          %broadcast_in_dim3A_282 = vector.broadcast %add3A_281 : i32 to vector<16xi32>
          %gather3A_283 = tpu.vector_load_idx %arg16[%add3A_204, %broadcast_in_dim3A_282] : memref<48x128xf32, #tpu.memory_space<vmem>>[vector<16xi32>, vector<16xi32>], vector<16xf32>,
          %gather3A_284 = tpu.vector_load_idx %arg18[%add3A_204, %broadcast_in_dim3A_282] : memref<48x128xf32, #tpu.memory_space<vmem>>[vector<16xi32>, vector<16xi32>], vector<16xf32>,
          %mul3A_285 = arith.mulf %gather3A_283, %gather3A_284 : vector<16xf32>
          %add3A_286 = arith.addf %add3A_256, %mul3A_285 : vector<16xf32>
          %add3A_287 = arith.constant 64 : i32
          %add3A_288 = arith.addi %add3A_287, %scan3A_272 : i32
          %broadcast_in_dim3A_289 = vector.broadcast %add3A_288 : i32 to vector<16xi32>
          %gather3A_290 = tpu.vector_load_idx %arg16[%add3A_204, %broadcast_in_dim3A_289] : memref<48x128xf32, #tpu.memory_space<vmem>>[vector<16xi32>, vector<16xi32>], vector<16xf32>,
          %gather3A_291 = tpu.vector_load_idx %arg18[%add3A_204, %broadcast_in_dim3A_289] : memref<48x128xf32, #tpu.memory_space<vmem>>[vector<16xi32>, vector<16xi32>], vector<16xf32>,
          %mul3A_292 = arith.mulf %gather3A_290, %gather3A_291 : vector<16xf32>
          %add3A_293 = arith.addf %add3A_263, %mul3A_292 : vector<16xf32>
          %add3A_294 = arith.constant 96 : i32
          %add3A_295 = arith.addi %add3A_294, %scan3A_272 : i32
          %broadcast_in_dim3A_296 = vector.broadcast %add3A_295 : i32 to vector<16xi32>
          %gather3A_297 = tpu.vector_load_idx %arg16[%add3A_204, %broadcast_in_dim3A_296] : memref<48x128xf32, #tpu.memory_space<vmem>>[vector<16xi32>, vector<16xi32>], vector<16xf32>,
          %gather3A_298 = tpu.vector_load_idx %arg18[%add3A_204, %broadcast_in_dim3A_296] : memref<48x128xf32, #tpu.memory_space<vmem>>[vector<16xi32>, vector<16xi32>], vector<16xf32>,
          %mul3A_299 = arith.mulf %gather3A_297, %gather3A_298 : vector<16xf32>
          %add3A_300 = arith.addf %add3A_270, %mul3A_299 : vector<16xf32>
          %scan3A_301 = arith.constant 2 : i32
          %scan3A_302 = arith.addi %scan3A_239, %scan3A_301 : i32
          %add3A_303 = arith.constant 0 : i32
          %add3A_304 = arith.addi %add3A_303, %scan3A_302 : i32
          %broadcast_in_dim3A_305 = vector.broadcast %add3A_304 : i32 to vector<16xi32>
          %gather3A_306 = tpu.vector_load_idx %arg16[%add3A_204, %broadcast_in_dim3A_305] : memref<48x128xf32, #tpu.memory_space<vmem>>[vector<16xi32>, vector<16xi32>], vector<16xf32>,
          %gather3A_307 = tpu.vector_load_idx %arg18[%add3A_204, %broadcast_in_dim3A_305] : memref<48x128xf32, #tpu.memory_space<vmem>>[vector<16xi32>, vector<16xi32>], vector<16xf32>,
          %mul3A_308 = arith.mulf %gather3A_306, %gather3A_307 : vector<16xf32>
          %add3A_309 = arith.addf %add3A_279, %mul3A_308 : vector<16xf32>
          %add3A_310 = arith.constant 32 : i32
          %add3A_311 = arith.addi %add3A_310, %scan3A_302 : i32
          %broadcast_in_dim3A_312 = vector.broadcast %add3A_311 : i32 to vector<16xi32>
          %gather3A_313 = tpu.vector_load_idx %arg16[%add3A_204, %broadcast_in_dim3A_312] : memref<48x128xf32, #tpu.memory_space<vmem>>[vector<16xi32>, vector<16xi32>], vector<16xf32>,
          %gather3A_314 = tpu.vector_load_idx %arg18[%add3A_204, %broadcast_in_dim3A_312] : memref<48x128xf32, #tpu.memory_space<vmem>>[vector<16xi32>, vector<16xi32>], vector<16xf32>,
          %mul3A_315 = arith.mulf %gather3A_313, %gather3A_314 : vector<16xf32>
          %add3A_316 = arith.addf %add3A_286, %mul3A_315 : vector<16xf32>
          %add3A_317 = arith.constant 64 : i32
          %add3A_318 = arith.addi %add3A_317, %scan3A_302 : i32
          %broadcast_in_dim3A_319 = vector.broadcast %add3A_318 : i32 to vector<16xi32>
          %gather3A_320 = tpu.vector_load_idx %arg16[%add3A_204, %broadcast_in_dim3A_319] : memref<48x128xf32, #tpu.memory_space<vmem>>[vector<16xi32>, vector<16xi32>], vector<16xf32>,
          %gather3A_321 = tpu.vector_load_idx %arg18[%add3A_204, %broadcast_in_dim3A_319] : memref<48x128xf32, #tpu.memory_space<vmem>>[vector<16xi32>, vector<16xi32>], vector<16xf32>,
          %mul3A_322 = arith.mulf %gather3A_320, %gather3A_321 : vector<16xf32>
          %add3A_323 = arith.addf %add3A_293, %mul3A_322 : vector<16xf32>
          %add3A_324 = arith.constant 96 : i32
          %add3A_325 = arith.addi %add3A_324, %scan3A_302 : i32
          %broadcast_in_dim3A_326 = vector.broadcast %add3A_325 : i32 to vector<16xi32>
          %gather3A_327 = tpu.vector_load_idx %arg16[%add3A_204, %broadcast_in_dim3A_326] : memref<48x128xf32, #tpu.memory_space<vmem>>[vector<16xi32>, vector<16xi32>], vector<16xf32>,
          %gather3A_328 = tpu.vector_load_idx %arg18[%add3A_204, %broadcast_in_dim3A_326] : memref<48x128xf32, #tpu.memory_space<vmem>>[vector<16xi32>, vector<16xi32>], vector<16xf32>,
          %mul3A_329 = arith.mulf %gather3A_327, %gather3A_328 : vector<16xf32>
          %add3A_330 = arith.addf %add3A_300, %mul3A_329 : vector<16xf32>
          %scan3A_331 = arith.constant 3 : i32
          %scan3A_332 = arith.addi %scan3A_239, %scan3A_331 : i32
          %add3A_333 = arith.constant 0 : i32
          %add3A_334 = arith.addi %add3A_333, %scan3A_332 : i32
          %broadcast_in_dim3A_335 = vector.broadcast %add3A_334 : i32 to vector<16xi32>
          %gather3A_336 = tpu.vector_load_idx %arg16[%add3A_204, %broadcast_in_dim3A_335] : memref<48x128xf32, #tpu.memory_space<vmem>>[vector<16xi32>, vector<16xi32>], vector<16xf32>,
          %gather3A_337 = tpu.vector_load_idx %arg18[%add3A_204, %broadcast_in_dim3A_335] : memref<48x128xf32, #tpu.memory_space<vmem>>[vector<16xi32>, vector<16xi32>], vector<16xf32>,
          %mul3A_338 = arith.mulf %gather3A_336, %gather3A_337 : vector<16xf32>
          %add3A_339 = arith.addf %add3A_309, %mul3A_338 : vector<16xf32>
          %add3A_340 = arith.constant 32 : i32
          %add3A_341 = arith.addi %add3A_340, %scan3A_332 : i32
          %broadcast_in_dim3A_342 = vector.broadcast %add3A_341 : i32 to vector<16xi32>
          %gather3A_343 = tpu.vector_load_idx %arg16[%add3A_204, %broadcast_in_dim3A_342] : memref<48x128xf32, #tpu.memory_space<vmem>>[vector<16xi32>, vector<16xi32>], vector<16xf32>,
          %gather3A_344 = tpu.vector_load_idx %arg18[%add3A_204, %broadcast_in_dim3A_342] : memref<48x128xf32, #tpu.memory_space<vmem>>[vector<16xi32>, vector<16xi32>], vector<16xf32>,
          %mul3A_345 = arith.mulf %gather3A_343, %gather3A_344 : vector<16xf32>
          %add3A_346 = arith.addf %add3A_316, %mul3A_345 : vector<16xf32>
          %add3A_347 = arith.constant 64 : i32
          %add3A_348 = arith.addi %add3A_347, %scan3A_332 : i32
          %broadcast_in_dim3A_349 = vector.broadcast %add3A_348 : i32 to vector<16xi32>
          %gather3A_350 = tpu.vector_load_idx %arg16[%add3A_204, %broadcast_in_dim3A_349] : memref<48x128xf32, #tpu.memory_space<vmem>>[vector<16xi32>, vector<16xi32>], vector<16xf32>,
          %gather3A_351 = tpu.vector_load_idx %arg18[%add3A_204, %broadcast_in_dim3A_349] : memref<48x128xf32, #tpu.memory_space<vmem>>[vector<16xi32>, vector<16xi32>], vector<16xf32>,
          %mul3A_352 = arith.mulf %gather3A_350, %gather3A_351 : vector<16xf32>
          %add3A_353 = arith.addf %add3A_323, %mul3A_352 : vector<16xf32>
          %add3A_354 = arith.constant 96 : i32
          %add3A_355 = arith.addi %add3A_354, %scan3A_332 : i32
          %broadcast_in_dim3A_356 = vector.broadcast %add3A_355 : i32 to vector<16xi32>
          %gather3A_357 = tpu.vector_load_idx %arg16[%add3A_204, %broadcast_in_dim3A_356] : memref<48x128xf32, #tpu.memory_space<vmem>>[vector<16xi32>, vector<16xi32>], vector<16xf32>,
          %gather3A_358 = tpu.vector_load_idx %arg18[%add3A_204, %broadcast_in_dim3A_356] : memref<48x128xf32, #tpu.memory_space<vmem>>[vector<16xi32>, vector<16xi32>], vector<16xf32>,
          %mul3A_359 = arith.mulf %gather3A_357, %gather3A_358 : vector<16xf32>
          %add3A_360 = arith.addf %add3A_330, %mul3A_359 : vector<16xf32>
          scf.yield %add3A_339, %add3A_346, %add3A_353, %add3A_360 : vector<16xf32>, vector<16xf32>, vector<16xf32>, vector<16xf32>
        }
        %scan3A_212 = arith.constant 32 : i32
        %exp3A_213 = math.exp %scan3A_211#0 : vector<16xf32>
        %exp3A_214 = math.exp %scan3A_211#1 : vector<16xf32>
        %exp3A_215 = math.exp %scan3A_211#2 : vector<16xf32>
        %exp3A_216 = math.exp %scan3A_211#3 : vector<16xf32>
        %broadcast_in_dim3A_217 = arith.constant 0 : i32
        %broadcast_in_dim3A_218 = vector.broadcast %broadcast_in_dim3A_217 : i32 to vector<16xi32>
        tpu.vector_store_idx %arg22[%add3A_204, %broadcast_in_dim3A_218], %exp3A_213 : memref<48x16xf32, #tpu.memory_space<vmem>>[vector<16xi32>, vector<16xi32>], vector<16xf32>,
        %broadcast_in_dim3A_219 = arith.constant 1 : i32
        %broadcast_in_dim3A_220 = vector.broadcast %broadcast_in_dim3A_219 : i32 to vector<16xi32>
        tpu.vector_store_idx %arg22[%add3A_204, %broadcast_in_dim3A_220], %exp3A_214 : memref<48x16xf32, #tpu.memory_space<vmem>>[vector<16xi32>, vector<16xi32>], vector<16xf32>,
        %broadcast_in_dim3A_221 = arith.constant 2 : i32
        %broadcast_in_dim3A_222 = vector.broadcast %broadcast_in_dim3A_221 : i32 to vector<16xi32>
        tpu.vector_store_idx %arg22[%add3A_204, %broadcast_in_dim3A_222], %exp3A_215 : memref<48x16xf32, #tpu.memory_space<vmem>>[vector<16xi32>, vector<16xi32>], vector<16xf32>,
        %broadcast_in_dim3A_223 = arith.constant 3 : i32
        %broadcast_in_dim3A_224 = vector.broadcast %broadcast_in_dim3A_223 : i32 to vector<16xi32>
        tpu.vector_store_idx %arg22[%add3A_204, %broadcast_in_dim3A_224], %exp3A_216 : memref<48x16xf32, #tpu.memory_space<vmem>>[vector<16xi32>, vector<16xi32>], vector<16xf32>,
        %scan3A_225 = arith.constant 0 : i32
        %scan3A_226 = arith.constant 0 : i32
        %scan3A_227 = arith.constant 32 : i32
        %scan3A_228 = arith.addi %scan3A_226, %scan3A_227 : i32
        %scan3A_229 = arith.constant 4 : i32
        scf.for %scan3A_239 = %scan3A_226 to %scan3A_228 step %scan3A_229  : i32 {
          %add3A_240 = arith.constant 0 : i32
          %add3A_241 = arith.addi %add3A_240, %scan3A_239 : i32
          %broadcast_in_dim3A_242 = vector.broadcast %add3A_241 : i32 to vector<16xi32>
          %gather3A = tpu.vector_load_idx %arg20[%add3A_204, %broadcast_in_dim3A_242] : memref<48x128xf32, #tpu.memory_space<vmem>>[vector<16xi32>, vector<16xi32>], vector<16xf32>,
          %mul3A_243 = arith.mulf %gather3A, %exp3A_213 : vector<16xf32>
          tpu.vector_store_idx %arg20[%add3A_204, %broadcast_in_dim3A_242], %mul3A_243 : memref<48x128xf32, #tpu.memory_space<vmem>>[vector<16xi32>, vector<16xi32>], vector<16xf32>,
          %add3A_244 = arith.constant 32 : i32
          %add3A_245 = arith.addi %add3A_244, %scan3A_239 : i32
          %broadcast_in_dim3A_246 = vector.broadcast %add3A_245 : i32 to vector<16xi32>
          %gather3A_247 = tpu.vector_load_idx %arg20[%add3A_204, %broadcast_in_dim3A_246] : memref<48x128xf32, #tpu.memory_space<vmem>>[vector<16xi32>, vector<16xi32>], vector<16xf32>,
          %mul3A_248 = arith.mulf %gather3A_247, %exp3A_214 : vector<16xf32>
          tpu.vector_store_idx %arg20[%add3A_204, %broadcast_in_dim3A_246], %mul3A_248 : memref<48x128xf32, #tpu.memory_space<vmem>>[vector<16xi32>, vector<16xi32>], vector<16xf32>,
          %add3A_249 = arith.constant 64 : i32
          %add3A_250 = arith.addi %add3A_249, %scan3A_239 : i32
          %broadcast_in_dim3A_251 = vector.broadcast %add3A_250 : i32 to vector<16xi32>
          %gather3A_252 = tpu.vector_load_idx %arg20[%add3A_204, %broadcast_in_dim3A_251] : memref<48x128xf32, #tpu.memory_space<vmem>>[vector<16xi32>, vector<16xi32>], vector<16xf32>,
          %mul3A_253 = arith.mulf %gather3A_252, %exp3A_215 : vector<16xf32>
          tpu.vector_store_idx %arg20[%add3A_204, %broadcast_in_dim3A_251], %mul3A_253 : memref<48x128xf32, #tpu.memory_space<vmem>>[vector<16xi32>, vector<16xi32>], vector<16xf32>,
          %add3A_254 = arith.constant 96 : i32
          %add3A_255 = arith.addi %add3A_254, %scan3A_239 : i32
          %broadcast_in_dim3A_256 = vector.broadcast %add3A_255 : i32 to vector<16xi32>
          %gather3A_257 = tpu.vector_load_idx %arg20[%add3A_204, %broadcast_in_dim3A_256] : memref<48x128xf32, #tpu.memory_space<vmem>>[vector<16xi32>, vector<16xi32>], vector<16xf32>,
          %mul3A_258 = arith.mulf %gather3A_257, %exp3A_216 : vector<16xf32>
          tpu.vector_store_idx %arg20[%add3A_204, %broadcast_in_dim3A_256], %mul3A_258 : memref<48x128xf32, #tpu.memory_space<vmem>>[vector<16xi32>, vector<16xi32>], vector<16xf32>,
          %scan3A_259 = arith.constant 1 : i32
          %scan3A_260 = arith.addi %scan3A_239, %scan3A_259 : i32
          %add3A_261 = arith.constant 0 : i32
          %add3A_262 = arith.addi %add3A_261, %scan3A_260 : i32
          %broadcast_in_dim3A_263 = vector.broadcast %add3A_262 : i32 to vector<16xi32>
          %gather3A_264 = tpu.vector_load_idx %arg20[%add3A_204, %broadcast_in_dim3A_263] : memref<48x128xf32, #tpu.memory_space<vmem>>[vector<16xi32>, vector<16xi32>], vector<16xf32>,
          %mul3A_265 = arith.mulf %gather3A_264, %exp3A_213 : vector<16xf32>
          tpu.vector_store_idx %arg20[%add3A_204, %broadcast_in_dim3A_263], %mul3A_265 : memref<48x128xf32, #tpu.memory_space<vmem>>[vector<16xi32>, vector<16xi32>], vector<16xf32>,
          %add3A_266 = arith.constant 32 : i32
          %add3A_267 = arith.addi %add3A_266, %scan3A_260 : i32
          %broadcast_in_dim3A_268 = vector.broadcast %add3A_267 : i32 to vector<16xi32>
          %gather3A_269 = tpu.vector_load_idx %arg20[%add3A_204, %broadcast_in_dim3A_268] : memref<48x128xf32, #tpu.memory_space<vmem>>[vector<16xi32>, vector<16xi32>], vector<16xf32>,
          %mul3A_270 = arith.mulf %gather3A_269, %exp3A_214 : vector<16xf32>
          tpu.vector_store_idx %arg20[%add3A_204, %broadcast_in_dim3A_268], %mul3A_270 : memref<48x128xf32, #tpu.memory_space<vmem>>[vector<16xi32>, vector<16xi32>], vector<16xf32>,
          %add3A_271 = arith.constant 64 : i32
          %add3A_272 = arith.addi %add3A_271, %scan3A_260 : i32
          %broadcast_in_dim3A_273 = vector.broadcast %add3A_272 : i32 to vector<16xi32>
          %gather3A_274 = tpu.vector_load_idx %arg20[%add3A_204, %broadcast_in_dim3A_273] : memref<48x128xf32, #tpu.memory_space<vmem>>[vector<16xi32>, vector<16xi32>], vector<16xf32>,
          %mul3A_275 = arith.mulf %gather3A_274, %exp3A_215 : vector<16xf32>
          tpu.vector_store_idx %arg20[%add3A_204, %broadcast_in_dim3A_273], %mul3A_275 : memref<48x128xf32, #tpu.memory_space<vmem>>[vector<16xi32>, vector<16xi32>], vector<16xf32>,
          %add3A_276 = arith.constant 96 : i32
          %add3A_277 = arith.addi %add3A_276, %scan3A_260 : i32
          %broadcast_in_dim3A_278 = vector.broadcast %add3A_277 : i32 to vector<16xi32>
          %gather3A_279 = tpu.vector_load_idx %arg20[%add3A_204, %broadcast_in_dim3A_278] : memref<48x128xf32, #tpu.memory_space<vmem>>[vector<16xi32>, vector<16xi32>], vector<16xf32>,
          %mul3A_280 = arith.mulf %gather3A_279, %exp3A_216 : vector<16xf32>
          tpu.vector_store_idx %arg20[%add3A_204, %broadcast_in_dim3A_278], %mul3A_280 : memref<48x128xf32, #tpu.memory_space<vmem>>[vector<16xi32>, vector<16xi32>], vector<16xf32>,
          %scan3A_281 = arith.constant 2 : i32
          %scan3A_282 = arith.addi %scan3A_239, %scan3A_281 : i32
          %add3A_283 = arith.constant 0 : i32
          %add3A_284 = arith.addi %add3A_283, %scan3A_282 : i32
          %broadcast_in_dim3A_285 = vector.broadcast %add3A_284 : i32 to vector<16xi32>
          %gather3A_286 = tpu.vector_load_idx %arg20[%add3A_204, %broadcast_in_dim3A_285] : memref<48x128xf32, #tpu.memory_space<vmem>>[vector<16xi32>, vector<16xi32>], vector<16xf32>,
          %mul3A_287 = arith.mulf %gather3A_286, %exp3A_213 : vector<16xf32>
          tpu.vector_store_idx %arg20[%add3A_204, %broadcast_in_dim3A_285], %mul3A_287 : memref<48x128xf32, #tpu.memory_space<vmem>>[vector<16xi32>, vector<16xi32>], vector<16xf32>,
          %add3A_288 = arith.constant 32 : i32
          %add3A_289 = arith.addi %add3A_288, %scan3A_282 : i32
          %broadcast_in_dim3A_290 = vector.broadcast %add3A_289 : i32 to vector<16xi32>
          %gather3A_291 = tpu.vector_load_idx %arg20[%add3A_204, %broadcast_in_dim3A_290] : memref<48x128xf32, #tpu.memory_space<vmem>>[vector<16xi32>, vector<16xi32>], vector<16xf32>,
          %mul3A_292 = arith.mulf %gather3A_291, %exp3A_214 : vector<16xf32>
          tpu.vector_store_idx %arg20[%add3A_204, %broadcast_in_dim3A_290], %mul3A_292 : memref<48x128xf32, #tpu.memory_space<vmem>>[vector<16xi32>, vector<16xi32>], vector<16xf32>,
          %add3A_293 = arith.constant 64 : i32
          %add3A_294 = arith.addi %add3A_293, %scan3A_282 : i32
          %broadcast_in_dim3A_295 = vector.broadcast %add3A_294 : i32 to vector<16xi32>
          %gather3A_296 = tpu.vector_load_idx %arg20[%add3A_204, %broadcast_in_dim3A_295] : memref<48x128xf32, #tpu.memory_space<vmem>>[vector<16xi32>, vector<16xi32>], vector<16xf32>,
          %mul3A_297 = arith.mulf %gather3A_296, %exp3A_215 : vector<16xf32>
          tpu.vector_store_idx %arg20[%add3A_204, %broadcast_in_dim3A_295], %mul3A_297 : memref<48x128xf32, #tpu.memory_space<vmem>>[vector<16xi32>, vector<16xi32>], vector<16xf32>,
          %add3A_298 = arith.constant 96 : i32
          %add3A_299 = arith.addi %add3A_298, %scan3A_282 : i32
          %broadcast_in_dim3A_300 = vector.broadcast %add3A_299 : i32 to vector<16xi32>
          %gather3A_301 = tpu.vector_load_idx %arg20[%add3A_204, %broadcast_in_dim3A_300] : memref<48x128xf32, #tpu.memory_space<vmem>>[vector<16xi32>, vector<16xi32>], vector<16xf32>,
          %mul3A_302 = arith.mulf %gather3A_301, %exp3A_216 : vector<16xf32>
          tpu.vector_store_idx %arg20[%add3A_204, %broadcast_in_dim3A_300], %mul3A_302 : memref<48x128xf32, #tpu.memory_space<vmem>>[vector<16xi32>, vector<16xi32>], vector<16xf32>,
          %scan3A_303 = arith.constant 3 : i32
          %scan3A_304 = arith.addi %scan3A_239, %scan3A_303 : i32
          %add3A_305 = arith.constant 0 : i32
          %add3A_306 = arith.addi %add3A_305, %scan3A_304 : i32
          %broadcast_in_dim3A_307 = vector.broadcast %add3A_306 : i32 to vector<16xi32>
          %gather3A_308 = tpu.vector_load_idx %arg20[%add3A_204, %broadcast_in_dim3A_307] : memref<48x128xf32, #tpu.memory_space<vmem>>[vector<16xi32>, vector<16xi32>], vector<16xf32>,
          %mul3A_309 = arith.mulf %gather3A_308, %exp3A_213 : vector<16xf32>
          tpu.vector_store_idx %arg20[%add3A_204, %broadcast_in_dim3A_307], %mul3A_309 : memref<48x128xf32, #tpu.memory_space<vmem>>[vector<16xi32>, vector<16xi32>], vector<16xf32>,
          %add3A_310 = arith.constant 32 : i32
          %add3A_311 = arith.addi %add3A_310, %scan3A_304 : i32
          %broadcast_in_dim3A_312 = vector.broadcast %add3A_311 : i32 to vector<16xi32>
          %gather3A_313 = tpu.vector_load_idx %arg20[%add3A_204, %broadcast_in_dim3A_312] : memref<48x128xf32, #tpu.memory_space<vmem>>[vector<16xi32>, vector<16xi32>], vector<16xf32>,
          %mul3A_314 = arith.mulf %gather3A_313, %exp3A_214 : vector<16xf32>
          tpu.vector_store_idx %arg20[%add3A_204, %broadcast_in_dim3A_312], %mul3A_314 : memref<48x128xf32, #tpu.memory_space<vmem>>[vector<16xi32>, vector<16xi32>], vector<16xf32>,
          %add3A_315 = arith.constant 64 : i32
          %add3A_316 = arith.addi %add3A_315, %scan3A_304 : i32
          %broadcast_in_dim3A_317 = vector.broadcast %add3A_316 : i32 to vector<16xi32>
          %gather3A_318 = tpu.vector_load_idx %arg20[%add3A_204, %broadcast_in_dim3A_317] : memref<48x128xf32, #tpu.memory_space<vmem>>[vector<16xi32>, vector<16xi32>], vector<16xf32>,
          %mul3A_319 = arith.mulf %gather3A_318, %exp3A_215 : vector<16xf32>
          tpu.vector_store_idx %arg20[%add3A_204, %broadcast_in_dim3A_317], %mul3A_319 : memref<48x128xf32, #tpu.memory_space<vmem>>[vector<16xi32>, vector<16xi32>], vector<16xf32>,
          %add3A_320 = arith.constant 96 : i32
          %add3A_321 = arith.addi %add3A_320, %scan3A_304 : i32
          %broadcast_in_dim3A_322 = vector.broadcast %add3A_321 : i32 to vector<16xi32>
          %gather3A_323 = tpu.vector_load_idx %arg20[%add3A_204, %broadcast_in_dim3A_322] : memref<48x128xf32, #tpu.memory_space<vmem>>[vector<16xi32>, vector<16xi32>], vector<16xf32>,
          %mul3A_324 = arith.mulf %gather3A_323, %exp3A_216 : vector<16xf32>
          tpu.vector_store_idx %arg20[%add3A_204, %broadcast_in_dim3A_322], %mul3A_324 : memref<48x128xf32, #tpu.memory_space<vmem>>[vector<16xi32>, vector<16xi32>], vector<16xf32>,
        }
        %scan3A_230 = arith.constant 32 : i32
        "tpu.region"() ({
          %run_scoped3A = tpu.sem_alloc : memref<!tpu.dma_semaphore, #tpu.memory_space<semaphore_mem>>
          %dma_start3A_239 = arith.constant 0 : i32
          %dma_start3A_240 = arith.constant 0 : i32
          %dma_start3A_241 = tpu.memref_slice %arg10[%dma_start3A_239, %dma_start3A_240] : memref<10112x128xf32, #tpu.memory_space<vmem_shared>> -> memref<10112x128xf32, #tpu.memory_space<vmem_shared>>
          tpu.enqueue_indirect_dma source(%arg20 : memref<48x128xf32, #tpu.memory_space<vmem>>) target(%dma_start3A_241 : memref<10112x128xf32, #tpu.memory_space<vmem_shared>>) offsets(%arg15 : memref<48xi32, #tpu.memory_space<vmem>>) semaphore(%run_scoped3A : memref<!tpu.dma_semaphore, #tpu.memory_space<semaphore_mem>>) {add = true}
          %dma_wait3A_242 = arith.constant 0 : i32
          %dma_wait3A_243 = arith.constant 0 : i32
          %dma_wait3A_244 = tpu.memref_slice %arg10[%dma_wait3A_242, %dma_wait3A_243] : memref<10112x128xf32, #tpu.memory_space<vmem_shared>> -> memref<10112x128xf32, #tpu.memory_space<vmem_shared>>
          tpu.wait_indirect_dma semaphore(%run_scoped3A : memref<!tpu.dma_semaphore, #tpu.memory_space<semaphore_mem>>) src(%arg20 : memref<48x128xf32, #tpu.memory_space<vmem>>) dst(%dma_wait3A_244 : memref<10112x128xf32, #tpu.memory_space<vmem_shared>>)
          tpu.yield
        }) : () -> ()
        %mul3A_231 = arith.constant 330240 : i32
        %mul3A_232 = arith.muli %arg0, %mul3A_231 : i32
        %mul3A_233 = arith.constant 20640 : i32
        %mul3A_234 = arith.muli %arg1, %mul3A_233 : i32
        %add3A_235 = arith.addi %mul3A_232, %mul3A_234 : i32
        %mul3A_236 = arith.constant 48 : i32
        %mul3A_237 = arith.muli %add3A_73, %mul3A_236 : i32
        %add3A_238 = arith.addi %add3A_235, %mul3A_237 : i32
        "tpu.region"() ({
          %run_scoped3A = tpu.sem_alloc : memref<!tpu.dma_semaphore, #tpu.memory_space<semaphore_mem>>
          %dma_start3A_239 = arith.constant 0 : i32
          %dma_start3A_240 = tpu.memref_slice %arg9[%add3A_238, %dma_start3A_239] : memref<660480x16xf32, #tpu.memory_space<hbm>> -> memref<48x16xf32, #tpu.memory_space<hbm>>
          %dma_start3A_241 = arith.constant 0 : i32
          %dma_start3A_242 = tpu.memref_slice %arg9[%add3A_238, %dma_start3A_241] : memref<660480x16xf32, #tpu.memory_space<hbm>> -> memref<48x16xf32, #tpu.memory_space<hbm>>
          tpu.enqueue_dma source(%arg22 : memref<48x16xf32, #tpu.memory_space<vmem>>) target(%dma_start3A_242 : memref<48x16xf32, #tpu.memory_space<hbm>>) target_semaphore(%run_scoped3A : memref<!tpu.dma_semaphore, #tpu.memory_space<semaphore_mem>>)
          %dma_wait3A_243 = arith.constant 0 : i32
          %dma_wait3A_244 = tpu.memref_slice %arg9[%add3A_238, %dma_wait3A_243] : memref<660480x16xf32, #tpu.memory_space<hbm>> -> memref<48x16xf32, #tpu.memory_space<hbm>>
          %dma_wait3A_245 = arith.constant 0 : i32
          %dma_wait3A_246 = tpu.memref_slice %arg9[%add3A_238, %dma_wait3A_245] : memref<660480x16xf32, #tpu.memory_space<hbm>> -> memref<48x16xf32, #tpu.memory_space<hbm>>
          tpu.wait_dma2 semaphore(%run_scoped3A : memref<!tpu.dma_semaphore, #tpu.memory_space<semaphore_mem>>) src(%arg22 : memref<48x16xf32, #tpu.memory_space<vmem>>) dst(%dma_wait3A_246 : memref<48x16xf32, #tpu.memory_space<hbm>>)
          tpu.yield
        }) : () -> ()
      } else {
      }
      %jit3A_86 = arith.constant 2 : i32
      %eq3A_87 = arith.constant 0 : i32
      %eq3A_88 = arith.cmpi eq, %jit3A_86, %eq3A_87 : i32
      %jit3A_89 = arith.constant 1 : i32
      %select_n3A_90 = arith.select %eq3A_88, %jit3A_89, %jit3A_86 : i32
      %rem3A_91 = arith.remsi %add3A_73, %select_n3A_90 : i32
      %ne3A_92 = arith.constant 0 : i32
      %ne3A_93 = arith.cmpi ne, %rem3A_91, %ne3A_92 : i32
      %lt3A_94 = arith.constant 0 : i32
      %lt3A_95 = arith.cmpi slt, %rem3A_91, %lt3A_94 : i32
      %lt3A_96 = arith.constant 0 : i32
      %lt3A_97 = arith.cmpi slt, %select_n3A_90, %lt3A_96 : i32
      %ne3A_98 = arith.xori %lt3A_95, %lt3A_97 : i1
      %and3A_99 = arith.andi %ne3A_98, %ne3A_93 : i1
      %add3A_100 = arith.addi %rem3A_91, %select_n3A_90 : i32
      %select_n3A_101 = arith.select %and3A_99, %add3A_100, %rem3A_91 : i32
      %eq3A_102 = arith.constant 1 : i32
      %eq3A_103 = arith.cmpi eq, %select_n3A_101, %eq3A_102 : i32
      %convert_element_type3A_104 = arith.extui %eq3A_103 : i1 to i32
      %cond3A_105 = arith.constant 0 : i32
      %cond3A_106 = arith.cmpi ne, %convert_element_type3A_104, %cond3A_105 : i32
      scf.if %cond3A_106 {
        %add3A_107 = arith.constant 1 : i32
        %add3A_108 = arith.addi %add3A_73, %add3A_107 : i32
        %lt3A_109 = arith.constant 430 : i32
        %lt3A_110 = arith.cmpi slt, %add3A_108, %lt3A_109 : i32
        %convert_element_type3A_111 = arith.extui %lt3A_110 : i1 to i32
        %cond3A_112 = arith.constant 0 : i32
        %cond3A_113 = arith.cmpi ne, %convert_element_type3A_111, %cond3A_112 : i32
        scf.if %cond3A_113 {
          %dma_wait3A_239 = arith.constant 0 : i32
          %dma_wait3A_240 = arith.constant 0 : i32
          %dma_wait3A_241 = tpu.memref_slice %arg5[%arg0, %arg1, %dma_wait3A_239, %dma_wait3A_240] : memref<2x16x430x48xi32, #tpu.memory_space<hbm>> -> memref<1x1x1x48xi32, #tpu.memory_space<hbm>>
          %dma_wait3A_242 = tpu.memref_squeeze %dma_wait3A_241 : memref<1x1x1x48xi32, #tpu.memory_space<hbm>> -> memref<48xi32, #tpu.memory_space<hbm>>
          %dma_wait3A_243 = arith.constant 0 : i32
          %dma_wait3A_244 = tpu.memref_slice %arg5[%arg0, %arg1, %dma_wait3A_239, %dma_wait3A_243] : memref<2x16x430x48xi32, #tpu.memory_space<hbm>> -> memref<1x1x1x48xi32, #tpu.memory_space<hbm>>
          %dma_wait3A_245 = tpu.memref_squeeze %dma_wait3A_244 : memref<1x1x1x48xi32, #tpu.memory_space<hbm>> -> memref<48xi32, #tpu.memory_space<hbm>>
          tpu.wait_dma2 semaphore(%arg23 : memref<!tpu.dma_semaphore, #tpu.memory_space<semaphore_mem>>) src(%dma_wait3A_245 : memref<48xi32, #tpu.memory_space<hbm>>) dst(%arg11 : memref<48xi32, #tpu.memory_space<vmem>>)
          %dma_wait3A_246 = arith.constant 0 : i32
          %dma_wait3A_247 = arith.constant 0 : i32
          %dma_wait3A_248 = tpu.memref_slice %arg6[%arg0, %arg1, %dma_wait3A_246, %dma_wait3A_247] : memref<2x16x430x48xi32, #tpu.memory_space<hbm>> -> memref<1x1x1x48xi32, #tpu.memory_space<hbm>>
          %dma_wait3A_249 = tpu.memref_squeeze %dma_wait3A_248 : memref<1x1x1x48xi32, #tpu.memory_space<hbm>> -> memref<48xi32, #tpu.memory_space<hbm>>
          %dma_wait3A_250 = arith.constant 0 : i32
          %dma_wait3A_251 = tpu.memref_slice %arg6[%arg0, %arg1, %dma_wait3A_246, %dma_wait3A_250] : memref<2x16x430x48xi32, #tpu.memory_space<hbm>> -> memref<1x1x1x48xi32, #tpu.memory_space<hbm>>
          %dma_wait3A_252 = tpu.memref_squeeze %dma_wait3A_251 : memref<1x1x1x48xi32, #tpu.memory_space<hbm>> -> memref<48xi32, #tpu.memory_space<hbm>>
          tpu.wait_dma2 semaphore(%arg23 : memref<!tpu.dma_semaphore, #tpu.memory_space<semaphore_mem>>) src(%dma_wait3A_252 : memref<48xi32, #tpu.memory_space<hbm>>) dst(%arg13 : memref<48xi32, #tpu.memory_space<vmem>>)
          %dma_start3A_253 = arith.constant 0 : i32
          %dma_start3A_254 = arith.constant 0 : i32
          %dma_start3A_255 = tpu.memref_slice %arg2[%dma_start3A_253, %dma_start3A_254] : memref<20002x128xf32, #tpu.memory_space<hbm>> -> memref<20002x128xf32, #tpu.memory_space<hbm>>
          tpu.enqueue_indirect_dma source(%dma_start3A_255 : memref<20002x128xf32, #tpu.memory_space<hbm>>) target(%arg16 : memref<48x128xf32, #tpu.memory_space<vmem>>) offsets(%arg13 : memref<48xi32, #tpu.memory_space<vmem>>) semaphore(%arg25 : memref<!tpu.dma_semaphore, #tpu.memory_space<semaphore_mem>>)
          %dma_start3A_256 = arith.constant 0 : i32
          %dma_start3A_257 = arith.constant 0 : i32
          %dma_start3A_258 = tpu.memref_slice %arg3[%dma_start3A_256, %dma_start3A_257] : memref<20002x128xf32, #tpu.memory_space<hbm>> -> memref<20002x128xf32, #tpu.memory_space<hbm>>
          tpu.enqueue_indirect_dma source(%dma_start3A_258 : memref<20002x128xf32, #tpu.memory_space<hbm>>) target(%arg18 : memref<48x128xf32, #tpu.memory_space<vmem>>) offsets(%arg11 : memref<48xi32, #tpu.memory_space<vmem>>) semaphore(%arg25 : memref<!tpu.dma_semaphore, #tpu.memory_space<semaphore_mem>>)
          %dma_start3A_259 = arith.constant 0 : i32
          %dma_start3A_260 = arith.constant 0 : i32
          %dma_start3A_261 = tpu.memref_slice %arg4[%dma_start3A_259, %dma_start3A_260] : memref<20002x128xf32, #tpu.memory_space<hbm>> -> memref<20002x128xf32, #tpu.memory_space<hbm>>
          tpu.enqueue_indirect_dma source(%dma_start3A_261 : memref<20002x128xf32, #tpu.memory_space<hbm>>) target(%arg20 : memref<48x128xf32, #tpu.memory_space<vmem>>) offsets(%arg11 : memref<48xi32, #tpu.memory_space<vmem>>) semaphore(%arg25 : memref<!tpu.dma_semaphore, #tpu.memory_space<semaphore_mem>>)
        } else {
        }
        %get3A = arith.constant 0 : index
        %get3A_114 = tpu.vector_load %arg14[%get3A] {strides = array<i32>} : memref<48xi32, #tpu.memory_space<vmem>>, vector<16xi32>,
        %sub3A = vector.broadcast %mul3A_7 : i32 to vector<16xi32>
        %sub3A_115 = arith.subi %get3A_114, %sub3A : vector<16xi32>
        %swap3A = arith.constant 0 : index
        %swap3A_116 = tpu.vector_load %arg15[%swap3A] {strides = array<i32>} : memref<48xi32, #tpu.memory_space<vmem>>, vector<16xi32>,
        tpu.vector_store %arg15[%swap3A], %sub3A_115 {strides = array<i32>} : memref<48xi32, #tpu.memory_space<vmem>>, vector<16xi32>,
        %get3A_117 = arith.constant 16 : index
        %get3A_118 = tpu.vector_load %arg14[%get3A_117] {strides = array<i32>} : memref<48xi32, #tpu.memory_space<vmem>>, vector<16xi32>,
        %sub3A_119 = vector.broadcast %mul3A_7 : i32 to vector<16xi32>
        %sub3A_120 = arith.subi %get3A_118, %sub3A_119 : vector<16xi32>
        %swap3A_121 = arith.constant 16 : index
        %swap3A_122 = tpu.vector_load %arg15[%swap3A_121] {strides = array<i32>} : memref<48xi32, #tpu.memory_space<vmem>>, vector<16xi32>,
        tpu.vector_store %arg15[%swap3A_121], %sub3A_120 {strides = array<i32>} : memref<48xi32, #tpu.memory_space<vmem>>, vector<16xi32>,
        %get3A_123 = arith.constant 32 : index
        %get3A_124 = tpu.vector_load %arg14[%get3A_123] {strides = array<i32>} : memref<48xi32, #tpu.memory_space<vmem>>, vector<16xi32>,
        %sub3A_125 = vector.broadcast %mul3A_7 : i32 to vector<16xi32>
        %sub3A_126 = arith.subi %get3A_124, %sub3A_125 : vector<16xi32>
        %swap3A_127 = arith.constant 32 : index
        %swap3A_128 = tpu.vector_load %arg15[%swap3A_127] {strides = array<i32>} : memref<48xi32, #tpu.memory_space<vmem>>, vector<16xi32>,
        tpu.vector_store %arg15[%swap3A_127], %sub3A_126 {strides = array<i32>} : memref<48xi32, #tpu.memory_space<vmem>>, vector<16xi32>,
        %dma_wait3A_129 = arith.constant 0 : i32
        %dma_wait3A_130 = arith.constant 0 : i32
        %dma_wait3A_131 = tpu.memref_slice %arg2[%dma_wait3A_129, %dma_wait3A_130] : memref<20002x128xf32, #tpu.memory_space<hbm>> -> memref<20002x128xf32, #tpu.memory_space<hbm>>
        tpu.wait_indirect_dma semaphore(%arg26 : memref<!tpu.dma_semaphore, #tpu.memory_space<semaphore_mem>>) src(%dma_wait3A_131 : memref<20002x128xf32, #tpu.memory_space<hbm>>) dst(%arg17 : memref<48x128xf32, #tpu.memory_space<vmem>>)
        %dma_wait3A_132 = arith.constant 0 : i32
        %dma_wait3A_133 = arith.constant 0 : i32
        %dma_wait3A_134 = tpu.memref_slice %arg3[%dma_wait3A_132, %dma_wait3A_133] : memref<20002x128xf32, #tpu.memory_space<hbm>> -> memref<20002x128xf32, #tpu.memory_space<hbm>>
        tpu.wait_indirect_dma semaphore(%arg26 : memref<!tpu.dma_semaphore, #tpu.memory_space<semaphore_mem>>) src(%dma_wait3A_134 : memref<20002x128xf32, #tpu.memory_space<hbm>>) dst(%arg19 : memref<48x128xf32, #tpu.memory_space<vmem>>)
        %dma_wait3A_135 = arith.constant 0 : i32
        %dma_wait3A_136 = arith.constant 0 : i32
        %dma_wait3A_137 = tpu.memref_slice %arg4[%dma_wait3A_135, %dma_wait3A_136] : memref<20002x128xf32, #tpu.memory_space<hbm>> -> memref<20002x128xf32, #tpu.memory_space<hbm>>
        tpu.wait_indirect_dma semaphore(%arg26 : memref<!tpu.dma_semaphore, #tpu.memory_space<semaphore_mem>>) src(%dma_wait3A_137 : memref<20002x128xf32, #tpu.memory_space<hbm>>) dst(%arg21 : memref<48x128xf32, #tpu.memory_space<vmem>>)
        %add3A_138 = arith.constant 2 : i32
        %add3A_139 = arith.addi %add3A_73, %add3A_138 : i32
        %lt3A_140 = arith.constant 430 : i32
        %lt3A_141 = arith.cmpi slt, %add3A_139, %lt3A_140 : i32
        %convert_element_type3A_142 = arith.extui %lt3A_141 : i1 to i32
        %cond3A_143 = arith.constant 0 : i32
        %cond3A_144 = arith.cmpi ne, %convert_element_type3A_142, %cond3A_143 : i32
        scf.if %cond3A_144 {
          %add3A_239 = arith.constant 2 : i32
          %add3A_240 = arith.addi %add3A_73, %add3A_239 : i32
          %dma_start3A_241 = arith.constant 0 : i32
          %dma_start3A_242 = tpu.memref_slice %arg5[%arg0, %arg1, %add3A_240, %dma_start3A_241] : memref<2x16x430x48xi32, #tpu.memory_space<hbm>> -> memref<1x1x1x48xi32, #tpu.memory_space<hbm>>
          %dma_start3A_243 = tpu.memref_squeeze %dma_start3A_242 : memref<1x1x1x48xi32, #tpu.memory_space<hbm>> -> memref<48xi32, #tpu.memory_space<hbm>>
          %dma_start3A_244 = arith.constant 0 : i32
          %dma_start3A_245 = tpu.memref_slice %arg5[%arg0, %arg1, %add3A_240, %dma_start3A_244] : memref<2x16x430x48xi32, #tpu.memory_space<hbm>> -> memref<1x1x1x48xi32, #tpu.memory_space<hbm>>
          %dma_start3A_246 = tpu.memref_squeeze %dma_start3A_245 : memref<1x1x1x48xi32, #tpu.memory_space<hbm>> -> memref<48xi32, #tpu.memory_space<hbm>>
          tpu.enqueue_dma source(%dma_start3A_246 : memref<48xi32, #tpu.memory_space<hbm>>) target(%arg12 : memref<48xi32, #tpu.memory_space<vmem>>) target_semaphore(%arg24 : memref<!tpu.dma_semaphore, #tpu.memory_space<semaphore_mem>>)
          %dma_start3A_247 = arith.constant 0 : i32
          %dma_start3A_248 = tpu.memref_slice %arg6[%arg0, %arg1, %add3A_240, %dma_start3A_247] : memref<2x16x430x48xi32, #tpu.memory_space<hbm>> -> memref<1x1x1x48xi32, #tpu.memory_space<hbm>>
          %dma_start3A_249 = tpu.memref_squeeze %dma_start3A_248 : memref<1x1x1x48xi32, #tpu.memory_space<hbm>> -> memref<48xi32, #tpu.memory_space<hbm>>
          %dma_start3A_250 = arith.constant 0 : i32
          %dma_start3A_251 = tpu.memref_slice %arg6[%arg0, %arg1, %add3A_240, %dma_start3A_250] : memref<2x16x430x48xi32, #tpu.memory_space<hbm>> -> memref<1x1x1x48xi32, #tpu.memory_space<hbm>>
          %dma_start3A_252 = tpu.memref_squeeze %dma_start3A_251 : memref<1x1x1x48xi32, #tpu.memory_space<hbm>> -> memref<48xi32, #tpu.memory_space<hbm>>
          tpu.enqueue_dma source(%dma_start3A_252 : memref<48xi32, #tpu.memory_space<hbm>>) target(%arg14 : memref<48xi32, #tpu.memory_space<vmem>>) target_semaphore(%arg24 : memref<!tpu.dma_semaphore, #tpu.memory_space<semaphore_mem>>)
        } else {
        }
        %add3A_145 = arith.constant 0 : i32
        %add3A_146 = vector.broadcast %add3A_145 : i32 to vector<16xi32>
        %add3A_147 = arith.addi %iota3A, %add3A_146 : vector<16xi32>
        %broadcast_in_dim3A_148 = arith.constant 0.000000e+00 : f32
        %broadcast_in_dim3A_149 = vector.broadcast %broadcast_in_dim3A_148 : f32 to vector<16xf32>
        %scan3A_150 = arith.constant 0 : i32
        %scan3A_151 = arith.constant 32 : i32
        %scan3A_152 = arith.addi %scan3A_150, %scan3A_151 : i32
        %scan3A_153 = arith.constant 4 : i32
        %scan3A_154:4 = scf.for %scan3A_239 = %scan3A_150 to %scan3A_152 step %scan3A_153 iter_args(%scan3A_240 = %broadcast_in_dim3A_149, %scan3A_241 = %broadcast_in_dim3A_149, %scan3A_242 = %broadcast_in_dim3A_149, %scan3A_243 = %broadcast_in_dim3A_149) -> (vector<16xf32>, vector<16xf32>, vector<16xf32>, vector<16xf32>)  : i32 {
          %add3A_244 = arith.constant 0 : i32
          %add3A_245 = arith.addi %add3A_244, %scan3A_239 : i32
          %broadcast_in_dim3A_246 = vector.broadcast %add3A_245 : i32 to vector<16xi32>
          %gather3A = tpu.vector_load_idx %arg17[%add3A_147, %broadcast_in_dim3A_246] : memref<48x128xf32, #tpu.memory_space<vmem>>[vector<16xi32>, vector<16xi32>], vector<16xf32>,
          %gather3A_247 = tpu.vector_load_idx %arg19[%add3A_147, %broadcast_in_dim3A_246] : memref<48x128xf32, #tpu.memory_space<vmem>>[vector<16xi32>, vector<16xi32>], vector<16xf32>,
          %mul3A_248 = arith.mulf %gather3A, %gather3A_247 : vector<16xf32>
          %add3A_249 = arith.addf %scan3A_240, %mul3A_248 : vector<16xf32>
          %add3A_250 = arith.constant 32 : i32
          %add3A_251 = arith.addi %add3A_250, %scan3A_239 : i32
          %broadcast_in_dim3A_252 = vector.broadcast %add3A_251 : i32 to vector<16xi32>
          %gather3A_253 = tpu.vector_load_idx %arg17[%add3A_147, %broadcast_in_dim3A_252] : memref<48x128xf32, #tpu.memory_space<vmem>>[vector<16xi32>, vector<16xi32>], vector<16xf32>,
          %gather3A_254 = tpu.vector_load_idx %arg19[%add3A_147, %broadcast_in_dim3A_252] : memref<48x128xf32, #tpu.memory_space<vmem>>[vector<16xi32>, vector<16xi32>], vector<16xf32>,
          %mul3A_255 = arith.mulf %gather3A_253, %gather3A_254 : vector<16xf32>
          %add3A_256 = arith.addf %scan3A_241, %mul3A_255 : vector<16xf32>
          %add3A_257 = arith.constant 64 : i32
          %add3A_258 = arith.addi %add3A_257, %scan3A_239 : i32
          %broadcast_in_dim3A_259 = vector.broadcast %add3A_258 : i32 to vector<16xi32>
          %gather3A_260 = tpu.vector_load_idx %arg17[%add3A_147, %broadcast_in_dim3A_259] : memref<48x128xf32, #tpu.memory_space<vmem>>[vector<16xi32>, vector<16xi32>], vector<16xf32>,
          %gather3A_261 = tpu.vector_load_idx %arg19[%add3A_147, %broadcast_in_dim3A_259] : memref<48x128xf32, #tpu.memory_space<vmem>>[vector<16xi32>, vector<16xi32>], vector<16xf32>,
          %mul3A_262 = arith.mulf %gather3A_260, %gather3A_261 : vector<16xf32>
          %add3A_263 = arith.addf %scan3A_242, %mul3A_262 : vector<16xf32>
          %add3A_264 = arith.constant 96 : i32
          %add3A_265 = arith.addi %add3A_264, %scan3A_239 : i32
          %broadcast_in_dim3A_266 = vector.broadcast %add3A_265 : i32 to vector<16xi32>
          %gather3A_267 = tpu.vector_load_idx %arg17[%add3A_147, %broadcast_in_dim3A_266] : memref<48x128xf32, #tpu.memory_space<vmem>>[vector<16xi32>, vector<16xi32>], vector<16xf32>,
          %gather3A_268 = tpu.vector_load_idx %arg19[%add3A_147, %broadcast_in_dim3A_266] : memref<48x128xf32, #tpu.memory_space<vmem>>[vector<16xi32>, vector<16xi32>], vector<16xf32>,
          %mul3A_269 = arith.mulf %gather3A_267, %gather3A_268 : vector<16xf32>
          %add3A_270 = arith.addf %scan3A_243, %mul3A_269 : vector<16xf32>
          %scan3A_271 = arith.constant 1 : i32
          %scan3A_272 = arith.addi %scan3A_239, %scan3A_271 : i32
          %add3A_273 = arith.constant 0 : i32
          %add3A_274 = arith.addi %add3A_273, %scan3A_272 : i32
          %broadcast_in_dim3A_275 = vector.broadcast %add3A_274 : i32 to vector<16xi32>
          %gather3A_276 = tpu.vector_load_idx %arg17[%add3A_147, %broadcast_in_dim3A_275] : memref<48x128xf32, #tpu.memory_space<vmem>>[vector<16xi32>, vector<16xi32>], vector<16xf32>,
          %gather3A_277 = tpu.vector_load_idx %arg19[%add3A_147, %broadcast_in_dim3A_275] : memref<48x128xf32, #tpu.memory_space<vmem>>[vector<16xi32>, vector<16xi32>], vector<16xf32>,
          %mul3A_278 = arith.mulf %gather3A_276, %gather3A_277 : vector<16xf32>
          %add3A_279 = arith.addf %add3A_249, %mul3A_278 : vector<16xf32>
          %add3A_280 = arith.constant 32 : i32
          %add3A_281 = arith.addi %add3A_280, %scan3A_272 : i32
          %broadcast_in_dim3A_282 = vector.broadcast %add3A_281 : i32 to vector<16xi32>
          %gather3A_283 = tpu.vector_load_idx %arg17[%add3A_147, %broadcast_in_dim3A_282] : memref<48x128xf32, #tpu.memory_space<vmem>>[vector<16xi32>, vector<16xi32>], vector<16xf32>,
          %gather3A_284 = tpu.vector_load_idx %arg19[%add3A_147, %broadcast_in_dim3A_282] : memref<48x128xf32, #tpu.memory_space<vmem>>[vector<16xi32>, vector<16xi32>], vector<16xf32>,
          %mul3A_285 = arith.mulf %gather3A_283, %gather3A_284 : vector<16xf32>
          %add3A_286 = arith.addf %add3A_256, %mul3A_285 : vector<16xf32>
          %add3A_287 = arith.constant 64 : i32
          %add3A_288 = arith.addi %add3A_287, %scan3A_272 : i32
          %broadcast_in_dim3A_289 = vector.broadcast %add3A_288 : i32 to vector<16xi32>
          %gather3A_290 = tpu.vector_load_idx %arg17[%add3A_147, %broadcast_in_dim3A_289] : memref<48x128xf32, #tpu.memory_space<vmem>>[vector<16xi32>, vector<16xi32>], vector<16xf32>,
          %gather3A_291 = tpu.vector_load_idx %arg19[%add3A_147, %broadcast_in_dim3A_289] : memref<48x128xf32, #tpu.memory_space<vmem>>[vector<16xi32>, vector<16xi32>], vector<16xf32>,
          %mul3A_292 = arith.mulf %gather3A_290, %gather3A_291 : vector<16xf32>
          %add3A_293 = arith.addf %add3A_263, %mul3A_292 : vector<16xf32>
          %add3A_294 = arith.constant 96 : i32
          %add3A_295 = arith.addi %add3A_294, %scan3A_272 : i32
          %broadcast_in_dim3A_296 = vector.broadcast %add3A_295 : i32 to vector<16xi32>
          %gather3A_297 = tpu.vector_load_idx %arg17[%add3A_147, %broadcast_in_dim3A_296] : memref<48x128xf32, #tpu.memory_space<vmem>>[vector<16xi32>, vector<16xi32>], vector<16xf32>,
          %gather3A_298 = tpu.vector_load_idx %arg19[%add3A_147, %broadcast_in_dim3A_296] : memref<48x128xf32, #tpu.memory_space<vmem>>[vector<16xi32>, vector<16xi32>], vector<16xf32>,
          %mul3A_299 = arith.mulf %gather3A_297, %gather3A_298 : vector<16xf32>
          %add3A_300 = arith.addf %add3A_270, %mul3A_299 : vector<16xf32>
          %scan3A_301 = arith.constant 2 : i32
          %scan3A_302 = arith.addi %scan3A_239, %scan3A_301 : i32
          %add3A_303 = arith.constant 0 : i32
          %add3A_304 = arith.addi %add3A_303, %scan3A_302 : i32
          %broadcast_in_dim3A_305 = vector.broadcast %add3A_304 : i32 to vector<16xi32>
          %gather3A_306 = tpu.vector_load_idx %arg17[%add3A_147, %broadcast_in_dim3A_305] : memref<48x128xf32, #tpu.memory_space<vmem>>[vector<16xi32>, vector<16xi32>], vector<16xf32>,
          %gather3A_307 = tpu.vector_load_idx %arg19[%add3A_147, %broadcast_in_dim3A_305] : memref<48x128xf32, #tpu.memory_space<vmem>>[vector<16xi32>, vector<16xi32>], vector<16xf32>,
          %mul3A_308 = arith.mulf %gather3A_306, %gather3A_307 : vector<16xf32>
          %add3A_309 = arith.addf %add3A_279, %mul3A_308 : vector<16xf32>
          %add3A_310 = arith.constant 32 : i32
          %add3A_311 = arith.addi %add3A_310, %scan3A_302 : i32
          %broadcast_in_dim3A_312 = vector.broadcast %add3A_311 : i32 to vector<16xi32>
          %gather3A_313 = tpu.vector_load_idx %arg17[%add3A_147, %broadcast_in_dim3A_312] : memref<48x128xf32, #tpu.memory_space<vmem>>[vector<16xi32>, vector<16xi32>], vector<16xf32>,
          %gather3A_314 = tpu.vector_load_idx %arg19[%add3A_147, %broadcast_in_dim3A_312] : memref<48x128xf32, #tpu.memory_space<vmem>>[vector<16xi32>, vector<16xi32>], vector<16xf32>,
          %mul3A_315 = arith.mulf %gather3A_313, %gather3A_314 : vector<16xf32>
          %add3A_316 = arith.addf %add3A_286, %mul3A_315 : vector<16xf32>
          %add3A_317 = arith.constant 64 : i32
          %add3A_318 = arith.addi %add3A_317, %scan3A_302 : i32
          %broadcast_in_dim3A_319 = vector.broadcast %add3A_318 : i32 to vector<16xi32>
          %gather3A_320 = tpu.vector_load_idx %arg17[%add3A_147, %broadcast_in_dim3A_319] : memref<48x128xf32, #tpu.memory_space<vmem>>[vector<16xi32>, vector<16xi32>], vector<16xf32>,
          %gather3A_321 = tpu.vector_load_idx %arg19[%add3A_147, %broadcast_in_dim3A_319] : memref<48x128xf32, #tpu.memory_space<vmem>>[vector<16xi32>, vector<16xi32>], vector<16xf32>,
          %mul3A_322 = arith.mulf %gather3A_320, %gather3A_321 : vector<16xf32>
          %add3A_323 = arith.addf %add3A_293, %mul3A_322 : vector<16xf32>
          %add3A_324 = arith.constant 96 : i32
          %add3A_325 = arith.addi %add3A_324, %scan3A_302 : i32
          %broadcast_in_dim3A_326 = vector.broadcast %add3A_325 : i32 to vector<16xi32>
          %gather3A_327 = tpu.vector_load_idx %arg17[%add3A_147, %broadcast_in_dim3A_326] : memref<48x128xf32, #tpu.memory_space<vmem>>[vector<16xi32>, vector<16xi32>], vector<16xf32>,
          %gather3A_328 = tpu.vector_load_idx %arg19[%add3A_147, %broadcast_in_dim3A_326] : memref<48x128xf32, #tpu.memory_space<vmem>>[vector<16xi32>, vector<16xi32>], vector<16xf32>,
          %mul3A_329 = arith.mulf %gather3A_327, %gather3A_328 : vector<16xf32>
          %add3A_330 = arith.addf %add3A_300, %mul3A_329 : vector<16xf32>
          %scan3A_331 = arith.constant 3 : i32
          %scan3A_332 = arith.addi %scan3A_239, %scan3A_331 : i32
          %add3A_333 = arith.constant 0 : i32
          %add3A_334 = arith.addi %add3A_333, %scan3A_332 : i32
          %broadcast_in_dim3A_335 = vector.broadcast %add3A_334 : i32 to vector<16xi32>
          %gather3A_336 = tpu.vector_load_idx %arg17[%add3A_147, %broadcast_in_dim3A_335] : memref<48x128xf32, #tpu.memory_space<vmem>>[vector<16xi32>, vector<16xi32>], vector<16xf32>,
          %gather3A_337 = tpu.vector_load_idx %arg19[%add3A_147, %broadcast_in_dim3A_335] : memref<48x128xf32, #tpu.memory_space<vmem>>[vector<16xi32>, vector<16xi32>], vector<16xf32>,
          %mul3A_338 = arith.mulf %gather3A_336, %gather3A_337 : vector<16xf32>
          %add3A_339 = arith.addf %add3A_309, %mul3A_338 : vector<16xf32>
          %add3A_340 = arith.constant 32 : i32
          %add3A_341 = arith.addi %add3A_340, %scan3A_332 : i32
          %broadcast_in_dim3A_342 = vector.broadcast %add3A_341 : i32 to vector<16xi32>
          %gather3A_343 = tpu.vector_load_idx %arg17[%add3A_147, %broadcast_in_dim3A_342] : memref<48x128xf32, #tpu.memory_space<vmem>>[vector<16xi32>, vector<16xi32>], vector<16xf32>,
          %gather3A_344 = tpu.vector_load_idx %arg19[%add3A_147, %broadcast_in_dim3A_342] : memref<48x128xf32, #tpu.memory_space<vmem>>[vector<16xi32>, vector<16xi32>], vector<16xf32>,
          %mul3A_345 = arith.mulf %gather3A_343, %gather3A_344 : vector<16xf32>
          %add3A_346 = arith.addf %add3A_316, %mul3A_345 : vector<16xf32>
          %add3A_347 = arith.constant 64 : i32
          %add3A_348 = arith.addi %add3A_347, %scan3A_332 : i32
          %broadcast_in_dim3A_349 = vector.broadcast %add3A_348 : i32 to vector<16xi32>
          %gather3A_350 = tpu.vector_load_idx %arg17[%add3A_147, %broadcast_in_dim3A_349] : memref<48x128xf32, #tpu.memory_space<vmem>>[vector<16xi32>, vector<16xi32>], vector<16xf32>,
          %gather3A_351 = tpu.vector_load_idx %arg19[%add3A_147, %broadcast_in_dim3A_349] : memref<48x128xf32, #tpu.memory_space<vmem>>[vector<16xi32>, vector<16xi32>], vector<16xf32>,
          %mul3A_352 = arith.mulf %gather3A_350, %gather3A_351 : vector<16xf32>
          %add3A_353 = arith.addf %add3A_323, %mul3A_352 : vector<16xf32>
          %add3A_354 = arith.constant 96 : i32
          %add3A_355 = arith.addi %add3A_354, %scan3A_332 : i32
          %broadcast_in_dim3A_356 = vector.broadcast %add3A_355 : i32 to vector<16xi32>
          %gather3A_357 = tpu.vector_load_idx %arg17[%add3A_147, %broadcast_in_dim3A_356] : memref<48x128xf32, #tpu.memory_space<vmem>>[vector<16xi32>, vector<16xi32>], vector<16xf32>,
          %gather3A_358 = tpu.vector_load_idx %arg19[%add3A_147, %broadcast_in_dim3A_356] : memref<48x128xf32, #tpu.memory_space<vmem>>[vector<16xi32>, vector<16xi32>], vector<16xf32>,
          %mul3A_359 = arith.mulf %gather3A_357, %gather3A_358 : vector<16xf32>
          %add3A_360 = arith.addf %add3A_330, %mul3A_359 : vector<16xf32>
          scf.yield %add3A_339, %add3A_346, %add3A_353, %add3A_360 : vector<16xf32>, vector<16xf32>, vector<16xf32>, vector<16xf32>
        }
        %scan3A_155 = arith.constant 32 : i32
        %exp3A = math.exp %scan3A_154#0 : vector<16xf32>
        %exp3A_156 = math.exp %scan3A_154#1 : vector<16xf32>
        %exp3A_157 = math.exp %scan3A_154#2 : vector<16xf32>
        %exp3A_158 = math.exp %scan3A_154#3 : vector<16xf32>
        %broadcast_in_dim3A_159 = arith.constant 0 : i32
        %broadcast_in_dim3A_160 = vector.broadcast %broadcast_in_dim3A_159 : i32 to vector<16xi32>
        tpu.vector_store_idx %arg22[%add3A_147, %broadcast_in_dim3A_160], %exp3A : memref<48x16xf32, #tpu.memory_space<vmem>>[vector<16xi32>, vector<16xi32>], vector<16xf32>,
        %broadcast_in_dim3A_161 = arith.constant 1 : i32
        %broadcast_in_dim3A_162 = vector.broadcast %broadcast_in_dim3A_161 : i32 to vector<16xi32>
        tpu.vector_store_idx %arg22[%add3A_147, %broadcast_in_dim3A_162], %exp3A_156 : memref<48x16xf32, #tpu.memory_space<vmem>>[vector<16xi32>, vector<16xi32>], vector<16xf32>,
        %broadcast_in_dim3A_163 = arith.constant 2 : i32
        %broadcast_in_dim3A_164 = vector.broadcast %broadcast_in_dim3A_163 : i32 to vector<16xi32>
        tpu.vector_store_idx %arg22[%add3A_147, %broadcast_in_dim3A_164], %exp3A_157 : memref<48x16xf32, #tpu.memory_space<vmem>>[vector<16xi32>, vector<16xi32>], vector<16xf32>,
        %broadcast_in_dim3A_165 = arith.constant 3 : i32
        %broadcast_in_dim3A_166 = vector.broadcast %broadcast_in_dim3A_165 : i32 to vector<16xi32>
        tpu.vector_store_idx %arg22[%add3A_147, %broadcast_in_dim3A_166], %exp3A_158 : memref<48x16xf32, #tpu.memory_space<vmem>>[vector<16xi32>, vector<16xi32>], vector<16xf32>,
        %scan3A_167 = arith.constant 0 : i32
        %scan3A_168 = arith.constant 0 : i32
        %scan3A_169 = arith.constant 32 : i32
        %scan3A_170 = arith.addi %scan3A_168, %scan3A_169 : i32
        %scan3A_171 = arith.constant 4 : i32
        scf.for %scan3A_239 = %scan3A_168 to %scan3A_170 step %scan3A_171  : i32 {
          %add3A_240 = arith.constant 0 : i32
          %add3A_241 = arith.addi %add3A_240, %scan3A_239 : i32
          %broadcast_in_dim3A_242 = vector.broadcast %add3A_241 : i32 to vector<16xi32>
          %gather3A = tpu.vector_load_idx %arg21[%add3A_147, %broadcast_in_dim3A_242] : memref<48x128xf32, #tpu.memory_space<vmem>>[vector<16xi32>, vector<16xi32>], vector<16xf32>,
          %mul3A_243 = arith.mulf %gather3A, %exp3A : vector<16xf32>
          tpu.vector_store_idx %arg21[%add3A_147, %broadcast_in_dim3A_242], %mul3A_243 : memref<48x128xf32, #tpu.memory_space<vmem>>[vector<16xi32>, vector<16xi32>], vector<16xf32>,
          %add3A_244 = arith.constant 32 : i32
          %add3A_245 = arith.addi %add3A_244, %scan3A_239 : i32
          %broadcast_in_dim3A_246 = vector.broadcast %add3A_245 : i32 to vector<16xi32>
          %gather3A_247 = tpu.vector_load_idx %arg21[%add3A_147, %broadcast_in_dim3A_246] : memref<48x128xf32, #tpu.memory_space<vmem>>[vector<16xi32>, vector<16xi32>], vector<16xf32>,
          %mul3A_248 = arith.mulf %gather3A_247, %exp3A_156 : vector<16xf32>
          tpu.vector_store_idx %arg21[%add3A_147, %broadcast_in_dim3A_246], %mul3A_248 : memref<48x128xf32, #tpu.memory_space<vmem>>[vector<16xi32>, vector<16xi32>], vector<16xf32>,
          %add3A_249 = arith.constant 64 : i32
          %add3A_250 = arith.addi %add3A_249, %scan3A_239 : i32
          %broadcast_in_dim3A_251 = vector.broadcast %add3A_250 : i32 to vector<16xi32>
          %gather3A_252 = tpu.vector_load_idx %arg21[%add3A_147, %broadcast_in_dim3A_251] : memref<48x128xf32, #tpu.memory_space<vmem>>[vector<16xi32>, vector<16xi32>], vector<16xf32>,
          %mul3A_253 = arith.mulf %gather3A_252, %exp3A_157 : vector<16xf32>
          tpu.vector_store_idx %arg21[%add3A_147, %broadcast_in_dim3A_251], %mul3A_253 : memref<48x128xf32, #tpu.memory_space<vmem>>[vector<16xi32>, vector<16xi32>], vector<16xf32>,
          %add3A_254 = arith.constant 96 : i32
          %add3A_255 = arith.addi %add3A_254, %scan3A_239 : i32
          %broadcast_in_dim3A_256 = vector.broadcast %add3A_255 : i32 to vector<16xi32>
          %gather3A_257 = tpu.vector_load_idx %arg21[%add3A_147, %broadcast_in_dim3A_256] : memref<48x128xf32, #tpu.memory_space<vmem>>[vector<16xi32>, vector<16xi32>], vector<16xf32>,
          %mul3A_258 = arith.mulf %gather3A_257, %exp3A_158 : vector<16xf32>
          tpu.vector_store_idx %arg21[%add3A_147, %broadcast_in_dim3A_256], %mul3A_258 : memref<48x128xf32, #tpu.memory_space<vmem>>[vector<16xi32>, vector<16xi32>], vector<16xf32>,
          %scan3A_259 = arith.constant 1 : i32
          %scan3A_260 = arith.addi %scan3A_239, %scan3A_259 : i32
          %add3A_261 = arith.constant 0 : i32
          %add3A_262 = arith.addi %add3A_261, %scan3A_260 : i32
          %broadcast_in_dim3A_263 = vector.broadcast %add3A_262 : i32 to vector<16xi32>
          %gather3A_264 = tpu.vector_load_idx %arg21[%add3A_147, %broadcast_in_dim3A_263] : memref<48x128xf32, #tpu.memory_space<vmem>>[vector<16xi32>, vector<16xi32>], vector<16xf32>,
          %mul3A_265 = arith.mulf %gather3A_264, %exp3A : vector<16xf32>
          tpu.vector_store_idx %arg21[%add3A_147, %broadcast_in_dim3A_263], %mul3A_265 : memref<48x128xf32, #tpu.memory_space<vmem>>[vector<16xi32>, vector<16xi32>], vector<16xf32>,
          %add3A_266 = arith.constant 32 : i32
          %add3A_267 = arith.addi %add3A_266, %scan3A_260 : i32
          %broadcast_in_dim3A_268 = vector.broadcast %add3A_267 : i32 to vector<16xi32>
          %gather3A_269 = tpu.vector_load_idx %arg21[%add3A_147, %broadcast_in_dim3A_268] : memref<48x128xf32, #tpu.memory_space<vmem>>[vector<16xi32>, vector<16xi32>], vector<16xf32>,
          %mul3A_270 = arith.mulf %gather3A_269, %exp3A_156 : vector<16xf32>
          tpu.vector_store_idx %arg21[%add3A_147, %broadcast_in_dim3A_268], %mul3A_270 : memref<48x128xf32, #tpu.memory_space<vmem>>[vector<16xi32>, vector<16xi32>], vector<16xf32>,
          %add3A_271 = arith.constant 64 : i32
          %add3A_272 = arith.addi %add3A_271, %scan3A_260 : i32
          %broadcast_in_dim3A_273 = vector.broadcast %add3A_272 : i32 to vector<16xi32>
          %gather3A_274 = tpu.vector_load_idx %arg21[%add3A_147, %broadcast_in_dim3A_273] : memref<48x128xf32, #tpu.memory_space<vmem>>[vector<16xi32>, vector<16xi32>], vector<16xf32>,
          %mul3A_275 = arith.mulf %gather3A_274, %exp3A_157 : vector<16xf32>
          tpu.vector_store_idx %arg21[%add3A_147, %broadcast_in_dim3A_273], %mul3A_275 : memref<48x128xf32, #tpu.memory_space<vmem>>[vector<16xi32>, vector<16xi32>], vector<16xf32>,
          %add3A_276 = arith.constant 96 : i32
          %add3A_277 = arith.addi %add3A_276, %scan3A_260 : i32
          %broadcast_in_dim3A_278 = vector.broadcast %add3A_277 : i32 to vector<16xi32>
          %gather3A_279 = tpu.vector_load_idx %arg21[%add3A_147, %broadcast_in_dim3A_278] : memref<48x128xf32, #tpu.memory_space<vmem>>[vector<16xi32>, vector<16xi32>], vector<16xf32>,
          %mul3A_280 = arith.mulf %gather3A_279, %exp3A_158 : vector<16xf32>
          tpu.vector_store_idx %arg21[%add3A_147, %broadcast_in_dim3A_278], %mul3A_280 : memref<48x128xf32, #tpu.memory_space<vmem>>[vector<16xi32>, vector<16xi32>], vector<16xf32>,
          %scan3A_281 = arith.constant 2 : i32
          %scan3A_282 = arith.addi %scan3A_239, %scan3A_281 : i32
          %add3A_283 = arith.constant 0 : i32
          %add3A_284 = arith.addi %add3A_283, %scan3A_282 : i32
          %broadcast_in_dim3A_285 = vector.broadcast %add3A_284 : i32 to vector<16xi32>
          %gather3A_286 = tpu.vector_load_idx %arg21[%add3A_147, %broadcast_in_dim3A_285] : memref<48x128xf32, #tpu.memory_space<vmem>>[vector<16xi32>, vector<16xi32>], vector<16xf32>,
          %mul3A_287 = arith.mulf %gather3A_286, %exp3A : vector<16xf32>
          tpu.vector_store_idx %arg21[%add3A_147, %broadcast_in_dim3A_285], %mul3A_287 : memref<48x128xf32, #tpu.memory_space<vmem>>[vector<16xi32>, vector<16xi32>], vector<16xf32>,
          %add3A_288 = arith.constant 32 : i32
          %add3A_289 = arith.addi %add3A_288, %scan3A_282 : i32
          %broadcast_in_dim3A_290 = vector.broadcast %add3A_289 : i32 to vector<16xi32>
          %gather3A_291 = tpu.vector_load_idx %arg21[%add3A_147, %broadcast_in_dim3A_290] : memref<48x128xf32, #tpu.memory_space<vmem>>[vector<16xi32>, vector<16xi32>], vector<16xf32>,
          %mul3A_292 = arith.mulf %gather3A_291, %exp3A_156 : vector<16xf32>
          tpu.vector_store_idx %arg21[%add3A_147, %broadcast_in_dim3A_290], %mul3A_292 : memref<48x128xf32, #tpu.memory_space<vmem>>[vector<16xi32>, vector<16xi32>], vector<16xf32>,
          %add3A_293 = arith.constant 64 : i32
          %add3A_294 = arith.addi %add3A_293, %scan3A_282 : i32
          %broadcast_in_dim3A_295 = vector.broadcast %add3A_294 : i32 to vector<16xi32>
          %gather3A_296 = tpu.vector_load_idx %arg21[%add3A_147, %broadcast_in_dim3A_295] : memref<48x128xf32, #tpu.memory_space<vmem>>[vector<16xi32>, vector<16xi32>], vector<16xf32>,
          %mul3A_297 = arith.mulf %gather3A_296, %exp3A_157 : vector<16xf32>
          tpu.vector_store_idx %arg21[%add3A_147, %broadcast_in_dim3A_295], %mul3A_297 : memref<48x128xf32, #tpu.memory_space<vmem>>[vector<16xi32>, vector<16xi32>], vector<16xf32>,
          %add3A_298 = arith.constant 96 : i32
          %add3A_299 = arith.addi %add3A_298, %scan3A_282 : i32
          %broadcast_in_dim3A_300 = vector.broadcast %add3A_299 : i32 to vector<16xi32>
          %gather3A_301 = tpu.vector_load_idx %arg21[%add3A_147, %broadcast_in_dim3A_300] : memref<48x128xf32, #tpu.memory_space<vmem>>[vector<16xi32>, vector<16xi32>], vector<16xf32>,
          %mul3A_302 = arith.mulf %gather3A_301, %exp3A_158 : vector<16xf32>
          tpu.vector_store_idx %arg21[%add3A_147, %broadcast_in_dim3A_300], %mul3A_302 : memref<48x128xf32, #tpu.memory_space<vmem>>[vector<16xi32>, vector<16xi32>], vector<16xf32>,
          %scan3A_303 = arith.constant 3 : i32
          %scan3A_304 = arith.addi %scan3A_239, %scan3A_303 : i32
          %add3A_305 = arith.constant 0 : i32
          %add3A_306 = arith.addi %add3A_305, %scan3A_304 : i32
          %broadcast_in_dim3A_307 = vector.broadcast %add3A_306 : i32 to vector<16xi32>
          %gather3A_308 = tpu.vector_load_idx %arg21[%add3A_147, %broadcast_in_dim3A_307] : memref<48x128xf32, #tpu.memory_space<vmem>>[vector<16xi32>, vector<16xi32>], vector<16xf32>,
          %mul3A_309 = arith.mulf %gather3A_308, %exp3A : vector<16xf32>
          tpu.vector_store_idx %arg21[%add3A_147, %broadcast_in_dim3A_307], %mul3A_309 : memref<48x128xf32, #tpu.memory_space<vmem>>[vector<16xi32>, vector<16xi32>], vector<16xf32>,
          %add3A_310 = arith.constant 32 : i32
          %add3A_311 = arith.addi %add3A_310, %scan3A_304 : i32
          %broadcast_in_dim3A_312 = vector.broadcast %add3A_311 : i32 to vector<16xi32>
          %gather3A_313 = tpu.vector_load_idx %arg21[%add3A_147, %broadcast_in_dim3A_312] : memref<48x128xf32, #tpu.memory_space<vmem>>[vector<16xi32>, vector<16xi32>], vector<16xf32>,
          %mul3A_314 = arith.mulf %gather3A_313, %exp3A_156 : vector<16xf32>
          tpu.vector_store_idx %arg21[%add3A_147, %broadcast_in_dim3A_312], %mul3A_314 : memref<48x128xf32, #tpu.memory_space<vmem>>[vector<16xi32>, vector<16xi32>], vector<16xf32>,
          %add3A_315 = arith.constant 64 : i32
          %add3A_316 = arith.addi %add3A_315, %scan3A_304 : i32
          %broadcast_in_dim3A_317 = vector.broadcast %add3A_316 : i32 to vector<16xi32>
          %gather3A_318 = tpu.vector_load_idx %arg21[%add3A_147, %broadcast_in_dim3A_317] : memref<48x128xf32, #tpu.memory_space<vmem>>[vector<16xi32>, vector<16xi32>], vector<16xf32>,
          %mul3A_319 = arith.mulf %gather3A_318, %exp3A_157 : vector<16xf32>
          tpu.vector_store_idx %arg21[%add3A_147, %broadcast_in_dim3A_317], %mul3A_319 : memref<48x128xf32, #tpu.memory_space<vmem>>[vector<16xi32>, vector<16xi32>], vector<16xf32>,
          %add3A_320 = arith.constant 96 : i32
          %add3A_321 = arith.addi %add3A_320, %scan3A_304 : i32
          %broadcast_in_dim3A_322 = vector.broadcast %add3A_321 : i32 to vector<16xi32>
          %gather3A_323 = tpu.vector_load_idx %arg21[%add3A_147, %broadcast_in_dim3A_322] : memref<48x128xf32, #tpu.memory_space<vmem>>[vector<16xi32>, vector<16xi32>], vector<16xf32>,
          %mul3A_324 = arith.mulf %gather3A_323, %exp3A_158 : vector<16xf32>
          tpu.vector_store_idx %arg21[%add3A_147, %broadcast_in_dim3A_322], %mul3A_324 : memref<48x128xf32, #tpu.memory_space<vmem>>[vector<16xi32>, vector<16xi32>], vector<16xf32>,
        }
        %scan3A_172 = arith.constant 32 : i32
        %add3A_173 = arith.constant 16 : i32
        %add3A_174 = vector.broadcast %add3A_173 : i32 to vector<16xi32>
        %add3A_175 = arith.addi %iota3A, %add3A_174 : vector<16xi32>
        %broadcast_in_dim3A_176 = arith.constant 0.000000e+00 : f32
        %broadcast_in_dim3A_177 = vector.broadcast %broadcast_in_dim3A_176 : f32 to vector<16xf32>
        %scan3A_178 = arith.constant 0 : i32
        %scan3A_179 = arith.constant 32 : i32
        %scan3A_180 = arith.addi %scan3A_178, %scan3A_179 : i32
        %scan3A_181 = arith.constant 4 : i32
        %scan3A_182:4 = scf.for %scan3A_239 = %scan3A_178 to %scan3A_180 step %scan3A_181 iter_args(%scan3A_240 = %broadcast_in_dim3A_177, %scan3A_241 = %broadcast_in_dim3A_177, %scan3A_242 = %broadcast_in_dim3A_177, %scan3A_243 = %broadcast_in_dim3A_177) -> (vector<16xf32>, vector<16xf32>, vector<16xf32>, vector<16xf32>)  : i32 {
          %add3A_244 = arith.constant 0 : i32
          %add3A_245 = arith.addi %add3A_244, %scan3A_239 : i32
          %broadcast_in_dim3A_246 = vector.broadcast %add3A_245 : i32 to vector<16xi32>
          %gather3A = tpu.vector_load_idx %arg17[%add3A_175, %broadcast_in_dim3A_246] : memref<48x128xf32, #tpu.memory_space<vmem>>[vector<16xi32>, vector<16xi32>], vector<16xf32>,
          %gather3A_247 = tpu.vector_load_idx %arg19[%add3A_175, %broadcast_in_dim3A_246] : memref<48x128xf32, #tpu.memory_space<vmem>>[vector<16xi32>, vector<16xi32>], vector<16xf32>,
          %mul3A_248 = arith.mulf %gather3A, %gather3A_247 : vector<16xf32>
          %add3A_249 = arith.addf %scan3A_240, %mul3A_248 : vector<16xf32>
          %add3A_250 = arith.constant 32 : i32
          %add3A_251 = arith.addi %add3A_250, %scan3A_239 : i32
          %broadcast_in_dim3A_252 = vector.broadcast %add3A_251 : i32 to vector<16xi32>
          %gather3A_253 = tpu.vector_load_idx %arg17[%add3A_175, %broadcast_in_dim3A_252] : memref<48x128xf32, #tpu.memory_space<vmem>>[vector<16xi32>, vector<16xi32>], vector<16xf32>,
          %gather3A_254 = tpu.vector_load_idx %arg19[%add3A_175, %broadcast_in_dim3A_252] : memref<48x128xf32, #tpu.memory_space<vmem>>[vector<16xi32>, vector<16xi32>], vector<16xf32>,
          %mul3A_255 = arith.mulf %gather3A_253, %gather3A_254 : vector<16xf32>
          %add3A_256 = arith.addf %scan3A_241, %mul3A_255 : vector<16xf32>
          %add3A_257 = arith.constant 64 : i32
          %add3A_258 = arith.addi %add3A_257, %scan3A_239 : i32
          %broadcast_in_dim3A_259 = vector.broadcast %add3A_258 : i32 to vector<16xi32>
          %gather3A_260 = tpu.vector_load_idx %arg17[%add3A_175, %broadcast_in_dim3A_259] : memref<48x128xf32, #tpu.memory_space<vmem>>[vector<16xi32>, vector<16xi32>], vector<16xf32>,
          %gather3A_261 = tpu.vector_load_idx %arg19[%add3A_175, %broadcast_in_dim3A_259] : memref<48x128xf32, #tpu.memory_space<vmem>>[vector<16xi32>, vector<16xi32>], vector<16xf32>,
          %mul3A_262 = arith.mulf %gather3A_260, %gather3A_261 : vector<16xf32>
          %add3A_263 = arith.addf %scan3A_242, %mul3A_262 : vector<16xf32>
          %add3A_264 = arith.constant 96 : i32
          %add3A_265 = arith.addi %add3A_264, %scan3A_239 : i32
          %broadcast_in_dim3A_266 = vector.broadcast %add3A_265 : i32 to vector<16xi32>
          %gather3A_267 = tpu.vector_load_idx %arg17[%add3A_175, %broadcast_in_dim3A_266] : memref<48x128xf32, #tpu.memory_space<vmem>>[vector<16xi32>, vector<16xi32>], vector<16xf32>,
          %gather3A_268 = tpu.vector_load_idx %arg19[%add3A_175, %broadcast_in_dim3A_266] : memref<48x128xf32, #tpu.memory_space<vmem>>[vector<16xi32>, vector<16xi32>], vector<16xf32>,
          %mul3A_269 = arith.mulf %gather3A_267, %gather3A_268 : vector<16xf32>
          %add3A_270 = arith.addf %scan3A_243, %mul3A_269 : vector<16xf32>
          %scan3A_271 = arith.constant 1 : i32
          %scan3A_272 = arith.addi %scan3A_239, %scan3A_271 : i32
          %add3A_273 = arith.constant 0 : i32
          %add3A_274 = arith.addi %add3A_273, %scan3A_272 : i32
          %broadcast_in_dim3A_275 = vector.broadcast %add3A_274 : i32 to vector<16xi32>
          %gather3A_276 = tpu.vector_load_idx %arg17[%add3A_175, %broadcast_in_dim3A_275] : memref<48x128xf32, #tpu.memory_space<vmem>>[vector<16xi32>, vector<16xi32>], vector<16xf32>,
          %gather3A_277 = tpu.vector_load_idx %arg19[%add3A_175, %broadcast_in_dim3A_275] : memref<48x128xf32, #tpu.memory_space<vmem>>[vector<16xi32>, vector<16xi32>], vector<16xf32>,
          %mul3A_278 = arith.mulf %gather3A_276, %gather3A_277 : vector<16xf32>
          %add3A_279 = arith.addf %add3A_249, %mul3A_278 : vector<16xf32>
          %add3A_280 = arith.constant 32 : i32
          %add3A_281 = arith.addi %add3A_280, %scan3A_272 : i32
          %broadcast_in_dim3A_282 = vector.broadcast %add3A_281 : i32 to vector<16xi32>
          %gather3A_283 = tpu.vector_load_idx %arg17[%add3A_175, %broadcast_in_dim3A_282] : memref<48x128xf32, #tpu.memory_space<vmem>>[vector<16xi32>, vector<16xi32>], vector<16xf32>,
          %gather3A_284 = tpu.vector_load_idx %arg19[%add3A_175, %broadcast_in_dim3A_282] : memref<48x128xf32, #tpu.memory_space<vmem>>[vector<16xi32>, vector<16xi32>], vector<16xf32>,
          %mul3A_285 = arith.mulf %gather3A_283, %gather3A_284 : vector<16xf32>
          %add3A_286 = arith.addf %add3A_256, %mul3A_285 : vector<16xf32>
          %add3A_287 = arith.constant 64 : i32
          %add3A_288 = arith.addi %add3A_287, %scan3A_272 : i32
          %broadcast_in_dim3A_289 = vector.broadcast %add3A_288 : i32 to vector<16xi32>
          %gather3A_290 = tpu.vector_load_idx %arg17[%add3A_175, %broadcast_in_dim3A_289] : memref<48x128xf32, #tpu.memory_space<vmem>>[vector<16xi32>, vector<16xi32>], vector<16xf32>,
          %gather3A_291 = tpu.vector_load_idx %arg19[%add3A_175, %broadcast_in_dim3A_289] : memref<48x128xf32, #tpu.memory_space<vmem>>[vector<16xi32>, vector<16xi32>], vector<16xf32>,
          %mul3A_292 = arith.mulf %gather3A_290, %gather3A_291 : vector<16xf32>
          %add3A_293 = arith.addf %add3A_263, %mul3A_292 : vector<16xf32>
          %add3A_294 = arith.constant 96 : i32
          %add3A_295 = arith.addi %add3A_294, %scan3A_272 : i32
          %broadcast_in_dim3A_296 = vector.broadcast %add3A_295 : i32 to vector<16xi32>
          %gather3A_297 = tpu.vector_load_idx %arg17[%add3A_175, %broadcast_in_dim3A_296] : memref<48x128xf32, #tpu.memory_space<vmem>>[vector<16xi32>, vector<16xi32>], vector<16xf32>,
          %gather3A_298 = tpu.vector_load_idx %arg19[%add3A_175, %broadcast_in_dim3A_296] : memref<48x128xf32, #tpu.memory_space<vmem>>[vector<16xi32>, vector<16xi32>], vector<16xf32>,
          %mul3A_299 = arith.mulf %gather3A_297, %gather3A_298 : vector<16xf32>
          %add3A_300 = arith.addf %add3A_270, %mul3A_299 : vector<16xf32>
          %scan3A_301 = arith.constant 2 : i32
          %scan3A_302 = arith.addi %scan3A_239, %scan3A_301 : i32
          %add3A_303 = arith.constant 0 : i32
          %add3A_304 = arith.addi %add3A_303, %scan3A_302 : i32
          %broadcast_in_dim3A_305 = vector.broadcast %add3A_304 : i32 to vector<16xi32>
          %gather3A_306 = tpu.vector_load_idx %arg17[%add3A_175, %broadcast_in_dim3A_305] : memref<48x128xf32, #tpu.memory_space<vmem>>[vector<16xi32>, vector<16xi32>], vector<16xf32>,
          %gather3A_307 = tpu.vector_load_idx %arg19[%add3A_175, %broadcast_in_dim3A_305] : memref<48x128xf32, #tpu.memory_space<vmem>>[vector<16xi32>, vector<16xi32>], vector<16xf32>,
          %mul3A_308 = arith.mulf %gather3A_306, %gather3A_307 : vector<16xf32>
          %add3A_309 = arith.addf %add3A_279, %mul3A_308 : vector<16xf32>
          %add3A_310 = arith.constant 32 : i32
          %add3A_311 = arith.addi %add3A_310, %scan3A_302 : i32
          %broadcast_in_dim3A_312 = vector.broadcast %add3A_311 : i32 to vector<16xi32>
          %gather3A_313 = tpu.vector_load_idx %arg17[%add3A_175, %broadcast_in_dim3A_312] : memref<48x128xf32, #tpu.memory_space<vmem>>[vector<16xi32>, vector<16xi32>], vector<16xf32>,
          %gather3A_314 = tpu.vector_load_idx %arg19[%add3A_175, %broadcast_in_dim3A_312] : memref<48x128xf32, #tpu.memory_space<vmem>>[vector<16xi32>, vector<16xi32>], vector<16xf32>,
          %mul3A_315 = arith.mulf %gather3A_313, %gather3A_314 : vector<16xf32>
          %add3A_316 = arith.addf %add3A_286, %mul3A_315 : vector<16xf32>
          %add3A_317 = arith.constant 64 : i32
          %add3A_318 = arith.addi %add3A_317, %scan3A_302 : i32
          %broadcast_in_dim3A_319 = vector.broadcast %add3A_318 : i32 to vector<16xi32>
          %gather3A_320 = tpu.vector_load_idx %arg17[%add3A_175, %broadcast_in_dim3A_319] : memref<48x128xf32, #tpu.memory_space<vmem>>[vector<16xi32>, vector<16xi32>], vector<16xf32>,
          %gather3A_321 = tpu.vector_load_idx %arg19[%add3A_175, %broadcast_in_dim3A_319] : memref<48x128xf32, #tpu.memory_space<vmem>>[vector<16xi32>, vector<16xi32>], vector<16xf32>,
          %mul3A_322 = arith.mulf %gather3A_320, %gather3A_321 : vector<16xf32>
          %add3A_323 = arith.addf %add3A_293, %mul3A_322 : vector<16xf32>
          %add3A_324 = arith.constant 96 : i32
          %add3A_325 = arith.addi %add3A_324, %scan3A_302 : i32
          %broadcast_in_dim3A_326 = vector.broadcast %add3A_325 : i32 to vector<16xi32>
          %gather3A_327 = tpu.vector_load_idx %arg17[%add3A_175, %broadcast_in_dim3A_326] : memref<48x128xf32, #tpu.memory_space<vmem>>[vector<16xi32>, vector<16xi32>], vector<16xf32>,
          %gather3A_328 = tpu.vector_load_idx %arg19[%add3A_175, %broadcast_in_dim3A_326] : memref<48x128xf32, #tpu.memory_space<vmem>>[vector<16xi32>, vector<16xi32>], vector<16xf32>,
          %mul3A_329 = arith.mulf %gather3A_327, %gather3A_328 : vector<16xf32>
          %add3A_330 = arith.addf %add3A_300, %mul3A_329 : vector<16xf32>
          %scan3A_331 = arith.constant 3 : i32
          %scan3A_332 = arith.addi %scan3A_239, %scan3A_331 : i32
          %add3A_333 = arith.constant 0 : i32
          %add3A_334 = arith.addi %add3A_333, %scan3A_332 : i32
          %broadcast_in_dim3A_335 = vector.broadcast %add3A_334 : i32 to vector<16xi32>
          %gather3A_336 = tpu.vector_load_idx %arg17[%add3A_175, %broadcast_in_dim3A_335] : memref<48x128xf32, #tpu.memory_space<vmem>>[vector<16xi32>, vector<16xi32>], vector<16xf32>,
          %gather3A_337 = tpu.vector_load_idx %arg19[%add3A_175, %broadcast_in_dim3A_335] : memref<48x128xf32, #tpu.memory_space<vmem>>[vector<16xi32>, vector<16xi32>], vector<16xf32>,
          %mul3A_338 = arith.mulf %gather3A_336, %gather3A_337 : vector<16xf32>
          %add3A_339 = arith.addf %add3A_309, %mul3A_338 : vector<16xf32>
          %add3A_340 = arith.constant 32 : i32
          %add3A_341 = arith.addi %add3A_340, %scan3A_332 : i32
          %broadcast_in_dim3A_342 = vector.broadcast %add3A_341 : i32 to vector<16xi32>
          %gather3A_343 = tpu.vector_load_idx %arg17[%add3A_175, %broadcast_in_dim3A_342] : memref<48x128xf32, #tpu.memory_space<vmem>>[vector<16xi32>, vector<16xi32>], vector<16xf32>,
          %gather3A_344 = tpu.vector_load_idx %arg19[%add3A_175, %broadcast_in_dim3A_342] : memref<48x128xf32, #tpu.memory_space<vmem>>[vector<16xi32>, vector<16xi32>], vector<16xf32>,
          %mul3A_345 = arith.mulf %gather3A_343, %gather3A_344 : vector<16xf32>
          %add3A_346 = arith.addf %add3A_316, %mul3A_345 : vector<16xf32>
          %add3A_347 = arith.constant 64 : i32
          %add3A_348 = arith.addi %add3A_347, %scan3A_332 : i32
          %broadcast_in_dim3A_349 = vector.broadcast %add3A_348 : i32 to vector<16xi32>
          %gather3A_350 = tpu.vector_load_idx %arg17[%add3A_175, %broadcast_in_dim3A_349] : memref<48x128xf32, #tpu.memory_space<vmem>>[vector<16xi32>, vector<16xi32>], vector<16xf32>,
          %gather3A_351 = tpu.vector_load_idx %arg19[%add3A_175, %broadcast_in_dim3A_349] : memref<48x128xf32, #tpu.memory_space<vmem>>[vector<16xi32>, vector<16xi32>], vector<16xf32>,
          %mul3A_352 = arith.mulf %gather3A_350, %gather3A_351 : vector<16xf32>
          %add3A_353 = arith.addf %add3A_323, %mul3A_352 : vector<16xf32>
          %add3A_354 = arith.constant 96 : i32
          %add3A_355 = arith.addi %add3A_354, %scan3A_332 : i32
          %broadcast_in_dim3A_356 = vector.broadcast %add3A_355 : i32 to vector<16xi32>
          %gather3A_357 = tpu.vector_load_idx %arg17[%add3A_175, %broadcast_in_dim3A_356] : memref<48x128xf32, #tpu.memory_space<vmem>>[vector<16xi32>, vector<16xi32>], vector<16xf32>,
          %gather3A_358 = tpu.vector_load_idx %arg19[%add3A_175, %broadcast_in_dim3A_356] : memref<48x128xf32, #tpu.memory_space<vmem>>[vector<16xi32>, vector<16xi32>], vector<16xf32>,
          %mul3A_359 = arith.mulf %gather3A_357, %gather3A_358 : vector<16xf32>
          %add3A_360 = arith.addf %add3A_330, %mul3A_359 : vector<16xf32>
          scf.yield %add3A_339, %add3A_346, %add3A_353, %add3A_360 : vector<16xf32>, vector<16xf32>, vector<16xf32>, vector<16xf32>
        }
        %scan3A_183 = arith.constant 32 : i32
        %exp3A_184 = math.exp %scan3A_182#0 : vector<16xf32>
        %exp3A_185 = math.exp %scan3A_182#1 : vector<16xf32>
        %exp3A_186 = math.exp %scan3A_182#2 : vector<16xf32>
        %exp3A_187 = math.exp %scan3A_182#3 : vector<16xf32>
        %broadcast_in_dim3A_188 = arith.constant 0 : i32
        %broadcast_in_dim3A_189 = vector.broadcast %broadcast_in_dim3A_188 : i32 to vector<16xi32>
        tpu.vector_store_idx %arg22[%add3A_175, %broadcast_in_dim3A_189], %exp3A_184 : memref<48x16xf32, #tpu.memory_space<vmem>>[vector<16xi32>, vector<16xi32>], vector<16xf32>,
        %broadcast_in_dim3A_190 = arith.constant 1 : i32
        %broadcast_in_dim3A_191 = vector.broadcast %broadcast_in_dim3A_190 : i32 to vector<16xi32>
        tpu.vector_store_idx %arg22[%add3A_175, %broadcast_in_dim3A_191], %exp3A_185 : memref<48x16xf32, #tpu.memory_space<vmem>>[vector<16xi32>, vector<16xi32>], vector<16xf32>,
        %broadcast_in_dim3A_192 = arith.constant 2 : i32
        %broadcast_in_dim3A_193 = vector.broadcast %broadcast_in_dim3A_192 : i32 to vector<16xi32>
        tpu.vector_store_idx %arg22[%add3A_175, %broadcast_in_dim3A_193], %exp3A_186 : memref<48x16xf32, #tpu.memory_space<vmem>>[vector<16xi32>, vector<16xi32>], vector<16xf32>,
        %broadcast_in_dim3A_194 = arith.constant 3 : i32
        %broadcast_in_dim3A_195 = vector.broadcast %broadcast_in_dim3A_194 : i32 to vector<16xi32>
        tpu.vector_store_idx %arg22[%add3A_175, %broadcast_in_dim3A_195], %exp3A_187 : memref<48x16xf32, #tpu.memory_space<vmem>>[vector<16xi32>, vector<16xi32>], vector<16xf32>,
        %scan3A_196 = arith.constant 0 : i32
        %scan3A_197 = arith.constant 0 : i32
        %scan3A_198 = arith.constant 32 : i32
        %scan3A_199 = arith.addi %scan3A_197, %scan3A_198 : i32
        %scan3A_200 = arith.constant 4 : i32
        scf.for %scan3A_239 = %scan3A_197 to %scan3A_199 step %scan3A_200  : i32 {
          %add3A_240 = arith.constant 0 : i32
          %add3A_241 = arith.addi %add3A_240, %scan3A_239 : i32
          %broadcast_in_dim3A_242 = vector.broadcast %add3A_241 : i32 to vector<16xi32>
          %gather3A = tpu.vector_load_idx %arg21[%add3A_175, %broadcast_in_dim3A_242] : memref<48x128xf32, #tpu.memory_space<vmem>>[vector<16xi32>, vector<16xi32>], vector<16xf32>,
          %mul3A_243 = arith.mulf %gather3A, %exp3A_184 : vector<16xf32>
          tpu.vector_store_idx %arg21[%add3A_175, %broadcast_in_dim3A_242], %mul3A_243 : memref<48x128xf32, #tpu.memory_space<vmem>>[vector<16xi32>, vector<16xi32>], vector<16xf32>,
          %add3A_244 = arith.constant 32 : i32
          %add3A_245 = arith.addi %add3A_244, %scan3A_239 : i32
          %broadcast_in_dim3A_246 = vector.broadcast %add3A_245 : i32 to vector<16xi32>
          %gather3A_247 = tpu.vector_load_idx %arg21[%add3A_175, %broadcast_in_dim3A_246] : memref<48x128xf32, #tpu.memory_space<vmem>>[vector<16xi32>, vector<16xi32>], vector<16xf32>,
          %mul3A_248 = arith.mulf %gather3A_247, %exp3A_185 : vector<16xf32>
          tpu.vector_store_idx %arg21[%add3A_175, %broadcast_in_dim3A_246], %mul3A_248 : memref<48x128xf32, #tpu.memory_space<vmem>>[vector<16xi32>, vector<16xi32>], vector<16xf32>,
          %add3A_249 = arith.constant 64 : i32
          %add3A_250 = arith.addi %add3A_249, %scan3A_239 : i32
          %broadcast_in_dim3A_251 = vector.broadcast %add3A_250 : i32 to vector<16xi32>
          %gather3A_252 = tpu.vector_load_idx %arg21[%add3A_175, %broadcast_in_dim3A_251] : memref<48x128xf32, #tpu.memory_space<vmem>>[vector<16xi32>, vector<16xi32>], vector<16xf32>,
          %mul3A_253 = arith.mulf %gather3A_252, %exp3A_186 : vector<16xf32>
          tpu.vector_store_idx %arg21[%add3A_175, %broadcast_in_dim3A_251], %mul3A_253 : memref<48x128xf32, #tpu.memory_space<vmem>>[vector<16xi32>, vector<16xi32>], vector<16xf32>,
          %add3A_254 = arith.constant 96 : i32
          %add3A_255 = arith.addi %add3A_254, %scan3A_239 : i32
          %broadcast_in_dim3A_256 = vector.broadcast %add3A_255 : i32 to vector<16xi32>
          %gather3A_257 = tpu.vector_load_idx %arg21[%add3A_175, %broadcast_in_dim3A_256] : memref<48x128xf32, #tpu.memory_space<vmem>>[vector<16xi32>, vector<16xi32>], vector<16xf32>,
          %mul3A_258 = arith.mulf %gather3A_257, %exp3A_187 : vector<16xf32>
          tpu.vector_store_idx %arg21[%add3A_175, %broadcast_in_dim3A_256], %mul3A_258 : memref<48x128xf32, #tpu.memory_space<vmem>>[vector<16xi32>, vector<16xi32>], vector<16xf32>,
          %scan3A_259 = arith.constant 1 : i32
          %scan3A_260 = arith.addi %scan3A_239, %scan3A_259 : i32
          %add3A_261 = arith.constant 0 : i32
          %add3A_262 = arith.addi %add3A_261, %scan3A_260 : i32
          %broadcast_in_dim3A_263 = vector.broadcast %add3A_262 : i32 to vector<16xi32>
          %gather3A_264 = tpu.vector_load_idx %arg21[%add3A_175, %broadcast_in_dim3A_263] : memref<48x128xf32, #tpu.memory_space<vmem>>[vector<16xi32>, vector<16xi32>], vector<16xf32>,
          %mul3A_265 = arith.mulf %gather3A_264, %exp3A_184 : vector<16xf32>
          tpu.vector_store_idx %arg21[%add3A_175, %broadcast_in_dim3A_263], %mul3A_265 : memref<48x128xf32, #tpu.memory_space<vmem>>[vector<16xi32>, vector<16xi32>], vector<16xf32>,
          %add3A_266 = arith.constant 32 : i32
          %add3A_267 = arith.addi %add3A_266, %scan3A_260 : i32
          %broadcast_in_dim3A_268 = vector.broadcast %add3A_267 : i32 to vector<16xi32>
          %gather3A_269 = tpu.vector_load_idx %arg21[%add3A_175, %broadcast_in_dim3A_268] : memref<48x128xf32, #tpu.memory_space<vmem>>[vector<16xi32>, vector<16xi32>], vector<16xf32>,
          %mul3A_270 = arith.mulf %gather3A_269, %exp3A_185 : vector<16xf32>
          tpu.vector_store_idx %arg21[%add3A_175, %broadcast_in_dim3A_268], %mul3A_270 : memref<48x128xf32, #tpu.memory_space<vmem>>[vector<16xi32>, vector<16xi32>], vector<16xf32>,
          %add3A_271 = arith.constant 64 : i32
          %add3A_272 = arith.addi %add3A_271, %scan3A_260 : i32
          %broadcast_in_dim3A_273 = vector.broadcast %add3A_272 : i32 to vector<16xi32>
          %gather3A_274 = tpu.vector_load_idx %arg21[%add3A_175, %broadcast_in_dim3A_273] : memref<48x128xf32, #tpu.memory_space<vmem>>[vector<16xi32>, vector<16xi32>], vector<16xf32>,
          %mul3A_275 = arith.mulf %gather3A_274, %exp3A_186 : vector<16xf32>
          tpu.vector_store_idx %arg21[%add3A_175, %broadcast_in_dim3A_273], %mul3A_275 : memref<48x128xf32, #tpu.memory_space<vmem>>[vector<16xi32>, vector<16xi32>], vector<16xf32>,
          %add3A_276 = arith.constant 96 : i32
          %add3A_277 = arith.addi %add3A_276, %scan3A_260 : i32
          %broadcast_in_dim3A_278 = vector.broadcast %add3A_277 : i32 to vector<16xi32>
          %gather3A_279 = tpu.vector_load_idx %arg21[%add3A_175, %broadcast_in_dim3A_278] : memref<48x128xf32, #tpu.memory_space<vmem>>[vector<16xi32>, vector<16xi32>], vector<16xf32>,
          %mul3A_280 = arith.mulf %gather3A_279, %exp3A_187 : vector<16xf32>
          tpu.vector_store_idx %arg21[%add3A_175, %broadcast_in_dim3A_278], %mul3A_280 : memref<48x128xf32, #tpu.memory_space<vmem>>[vector<16xi32>, vector<16xi32>], vector<16xf32>,
          %scan3A_281 = arith.constant 2 : i32
          %scan3A_282 = arith.addi %scan3A_239, %scan3A_281 : i32
          %add3A_283 = arith.constant 0 : i32
          %add3A_284 = arith.addi %add3A_283, %scan3A_282 : i32
          %broadcast_in_dim3A_285 = vector.broadcast %add3A_284 : i32 to vector<16xi32>
          %gather3A_286 = tpu.vector_load_idx %arg21[%add3A_175, %broadcast_in_dim3A_285] : memref<48x128xf32, #tpu.memory_space<vmem>>[vector<16xi32>, vector<16xi32>], vector<16xf32>,
          %mul3A_287 = arith.mulf %gather3A_286, %exp3A_184 : vector<16xf32>
          tpu.vector_store_idx %arg21[%add3A_175, %broadcast_in_dim3A_285], %mul3A_287 : memref<48x128xf32, #tpu.memory_space<vmem>>[vector<16xi32>, vector<16xi32>], vector<16xf32>,
          %add3A_288 = arith.constant 32 : i32
          %add3A_289 = arith.addi %add3A_288, %scan3A_282 : i32
          %broadcast_in_dim3A_290 = vector.broadcast %add3A_289 : i32 to vector<16xi32>
          %gather3A_291 = tpu.vector_load_idx %arg21[%add3A_175, %broadcast_in_dim3A_290] : memref<48x128xf32, #tpu.memory_space<vmem>>[vector<16xi32>, vector<16xi32>], vector<16xf32>,
          %mul3A_292 = arith.mulf %gather3A_291, %exp3A_185 : vector<16xf32>
          tpu.vector_store_idx %arg21[%add3A_175, %broadcast_in_dim3A_290], %mul3A_292 : memref<48x128xf32, #tpu.memory_space<vmem>>[vector<16xi32>, vector<16xi32>], vector<16xf32>,
          %add3A_293 = arith.constant 64 : i32
          %add3A_294 = arith.addi %add3A_293, %scan3A_282 : i32
          %broadcast_in_dim3A_295 = vector.broadcast %add3A_294 : i32 to vector<16xi32>
          %gather3A_296 = tpu.vector_load_idx %arg21[%add3A_175, %broadcast_in_dim3A_295] : memref<48x128xf32, #tpu.memory_space<vmem>>[vector<16xi32>, vector<16xi32>], vector<16xf32>,
          %mul3A_297 = arith.mulf %gather3A_296, %exp3A_186 : vector<16xf32>
          tpu.vector_store_idx %arg21[%add3A_175, %broadcast_in_dim3A_295], %mul3A_297 : memref<48x128xf32, #tpu.memory_space<vmem>>[vector<16xi32>, vector<16xi32>], vector<16xf32>,
          %add3A_298 = arith.constant 96 : i32
          %add3A_299 = arith.addi %add3A_298, %scan3A_282 : i32
          %broadcast_in_dim3A_300 = vector.broadcast %add3A_299 : i32 to vector<16xi32>
          %gather3A_301 = tpu.vector_load_idx %arg21[%add3A_175, %broadcast_in_dim3A_300] : memref<48x128xf32, #tpu.memory_space<vmem>>[vector<16xi32>, vector<16xi32>], vector<16xf32>,
          %mul3A_302 = arith.mulf %gather3A_301, %exp3A_187 : vector<16xf32>
          tpu.vector_store_idx %arg21[%add3A_175, %broadcast_in_dim3A_300], %mul3A_302 : memref<48x128xf32, #tpu.memory_space<vmem>>[vector<16xi32>, vector<16xi32>], vector<16xf32>,
          %scan3A_303 = arith.constant 3 : i32
          %scan3A_304 = arith.addi %scan3A_239, %scan3A_303 : i32
          %add3A_305 = arith.constant 0 : i32
          %add3A_306 = arith.addi %add3A_305, %scan3A_304 : i32
          %broadcast_in_dim3A_307 = vector.broadcast %add3A_306 : i32 to vector<16xi32>
          %gather3A_308 = tpu.vector_load_idx %arg21[%add3A_175, %broadcast_in_dim3A_307] : memref<48x128xf32, #tpu.memory_space<vmem>>[vector<16xi32>, vector<16xi32>], vector<16xf32>,
          %mul3A_309 = arith.mulf %gather3A_308, %exp3A_184 : vector<16xf32>
          tpu.vector_store_idx %arg21[%add3A_175, %broadcast_in_dim3A_307], %mul3A_309 : memref<48x128xf32, #tpu.memory_space<vmem>>[vector<16xi32>, vector<16xi32>], vector<16xf32>,
          %add3A_310 = arith.constant 32 : i32
          %add3A_311 = arith.addi %add3A_310, %scan3A_304 : i32
          %broadcast_in_dim3A_312 = vector.broadcast %add3A_311 : i32 to vector<16xi32>
          %gather3A_313 = tpu.vector_load_idx %arg21[%add3A_175, %broadcast_in_dim3A_312] : memref<48x128xf32, #tpu.memory_space<vmem>>[vector<16xi32>, vector<16xi32>], vector<16xf32>,
          %mul3A_314 = arith.mulf %gather3A_313, %exp3A_185 : vector<16xf32>
          tpu.vector_store_idx %arg21[%add3A_175, %broadcast_in_dim3A_312], %mul3A_314 : memref<48x128xf32, #tpu.memory_space<vmem>>[vector<16xi32>, vector<16xi32>], vector<16xf32>,
          %add3A_315 = arith.constant 64 : i32
          %add3A_316 = arith.addi %add3A_315, %scan3A_304 : i32
          %broadcast_in_dim3A_317 = vector.broadcast %add3A_316 : i32 to vector<16xi32>
          %gather3A_318 = tpu.vector_load_idx %arg21[%add3A_175, %broadcast_in_dim3A_317] : memref<48x128xf32, #tpu.memory_space<vmem>>[vector<16xi32>, vector<16xi32>], vector<16xf32>,
          %mul3A_319 = arith.mulf %gather3A_318, %exp3A_186 : vector<16xf32>
          tpu.vector_store_idx %arg21[%add3A_175, %broadcast_in_dim3A_317], %mul3A_319 : memref<48x128xf32, #tpu.memory_space<vmem>>[vector<16xi32>, vector<16xi32>], vector<16xf32>,
          %add3A_320 = arith.constant 96 : i32
          %add3A_321 = arith.addi %add3A_320, %scan3A_304 : i32
          %broadcast_in_dim3A_322 = vector.broadcast %add3A_321 : i32 to vector<16xi32>
          %gather3A_323 = tpu.vector_load_idx %arg21[%add3A_175, %broadcast_in_dim3A_322] : memref<48x128xf32, #tpu.memory_space<vmem>>[vector<16xi32>, vector<16xi32>], vector<16xf32>,
          %mul3A_324 = arith.mulf %gather3A_323, %exp3A_187 : vector<16xf32>
          tpu.vector_store_idx %arg21[%add3A_175, %broadcast_in_dim3A_322], %mul3A_324 : memref<48x128xf32, #tpu.memory_space<vmem>>[vector<16xi32>, vector<16xi32>], vector<16xf32>,
        }
        %scan3A_201 = arith.constant 32 : i32
        %add3A_202 = arith.constant 32 : i32
        %add3A_203 = vector.broadcast %add3A_202 : i32 to vector<16xi32>
        %add3A_204 = arith.addi %iota3A, %add3A_203 : vector<16xi32>
        %broadcast_in_dim3A_205 = arith.constant 0.000000e+00 : f32
        %broadcast_in_dim3A_206 = vector.broadcast %broadcast_in_dim3A_205 : f32 to vector<16xf32>
        %scan3A_207 = arith.constant 0 : i32
        %scan3A_208 = arith.constant 32 : i32
        %scan3A_209 = arith.addi %scan3A_207, %scan3A_208 : i32
        %scan3A_210 = arith.constant 4 : i32
        %scan3A_211:4 = scf.for %scan3A_239 = %scan3A_207 to %scan3A_209 step %scan3A_210 iter_args(%scan3A_240 = %broadcast_in_dim3A_206, %scan3A_241 = %broadcast_in_dim3A_206, %scan3A_242 = %broadcast_in_dim3A_206, %scan3A_243 = %broadcast_in_dim3A_206) -> (vector<16xf32>, vector<16xf32>, vector<16xf32>, vector<16xf32>)  : i32 {
          %add3A_244 = arith.constant 0 : i32
          %add3A_245 = arith.addi %add3A_244, %scan3A_239 : i32
          %broadcast_in_dim3A_246 = vector.broadcast %add3A_245 : i32 to vector<16xi32>
          %gather3A = tpu.vector_load_idx %arg17[%add3A_204, %broadcast_in_dim3A_246] : memref<48x128xf32, #tpu.memory_space<vmem>>[vector<16xi32>, vector<16xi32>], vector<16xf32>,
          %gather3A_247 = tpu.vector_load_idx %arg19[%add3A_204, %broadcast_in_dim3A_246] : memref<48x128xf32, #tpu.memory_space<vmem>>[vector<16xi32>, vector<16xi32>], vector<16xf32>,
          %mul3A_248 = arith.mulf %gather3A, %gather3A_247 : vector<16xf32>
          %add3A_249 = arith.addf %scan3A_240, %mul3A_248 : vector<16xf32>
          %add3A_250 = arith.constant 32 : i32
          %add3A_251 = arith.addi %add3A_250, %scan3A_239 : i32
          %broadcast_in_dim3A_252 = vector.broadcast %add3A_251 : i32 to vector<16xi32>
          %gather3A_253 = tpu.vector_load_idx %arg17[%add3A_204, %broadcast_in_dim3A_252] : memref<48x128xf32, #tpu.memory_space<vmem>>[vector<16xi32>, vector<16xi32>], vector<16xf32>,
          %gather3A_254 = tpu.vector_load_idx %arg19[%add3A_204, %broadcast_in_dim3A_252] : memref<48x128xf32, #tpu.memory_space<vmem>>[vector<16xi32>, vector<16xi32>], vector<16xf32>,
          %mul3A_255 = arith.mulf %gather3A_253, %gather3A_254 : vector<16xf32>
          %add3A_256 = arith.addf %scan3A_241, %mul3A_255 : vector<16xf32>
          %add3A_257 = arith.constant 64 : i32
          %add3A_258 = arith.addi %add3A_257, %scan3A_239 : i32
          %broadcast_in_dim3A_259 = vector.broadcast %add3A_258 : i32 to vector<16xi32>
          %gather3A_260 = tpu.vector_load_idx %arg17[%add3A_204, %broadcast_in_dim3A_259] : memref<48x128xf32, #tpu.memory_space<vmem>>[vector<16xi32>, vector<16xi32>], vector<16xf32>,
          %gather3A_261 = tpu.vector_load_idx %arg19[%add3A_204, %broadcast_in_dim3A_259] : memref<48x128xf32, #tpu.memory_space<vmem>>[vector<16xi32>, vector<16xi32>], vector<16xf32>,
          %mul3A_262 = arith.mulf %gather3A_260, %gather3A_261 : vector<16xf32>
          %add3A_263 = arith.addf %scan3A_242, %mul3A_262 : vector<16xf32>
          %add3A_264 = arith.constant 96 : i32
          %add3A_265 = arith.addi %add3A_264, %scan3A_239 : i32
          %broadcast_in_dim3A_266 = vector.broadcast %add3A_265 : i32 to vector<16xi32>
          %gather3A_267 = tpu.vector_load_idx %arg17[%add3A_204, %broadcast_in_dim3A_266] : memref<48x128xf32, #tpu.memory_space<vmem>>[vector<16xi32>, vector<16xi32>], vector<16xf32>,
          %gather3A_268 = tpu.vector_load_idx %arg19[%add3A_204, %broadcast_in_dim3A_266] : memref<48x128xf32, #tpu.memory_space<vmem>>[vector<16xi32>, vector<16xi32>], vector<16xf32>,
          %mul3A_269 = arith.mulf %gather3A_267, %gather3A_268 : vector<16xf32>
          %add3A_270 = arith.addf %scan3A_243, %mul3A_269 : vector<16xf32>
          %scan3A_271 = arith.constant 1 : i32
          %scan3A_272 = arith.addi %scan3A_239, %scan3A_271 : i32
          %add3A_273 = arith.constant 0 : i32
          %add3A_274 = arith.addi %add3A_273, %scan3A_272 : i32
          %broadcast_in_dim3A_275 = vector.broadcast %add3A_274 : i32 to vector<16xi32>
          %gather3A_276 = tpu.vector_load_idx %arg17[%add3A_204, %broadcast_in_dim3A_275] : memref<48x128xf32, #tpu.memory_space<vmem>>[vector<16xi32>, vector<16xi32>], vector<16xf32>,
          %gather3A_277 = tpu.vector_load_idx %arg19[%add3A_204, %broadcast_in_dim3A_275] : memref<48x128xf32, #tpu.memory_space<vmem>>[vector<16xi32>, vector<16xi32>], vector<16xf32>,
          %mul3A_278 = arith.mulf %gather3A_276, %gather3A_277 : vector<16xf32>
          %add3A_279 = arith.addf %add3A_249, %mul3A_278 : vector<16xf32>
          %add3A_280 = arith.constant 32 : i32
          %add3A_281 = arith.addi %add3A_280, %scan3A_272 : i32
          %broadcast_in_dim3A_282 = vector.broadcast %add3A_281 : i32 to vector<16xi32>
          %gather3A_283 = tpu.vector_load_idx %arg17[%add3A_204, %broadcast_in_dim3A_282] : memref<48x128xf32, #tpu.memory_space<vmem>>[vector<16xi32>, vector<16xi32>], vector<16xf32>,
          %gather3A_284 = tpu.vector_load_idx %arg19[%add3A_204, %broadcast_in_dim3A_282] : memref<48x128xf32, #tpu.memory_space<vmem>>[vector<16xi32>, vector<16xi32>], vector<16xf32>,
          %mul3A_285 = arith.mulf %gather3A_283, %gather3A_284 : vector<16xf32>
          %add3A_286 = arith.addf %add3A_256, %mul3A_285 : vector<16xf32>
          %add3A_287 = arith.constant 64 : i32
          %add3A_288 = arith.addi %add3A_287, %scan3A_272 : i32
          %broadcast_in_dim3A_289 = vector.broadcast %add3A_288 : i32 to vector<16xi32>
          %gather3A_290 = tpu.vector_load_idx %arg17[%add3A_204, %broadcast_in_dim3A_289] : memref<48x128xf32, #tpu.memory_space<vmem>>[vector<16xi32>, vector<16xi32>], vector<16xf32>,
          %gather3A_291 = tpu.vector_load_idx %arg19[%add3A_204, %broadcast_in_dim3A_289] : memref<48x128xf32, #tpu.memory_space<vmem>>[vector<16xi32>, vector<16xi32>], vector<16xf32>,
          %mul3A_292 = arith.mulf %gather3A_290, %gather3A_291 : vector<16xf32>
          %add3A_293 = arith.addf %add3A_263, %mul3A_292 : vector<16xf32>
          %add3A_294 = arith.constant 96 : i32
          %add3A_295 = arith.addi %add3A_294, %scan3A_272 : i32
          %broadcast_in_dim3A_296 = vector.broadcast %add3A_295 : i32 to vector<16xi32>
          %gather3A_297 = tpu.vector_load_idx %arg17[%add3A_204, %broadcast_in_dim3A_296] : memref<48x128xf32, #tpu.memory_space<vmem>>[vector<16xi32>, vector<16xi32>], vector<16xf32>,
          %gather3A_298 = tpu.vector_load_idx %arg19[%add3A_204, %broadcast_in_dim3A_296] : memref<48x128xf32, #tpu.memory_space<vmem>>[vector<16xi32>, vector<16xi32>], vector<16xf32>,
          %mul3A_299 = arith.mulf %gather3A_297, %gather3A_298 : vector<16xf32>
          %add3A_300 = arith.addf %add3A_270, %mul3A_299 : vector<16xf32>
          %scan3A_301 = arith.constant 2 : i32
          %scan3A_302 = arith.addi %scan3A_239, %scan3A_301 : i32
          %add3A_303 = arith.constant 0 : i32
          %add3A_304 = arith.addi %add3A_303, %scan3A_302 : i32
          %broadcast_in_dim3A_305 = vector.broadcast %add3A_304 : i32 to vector<16xi32>
          %gather3A_306 = tpu.vector_load_idx %arg17[%add3A_204, %broadcast_in_dim3A_305] : memref<48x128xf32, #tpu.memory_space<vmem>>[vector<16xi32>, vector<16xi32>], vector<16xf32>,
          %gather3A_307 = tpu.vector_load_idx %arg19[%add3A_204, %broadcast_in_dim3A_305] : memref<48x128xf32, #tpu.memory_space<vmem>>[vector<16xi32>, vector<16xi32>], vector<16xf32>,
          %mul3A_308 = arith.mulf %gather3A_306, %gather3A_307 : vector<16xf32>
          %add3A_309 = arith.addf %add3A_279, %mul3A_308 : vector<16xf32>
          %add3A_310 = arith.constant 32 : i32
          %add3A_311 = arith.addi %add3A_310, %scan3A_302 : i32
          %broadcast_in_dim3A_312 = vector.broadcast %add3A_311 : i32 to vector<16xi32>
          %gather3A_313 = tpu.vector_load_idx %arg17[%add3A_204, %broadcast_in_dim3A_312] : memref<48x128xf32, #tpu.memory_space<vmem>>[vector<16xi32>, vector<16xi32>], vector<16xf32>,
          %gather3A_314 = tpu.vector_load_idx %arg19[%add3A_204, %broadcast_in_dim3A_312] : memref<48x128xf32, #tpu.memory_space<vmem>>[vector<16xi32>, vector<16xi32>], vector<16xf32>,
          %mul3A_315 = arith.mulf %gather3A_313, %gather3A_314 : vector<16xf32>
          %add3A_316 = arith.addf %add3A_286, %mul3A_315 : vector<16xf32>
          %add3A_317 = arith.constant 64 : i32
          %add3A_318 = arith.addi %add3A_317, %scan3A_302 : i32
          %broadcast_in_dim3A_319 = vector.broadcast %add3A_318 : i32 to vector<16xi32>
          %gather3A_320 = tpu.vector_load_idx %arg17[%add3A_204, %broadcast_in_dim3A_319] : memref<48x128xf32, #tpu.memory_space<vmem>>[vector<16xi32>, vector<16xi32>], vector<16xf32>,
          %gather3A_321 = tpu.vector_load_idx %arg19[%add3A_204, %broadcast_in_dim3A_319] : memref<48x128xf32, #tpu.memory_space<vmem>>[vector<16xi32>, vector<16xi32>], vector<16xf32>,
          %mul3A_322 = arith.mulf %gather3A_320, %gather3A_321 : vector<16xf32>
          %add3A_323 = arith.addf %add3A_293, %mul3A_322 : vector<16xf32>
          %add3A_324 = arith.constant 96 : i32
          %add3A_325 = arith.addi %add3A_324, %scan3A_302 : i32
          %broadcast_in_dim3A_326 = vector.broadcast %add3A_325 : i32 to vector<16xi32>
          %gather3A_327 = tpu.vector_load_idx %arg17[%add3A_204, %broadcast_in_dim3A_326] : memref<48x128xf32, #tpu.memory_space<vmem>>[vector<16xi32>, vector<16xi32>], vector<16xf32>,
          %gather3A_328 = tpu.vector_load_idx %arg19[%add3A_204, %broadcast_in_dim3A_326] : memref<48x128xf32, #tpu.memory_space<vmem>>[vector<16xi32>, vector<16xi32>], vector<16xf32>,
          %mul3A_329 = arith.mulf %gather3A_327, %gather3A_328 : vector<16xf32>
          %add3A_330 = arith.addf %add3A_300, %mul3A_329 : vector<16xf32>
          %scan3A_331 = arith.constant 3 : i32
          %scan3A_332 = arith.addi %scan3A_239, %scan3A_331 : i32
          %add3A_333 = arith.constant 0 : i32
          %add3A_334 = arith.addi %add3A_333, %scan3A_332 : i32
          %broadcast_in_dim3A_335 = vector.broadcast %add3A_334 : i32 to vector<16xi32>
          %gather3A_336 = tpu.vector_load_idx %arg17[%add3A_204, %broadcast_in_dim3A_335] : memref<48x128xf32, #tpu.memory_space<vmem>>[vector<16xi32>, vector<16xi32>], vector<16xf32>,
          %gather3A_337 = tpu.vector_load_idx %arg19[%add3A_204, %broadcast_in_dim3A_335] : memref<48x128xf32, #tpu.memory_space<vmem>>[vector<16xi32>, vector<16xi32>], vector<16xf32>,
          %mul3A_338 = arith.mulf %gather3A_336, %gather3A_337 : vector<16xf32>
          %add3A_339 = arith.addf %add3A_309, %mul3A_338 : vector<16xf32>
          %add3A_340 = arith.constant 32 : i32
          %add3A_341 = arith.addi %add3A_340, %scan3A_332 : i32
          %broadcast_in_dim3A_342 = vector.broadcast %add3A_341 : i32 to vector<16xi32>
          %gather3A_343 = tpu.vector_load_idx %arg17[%add3A_204, %broadcast_in_dim3A_342] : memref<48x128xf32, #tpu.memory_space<vmem>>[vector<16xi32>, vector<16xi32>], vector<16xf32>,
          %gather3A_344 = tpu.vector_load_idx %arg19[%add3A_204, %broadcast_in_dim3A_342] : memref<48x128xf32, #tpu.memory_space<vmem>>[vector<16xi32>, vector<16xi32>], vector<16xf32>,
          %mul3A_345 = arith.mulf %gather3A_343, %gather3A_344 : vector<16xf32>
          %add3A_346 = arith.addf %add3A_316, %mul3A_345 : vector<16xf32>
          %add3A_347 = arith.constant 64 : i32
          %add3A_348 = arith.addi %add3A_347, %scan3A_332 : i32
          %broadcast_in_dim3A_349 = vector.broadcast %add3A_348 : i32 to vector<16xi32>
          %gather3A_350 = tpu.vector_load_idx %arg17[%add3A_204, %broadcast_in_dim3A_349] : memref<48x128xf32, #tpu.memory_space<vmem>>[vector<16xi32>, vector<16xi32>], vector<16xf32>,
          %gather3A_351 = tpu.vector_load_idx %arg19[%add3A_204, %broadcast_in_dim3A_349] : memref<48x128xf32, #tpu.memory_space<vmem>>[vector<16xi32>, vector<16xi32>], vector<16xf32>,
          %mul3A_352 = arith.mulf %gather3A_350, %gather3A_351 : vector<16xf32>
          %add3A_353 = arith.addf %add3A_323, %mul3A_352 : vector<16xf32>
          %add3A_354 = arith.constant 96 : i32
          %add3A_355 = arith.addi %add3A_354, %scan3A_332 : i32
          %broadcast_in_dim3A_356 = vector.broadcast %add3A_355 : i32 to vector<16xi32>
          %gather3A_357 = tpu.vector_load_idx %arg17[%add3A_204, %broadcast_in_dim3A_356] : memref<48x128xf32, #tpu.memory_space<vmem>>[vector<16xi32>, vector<16xi32>], vector<16xf32>,
          %gather3A_358 = tpu.vector_load_idx %arg19[%add3A_204, %broadcast_in_dim3A_356] : memref<48x128xf32, #tpu.memory_space<vmem>>[vector<16xi32>, vector<16xi32>], vector<16xf32>,
          %mul3A_359 = arith.mulf %gather3A_357, %gather3A_358 : vector<16xf32>
          %add3A_360 = arith.addf %add3A_330, %mul3A_359 : vector<16xf32>
          scf.yield %add3A_339, %add3A_346, %add3A_353, %add3A_360 : vector<16xf32>, vector<16xf32>, vector<16xf32>, vector<16xf32>
        }
        %scan3A_212 = arith.constant 32 : i32
        %exp3A_213 = math.exp %scan3A_211#0 : vector<16xf32>
        %exp3A_214 = math.exp %scan3A_211#1 : vector<16xf32>
        %exp3A_215 = math.exp %scan3A_211#2 : vector<16xf32>
        %exp3A_216 = math.exp %scan3A_211#3 : vector<16xf32>
        %broadcast_in_dim3A_217 = arith.constant 0 : i32
        %broadcast_in_dim3A_218 = vector.broadcast %broadcast_in_dim3A_217 : i32 to vector<16xi32>
        tpu.vector_store_idx %arg22[%add3A_204, %broadcast_in_dim3A_218], %exp3A_213 : memref<48x16xf32, #tpu.memory_space<vmem>>[vector<16xi32>, vector<16xi32>], vector<16xf32>,
        %broadcast_in_dim3A_219 = arith.constant 1 : i32
        %broadcast_in_dim3A_220 = vector.broadcast %broadcast_in_dim3A_219 : i32 to vector<16xi32>
        tpu.vector_store_idx %arg22[%add3A_204, %broadcast_in_dim3A_220], %exp3A_214 : memref<48x16xf32, #tpu.memory_space<vmem>>[vector<16xi32>, vector<16xi32>], vector<16xf32>,
        %broadcast_in_dim3A_221 = arith.constant 2 : i32
        %broadcast_in_dim3A_222 = vector.broadcast %broadcast_in_dim3A_221 : i32 to vector<16xi32>
        tpu.vector_store_idx %arg22[%add3A_204, %broadcast_in_dim3A_222], %exp3A_215 : memref<48x16xf32, #tpu.memory_space<vmem>>[vector<16xi32>, vector<16xi32>], vector<16xf32>,
        %broadcast_in_dim3A_223 = arith.constant 3 : i32
        %broadcast_in_dim3A_224 = vector.broadcast %broadcast_in_dim3A_223 : i32 to vector<16xi32>
        tpu.vector_store_idx %arg22[%add3A_204, %broadcast_in_dim3A_224], %exp3A_216 : memref<48x16xf32, #tpu.memory_space<vmem>>[vector<16xi32>, vector<16xi32>], vector<16xf32>,
        %scan3A_225 = arith.constant 0 : i32
        %scan3A_226 = arith.constant 0 : i32
        %scan3A_227 = arith.constant 32 : i32
        %scan3A_228 = arith.addi %scan3A_226, %scan3A_227 : i32
        %scan3A_229 = arith.constant 4 : i32
        scf.for %scan3A_239 = %scan3A_226 to %scan3A_228 step %scan3A_229  : i32 {
          %add3A_240 = arith.constant 0 : i32
          %add3A_241 = arith.addi %add3A_240, %scan3A_239 : i32
          %broadcast_in_dim3A_242 = vector.broadcast %add3A_241 : i32 to vector<16xi32>
          %gather3A = tpu.vector_load_idx %arg21[%add3A_204, %broadcast_in_dim3A_242] : memref<48x128xf32, #tpu.memory_space<vmem>>[vector<16xi32>, vector<16xi32>], vector<16xf32>,
          %mul3A_243 = arith.mulf %gather3A, %exp3A_213 : vector<16xf32>
          tpu.vector_store_idx %arg21[%add3A_204, %broadcast_in_dim3A_242], %mul3A_243 : memref<48x128xf32, #tpu.memory_space<vmem>>[vector<16xi32>, vector<16xi32>], vector<16xf32>,
          %add3A_244 = arith.constant 32 : i32
          %add3A_245 = arith.addi %add3A_244, %scan3A_239 : i32
          %broadcast_in_dim3A_246 = vector.broadcast %add3A_245 : i32 to vector<16xi32>
          %gather3A_247 = tpu.vector_load_idx %arg21[%add3A_204, %broadcast_in_dim3A_246] : memref<48x128xf32, #tpu.memory_space<vmem>>[vector<16xi32>, vector<16xi32>], vector<16xf32>,
          %mul3A_248 = arith.mulf %gather3A_247, %exp3A_214 : vector<16xf32>
          tpu.vector_store_idx %arg21[%add3A_204, %broadcast_in_dim3A_246], %mul3A_248 : memref<48x128xf32, #tpu.memory_space<vmem>>[vector<16xi32>, vector<16xi32>], vector<16xf32>,
          %add3A_249 = arith.constant 64 : i32
          %add3A_250 = arith.addi %add3A_249, %scan3A_239 : i32
          %broadcast_in_dim3A_251 = vector.broadcast %add3A_250 : i32 to vector<16xi32>
          %gather3A_252 = tpu.vector_load_idx %arg21[%add3A_204, %broadcast_in_dim3A_251] : memref<48x128xf32, #tpu.memory_space<vmem>>[vector<16xi32>, vector<16xi32>], vector<16xf32>,
          %mul3A_253 = arith.mulf %gather3A_252, %exp3A_215 : vector<16xf32>
          tpu.vector_store_idx %arg21[%add3A_204, %broadcast_in_dim3A_251], %mul3A_253 : memref<48x128xf32, #tpu.memory_space<vmem>>[vector<16xi32>, vector<16xi32>], vector<16xf32>,
          %add3A_254 = arith.constant 96 : i32
          %add3A_255 = arith.addi %add3A_254, %scan3A_239 : i32
          %broadcast_in_dim3A_256 = vector.broadcast %add3A_255 : i32 to vector<16xi32>
          %gather3A_257 = tpu.vector_load_idx %arg21[%add3A_204, %broadcast_in_dim3A_256] : memref<48x128xf32, #tpu.memory_space<vmem>>[vector<16xi32>, vector<16xi32>], vector<16xf32>,
          %mul3A_258 = arith.mulf %gather3A_257, %exp3A_216 : vector<16xf32>
          tpu.vector_store_idx %arg21[%add3A_204, %broadcast_in_dim3A_256], %mul3A_258 : memref<48x128xf32, #tpu.memory_space<vmem>>[vector<16xi32>, vector<16xi32>], vector<16xf32>,
          %scan3A_259 = arith.constant 1 : i32
          %scan3A_260 = arith.addi %scan3A_239, %scan3A_259 : i32
          %add3A_261 = arith.constant 0 : i32
          %add3A_262 = arith.addi %add3A_261, %scan3A_260 : i32
          %broadcast_in_dim3A_263 = vector.broadcast %add3A_262 : i32 to vector<16xi32>
          %gather3A_264 = tpu.vector_load_idx %arg21[%add3A_204, %broadcast_in_dim3A_263] : memref<48x128xf32, #tpu.memory_space<vmem>>[vector<16xi32>, vector<16xi32>], vector<16xf32>,
          %mul3A_265 = arith.mulf %gather3A_264, %exp3A_213 : vector<16xf32>
          tpu.vector_store_idx %arg21[%add3A_204, %broadcast_in_dim3A_263], %mul3A_265 : memref<48x128xf32, #tpu.memory_space<vmem>>[vector<16xi32>, vector<16xi32>], vector<16xf32>,
          %add3A_266 = arith.constant 32 : i32
          %add3A_267 = arith.addi %add3A_266, %scan3A_260 : i32
          %broadcast_in_dim3A_268 = vector.broadcast %add3A_267 : i32 to vector<16xi32>
          %gather3A_269 = tpu.vector_load_idx %arg21[%add3A_204, %broadcast_in_dim3A_268] : memref<48x128xf32, #tpu.memory_space<vmem>>[vector<16xi32>, vector<16xi32>], vector<16xf32>,
          %mul3A_270 = arith.mulf %gather3A_269, %exp3A_214 : vector<16xf32>
          tpu.vector_store_idx %arg21[%add3A_204, %broadcast_in_dim3A_268], %mul3A_270 : memref<48x128xf32, #tpu.memory_space<vmem>>[vector<16xi32>, vector<16xi32>], vector<16xf32>,
          %add3A_271 = arith.constant 64 : i32
          %add3A_272 = arith.addi %add3A_271, %scan3A_260 : i32
          %broadcast_in_dim3A_273 = vector.broadcast %add3A_272 : i32 to vector<16xi32>
          %gather3A_274 = tpu.vector_load_idx %arg21[%add3A_204, %broadcast_in_dim3A_273] : memref<48x128xf32, #tpu.memory_space<vmem>>[vector<16xi32>, vector<16xi32>], vector<16xf32>,
          %mul3A_275 = arith.mulf %gather3A_274, %exp3A_215 : vector<16xf32>
          tpu.vector_store_idx %arg21[%add3A_204, %broadcast_in_dim3A_273], %mul3A_275 : memref<48x128xf32, #tpu.memory_space<vmem>>[vector<16xi32>, vector<16xi32>], vector<16xf32>,
          %add3A_276 = arith.constant 96 : i32
          %add3A_277 = arith.addi %add3A_276, %scan3A_260 : i32
          %broadcast_in_dim3A_278 = vector.broadcast %add3A_277 : i32 to vector<16xi32>
          %gather3A_279 = tpu.vector_load_idx %arg21[%add3A_204, %broadcast_in_dim3A_278] : memref<48x128xf32, #tpu.memory_space<vmem>>[vector<16xi32>, vector<16xi32>], vector<16xf32>,
          %mul3A_280 = arith.mulf %gather3A_279, %exp3A_216 : vector<16xf32>
          tpu.vector_store_idx %arg21[%add3A_204, %broadcast_in_dim3A_278], %mul3A_280 : memref<48x128xf32, #tpu.memory_space<vmem>>[vector<16xi32>, vector<16xi32>], vector<16xf32>,
          %scan3A_281 = arith.constant 2 : i32
          %scan3A_282 = arith.addi %scan3A_239, %scan3A_281 : i32
          %add3A_283 = arith.constant 0 : i32
          %add3A_284 = arith.addi %add3A_283, %scan3A_282 : i32
          %broadcast_in_dim3A_285 = vector.broadcast %add3A_284 : i32 to vector<16xi32>
          %gather3A_286 = tpu.vector_load_idx %arg21[%add3A_204, %broadcast_in_dim3A_285] : memref<48x128xf32, #tpu.memory_space<vmem>>[vector<16xi32>, vector<16xi32>], vector<16xf32>,
          %mul3A_287 = arith.mulf %gather3A_286, %exp3A_213 : vector<16xf32>
          tpu.vector_store_idx %arg21[%add3A_204, %broadcast_in_dim3A_285], %mul3A_287 : memref<48x128xf32, #tpu.memory_space<vmem>>[vector<16xi32>, vector<16xi32>], vector<16xf32>,
          %add3A_288 = arith.constant 32 : i32
          %add3A_289 = arith.addi %add3A_288, %scan3A_282 : i32
          %broadcast_in_dim3A_290 = vector.broadcast %add3A_289 : i32 to vector<16xi32>
          %gather3A_291 = tpu.vector_load_idx %arg21[%add3A_204, %broadcast_in_dim3A_290] : memref<48x128xf32, #tpu.memory_space<vmem>>[vector<16xi32>, vector<16xi32>], vector<16xf32>,
          %mul3A_292 = arith.mulf %gather3A_291, %exp3A_214 : vector<16xf32>
          tpu.vector_store_idx %arg21[%add3A_204, %broadcast_in_dim3A_290], %mul3A_292 : memref<48x128xf32, #tpu.memory_space<vmem>>[vector<16xi32>, vector<16xi32>], vector<16xf32>,
          %add3A_293 = arith.constant 64 : i32
          %add3A_294 = arith.addi %add3A_293, %scan3A_282 : i32
          %broadcast_in_dim3A_295 = vector.broadcast %add3A_294 : i32 to vector<16xi32>
          %gather3A_296 = tpu.vector_load_idx %arg21[%add3A_204, %broadcast_in_dim3A_295] : memref<48x128xf32, #tpu.memory_space<vmem>>[vector<16xi32>, vector<16xi32>], vector<16xf32>,
          %mul3A_297 = arith.mulf %gather3A_296, %exp3A_215 : vector<16xf32>
          tpu.vector_store_idx %arg21[%add3A_204, %broadcast_in_dim3A_295], %mul3A_297 : memref<48x128xf32, #tpu.memory_space<vmem>>[vector<16xi32>, vector<16xi32>], vector<16xf32>,
          %add3A_298 = arith.constant 96 : i32
          %add3A_299 = arith.addi %add3A_298, %scan3A_282 : i32
          %broadcast_in_dim3A_300 = vector.broadcast %add3A_299 : i32 to vector<16xi32>
          %gather3A_301 = tpu.vector_load_idx %arg21[%add3A_204, %broadcast_in_dim3A_300] : memref<48x128xf32, #tpu.memory_space<vmem>>[vector<16xi32>, vector<16xi32>], vector<16xf32>,
          %mul3A_302 = arith.mulf %gather3A_301, %exp3A_216 : vector<16xf32>
          tpu.vector_store_idx %arg21[%add3A_204, %broadcast_in_dim3A_300], %mul3A_302 : memref<48x128xf32, #tpu.memory_space<vmem>>[vector<16xi32>, vector<16xi32>], vector<16xf32>,
          %scan3A_303 = arith.constant 3 : i32
          %scan3A_304 = arith.addi %scan3A_239, %scan3A_303 : i32
          %add3A_305 = arith.constant 0 : i32
          %add3A_306 = arith.addi %add3A_305, %scan3A_304 : i32
          %broadcast_in_dim3A_307 = vector.broadcast %add3A_306 : i32 to vector<16xi32>
          %gather3A_308 = tpu.vector_load_idx %arg21[%add3A_204, %broadcast_in_dim3A_307] : memref<48x128xf32, #tpu.memory_space<vmem>>[vector<16xi32>, vector<16xi32>], vector<16xf32>,
          %mul3A_309 = arith.mulf %gather3A_308, %exp3A_213 : vector<16xf32>
          tpu.vector_store_idx %arg21[%add3A_204, %broadcast_in_dim3A_307], %mul3A_309 : memref<48x128xf32, #tpu.memory_space<vmem>>[vector<16xi32>, vector<16xi32>], vector<16xf32>,
          %add3A_310 = arith.constant 32 : i32
          %add3A_311 = arith.addi %add3A_310, %scan3A_304 : i32
          %broadcast_in_dim3A_312 = vector.broadcast %add3A_311 : i32 to vector<16xi32>
          %gather3A_313 = tpu.vector_load_idx %arg21[%add3A_204, %broadcast_in_dim3A_312] : memref<48x128xf32, #tpu.memory_space<vmem>>[vector<16xi32>, vector<16xi32>], vector<16xf32>,
          %mul3A_314 = arith.mulf %gather3A_313, %exp3A_214 : vector<16xf32>
          tpu.vector_store_idx %arg21[%add3A_204, %broadcast_in_dim3A_312], %mul3A_314 : memref<48x128xf32, #tpu.memory_space<vmem>>[vector<16xi32>, vector<16xi32>], vector<16xf32>,
          %add3A_315 = arith.constant 64 : i32
          %add3A_316 = arith.addi %add3A_315, %scan3A_304 : i32
          %broadcast_in_dim3A_317 = vector.broadcast %add3A_316 : i32 to vector<16xi32>
          %gather3A_318 = tpu.vector_load_idx %arg21[%add3A_204, %broadcast_in_dim3A_317] : memref<48x128xf32, #tpu.memory_space<vmem>>[vector<16xi32>, vector<16xi32>], vector<16xf32>,
          %mul3A_319 = arith.mulf %gather3A_318, %exp3A_215 : vector<16xf32>
          tpu.vector_store_idx %arg21[%add3A_204, %broadcast_in_dim3A_317], %mul3A_319 : memref<48x128xf32, #tpu.memory_space<vmem>>[vector<16xi32>, vector<16xi32>], vector<16xf32>,
          %add3A_320 = arith.constant 96 : i32
          %add3A_321 = arith.addi %add3A_320, %scan3A_304 : i32
          %broadcast_in_dim3A_322 = vector.broadcast %add3A_321 : i32 to vector<16xi32>
          %gather3A_323 = tpu.vector_load_idx %arg21[%add3A_204, %broadcast_in_dim3A_322] : memref<48x128xf32, #tpu.memory_space<vmem>>[vector<16xi32>, vector<16xi32>], vector<16xf32>,
          %mul3A_324 = arith.mulf %gather3A_323, %exp3A_216 : vector<16xf32>
          tpu.vector_store_idx %arg21[%add3A_204, %broadcast_in_dim3A_322], %mul3A_324 : memref<48x128xf32, #tpu.memory_space<vmem>>[vector<16xi32>, vector<16xi32>], vector<16xf32>,
        }
        %scan3A_230 = arith.constant 32 : i32
        "tpu.region"() ({
          %run_scoped3A = tpu.sem_alloc : memref<!tpu.dma_semaphore, #tpu.memory_space<semaphore_mem>>
          %dma_start3A_239 = arith.constant 0 : i32
          %dma_start3A_240 = arith.constant 0 : i32
          %dma_start3A_241 = tpu.memref_slice %arg10[%dma_start3A_239, %dma_start3A_240] : memref<10112x128xf32, #tpu.memory_space<vmem_shared>> -> memref<10112x128xf32, #tpu.memory_space<vmem_shared>>
          tpu.enqueue_indirect_dma source(%arg21 : memref<48x128xf32, #tpu.memory_space<vmem>>) target(%dma_start3A_241 : memref<10112x128xf32, #tpu.memory_space<vmem_shared>>) offsets(%arg15 : memref<48xi32, #tpu.memory_space<vmem>>) semaphore(%run_scoped3A : memref<!tpu.dma_semaphore, #tpu.memory_space<semaphore_mem>>) {add = true}
          %dma_wait3A_242 = arith.constant 0 : i32
          %dma_wait3A_243 = arith.constant 0 : i32
          %dma_wait3A_244 = tpu.memref_slice %arg10[%dma_wait3A_242, %dma_wait3A_243] : memref<10112x128xf32, #tpu.memory_space<vmem_shared>> -> memref<10112x128xf32, #tpu.memory_space<vmem_shared>>
          tpu.wait_indirect_dma semaphore(%run_scoped3A : memref<!tpu.dma_semaphore, #tpu.memory_space<semaphore_mem>>) src(%arg21 : memref<48x128xf32, #tpu.memory_space<vmem>>) dst(%dma_wait3A_244 : memref<10112x128xf32, #tpu.memory_space<vmem_shared>>)
          tpu.yield
        }) : () -> ()
        %mul3A_231 = arith.constant 330240 : i32
        %mul3A_232 = arith.muli %arg0, %mul3A_231 : i32
        %mul3A_233 = arith.constant 20640 : i32
        %mul3A_234 = arith.muli %arg1, %mul3A_233 : i32
        %add3A_235 = arith.addi %mul3A_232, %mul3A_234 : i32
        %mul3A_236 = arith.constant 48 : i32
        %mul3A_237 = arith.muli %add3A_73, %mul3A_236 : i32
        %add3A_238 = arith.addi %add3A_235, %mul3A_237 : i32
        "tpu.region"() ({
          %run_scoped3A = tpu.sem_alloc : memref<!tpu.dma_semaphore, #tpu.memory_space<semaphore_mem>>
          %dma_start3A_239 = arith.constant 0 : i32
          %dma_start3A_240 = tpu.memref_slice %arg9[%add3A_238, %dma_start3A_239] : memref<660480x16xf32, #tpu.memory_space<hbm>> -> memref<48x16xf32, #tpu.memory_space<hbm>>
          %dma_start3A_241 = arith.constant 0 : i32
          %dma_start3A_242 = tpu.memref_slice %arg9[%add3A_238, %dma_start3A_241] : memref<660480x16xf32, #tpu.memory_space<hbm>> -> memref<48x16xf32, #tpu.memory_space<hbm>>
          tpu.enqueue_dma source(%arg22 : memref<48x16xf32, #tpu.memory_space<vmem>>) target(%dma_start3A_242 : memref<48x16xf32, #tpu.memory_space<hbm>>) target_semaphore(%run_scoped3A : memref<!tpu.dma_semaphore, #tpu.memory_space<semaphore_mem>>)
          %dma_wait3A_243 = arith.constant 0 : i32
          %dma_wait3A_244 = tpu.memref_slice %arg9[%add3A_238, %dma_wait3A_243] : memref<660480x16xf32, #tpu.memory_space<hbm>> -> memref<48x16xf32, #tpu.memory_space<hbm>>
          %dma_wait3A_245 = arith.constant 0 : i32
          %dma_wait3A_246 = tpu.memref_slice %arg9[%add3A_238, %dma_wait3A_245] : memref<660480x16xf32, #tpu.memory_space<hbm>> -> memref<48x16xf32, #tpu.memory_space<hbm>>
          tpu.wait_dma2 semaphore(%run_scoped3A : memref<!tpu.dma_semaphore, #tpu.memory_space<semaphore_mem>>) src(%arg22 : memref<48x16xf32, #tpu.memory_space<vmem>>) dst(%dma_wait3A_246 : memref<48x16xf32, #tpu.memory_space<hbm>>)
          tpu.yield
        }) : () -> ()
      } else {
      }
    }
    %scan3A_61 = arith.constant 430 : i32
    %barrier3A_62 = arith.constant 0 : index
    tpu.barrier barrier_id(%barrier3A_62)
    %mul3A_63 = arith.constant 10112 : i32
    %mul3A_64 = arith.muli %arg0, %mul3A_63 : i32
    %mul3A_65 = arith.constant 632 : i32
    %mul3A_66 = arith.muli %arg1, %mul3A_65 : i32
    %add3A = arith.addi %mul3A_64, %mul3A_66 : i32
    %mul3A_67 = arith.constant 632 : i32
    %mul3A_68 = arith.muli %arg1, %mul3A_67 : i32
    "tpu.region"() ({
      %run_scoped3A = tpu.sem_alloc : memref<!tpu.dma_semaphore, #tpu.memory_space<semaphore_mem>>
      %dma_start3A_69 = arith.constant 0 : i32
      %dma_start3A_70 = tpu.memref_slice %arg8[%add3A, %dma_start3A_69] : memref<20224x128xf32, #tpu.memory_space<hbm>> -> memref<632x128xf32, #tpu.memory_space<hbm>>
      %dma_start3A_71 = arith.constant 0 : i32
      %dma_start3A_72 = tpu.memref_slice %arg10[%mul3A_68, %dma_start3A_71] : memref<10112x128xf32, #tpu.memory_space<vmem_shared>> -> memref<632x128xf32, #tpu.memory_space<vmem_shared>>
      tpu.enqueue_dma source(%dma_start3A_72 : memref<632x128xf32, #tpu.memory_space<vmem_shared>>) target(%dma_start3A_70 : memref<632x128xf32, #tpu.memory_space<hbm>>) target_semaphore(%run_scoped3A : memref<!tpu.dma_semaphore, #tpu.memory_space<semaphore_mem>>)
      %dma_wait3A_73 = arith.constant 0 : i32
      %dma_wait3A_74 = tpu.memref_slice %arg8[%add3A, %dma_wait3A_73] : memref<20224x128xf32, #tpu.memory_space<hbm>> -> memref<632x128xf32, #tpu.memory_space<hbm>>
      %dma_wait3A_75 = arith.constant 0 : i32
      %dma_wait3A_76 = tpu.memref_slice %arg10[%mul3A_68, %dma_wait3A_75] : memref<10112x128xf32, #tpu.memory_space<vmem_shared>> -> memref<632x128xf32, #tpu.memory_space<vmem_shared>>
      tpu.wait_dma2 semaphore(%run_scoped3A : memref<!tpu.dma_semaphore, #tpu.memory_space<semaphore_mem>>) src(%dma_wait3A_76 : memref<632x128xf32, #tpu.memory_space<vmem_shared>>) dst(%dma_wait3A_74 : memref<632x128xf32, #tpu.memory_space<hbm>>)
      tpu.yield
    }) : () -> ()
    return
  }
}

#map = affine_map<(d0, d1) -> (0, 0)>
#map1 = affine_map<(d0, d1) -> (0)>
module attributes {stable_mosaic.version = 14 : i64} {
  func.func @k(%arg0: i32, %arg1: i32, %arg2: memref<660480x16xf32, #tpu.memory_space<hbm>>, %arg3: memref<330240xi32, #tpu.memory_space<hbm>>, %arg4: memref<632x128xf32, #tpu.memory_space<hbm>>, %arg5: memref<20224x128xf32, #tpu.memory_space<hbm>>, %arg6: memref<10112x128xf32, #tpu.memory_space<vmem_shared>>, %arg7: memref<48xi32, #tpu.memory_space<vmem>>, %arg8: memref<48x16xf32, #tpu.memory_space<vmem>>, %arg9: memref<48x128xf32, #tpu.memory_space<vmem>>) attributes {dimension_semantics = [#tpu.dimension_semantics<core_parallel>, #tpu.dimension_semantics<subcore_parallel>], iteration_bounds = array<i64: 2, 16>, scalar_prefetch = 0 : i64, scratch_operands = 4 : i64, tpu.core_type = #tpu.core_type<sc_vector_subcore>, window_params = [{transform_indices = #map}, {transform_indices = #map1}, {transform_indices = #map}, {transform_indices = #map}]} {
    %mul3A = arith.constant 632 : i32
    %mul3A_0 = arith.muli %arg1, %mul3A : i32
    "tpu.region"() ({
      %run_scoped3A = tpu.sem_alloc : memref<!tpu.dma_semaphore, #tpu.memory_space<semaphore_mem>>
      %dma_start3A = arith.constant 0 : i32
      %dma_start3A_18 = tpu.memref_slice %arg6[%mul3A_0, %dma_start3A] : memref<10112x128xf32, #tpu.memory_space<vmem_shared>> -> memref<632x128xf32, #tpu.memory_space<vmem_shared>>
      tpu.enqueue_dma source(%arg4 : memref<632x128xf32, #tpu.memory_space<hbm>>) target(%dma_start3A_18 : memref<632x128xf32, #tpu.memory_space<vmem_shared>>) target_semaphore(%run_scoped3A : memref<!tpu.dma_semaphore, #tpu.memory_space<semaphore_mem>>)
      %dma_wait3A = arith.constant 0 : i32
      %dma_wait3A_19 = tpu.memref_slice %arg6[%mul3A_0, %dma_wait3A] : memref<10112x128xf32, #tpu.memory_space<vmem_shared>> -> memref<632x128xf32, #tpu.memory_space<vmem_shared>>
      tpu.wait_dma2 semaphore(%run_scoped3A : memref<!tpu.dma_semaphore, #tpu.memory_space<semaphore_mem>>) src(%arg4 : memref<632x128xf32, #tpu.memory_space<hbm>>) dst(%dma_wait3A_19 : memref<632x128xf32, #tpu.memory_space<vmem_shared>>)
      tpu.yield
    }) : () -> ()
    %broadcast_in_dim3A = arith.constant 0.000000e+00 : f32
    %broadcast_in_dim3A_1 = vector.broadcast %broadcast_in_dim3A : f32 to vector<16xf32>
    %scan3A = arith.constant 0 : i32
    %scan3A_2 = arith.constant 48 : i32
    %scan3A_3 = arith.addi %scan3A, %scan3A_2 : i32
    %scan3A_4 = arith.constant 1 : i32
    scf.for %scan3A_18 = %scan3A to %scan3A_3 step %scan3A_4  : i32 {
      %mul3A_19 = arith.constant 1 : i32
      %mul3A_20 = arith.muli %scan3A_18, %mul3A_19 : i32
      %add3A_21 = arith.constant 0 : i32
      %add3A_22 = arith.addi %add3A_21, %mul3A_20 : i32
      %swap3A = arith.index_cast %add3A_22 : i32 to index
      %swap3A_23 = arith.constant 0 : index
      %swap3A_24 = tpu.vector_load %arg9[%swap3A, %swap3A_23] {strides = array<i32>} : memref<48x128xf32, #tpu.memory_space<vmem>>, vector<1x16xf32>,
      %swap3A_25 = vector.shape_cast %swap3A_24 : vector<1x16xf32> to vector<16xf32>
      %swap3A_26 = vector.shape_cast %broadcast_in_dim3A_1 : vector<16xf32> to vector<1x16xf32>
      tpu.vector_store %arg9[%swap3A, %swap3A_23], %swap3A_26 {strides = array<i32>} : memref<48x128xf32, #tpu.memory_space<vmem>>, vector<1x16xf32>,
      %swap3A_27 = arith.index_cast %add3A_22 : i32 to index
      %swap3A_28 = arith.constant 16 : index
      %swap3A_29 = tpu.vector_load %arg9[%swap3A_27, %swap3A_28] {strides = array<i32>} : memref<48x128xf32, #tpu.memory_space<vmem>>, vector<1x16xf32>,
      %swap3A_30 = vector.shape_cast %swap3A_29 : vector<1x16xf32> to vector<16xf32>
      %swap3A_31 = vector.shape_cast %broadcast_in_dim3A_1 : vector<16xf32> to vector<1x16xf32>
      tpu.vector_store %arg9[%swap3A_27, %swap3A_28], %swap3A_31 {strides = array<i32>} : memref<48x128xf32, #tpu.memory_space<vmem>>, vector<1x16xf32>,
      %swap3A_32 = arith.index_cast %add3A_22 : i32 to index
      %swap3A_33 = arith.constant 32 : index
      %swap3A_34 = tpu.vector_load %arg9[%swap3A_32, %swap3A_33] {strides = array<i32>} : memref<48x128xf32, #tpu.memory_space<vmem>>, vector<1x16xf32>,
      %swap3A_35 = vector.shape_cast %swap3A_34 : vector<1x16xf32> to vector<16xf32>
      %swap3A_36 = vector.shape_cast %broadcast_in_dim3A_1 : vector<16xf32> to vector<1x16xf32>
      tpu.vector_store %arg9[%swap3A_32, %swap3A_33], %swap3A_36 {strides = array<i32>} : memref<48x128xf32, #tpu.memory_space<vmem>>, vector<1x16xf32>,
      %swap3A_37 = arith.index_cast %add3A_22 : i32 to index
      %swap3A_38 = arith.constant 48 : index
      %swap3A_39 = tpu.vector_load %arg9[%swap3A_37, %swap3A_38] {strides = array<i32>} : memref<48x128xf32, #tpu.memory_space<vmem>>, vector<1x16xf32>,
      %swap3A_40 = vector.shape_cast %swap3A_39 : vector<1x16xf32> to vector<16xf32>
      %swap3A_41 = vector.shape_cast %broadcast_in_dim3A_1 : vector<16xf32> to vector<1x16xf32>
      tpu.vector_store %arg9[%swap3A_37, %swap3A_38], %swap3A_41 {strides = array<i32>} : memref<48x128xf32, #tpu.memory_space<vmem>>, vector<1x16xf32>,
      %swap3A_42 = arith.index_cast %add3A_22 : i32 to index
      %swap3A_43 = arith.constant 64 : index
      %swap3A_44 = tpu.vector_load %arg9[%swap3A_42, %swap3A_43] {strides = array<i32>} : memref<48x128xf32, #tpu.memory_space<vmem>>, vector<1x16xf32>,
      %swap3A_45 = vector.shape_cast %swap3A_44 : vector<1x16xf32> to vector<16xf32>
      %swap3A_46 = vector.shape_cast %broadcast_in_dim3A_1 : vector<16xf32> to vector<1x16xf32>
      tpu.vector_store %arg9[%swap3A_42, %swap3A_43], %swap3A_46 {strides = array<i32>} : memref<48x128xf32, #tpu.memory_space<vmem>>, vector<1x16xf32>,
      %swap3A_47 = arith.index_cast %add3A_22 : i32 to index
      %swap3A_48 = arith.constant 80 : index
      %swap3A_49 = tpu.vector_load %arg9[%swap3A_47, %swap3A_48] {strides = array<i32>} : memref<48x128xf32, #tpu.memory_space<vmem>>, vector<1x16xf32>,
      %swap3A_50 = vector.shape_cast %swap3A_49 : vector<1x16xf32> to vector<16xf32>
      %swap3A_51 = vector.shape_cast %broadcast_in_dim3A_1 : vector<16xf32> to vector<1x16xf32>
      tpu.vector_store %arg9[%swap3A_47, %swap3A_48], %swap3A_51 {strides = array<i32>} : memref<48x128xf32, #tpu.memory_space<vmem>>, vector<1x16xf32>,
      %swap3A_52 = arith.index_cast %add3A_22 : i32 to index
      %swap3A_53 = arith.constant 96 : index
      %swap3A_54 = tpu.vector_load %arg9[%swap3A_52, %swap3A_53] {strides = array<i32>} : memref<48x128xf32, #tpu.memory_space<vmem>>, vector<1x16xf32>,
      %swap3A_55 = vector.shape_cast %swap3A_54 : vector<1x16xf32> to vector<16xf32>
      %swap3A_56 = vector.shape_cast %broadcast_in_dim3A_1 : vector<16xf32> to vector<1x16xf32>
      tpu.vector_store %arg9[%swap3A_52, %swap3A_53], %swap3A_56 {strides = array<i32>} : memref<48x128xf32, #tpu.memory_space<vmem>>, vector<1x16xf32>,
      %swap3A_57 = arith.index_cast %add3A_22 : i32 to index
      %swap3A_58 = arith.constant 112 : index
      %swap3A_59 = tpu.vector_load %arg9[%swap3A_57, %swap3A_58] {strides = array<i32>} : memref<48x128xf32, #tpu.memory_space<vmem>>, vector<1x16xf32>,
      %swap3A_60 = vector.shape_cast %swap3A_59 : vector<1x16xf32> to vector<16xf32>
      %swap3A_61 = vector.shape_cast %broadcast_in_dim3A_1 : vector<16xf32> to vector<1x16xf32>
      tpu.vector_store %arg9[%swap3A_57, %swap3A_58], %swap3A_61 {strides = array<i32>} : memref<48x128xf32, #tpu.memory_space<vmem>>, vector<1x16xf32>,
    }
    %scan3A_5 = arith.constant 48 : i32
    %barrier3A = arith.constant 0 : index
    tpu.barrier barrier_id(%barrier3A)
    %scan3A_6 = arith.constant 0 : i32
    %scan3A_7 = arith.constant 430 : i32
    %scan3A_8 = arith.addi %scan3A_6, %scan3A_7 : i32
    %scan3A_9 = arith.constant 1 : i32
    scf.for %scan3A_18 = %scan3A_6 to %scan3A_8 step %scan3A_9  : i32 {
      %mul3A_19 = arith.constant 1 : i32
      %mul3A_20 = arith.muli %scan3A_18, %mul3A_19 : i32
      %add3A_21 = arith.constant 0 : i32
      %add3A_22 = arith.addi %add3A_21, %mul3A_20 : i32
      %mul3A_23 = arith.constant 20640 : i32
      %mul3A_24 = arith.muli %arg1, %mul3A_23 : i32
      %mul3A_25 = arith.constant 48 : i32
      %mul3A_26 = arith.muli %add3A_22, %mul3A_25 : i32
      %add3A_27 = arith.addi %mul3A_24, %mul3A_26 : i32
      "tpu.region"() ({
        %run_scoped3A = tpu.sem_alloc : memref<!tpu.dma_semaphore, #tpu.memory_space<semaphore_mem>>
        %dma_start3A = tpu.memref_slice %arg3[%add3A_27] : memref<330240xi32, #tpu.memory_space<hbm>> -> memref<48xi32, #tpu.memory_space<hbm>>
        %dma_start3A_36 = tpu.memref_slice %arg3[%add3A_27] : memref<330240xi32, #tpu.memory_space<hbm>> -> memref<48xi32, #tpu.memory_space<hbm>>
        tpu.enqueue_dma source(%dma_start3A_36 : memref<48xi32, #tpu.memory_space<hbm>>) target(%arg7 : memref<48xi32, #tpu.memory_space<vmem>>) target_semaphore(%run_scoped3A : memref<!tpu.dma_semaphore, #tpu.memory_space<semaphore_mem>>)
        %dma_wait3A = tpu.memref_slice %arg3[%add3A_27] : memref<330240xi32, #tpu.memory_space<hbm>> -> memref<48xi32, #tpu.memory_space<hbm>>
        %dma_wait3A_37 = tpu.memref_slice %arg3[%add3A_27] : memref<330240xi32, #tpu.memory_space<hbm>> -> memref<48xi32, #tpu.memory_space<hbm>>
        tpu.wait_dma2 semaphore(%run_scoped3A : memref<!tpu.dma_semaphore, #tpu.memory_space<semaphore_mem>>) src(%dma_wait3A_37 : memref<48xi32, #tpu.memory_space<hbm>>) dst(%arg7 : memref<48xi32, #tpu.memory_space<vmem>>)
        tpu.yield
      }) : () -> ()
      %mul3A_28 = arith.constant 330240 : i32
      %mul3A_29 = arith.muli %arg0, %mul3A_28 : i32
      %add3A_30 = arith.addi %mul3A_29, %add3A_27 : i32
      "tpu.region"() ({
        %run_scoped3A = tpu.sem_alloc : memref<!tpu.dma_semaphore, #tpu.memory_space<semaphore_mem>>
        %dma_start3A = arith.constant 0 : i32
        %dma_start3A_36 = tpu.memref_slice %arg2[%add3A_30, %dma_start3A] : memref<660480x16xf32, #tpu.memory_space<hbm>> -> memref<48x16xf32, #tpu.memory_space<hbm>>
        %dma_start3A_37 = arith.constant 0 : i32
        %dma_start3A_38 = tpu.memref_slice %arg2[%add3A_30, %dma_start3A_37] : memref<660480x16xf32, #tpu.memory_space<hbm>> -> memref<48x16xf32, #tpu.memory_space<hbm>>
        tpu.enqueue_dma source(%dma_start3A_38 : memref<48x16xf32, #tpu.memory_space<hbm>>) target(%arg8 : memref<48x16xf32, #tpu.memory_space<vmem>>) target_semaphore(%run_scoped3A : memref<!tpu.dma_semaphore, #tpu.memory_space<semaphore_mem>>)
        %dma_wait3A = arith.constant 0 : i32
        %dma_wait3A_39 = tpu.memref_slice %arg2[%add3A_30, %dma_wait3A] : memref<660480x16xf32, #tpu.memory_space<hbm>> -> memref<48x16xf32, #tpu.memory_space<hbm>>
        %dma_wait3A_40 = arith.constant 0 : i32
        %dma_wait3A_41 = tpu.memref_slice %arg2[%add3A_30, %dma_wait3A_40] : memref<660480x16xf32, #tpu.memory_space<hbm>> -> memref<48x16xf32, #tpu.memory_space<hbm>>
        tpu.wait_dma2 semaphore(%run_scoped3A : memref<!tpu.dma_semaphore, #tpu.memory_space<semaphore_mem>>) src(%dma_wait3A_41 : memref<48x16xf32, #tpu.memory_space<hbm>>) dst(%arg8 : memref<48x16xf32, #tpu.memory_space<vmem>>)
        tpu.yield
      }) : () -> ()
      %scan3A_31 = arith.constant 0 : i32
      %scan3A_32 = arith.constant 48 : i32
      %scan3A_33 = arith.addi %scan3A_31, %scan3A_32 : i32
      %scan3A_34 = arith.constant 1 : i32
      scf.for %scan3A_36 = %scan3A_31 to %scan3A_33 step %scan3A_34  : i32 {
        %mul3A_37 = arith.constant 1 : i32
        %mul3A_38 = arith.muli %scan3A_36, %mul3A_37 : i32
        %add3A_39 = arith.constant 0 : i32
        %add3A_40 = arith.addi %add3A_39, %mul3A_38 : i32
        %get3A = arith.index_cast %add3A_40 : i32 to index
        %get3A_41 = arith.constant 0 : index
        %get3A_42 = tpu.vector_load %arg8[%get3A, %get3A_41] {strides = array<i32>} : memref<48x16xf32, #tpu.memory_space<vmem>>, vector<1x16xf32>,
        %get3A_43 = vector.shape_cast %get3A_42 : vector<1x16xf32> to vector<16xf32>
        %swap3A = arith.index_cast %add3A_40 : i32 to index
        %swap3A_44 = arith.constant 0 : index
        %swap3A_45 = tpu.vector_load %arg9[%swap3A, %swap3A_44] {strides = array<i32>} : memref<48x128xf32, #tpu.memory_space<vmem>>, vector<1x16xf32>,
        %swap3A_46 = vector.shape_cast %swap3A_45 : vector<1x16xf32> to vector<16xf32>
        %swap3A_47 = vector.shape_cast %get3A_43 : vector<16xf32> to vector<1x16xf32>
        tpu.vector_store %arg9[%swap3A, %swap3A_44], %swap3A_47 {strides = array<i32>} : memref<48x128xf32, #tpu.memory_space<vmem>>, vector<1x16xf32>,
      }
      %scan3A_35 = arith.constant 48 : i32
      "tpu.region"() ({
        %run_scoped3A = tpu.sem_alloc : memref<!tpu.dma_semaphore, #tpu.memory_space<semaphore_mem>>
        %dma_start3A = arith.constant 0 : i32
        %dma_start3A_36 = arith.constant 0 : i32
        %dma_start3A_37 = tpu.memref_slice %arg6[%dma_start3A, %dma_start3A_36] : memref<10112x128xf32, #tpu.memory_space<vmem_shared>> -> memref<10112x128xf32, #tpu.memory_space<vmem_shared>>
        tpu.enqueue_indirect_dma source(%arg9 : memref<48x128xf32, #tpu.memory_space<vmem>>) target(%dma_start3A_37 : memref<10112x128xf32, #tpu.memory_space<vmem_shared>>) offsets(%arg7 : memref<48xi32, #tpu.memory_space<vmem>>) semaphore(%run_scoped3A : memref<!tpu.dma_semaphore, #tpu.memory_space<semaphore_mem>>) {add = true}
        %dma_wait3A = arith.constant 0 : i32
        %dma_wait3A_38 = arith.constant 0 : i32
        %dma_wait3A_39 = tpu.memref_slice %arg6[%dma_wait3A, %dma_wait3A_38] : memref<10112x128xf32, #tpu.memory_space<vmem_shared>> -> memref<10112x128xf32, #tpu.memory_space<vmem_shared>>
        tpu.wait_indirect_dma semaphore(%run_scoped3A : memref<!tpu.dma_semaphore, #tpu.memory_space<semaphore_mem>>) src(%arg9 : memref<48x128xf32, #tpu.memory_space<vmem>>) dst(%dma_wait3A_39 : memref<10112x128xf32, #tpu.memory_space<vmem_shared>>)
        tpu.yield
      }) : () -> ()
    }
    %scan3A_10 = arith.constant 430 : i32
    %barrier3A_11 = arith.constant 0 : index
    tpu.barrier barrier_id(%barrier3A_11)
    %mul3A_12 = arith.constant 10112 : i32
    %mul3A_13 = arith.muli %arg0, %mul3A_12 : i32
    %mul3A_14 = arith.constant 632 : i32
    %mul3A_15 = arith.muli %arg1, %mul3A_14 : i32
    %add3A = arith.addi %mul3A_13, %mul3A_15 : i32
    %mul3A_16 = arith.constant 632 : i32
    %mul3A_17 = arith.muli %arg1, %mul3A_16 : i32
    "tpu.region"() ({
      %run_scoped3A = tpu.sem_alloc : memref<!tpu.dma_semaphore, #tpu.memory_space<semaphore_mem>>
      %dma_start3A = arith.constant 0 : i32
      %dma_start3A_18 = tpu.memref_slice %arg5[%add3A, %dma_start3A] : memref<20224x128xf32, #tpu.memory_space<hbm>> -> memref<632x128xf32, #tpu.memory_space<hbm>>
      %dma_start3A_19 = arith.constant 0 : i32
      %dma_start3A_20 = tpu.memref_slice %arg6[%mul3A_17, %dma_start3A_19] : memref<10112x128xf32, #tpu.memory_space<vmem_shared>> -> memref<632x128xf32, #tpu.memory_space<vmem_shared>>
      tpu.enqueue_dma source(%dma_start3A_20 : memref<632x128xf32, #tpu.memory_space<vmem_shared>>) target(%dma_start3A_18 : memref<632x128xf32, #tpu.memory_space<hbm>>) target_semaphore(%run_scoped3A : memref<!tpu.dma_semaphore, #tpu.memory_space<semaphore_mem>>)
      %dma_wait3A = arith.constant 0 : i32
      %dma_wait3A_21 = tpu.memref_slice %arg5[%add3A, %dma_wait3A] : memref<20224x128xf32, #tpu.memory_space<hbm>> -> memref<632x128xf32, #tpu.memory_space<hbm>>
      %dma_wait3A_22 = arith.constant 0 : i32
      %dma_wait3A_23 = tpu.memref_slice %arg6[%mul3A_17, %dma_wait3A_22] : memref<10112x128xf32, #tpu.memory_space<vmem_shared>> -> memref<632x128xf32, #tpu.memory_space<vmem_shared>>
      tpu.wait_dma2 semaphore(%run_scoped3A : memref<!tpu.dma_semaphore, #tpu.memory_space<semaphore_mem>>) src(%dma_wait3A_23 : memref<632x128xf32, #tpu.memory_space<vmem_shared>>) dst(%dma_wait3A_21 : memref<632x128xf32, #tpu.memory_space<hbm>>)
      tpu.yield
    }) : () -> ()
    return
  }
}

module attributes {stable_mosaic.version = 14 : i64} {
  func.func @body(%arg0: i32, %arg1: memref<512x256xf32, #tpu.memory_space<vmem>>, %arg2: memref<256x768xf32, #tpu.memory_space<vmem>>, %arg3: memref<1x768xf32, #tpu.memory_space<vmem>>, %arg4: memref<512x768xf32, #tpu.memory_space<vmem>>) attributes {dimension_semantics = [#tpu.dimension_semantics<arbitrary>], iteration_bounds = array<i64: 20>, scalar_prefetch = 0 : i64, scratch_operands = 0 : i64, tpu.core_type = #tpu.core_type<tc>, window_params = [{transform_indices = @transform_0, window_bounds = array<i64: 512, 256>}, {pipeline_mode = #tpu.pipeline_mode<synchronous>, transform_indices = @transform_1, window_bounds = array<i64: 256, 768>}, {pipeline_mode = #tpu.pipeline_mode<synchronous>, transform_indices = @transform_2, window_bounds = array<i64: 1, 768>}, {transform_indices = @transform_3, window_bounds = array<i64: 512, 768>}]} {
    %get3A = arith.constant 0 : index
    %get3A_0 = arith.constant 0 : index
    %get3A_1 = vector.load %arg1[%get3A, %get3A_0] : memref<512x256xf32, #tpu.memory_space<vmem>>, vector<512x256xf32>
    %get3A_2 = arith.constant 0 : index
    %get3A_3 = arith.constant 0 : index
    %get3A_4 = vector.load %arg2[%get3A_2, %get3A_3] : memref<256x768xf32, #tpu.memory_space<vmem>>, vector<256x768xf32>
    %dot_general3A = arith.constant dense<0.000000e+00> : vector<512x768xf32>
    %dot_general3A_5 = tpu.matmul %get3A_1, %get3A_4, %dot_general3A {dimension_numbers = #tpu.dot_dimension_numbers<[1], [0], [0], [1], [0, 0, 1, 1], [], []>, transpose_lhs_hint = false} : vector<512x256xf32>, vector<256x768xf32>, vector<512x768xf32> -> vector<512x768xf32>
    %get3A_6 = arith.constant 0 : index
    %get3A_7 = arith.constant 0 : index
    %get3A_8 = vector.load %arg3[%get3A_6, %get3A_7] : memref<1x768xf32, #tpu.memory_space<vmem>>, vector<1x768xf32>
    %add3A = vector.broadcast %get3A_8 : vector<1x768xf32> to vector<512x768xf32>
    %add3A_9 = arith.addf %dot_general3A_5, %add3A : vector<512x768xf32>
    %swap3A = arith.constant 0 : index
    %swap3A_10 = arith.constant 0 : index
    %swap3A_11 = vector.load %arg4[%swap3A, %swap3A_10] : memref<512x768xf32, #tpu.memory_space<vmem>>, vector<512x768xf32>
    tpu.vector_store %arg4[%swap3A, %swap3A_10], %add3A_9 {strides = array<i32>} : memref<512x768xf32, #tpu.memory_space<vmem>>, vector<512x768xf32>,
    return
  }
  func.func @transform_0(%arg0: i32) -> (i32, i32) {
    %c0_i32 = arith.constant 0 : i32
    %c0_i32_0 = arith.constant 0 : i32
    return %arg0, %c0_i32 : i32, i32
  }
  func.func @transform_1(%arg0: i32) -> (i32, i32) {
    %c0_i32 = arith.constant 0 : i32
    %c0_i32_0 = arith.constant 0 : i32
    %c0_i32_1 = arith.constant 0 : i32
    return %c0_i32, %c0_i32_0 : i32, i32
  }
  func.func @transform_2(%arg0: i32) -> (i32, i32) {
    %c0_i32 = arith.constant 0 : i32
    %c0_i32_0 = arith.constant 0 : i32
    %c0_i32_1 = arith.constant 0 : i32
    return %c0_i32, %c0_i32_0 : i32, i32
  }
  func.func @transform_3(%arg0: i32) -> (i32, i32) {
    %c0_i32 = arith.constant 0 : i32
    %c0_i32_0 = arith.constant 0 : i32
    return %arg0, %c0_i32 : i32, i32
  }
}

module attributes {stable_mosaic.version = 14 : i64} {
  func.func @body(%arg0: i32, %arg1: memref<512x256xf32, #tpu.memory_space<vmem>>, %arg2: memref<512x256xf32, #tpu.memory_space<vmem>>, %arg3: memref<512x8xf32, #tpu.memory_space<vmem>>, %arg4: memref<256x32xf32, #tpu.memory_space<vmem>>, %arg5: memref<32x256xf32, #tpu.memory_space<vmem>>, %arg6: memref<32x8xf32, #tpu.memory_space<vmem>>, %arg7: memref<8x256xf32, #tpu.memory_space<vmem>>, %arg8: memref<256x256xf32, #tpu.memory_space<vmem>>, %arg9: memref<1x256xf32, #tpu.memory_space<vmem>>, %arg10: memref<512x256xf32, #tpu.memory_space<vmem>>) attributes {dimension_semantics = [#tpu.dimension_semantics<arbitrary>], iteration_bounds = array<i64: 20>, scalar_prefetch = 0 : i64, scratch_operands = 0 : i64, tpu.core_type = #tpu.core_type<tc>, window_params = [{transform_indices = @transform_0, window_bounds = array<i64: 512, 256>}, {transform_indices = @transform_1, window_bounds = array<i64: 512, 256>}, {transform_indices = @transform_2, window_bounds = array<i64: 512, 8>}, {pipeline_mode = #tpu.pipeline_mode<synchronous>, transform_indices = @transform_3, window_bounds = array<i64: 256, 32>}, {pipeline_mode = #tpu.pipeline_mode<synchronous>, transform_indices = @transform_4, window_bounds = array<i64: 32, 256>}, {pipeline_mode = #tpu.pipeline_mode<synchronous>, transform_indices = @transform_5, window_bounds = array<i64: 32, 8>}, {pipeline_mode = #tpu.pipeline_mode<synchronous>, transform_indices = @transform_6, window_bounds = array<i64: 8, 256>}, {pipeline_mode = #tpu.pipeline_mode<synchronous>, transform_indices = @transform_7, window_bounds = array<i64: 256, 256>}, {pipeline_mode = #tpu.pipeline_mode<synchronous>, transform_indices = @transform_8, window_bounds = array<i64: 1, 256>}, {transform_indices = @transform_9, window_bounds = array<i64: 512, 256>}]} {
    %get3A = arith.constant 0 : index
    %get3A_0 = arith.constant 0 : index
    %get3A_1 = vector.load %arg1[%get3A, %get3A_0] : memref<512x256xf32, #tpu.memory_space<vmem>>, vector<512x256xf32>
    %get3A_2 = arith.constant 0 : index
    %get3A_3 = arith.constant 0 : index
    %get3A_4 = vector.load %arg4[%get3A_2, %get3A_3] : memref<256x32xf32, #tpu.memory_space<vmem>>, vector<256x32xf32>
    %dot_general3A = arith.constant dense<0.000000e+00> : vector<512x32xf32>
    %dot_general3A_5 = tpu.matmul %get3A_1, %get3A_4, %dot_general3A {dimension_numbers = #tpu.dot_dimension_numbers<[1], [0], [0], [1], [0, 0, 1, 1], [], []>, transpose_lhs_hint = false} : vector<512x256xf32>, vector<256x32xf32>, vector<512x32xf32> -> vector<512x32xf32>
    %exp3A = math.exp %dot_general3A_5 : vector<512x32xf32>
    %get3A_6 = arith.constant 0 : index
    %get3A_7 = arith.constant 0 : index
    %get3A_8 = vector.load %arg3[%get3A_6, %get3A_7] : memref<512x8xf32, #tpu.memory_space<vmem>>, vector<512x8xf32>
    %get3A_9 = arith.constant 0 : index
    %get3A_10 = arith.constant 0 : index
    %get3A_11 = vector.load %arg6[%get3A_9, %get3A_10] : memref<32x8xf32, #tpu.memory_space<vmem>>, vector<32x8xf32>
    %dot_general3A_12 = arith.constant dense<0.000000e+00> : vector<512x8xf32>
    %dot_general3A_13 = tpu.matmul %exp3A, %get3A_11, %dot_general3A_12 {dimension_numbers = #tpu.dot_dimension_numbers<[1], [0], [0], [1], [0, 0, 1, 1], [], []>, transpose_lhs_hint = false} : vector<512x32xf32>, vector<32x8xf32>, vector<512x8xf32> -> vector<512x8xf32>
    %add3A = arith.addf %get3A_8, %dot_general3A_13 : vector<512x8xf32>
    %get3A_14 = arith.constant 0 : index
    %get3A_15 = arith.constant 0 : index
    %get3A_16 = vector.load %arg2[%get3A_14, %get3A_15] : memref<512x256xf32, #tpu.memory_space<vmem>>, vector<512x256xf32>
    %get3A_17 = arith.constant 0 : index
    %get3A_18 = arith.constant 0 : index
    %get3A_19 = vector.load %arg5[%get3A_17, %get3A_18] : memref<32x256xf32, #tpu.memory_space<vmem>>, vector<32x256xf32>
    %dot_general3A_20 = arith.constant dense<0.000000e+00> : vector<512x256xf32>
    %dot_general3A_21 = tpu.matmul %exp3A, %get3A_19, %dot_general3A_20 {dimension_numbers = #tpu.dot_dimension_numbers<[1], [0], [0], [1], [0, 0, 1, 1], [], []>, transpose_lhs_hint = false} : vector<512x32xf32>, vector<32x256xf32>, vector<512x256xf32> -> vector<512x256xf32>
    %add3A_22 = arith.addf %get3A_16, %dot_general3A_21 : vector<512x256xf32>
    %div3A = arith.constant 1.000000e+00 : f32
    %div3A_23 = vector.broadcast %div3A : f32 to vector<512x8xf32>
    %div3A_24 = arith.divf %div3A_23, %add3A : vector<512x8xf32>
    %get3A_25 = arith.constant 0 : index
    %get3A_26 = arith.constant 0 : index
    %get3A_27 = vector.load %arg7[%get3A_25, %get3A_26] : memref<8x256xf32, #tpu.memory_space<vmem>>, vector<8x256xf32>
    %dot_general3A_28 = arith.constant dense<0.000000e+00> : vector<512x256xf32>
    %dot_general3A_29 = tpu.matmul %div3A_24, %get3A_27, %dot_general3A_28 {dimension_numbers = #tpu.dot_dimension_numbers<[1], [0], [0], [1], [0, 0, 1, 1], [], []>, transpose_lhs_hint = false} : vector<512x8xf32>, vector<8x256xf32>, vector<512x256xf32> -> vector<512x256xf32>
    %mul3A = arith.mulf %add3A_22, %dot_general3A_29 : vector<512x256xf32>
    %get3A_30 = arith.constant 0 : index
    %get3A_31 = arith.constant 0 : index
    %get3A_32 = vector.load %arg8[%get3A_30, %get3A_31] : memref<256x256xf32, #tpu.memory_space<vmem>>, vector<256x256xf32>
    %dot_general3A_33 = arith.constant dense<0.000000e+00> : vector<512x256xf32>
    %dot_general3A_34 = tpu.matmul %mul3A, %get3A_32, %dot_general3A_33 {dimension_numbers = #tpu.dot_dimension_numbers<[1], [0], [0], [1], [0, 0, 1, 1], [], []>, transpose_lhs_hint = false} : vector<512x256xf32>, vector<256x256xf32>, vector<512x256xf32> -> vector<512x256xf32>
    %get3A_35 = arith.constant 0 : index
    %get3A_36 = arith.constant 0 : index
    %get3A_37 = vector.load %arg9[%get3A_35, %get3A_36] : memref<1x256xf32, #tpu.memory_space<vmem>>, vector<1x256xf32>
    %add3A_38 = vector.broadcast %get3A_37 : vector<1x256xf32> to vector<512x256xf32>
    %add3A_39 = arith.addf %dot_general3A_34, %add3A_38 : vector<512x256xf32>
    %swap3A = arith.constant 0 : index
    %swap3A_40 = arith.constant 0 : index
    %swap3A_41 = vector.load %arg10[%swap3A, %swap3A_40] : memref<512x256xf32, #tpu.memory_space<vmem>>, vector<512x256xf32>
    tpu.vector_store %arg10[%swap3A, %swap3A_40], %add3A_39 {strides = array<i32>} : memref<512x256xf32, #tpu.memory_space<vmem>>, vector<512x256xf32>,
    return
  }
  func.func @transform_0(%arg0: i32) -> (i32, i32) {
    %c0_i32 = arith.constant 0 : i32
    %c0_i32_0 = arith.constant 0 : i32
    return %arg0, %c0_i32 : i32, i32
  }
  func.func @transform_1(%arg0: i32) -> (i32, i32) {
    %c0_i32 = arith.constant 0 : i32
    %c0_i32_0 = arith.constant 0 : i32
    return %arg0, %c0_i32 : i32, i32
  }
  func.func @transform_2(%arg0: i32) -> (i32, i32) {
    %c0_i32 = arith.constant 0 : i32
    %c0_i32_0 = arith.constant 0 : i32
    return %arg0, %c0_i32 : i32, i32
  }
  func.func @transform_3(%arg0: i32) -> (i32, i32) {
    %c0_i32 = arith.constant 0 : i32
    %c0_i32_0 = arith.constant 0 : i32
    %c0_i32_1 = arith.constant 0 : i32
    return %c0_i32, %c0_i32_0 : i32, i32
  }
  func.func @transform_4(%arg0: i32) -> (i32, i32) {
    %c0_i32 = arith.constant 0 : i32
    %c0_i32_0 = arith.constant 0 : i32
    %c0_i32_1 = arith.constant 0 : i32
    return %c0_i32, %c0_i32_0 : i32, i32
  }
  func.func @transform_5(%arg0: i32) -> (i32, i32) {
    %c0_i32 = arith.constant 0 : i32
    %c0_i32_0 = arith.constant 0 : i32
    %c0_i32_1 = arith.constant 0 : i32
    return %c0_i32, %c0_i32_0 : i32, i32
  }
  func.func @transform_6(%arg0: i32) -> (i32, i32) {
    %c0_i32 = arith.constant 0 : i32
    %c0_i32_0 = arith.constant 0 : i32
    %c0_i32_1 = arith.constant 0 : i32
    return %c0_i32, %c0_i32_0 : i32, i32
  }
  func.func @transform_7(%arg0: i32) -> (i32, i32) {
    %c0_i32 = arith.constant 0 : i32
    %c0_i32_0 = arith.constant 0 : i32
    %c0_i32_1 = arith.constant 0 : i32
    return %c0_i32, %c0_i32_0 : i32, i32
  }
  func.func @transform_8(%arg0: i32) -> (i32, i32) {
    %c0_i32 = arith.constant 0 : i32
    %c0_i32_0 = arith.constant 0 : i32
    %c0_i32_1 = arith.constant 0 : i32
    return %c0_i32, %c0_i32_0 : i32, i32
  }
  func.func @transform_9(%arg0: i32) -> (i32, i32) {
    %c0_i32 = arith.constant 0 : i32
    %c0_i32_0 = arith.constant 0 : i32
    return %arg0, %c0_i32 : i32, i32
  }
}

</mosaic_0001>

<sc_bundles>
// kernel: kernel.6.cloned.1.call-start
scs
__scs_entry_jumppad:
0x0: {  	(pc) =	sbr.rel $0x88, $3  }
0x1: {  	(tag) =	ssettag $0x0;
	lr =	simm.s32 $0x1  }
0x2: {  	[smem:$0x3F99] =	sst lr;
	_ =	strace $0xD0000000  }
0x3: {  	_ = 	snop  }
0x4: {  	_ = 	snop  }
0x5: {  	_ = 	snop  }
0x6: {  	_ = 	snop  }
0x7: {  	_ = 	snop  }
__scs_overlays_trampoline_lowered:
0x8: {  	[smem:$0x3FA8] =	sst s0  }
0x9: {  	[smem:$0x3FA9] =	sst s1  }
0xa: {  	[smem:$0x3FAA] =	sst s2  }
0xb: {  	[smem:$0x3FAB] =	sst s3  }
0xc: {  	[smem:$0x3FAC] =	sst s4  }
0xd: {  	[smem:$0x3FAD] =	sst s5  }
0xe: {  	[smem:$0x3FAE] =	sst s6  }
0xf: {  	[smem:$0x3FAF] =	sst s7  }
0x10: {  	[smem:$0x3FB0] =	sst s8  }
0x11: {  	[smem:$0x3FB1] =	sst s9;
	s0 =	simm.s32 @!p0 $0x0  }
0x12: {  	s1 =	sld [smem:$0x3F97];
	s0 =	simm.s32 @p0 $0x1  }
0x13: {  	[smem:$0x3FB2] =	sst s0;
	s0 =	simm.s32 @!p1 $0x0  }
0x14: {  	s2 =	sld [smem:$0x3F96];
	s0 =	simm.s32 @p1 $0x1  }
0x15: {  	[smem:$0x3FB3] =	sst s0;
	s0 =	simm.s32 @!p2 $0x0  }
0x16: {  	s3 =	sld [smem:$0x3FDB];
	s0 =	simm.s32 @p2 $0x1  }
0x17: {  	s4 =	simm.s32 $0x1BF5;
	[smem:$0x3FB5] =	sst s0  }
0x18: {  	s0 =	sld [smem:$0x3F98];
	_ =	swait.ge [sflag:s4], $0x0  }
0x19: {  	s7 =	sld [smem:$0x3F99]  }
0x1a: {  	s8 =	sadd.s32 $0xFFFFE003, lr  }
0x1b: {  	s9 =	sadd.s32 $0xFFFFFEF7, lr;
	s5 =	simm.s32 $0xFFFFFFFF;
	p2 =	slt.u32 s8, $0xFFFFF086  }
0x1c: {  	p1 =	slt.u32 s9, $0xF7A;
	s5 =	simm.s32 @!p2 $0x0  }
0x1d: {  	s5 =	simm.s32 @p1 $0x1;
	p0 =	seq.s32 s7, s2  }
0x1e: {  	s7 =	smul.u32 @!p0 $0xF7A, s2;
	p2 =	seq.s32 @!p0 s5, $0x0  }
0x1f: {  	s9 =	smul.u32 $0xF7A, s1;
	s8 =	simm.s32 @!p0 $0x1BF5;
	p2 =	por !p2, p0  }
0x20: {  	[sflag:s8] =	ssyncset.s32 @!p0 $0xFFFFF086;
	s6 =	sadd.s32 @!p0 s3, s7;
	s7 =	simm.s32 @!p0 $0x108  }
0x21: {  	s3 =	sadd.s32 s3, s9;
	s6 =	sadd.s32 @!p0 $0x88, s6;
	s7 =	simm.s32 @p2 $0x1082  }
0x22: {  	[simem:s7], [sflag:s8] =	dma.local @!p0 [hbm:s6], $0xF7A  }
0x23: {  	s9 =	sor.u32 $0xD0000000, s2;
	s6 =	simm.s32 $0x108;
	_ =	swait.ge @!p0 [sflag:s8], $0x0  }
0x24: {  	s3 =	sadd.s32 $0x88, s3;
	s6 =	simm.s32 @!p1 $0x1082;
	[sflag:s4] =	ssyncset.s32 $0xFFFFF086  }
0x25: {  	[simem:s6], [sflag:s4] =	dma.local [hbm:s3], $0xF7A  }
0x26: {  	[smem:$0x3F99] =	sst s1;
	(tag) =	ssettag s2;
	_ =	strace s9  }
0x27: {  	s1 =	sld [smem:$0x3FA9]  }
0x28: {  	s2 =	sld [smem:$0x3FAA]  }
0x29: {  	s4 =	sld [smem:$0x3FAC]  }
0x2a: {  	p0 =	seq.s32 s5, $0x0;
	s5 =	sld [smem:$0x3FAD]  }
0x2b: {  	s6 =	sld [smem:$0x3FAE]  }
0x2c: {  	s7 =	sld [smem:$0x3FAF]  }
0x2d: {  	s3 =	simm.s32 $0x108;
	s8 =	sld [smem:$0x3FB0]  }
0x2e: {  	s3 =	simm.s32 @!p0 $0x1082;
	s9 =	sld [smem:$0x3FB1]  }
0x2f: {  	lr =	sadd.s32 s0, s3;
	s0 =	sld [smem:$0x3FA8]  }
0x30: {  	s3 =	sld [smem:$0x3FAB]  }
0x31: {  	[smem:$0x3FB4] =	sst s10  }
0x32: {  	s10 =	sld [smem:$0x3FB2];
	_ =	sdelay $0x3  }
0x33: {  	p0 =	seq.s32 s10, $0x1;
	s10 =	sld [smem:$0x3FB4];
	_ =	sdelay $0x3  }
0x34: {  	[smem:$0x3FB4] =	sst s10  }
0x35: {  	s10 =	sld [smem:$0x3FB3];
	_ =	sdelay $0x3  }
0x36: {  	p1 =	seq.s32 s10, $0x1;
	s10 =	sld [smem:$0x3FB4];
	_ =	sdelay $0x3  }
0x37: {  	[smem:$0x3FB4] =	sst s10  }
0x38: {  	s10 =	sld [smem:$0x3FB5]  }
0x39: {  	_ = 	snop;
	(pc) =	sbr.ind lr, $3  }
0x3a: {  	_ = 	snop  }
0x3b: {  	_ = 	snop  }
0x3c: {  	p2 =	seq.s32 s10, $0x1;
	s10 =	sld [smem:$0x3FB4]  }
0x3d: {  	_ =	shalt  }
0x3e: {  	_ =	shalt  }
0x3f: {  	_ =	shalt  }
0x40: {  	_ =	shalt  }
0x41: {  	_ =	shalt  }
0x42: {  	_ =	shalt  }
0x43: {  	_ =	shalt  }
0x44: {  	_ =	shalt  }
0x45: {  	_ =	shalt  }
0x46: {  	_ =	shalt  }
0x47: {  	_ =	shalt  }
0x48: {  	_ =	shalt  }
0x49: {  	_ =	shalt  }
0x4a: {  	_ =	shalt  }
0x4b: {  	_ =	shalt  }
0x4c: {  	_ =	shalt  }
0x4d: {  	_ =	shalt  }
0x4e: {  	_ =	shalt  }
0x4f: {  	_ =	shalt  }
0x50: {  	_ =	shalt  }
0x51: {  	_ =	shalt  }
0x52: {  	_ =	shalt  }
0x53: {  	_ =	shalt  }
0x54: {  	_ =	shalt  }
0x55: {  	_ =	shalt  }
0x56: {  	_ =	shalt  }
0x57: {  	_ =	shalt  }
0x58: {  	_ =	shalt  }
0x59: {  	_ =	shalt  }
0x5a: {  	_ =	shalt  }
0x5b: {  	_ =	shalt  }
0x5c: {  	_ =	shalt  }
0x5d: {  	_ =	shalt  }
0x5e: {  	_ =	shalt  }
0x5f: {  	_ =	shalt  }
0x60: {  	_ =	shalt  }
0x61: {  	_ =	shalt  }
0x62: {  	_ =	shalt  }
0x63: {  	_ =	shalt  }
0x64: {  	_ =	shalt  }
0x65: {  	_ =	shalt  }
0x66: {  	_ =	shalt  }
0x67: {  	_ =	shalt  }
0x68: {  	_ =	shalt  }
0x69: {  	_ =	shalt  }
0x6a: {  	_ =	shalt  }
0x6b: {  	_ =	shalt  }
0x6c: {  	_ =	shalt  }
0x6d: {  	_ =	shalt  }
0x6e: {  	_ =	shalt  }
0x6f: {  	_ =	shalt  }
0x70: {  	_ =	shalt  }
0x71: {  	_ =	shalt  }
0x72: {  	_ =	shalt  }
0x73: {  	_ =	shalt  }
0x74: {  	_ =	shalt  }
0x75: {  	_ =	shalt  }
0x76: {  	_ =	shalt  }
0x77: {  	_ =	shalt  }
0x78: {  	_ =	shalt  }
0x79: {  	_ =	shalt  }
0x7a: {  	_ =	shalt  }
0x7b: {  	_ =	shalt  }
0x7c: {  	_ =	shalt  }
0x7d: {  	_ =	shalt  }
0x7e: {  	_ =	shalt  }
0x7f: {  	_ =	shalt  }
0x80: {  	_ =	shalt  }
0x81: {  	_ =	shalt  }
0x82: {  	_ =	shalt  }
0x83: {  	_ =	shalt  }
0x84: {  	_ =	shalt  }
0x85: {  	_ =	shalt  }
0x86: {  	_ =	shalt  }
0x87: {  	_ =	shalt  }
.Lfunc_end0:
.L_simem_size_0:
called_computation_lowered:
.L_overlay_start_0:
0x88: {  	s2 =	sld [smem:$0x3FD9]  }
0x89: {  	s3 =	sld [smem:$0x3FFE];
	_ =	sdelay $0x1  }
0x8a: {  	s1 =	srdreg.scid  }
0x8b: {  	s0 =	sand.u32 $0x1, s1  }
0x8c: {  	s17 =	sshll.u32 s0, $0xA;
	s2 =	sadd.s32 s3, s2  }
0x8d: {  	s2 =	sadd.s32 s2, s17  }
0x8e: {  	[smem:$0x3FC0] =	sst s2  }
0x8f: {  	_ = 	snop  }
0x90: {  	s2 =	sld [smem:$0x3FD0];
	(tm) =	ssettm $0x1  }
0x91: {  	s18 =	sld [smem:$0x3FFB];
	_ =	sdelay $0x3  }
0x92: {  	_ =	strace s18  }
0x93: {  	s3 =	sld [smem:$0x3FFC];
	_ =	sdelay $0x3  }
0x94: {  	_ =	strace s3  }
0x95: {  	s3 =	sld [smem:$0x3FFD];
	_ =	sdelay $0x3  }
0x96: {  	_ =	strace s3  }
0x97: {  	_ =	strace $0x8FFFFFFF  }
0x98: {  	s19 =	sld [smem:$0x3FDB];
	_ =	sdelay $0x1  }
0x99: {  	s4 =	simm.s32 $_scs_section_size  }
0x9a: {  	s5 =	simm.s32 $_size__tile_overlayer_lowered;
	s6 =	simm.s32 $_tile_overlayer_lowered  }
0x9b: {  	s22 =	simm.s32 $0x1BFF;
	s21 =	sshll.u32 s6, $0x1;
	s3 =	sadd.s32 s4, s19  }
0x9c: {  	s7 =	simm.s32 $0x0;
	s20 =	sshll.u32 s5, $0x1;
	s5 =	sadd.s32 s21, s3  }
0x9d: {  	[timem:s7], [sflag:s22] =	dma.local [hbm:s5], s20  }
0x9e: {  	_ =	swait.ge [sflag:s22], s20  }
0x9f: {  	s4 =	ssub.s32 $0x0, s20;
	[sflag:s22] =	ssyncset.done $0x0  }
0xa0: {  	[sflag:s22] =	ssyncadd.s32 s4;
	_ =	sdelay $0x1  }
0xa1: {  	s23 =	simm.s32 $0x1B8B  }
0xa2: {  	_ =	swait.ge [sflag:s23], $0x1  }
0xa3: {  	[sflag:s23] =	ssyncset.done $0x0  }
0xa4: {  	s25 =	simm.s32 $0x1B8E;
	s24 =	sld [smem:$0x3FFE];
	[sflag:s23] =	ssyncadd.s32 $0xFFFFFFFF  }
0xa5: {  	s26 =	simm.s32 $execute0_lowered;
	[smem:$0x3FD2] =	sst s25  }
0xa6: {  	s5 =	sshll.u32 s26, $0x1;
	_ =	strace $0x80000046;
	[dreg:$0x1] =	wrdreg $0xFFFFFFFF  }
0xa7: {  	s28 =	simm.s32 $_size_execute0_lowered;
	s3 =	sadd.s32 s3, s5;
	[dreg:$0x0] =	wrdreg $0x0  }
0xa8: {  	s5 =	sshll.u32 s28, $0x1;
	[dreg:$0x2] =	wrdreg s3  }
0xa9: {  	[dreg:$0x3] =	wrdreg s5  }
0xaa: {  	[dreg:$0x4] =	wrdreg $0xC0  }
0xab: {  	_ =	task [dreg:s7], $0x5FFFF  }
0xac: {  	[dreg:$0x1] =	wrdreg $0xFFFFFFFF  }
0xad: {  	[dreg:$0x0] =	wrdreg $0x60  }
0xae: {  	[dreg:$0x2] =	wrdreg s24  }
0xaf: {  	[dreg:$0x3] =	wrdreg s2  }
0xb0: {  	[dreg:$0x4] =	wrdreg $0x0  }
0xb1: {  	[dreg:$0x5] =	wrdreg $0x9  }
0xb2: {  	_ =	task.clear_ibuf [dreg:s7], $0x6FFFF;
	_ =	strace $0x90000046  }
0xb3: {  	s29 =	simm.s32 $0x9;
	_ =	strace $0x80000048  }
0xb4: {  	_ =	swait.ge [sflag:s29], $0x1  }
0xb5: {  	[sflag:s29] =	ssyncadd.s32 $0xFFFFFFFF  }
0xb6: {  	_ =	strace $0x90000048  }
0xb7: {  	_ =	sfence  }
0xb8: {  	s30 =	sld [smem:$0x0];
	_ =	sdelay $0x2  }
0xb9: {  	s31 =	sshll.u32 s1, $0xD;
	s1 =	sshrl.u32 s1, $0x2  }
0xba: {  	s3 =	sand.u32 $0x4000, s31;
	s1 =	sadd.s32 s1, s30  }
0xbb: {  	s0 =	sor.u32 s3, s0;
	s1 =	sshll.u32 s1, $0x11  }
0xbc: {  	s0 =	sor.u32 s1, s0  }
0xbd: {  	s0 =	sadd.s32 $0x8F2B, s0  }
0xbe: {  	[sflag:s0] =	ssyncadd.remote.s32 $0x1  }
0xbf: {  	_ =	sfence.sel $0xFFFF  }
0xc0: {  	[dreg:$0x0] =	wrdreg $0xFFFFFFFF;
	(pc) =	sbr.abs _section_cstart, $3  }
0xc1: {  	[dreg:$0x1] =	wrdreg $0xFFFFFFFF  }
0xc2: {  	_ =	task.clear_ibuf [dreg:s7], $0x2FFFF;
	_ =	strace $0x9FFFFFFF  }
0xc3: {  	(tm) =	ssettm $0x7FFFFFFF  }
tec
execute0_lowered:
.L_overlay_start_1:
0x0: {  	(tag) =	ssettag $0x1  }
0x1: {  	s0 =	rddreg [dreg:$0x0]  }
0x2: {  	s1 =	rddreg [dreg:$0x1]  }
0x3: {  	s2 =	rddreg [dreg:$0x2];
	s4 =	simm.s32 $0x0;
	s16 =	stileid.u32  }
0x4: {  	s3 =	srdreg.scid;
	s28 =	simm.s32 $0x19E80;
	s9 =	smul.u32 $0x2780, s16  }
0x5: {  	s31 =	simm.s32 $0x2;
	s5 =	sadd.s32 $0x1B3600, s0;
	s11 =	smul.u32 $0x50A00, s16  }
0x6: {  	[smem:$0x7FF] =	sst s4;
	s6 =	sadd.s32 $0x165200, s0;
	s30 =	smul.u32 $0x4F000, s16  }
0x7: {  	s3 =	sand.u32 $0x1, s3;
	s7 =	sadd.s32 $0x116E00, s0;
	s15 =	smul.u32 $0xD800, s16  }
0x8: {  	s8 =	sadd.s32 $0x201A00, s0;
	s13 =	sadd.s32 $0x1C00, s0;
	s10 =	smul.u32 $0x27800, s3  }
0x9: {  	s21 =	sshll.u32 s16, $0x6;
	_ =	strace $0x80000047;
	s12 =	smul.u32 $0x50A000, s3  }
0xa: {  	[dreg:$0x4] =	wrdreg s13;
	s17 =	ssub.s32 $0x2, s3;
	s14 =	smul.u32 $0xD8000, s3  }
0xb: {  	s23 =	smul.u32 $0x2711, s3;
	s3 =	simm.s32 $0x18680;
	s18 =	sshrl.u32 s17, $0x1  }
0xc: {  	s20 =	sshrl.u32 s30, $0x2;
	s9 =	sadd.s32 s9, s10;
	s11 =	sadd.s32 s11, s12  }
0xd: {  	s19 =	ssub.s32 s17, s18;
	s10 =	sadd.s32 s15, s14;
	s12 =	sadd.s32 s20, s2  }
0xe: {  	s2 =	sor.u32 $0x1C05, s21;
	s14 =	simm.s32 $0x6;
	s15 =	simm.s32 $0x4  }
0xf: {  	s17 =	simm.s32 $0x0;
	s9 =	sadd.s32 s9, s0;
	s0 =	sadd.s32 s11, s0  }
0x10: {  	s22 =	sshrl.u32 s10, $0x3;
	s30 =	smax.u32 s19, $0x1;
	s11 =	sshrl.u32 s12, $0x3  }
0x11: {  	s12 =	simm.s32 $0x1CE80;
	[dreg:$0x5] =	wrdreg s2;
	s24 =	sadd.s32 s8, s22  }
0x12: {  	s25 =	sor.u32 $0x10, s22;
	s13 =	sadd.s32 s1, s22;
	[dreg:$0xb] =	wrdreg s30  }
0x13: {  	s16 =	sadd.s32 $0x286A00, s0;
	s29 =	sadd.s32 $0x237A00, s9;
	[dreg:$0xc] =	wrdreg s11  }
.Ltmp0:
0x14: {  	v0 =	vlaneseq.u32;
	s0 =	simm.s32 $0x15680;
	[dreg:$0x6] =	wrdreg s24;
	(pc) =	sbr.rel .LBB2_1-.Ltmp0, $4  }
0x15: {  	v0 =	vmul.u32 $0x80, v0;
	s22 =	simm.s32 $0x1B680;
	s9 =	simm.s32 $0x3;
	[dreg:$0x7] =	wrdreg s13  }
0x16: {  	s26 =	sadd.s32 s8, s25;
	s1 =	sadd.s32 s1, s25;
	[dreg:$0xa] =	wrdreg s29  }
0x17: {  	v2 =	vimm.f32 $0.0e+00;
	v3 =	vor.u32 $0x1, v0;
	v4 =	vor.u32 $0x2, v0;
	s13 =	simm.s32 $0x5;
	s24 =	simm.s32 $0x30;
	[dreg:$0x8] =	wrdreg s26  }
0x18: {  	v5 =	vor.u32 $0x3, v0;
	v6 =	vor.u32 $0x800, v0;
	v1 =	vmov s23;
	s25 =	simm.s32 $0x13E80;
	[dreg:$0x9] =	wrdreg s1;
	s26 =	simm.s32 $0x16E80  }
.LBB2_30:
0x19: {  	[bflag:$0x0] =	sbarrier.arrive $0xFFFF  }
0x1a: {  	s2 =	rddreg [dreg:$0x5]  }
0x1b: {  	s1 =	rddreg [dreg:$0xa]  }
0x1c: {  	s13 =	simm.s32 $0x5;
	s11 =	rddreg [dreg:$0xc]  }
0x1d: {  	[hbm:s1], [sflag:s2] =	dma.local [spmem:s11], $0x2780  }
0x1e: {  	_ =	swait.ge [sflag:s13], $0x2780  }
0x1f: {  	s17 =	rddreg [dreg:$0xd]  }
0x20: {  	s30 =	rddreg [dreg:$0xb];
	s17 =	sadd.s32 $0x1, s17  }
0x21: {  	p0 =	sne.s32 s17, s30  }
.Ltmp1:
0x22: {  	_ = 	snop;
	(pc) =	sbr.rel @!p0 .LBB2_31-.Ltmp1, $3  }
0x23: {  	_ =	sdelay $0x1  }
0x24: {  	[sflag:s13] =	ssyncset.done $0x0  }
0x25: {  	[sflag:s13] =	ssyncadd.s32 $0xFFFFD880  }
.LBB2_1:
0x26: {  	[dreg:$0xd] =	wrdreg s17  }
0x27: {  	s1 =	rddreg [dreg:$0x4]  }
0x28: {  	[spmem:s11], [sflag:s2] =	dma.local [hbm:s1], $0x2780  }
0x29: {  	_ =	swait.ge [sflag:s13], $0x2780  }
0x2a: {  	[sflag:s13] =	ssyncset.done $0x0  }
0x2b: {  	[sflag:s13] =	ssyncadd.s32 $0xFFFFD880  }
0x2c: {  	[tilespmem:$0x1CE80] =	vst v2  }
0x2d: {  	[tilespmem:$0x1CF00] =	vst v2  }
0x2e: {  	[tilespmem:$0x1CF80] =	vst v2  }
0x2f: {  	[tilespmem:$0x1D000] =	vst v2  }
0x30: {  	[tilespmem:$0x1D080] =	vst v2  }
0x31: {  	[tilespmem:$0x1D100] =	vst v2  }
0x32: {  	[tilespmem:$0x1D180] =	vst v2  }
0x33: {  	[tilespmem:$0x1D200] =	vst v2  }
0x34: {  	[tilespmem:$0x1D280] =	vst v2  }
0x35: {  	[tilespmem:$0x1D300] =	vst v2  }
0x36: {  	[tilespmem:$0x1D380] =	vst v2  }
0x37: {  	[tilespmem:$0x1D400] =	vst v2  }
0x38: {  	[tilespmem:$0x1D480] =	vst v2  }
0x39: {  	[tilespmem:$0x1D500] =	vst v2  }
0x3a: {  	[tilespmem:$0x1D580] =	vst v2  }
0x3b: {  	[tilespmem:$0x1D600] =	vst v2  }
0x3c: {  	[tilespmem:$0x1D680] =	vst v2  }
0x3d: {  	[tilespmem:$0x1D700] =	vst v2  }
0x3e: {  	[tilespmem:$0x1D780] =	vst v2  }
0x3f: {  	[tilespmem:$0x1D800] =	vst v2  }
0x40: {  	[tilespmem:$0x1D880] =	vst v2  }
0x41: {  	[tilespmem:$0x1D900] =	vst v2  }
0x42: {  	[tilespmem:$0x1D980] =	vst v2  }
0x43: {  	[tilespmem:$0x1DA00] =	vst v2  }
0x44: {  	[tilespmem:$0x1DA80] =	vst v2  }
0x45: {  	[tilespmem:$0x1DB00] =	vst v2  }
0x46: {  	[tilespmem:$0x1DB80] =	vst v2  }
0x47: {  	[tilespmem:$0x1DC00] =	vst v2  }
0x48: {  	[tilespmem:$0x1DC80] =	vst v2  }
0x49: {  	[tilespmem:$0x1DD00] =	vst v2  }
0x4a: {  	[tilespmem:$0x1DD80] =	vst v2  }
0x4b: {  	[tilespmem:$0x1DE00] =	vst v2  }
0x4c: {  	[tilespmem:$0x1DE80] =	vst v2  }
0x4d: {  	[tilespmem:$0x1DF00] =	vst v2  }
0x4e: {  	[tilespmem:$0x1DF80] =	vst v2  }
0x4f: {  	[tilespmem:$0x1E000] =	vst v2  }
0x50: {  	[tilespmem:$0x1E080] =	vst v2  }
0x51: {  	[tilespmem:$0x1E100] =	vst v2  }
0x52: {  	[tilespmem:$0x1E180] =	vst v2  }
0x53: {  	[tilespmem:$0x1E200] =	vst v2  }
0x54: {  	[tilespmem:$0x1E280] =	vst v2  }
0x55: {  	[tilespmem:$0x1E300] =	vst v2  }
0x56: {  	[tilespmem:$0x1E380] =	vst v2  }
0x57: {  	[tilespmem:$0x1E400] =	vst v2  }
0x58: {  	[tilespmem:$0x1E480] =	vst v2  }
0x59: {  	[tilespmem:$0x1E500] =	vst v2  }
0x5a: {  	[tilespmem:$0x1E580] =	vst v2  }
0x5b: {  	[tilespmem:$0x1E600] =	vst v2  }
0x5c: {  	[bflag:$0x0] =	sbarrier.arrive $0xFFFF  }
0x5d: {  	s17 =	simm.s32 $0x13C00;
	s13 =	rddreg [dreg:$0x6]  }
0x5e: {  	[tilespmem:s17], [sflag:$0x1] =	stream.linear.gather [hbm4b:s13+s4], $0x80, $0x38;
	[tilespmem:$0x1E680] =	vst v63  }
0x5f: {  	s19 =	simm.s32 $0x13D00;
	s20 =	simm.s32 $0x1;
	s18 =	rddreg [dreg:$0x7]  }
0x60: {  	[tilespmem:s19], [sflag:$0x1] =	stream.linear.gather [hbm4b:s18+s4], $0x80, $0x38;
	[tilespmem:$0x1E680] =	vst v63  }
0x61: {  	_ =	swait.ge [sflag:s20], $0x80  }
0x62: {  	[sflag:s20] =	ssyncset.done $0x0  }
0x63: {  	[sflag:s20] =	ssyncadd.s32 $0xFFFFFF80  }
0x64: {  	_ =	swait.ge [sflag:s20], $0x80  }
0x65: {  	[sflag:s20] =	ssyncset.done $0x0  }
0x66: {  	[sflag:s20] =	ssyncadd.s32 $0xFFFFFF80  }
0x67: {  	[tilespmem:s25], [sflag:$0x3] =	stream.indirect.gather [hbm4b:s5+s24], $0x80, s19, s24, $0xb8;
	[tilespmem:$0x1E680] =	vst v63  }
0x68: {  	_ = 	snop  }
0x69: {  	[tilespmem:s26], [sflag:$0x3] =	stream.indirect.gather [hbm4b:s6+s24], $0x80, s17, s24, $0xb8;
	[tilespmem:$0x1E680] =	vst v63  }
0x6a: {  	_ = 	snop  }
0x6b: {  	[tilespmem:s28], [sflag:$0x3] =	stream.indirect.gather [hbm4b:s7+s24], $0x80, s17, s24, $0xb8;
	[tilespmem:$0x1E680] =	vst v63  }
.Ltmp2:
0x6c: {  	_ = 	snop;
	(pc) =	sbr.rel .LBB2_2-.Ltmp2, $4  }
0x6d: {  	s23 =	simm.s32 $0x13C80;
	s21 =	rddreg [dreg:$0x8]  }
0x6e: {  	[tilespmem:s23], [sflag:$0x2] =	stream.linear.gather [hbm4b:s21+s4], $0x80, $0x38;
	[tilespmem:$0x1E680] =	vst v63  }
0x6f: {  	s30 =	simm.s32 $0x13D80;
	s18 =	simm.s32 $0x0;
	s29 =	rddreg [dreg:$0x9]  }
0x70: {  	[tilespmem:s30], [sflag:$0x2] =	stream.linear.gather [hbm4b:s29+s4], $0x80, $0x38;
	[tilespmem:$0x1E680] =	vst v63  }
.LBB2_28:
0x71: {  	_ =	sdelay $0x2  }
0x72: {  	s1 =	sadd.s32 $0x20, s11  }
0x73: {  	[tilespmem:v13+s22+$0x0] =	vst.idx.msk $0xffff, v14;
	v45 =	vmov s1  }
0x74: {  	v14 =	vld.idx.msk [tilespmem:v12+s22+$0x0], $0xffff;
	v13 =	vand.u32 $0x7C, v45  }
0x75: {  	v13 =	vbroadcast v13, $0x0;
	_ =	sdelay $0x1  }
0x76: {  	v13 =	vor.u32 v7, v13;
	_ =	sdelay $0x1  }
0x77: {  	v14 =	vmul.f32 v14, v11  }
0x78: {  	s19 =	sadd.s32 $0x40, s11  }
0x79: {  	v46 =	vmov s19;
	[tilespmem:v12+s22+$0x0] =	vst.idx.msk $0xffff, v14  }
0x7a: {  	v12 =	vand.u32 $0x7C, v46;
	v14 =	vld.idx.msk [tilespmem:v13+s22+$0x0], $0xffff  }
0x7b: {  	v12 =	vbroadcast v12, $0x0;
	_ =	sdelay $0x1  }
0x7c: {  	v12 =	vor.u32 v7, v12;
	_ =	sdelay $0x1  }
0x7d: {  	v14 =	vmul.f32 v14, v10  }
0x7e: {  	s20 =	sadd.s32 $0x60, s11  }
0x7f: {  	v47 =	vmov s20;
	[tilespmem:v13+s22+$0x0] =	vst.idx.msk $0xffff, v14  }
0x80: {  	v13 =	vand.u32 $0x7C, v47;
	v14 =	vld.idx.msk [tilespmem:v12+s22+$0x0], $0xffff  }
0x81: {  	v13 =	vbroadcast v13, $0x0;
	_ =	sdelay $0x1  }
0x82: {  	v13 =	vor.u32 v7, v13;
	_ =	sdelay $0x1  }
0x83: {  	v14 =	vmul.f32 v14, v9  }
0x84: {  	s21 =	sadd.s32 $0x1, s11  }
0x85: {  	v48 =	vmov s21;
	[tilespmem:v12+s22+$0x0] =	vst.idx.msk $0xffff, v14  }
0x86: {  	v12 =	vand.u32 $0x7D, v48;
	v14 =	vld.idx.msk [tilespmem:v13+s22+$0x0], $0xffff  }
0x87: {  	v12 =	vbroadcast v12, $0x0;
	_ =	sdelay $0x1  }
0x88: {  	v12 =	vor.u32 v7, v12;
	_ =	sdelay $0x1  }
0x89: {  	v14 =	vmul.f32 v14, v8  }
0x8a: {  	s23 =	sadd.s32 $0x21, s11  }
0x8b: {  	v49 =	vmov s23;
	[tilespmem:v13+s22+$0x0] =	vst.idx.msk $0xffff, v14  }
0x8c: {  	v13 =	vand.u32 $0x7D, v49;
	v14 =	vld.idx.msk [tilespmem:v12+s22+$0x0], $0xffff  }
0x8d: {  	v13 =	vbroadcast v13, $0x0;
	_ =	sdelay $0x1  }
0x8e: {  	v13 =	vor.u32 v7, v13;
	_ =	sdelay $0x1  }
0x8f: {  	v14 =	vmul.f32 v14, v11  }
0x90: {  	s29 =	sadd.s32 $0x41, s11  }
0x91: {  	v50 =	vmov s29;
	[tilespmem:v12+s22+$0x0] =	vst.idx.msk $0xffff, v14  }
0x92: {  	v12 =	vand.u32 $0x7D, v50;
	v14 =	vld.idx.msk [tilespmem:v13+s22+$0x0], $0xffff  }
0x93: {  	v12 =	vbroadcast v12, $0x0;
	_ =	sdelay $0x1  }
0x94: {  	v12 =	vor.u32 v7, v12;
	_ =	sdelay $0x1  }
0x95: {  	v14 =	vmul.f32 v14, v10  }
0x96: {  	s30 =	sadd.s32 $0x61, s11  }
0x97: {  	v51 =	vmov s30;
	[tilespmem:v13+s22+$0x0] =	vst.idx.msk $0xffff, v14  }
0x98: {  	v13 =	vand.u32 $0x7D, v51;
	v14 =	vld.idx.msk [tilespmem:v12+s22+$0x0], $0xffff  }
0x99: {  	v13 =	vbroadcast v13, $0x0;
	_ =	sdelay $0x1  }
0x9a: {  	v13 =	vor.u32 v7, v13;
	_ =	sdelay $0x1  }
0x9b: {  	v14 =	vmul.f32 v14, v9  }
0x9c: {  	s2 =	sadd.s32 $0x2, s11  }
0x9d: {  	v52 =	vmov s2;
	[tilespmem:v12+s22+$0x0] =	vst.idx.msk $0xffff, v14  }
0x9e: {  	v12 =	vand.u32 $0x7E, v52;
	v14 =	vld.idx.msk [tilespmem:v13+s22+$0x0], $0xffff  }
0x9f: {  	v12 =	vbroadcast v12, $0x0;
	_ =	sdelay $0x1  }
0xa0: {  	v12 =	vor.u32 v7, v12;
	_ =	sdelay $0x1  }
0xa1: {  	v14 =	vmul.f32 v14, v8  }
0xa2: {  	s13 =	sadd.s32 $0x22, s11  }
0xa3: {  	v53 =	vmov s13;
	[tilespmem:v13+s22+$0x0] =	vst.idx.msk $0xffff, v14  }
0xa4: {  	v13 =	vand.u32 $0x7E, v53;
	v14 =	vld.idx.msk [tilespmem:v12+s22+$0x0], $0xffff  }
0xa5: {  	v13 =	vbroadcast v13, $0x0;
	_ =	sdelay $0x1  }
0xa6: {  	v13 =	vor.u32 v7, v13;
	_ =	sdelay $0x1  }
0xa7: {  	v14 =	vmul.f32 v14, v11  }
0xa8: {  	s17 =	sadd.s32 $0x42, s11  }
0xa9: {  	v54 =	vmov s17;
	[tilespmem:v12+s22+$0x0] =	vst.idx.msk $0xffff, v14  }
0xaa: {  	v12 =	vand.u32 $0x7E, v54;
	v14 =	vld.idx.msk [tilespmem:v13+s22+$0x0], $0xffff  }
0xab: {  	v12 =	vbroadcast v12, $0x0;
	_ =	sdelay $0x1  }
0xac: {  	v12 =	vor.u32 v7, v12;
	_ =	sdelay $0x1  }
0xad: {  	v14 =	vmul.f32 v14, v10  }
0xae: {  	s19 =	sadd.s32 $0x62, s11  }
0xaf: {  	v55 =	vmov s19;
	[tilespmem:v13+s22+$0x0] =	vst.idx.msk $0xffff, v14  }
0xb0: {  	v13 =	vand.u32 $0x7E, v55;
	v14 =	vld.idx.msk [tilespmem:v12+s22+$0x0], $0xffff  }
0xb1: {  	v13 =	vbroadcast v13, $0x0;
	_ =	sdelay $0x1  }
0xb2: {  	v13 =	vor.u32 v7, v13;
	_ =	sdelay $0x1  }
0xb3: {  	v14 =	vmul.f32 v14, v9  }
0xb4: {  	s20 =	sadd.s32 $0x3, s11  }
0xb5: {  	v56 =	vmov s20;
	[tilespmem:v12+s22+$0x0] =	vst.idx.msk $0xffff, v14  }
0xb6: {  	v12 =	vand.u32 $0x7F, v56;
	v14 =	vld.idx.msk [tilespmem:v13+s22+$0x0], $0xffff  }
0xb7: {  	v12 =	vbroadcast v12, $0x0;
	_ =	sdelay $0x1  }
0xb8: {  	v12 =	vor.u32 v7, v12;
	_ =	sdelay $0x1  }
0xb9: {  	v14 =	vmul.f32 v14, v8  }
0xba: {  	s21 =	sadd.s32 $0x23, s11  }
0xbb: {  	v57 =	vmov s21;
	[tilespmem:v13+s22+$0x0] =	vst.idx.msk $0xffff, v14  }
0xbc: {  	v13 =	vand.u32 $0x7F, v57;
	v14 =	vld.idx.msk [tilespmem:v12+s22+$0x0], $0xffff  }
0xbd: {  	v13 =	vbroadcast v13, $0x0;
	_ =	sdelay $0x1  }
0xbe: {  	v13 =	vor.u32 v7, v13;
	_ =	sdelay $0x1  }
0xbf: {  	v58 =	vmul.f32 v14, v11  }
0xc0: {  	s23 =	sadd.s32 $0x43, s11  }
0xc1: {  	v59 =	vmov s23;
	[tilespmem:v12+s22+$0x0] =	vst.idx.msk $0xffff, v58  }
0xc2: {  	v11 =	vand.u32 $0x7F, v59;
	v12 =	vld.idx.msk [tilespmem:v13+s22+$0x0], $0xffff  }
0xc3: {  	v11 =	vbroadcast v11, $0x0;
	_ =	sdelay $0x1  }
0xc4: {  	v11 =	vor.u32 v7, v11;
	_ =	sdelay $0x1  }
0xc5: {  	v60 =	vmul.f32 v12, v10  }
0xc6: {  	s29 =	sadd.s32 $0x63, s11  }
0xc7: {  	v61 =	vmov s29;
	[tilespmem:v13+s22+$0x0] =	vst.idx.msk $0xffff, v60  }
0xc8: {  	v10 =	vand.u32 $0x7F, v61;
	v62 =	vld.idx.msk [tilespmem:v11+s22+$0x0], $0xffff  }
0xc9: {  	v10 =	vbroadcast v10, $0x0;
	_ =	sdelay $0x1  }
0xca: {  	v7 =	vor.u32 v7, v10;
	_ =	sdelay $0x1  }
0xcb: {  	v63 =	vmul.f32 v62, v9;
	_ =	sdelay $0x1  }
0xcc: {  	[tilespmem:v11+s22+$0x0] =	vst.idx.msk $0xffff, v63  }
0xcd: {  	v9 =	vld.idx.msk [tilespmem:v7+s22+$0x0], $0xffff;
	_ =	sdelay $0x4  }
0xce: {  	v8 =	vmul.f32 v9, v8;
	_ =	sdelay $0x1  }
0xcf: {  	s30 =	rddreg [dreg:$0x2];
	s2 =	simm.s32 $0x13E00;
	s11 =	simm.s32 $0x5;
	[tilespmem:v7+s22+$0x0] =	vst.idx.msk $0xffff, v8  }
0xd0: {  	[spmem:s30] =	stream.indirect.scatter.add.f32 [tilespmem:s22], [sflag:$0x6], $0x80, s2, s24, $0xb8;
	[tilespmem:$0x1E680] =	vst v63  }
.LBB2_29:
0xd1: {  	_ =	swait.ge [sflag:s14], $0x1800;
	s1 =	smul.u32 $0x300, s18;
	s18 =	sadd.s32 $0x1, s18  }
0xd2: {  	[sflag:s14] =	ssyncset.done $0x0;
	p0 =	sne.s32 s18, $0x1AE  }
.Ltmp3:
0xd3: {  	[sflag:s14] =	ssyncadd.s32 $0xFFFFE800;
	s1 =	sadd.s32 s16, s1;
	(pc) =	sbr.rel @!p0 .LBB2_30-.Ltmp3, $4  }
0xd4: {  	[hbm4b:s1+s4] =	stream.linear.scatter [tilespmem:s12], [sflag:s11], $0x1800, $0x38;
	[tilespmem:$0x1E680] =	vst v63  }
0xd5: {  	_ =	swait.ge [sflag:s11], $0x1800  }
0xd6: {  	[sflag:s11] =	ssyncset.done $0x0  }
0xd7: {  	[sflag:s11] =	ssyncadd.s32 $0xFFFFE800  }
.LBB2_2:
0xd8: {  	s11 =	sand.u32 $0x1, s18  }
0xd9: {  	p0 =	seq.s32 s11, $0x1  }
.Ltmp4:
0xda: {  	_ = 	snop;
	(pc) =	sbr.rel @p0 .LBB2_16-.Ltmp4, $1  }
0xdb: {  	_ =	sdelay $0x3  }
0xdc: {  	_ =	swait.ge [sflag:s31], $0x80  }
0xdd: {  	[sflag:s31] =	ssyncset.done $0x0  }
0xde: {  	[sflag:s31] =	ssyncadd.s32 $0xFFFFFF80  }
0xdf: {  	_ =	swait.ge [sflag:s31], $0x80  }
0xe0: {  	[sflag:s31] =	ssyncset.done $0x0  }
0xe1: {  	s1 =	simm.s32 $0x13D80;
	[sflag:s31] =	ssyncadd.s32 $0xFFFFFF80  }
0xe2: {  	[tilespmem:s0], [sflag:$0x4] =	stream.indirect.gather [hbm4b:s5+s24], $0x80, s1, s24, $0xb8;
	[tilespmem:$0x1E680] =	vst v63  }
0xe3: {  	s21 =	simm.s32 $0x13C80  }
0xe4: {  	[tilespmem:s3], [sflag:$0x4] =	stream.indirect.gather [hbm4b:s6+s24], $0x80, s21, s24, $0xb8;
	[tilespmem:$0x1E680] =	vst v63  }
0xe5: {  	_ = 	snop  }
0xe6: {  	[tilespmem:s22], [sflag:$0x4] =	stream.indirect.gather [hbm4b:s7+s24], $0x80, s21, s24, $0xb8;
	[tilespmem:$0x1E680] =	vst v63  }
0xe7: {  	v7 =	vld [tilespmem:$0x13D00]  }
0xe8: {  	v8 =	vld [tilespmem:$0x13D10]  }
0xe9: {  	v9 =	vld [tilespmem:$0x13D20];
	_ =	sdelay $0x2  }
0xea: {  	v7 =	vsub.s32 v7, v1  }
0xeb: {  	[tilespmem:$0x13E00] =	vst v7;
	v7 =	vsub.s32 v8, v1  }
0xec: {  	[tilespmem:$0x13E10] =	vst v7;
	v7 =	vsub.s32 v9, v1  }
0xed: {  	[tilespmem:$0x13E20] =	vst v7  }
0xee: {  	p0 =	sgt.u32 s18, $0x1AB;
	_ =	swait.ge [sflag:s9], $0x1800  }
0xef: {  	s11 =	sshll.u32 @!p0 s18, $0x7;
	[sflag:s9] =	ssyncset.done $0x0  }
0xf0: {  	s20 =	simm.s32 $0x20;
	s11 =	sadd.s32 @!p0 $0x100, s11;
	[sflag:s9] =	ssyncadd.s32 $0xFFFFE800  }
0xf1: {  	s23 =	simm.s32 $0x22;
	s19 =	sand.u32 @!p0 $0x1FC00, s11;
	_ =	swait.ge [sflag:s9], $0x1800  }
0xf2: {  	s11 =	sand.u32 @!p0 $0x300, s11;
	s19 =	sadd.s32 @!p0 s10, s19;
	v7 =	vmov s20;
	[sflag:s9] =	ssyncset.done $0x0  }
0xf3: {  	s17 =	simm.s32 $0x0;
	s11 =	sor.u32 @!p0 s11, s19;
	v7 =	vand.u32 $0x7C, v7;
	[sflag:s9] =	ssyncadd.s32 $0xFFFFE800  }
0xf4: {  	s30 =	simm.s32 $0x40;
	s11 =	sshrl.u32 @!p0 s11, $0x3;
	v8 =	vmov s23;
	v7 =	vbroadcast v7, $0x0;
	_ =	swait.ge [sflag:s9], $0x1800  }
0xf5: {  	s19 =	sadd.s32 @!p0 s8, s11;
	s21 =	simm.s32 $0x23;
	v8 =	vand.u32 $0x7E, v8;
	[sflag:s9] =	ssyncset.done $0x0  }
0xf6: {  	s23 =	simm.s32 @!p0 $0x13C00;
	v9 =	vmov s21;
	s20 =	simm.s32 @!p0 $0x0;
	v8 =	vbroadcast v8, $0x0;
	v7 =	vor.u32 v0, v7;
	[sflag:s9] =	ssyncadd.s32 $0xFFFFE800  }
0xf7: {  	v10 =	vmov s30;
	v11 =	vmov s17;
	v9 =	vand.u32 $0x7F, v9;
	[tilespmem:s23], [sflag:$0x1] =	stream.linear.gather @!p0 [hbm4b:s19+s20], $0x80, $0x38;
	[tilespmem:$0x1E680] =	vst v63  }
0xf8: {  	s29 =	simm.s32 $0x21;
	s2 =	simm.s32 $0x41;
	v11 =	vand.u32 $0x7C, v11;
	v9 =	vbroadcast v9, $0x0;
	v8 =	vor.u32 v0, v8;
	s1 =	rddreg [dreg:$0x1]  }
0xf9: {  	v12 =	vmov s29;
	v16 =	vmov s2;
	v11 =	vbroadcast v11, $0x0;
	s19 =	simm.s32 @!p0 $0x13D00;
	s11 =	sadd.s32 @!p0 s1, s11  }
0xfa: {  	v10 =	vand.u32 $0x7C, v10;
	v16 =	vand.u32 $0x7D, v16;
	v13 =	vor.u32 v0, v9;
	[tilespmem:s19], [sflag:$0x1] =	stream.linear.gather @!p0 [hbm4b:s11+s20], $0x80, $0x38;
	[tilespmem:$0x1E680] =	vst v63  }
0xfb: {  	v10 =	vbroadcast v10, $0x0;
	v15 =	vor.u32 v0, v11;
	v9 =	vand.u32 $0x7D, v12;
	v12 =	vld.idx.msk [tilespmem:v7+s25+$0x0], $0xffff  }
0xfc: {  	s13 =	simm.s32 $0x42;
	s30 =	simm.s32 $0x60;
	v25 =	vbroadcast v16, $0x0;
	v9 =	vbroadcast v9, $0x0;
	v7 =	vld.idx.msk [tilespmem:v7+s26+$0x0], $0xffff  }
0xfd: {  	v17 =	vmov s13;
	v11 =	vmov s30;
	v19 =	vld.idx.msk [tilespmem:v8+s26+$0x0], $0xffff  }
0xfe: {  	v10 =	vor.u32 v0, v10;
	v29 =	vor.u32 v0, v25;
	s21 =	simm.s32 $0x62;
	v20 =	vor.u32 v0, v9;
	s1 =	simm.s32 $0x61;
	v8 =	vld.idx.msk [tilespmem:v8+s25+$0x0], $0xffff  }
0xff: {  	v11 =	vand.u32 $0x7C, v11;
	v21 =	vmov s21;
	v14 =	vmov s1;
	v22 =	vld.idx.msk [tilespmem:v13+s25+$0x0], $0xffff  }
0x100: {  	v16 =	vand.u32 $0x7E, v21;
	s23 =	simm.s32 $0x1;
	v9 =	vand.u32 $0x7D, v14;
	v14 =	vbroadcast v11, $0x0;
	v24 =	vld.idx.msk [tilespmem:v15+s25+$0x0], $0xffff  }
0x101: {  	v28 =	vbroadcast v16, $0x0;
	v21 =	vmov s23;
	s19 =	simm.s32 $0x63;
	v13 =	vld.idx.msk [tilespmem:v13+s26+$0x0], $0xffff;
	v9 =	vbroadcast v9, $0x0  }
0x102: {  	v21 =	vand.u32 $0x7D, v21;
	v18 =	vmov s19;
	v15 =	vld.idx.msk [tilespmem:v15+s26+$0x0], $0xffff;
	v23 =	vor.u32 v0, v14  }
0x103: {  	v31 =	vbroadcast v21, $0x0;
	v21 =	vor.u32 v0, v28;
	v28 =	vld.idx.msk [tilespmem:v20+s25+$0x0], $0xffff;
	v26 =	vor.u32 v0, v9  }
0x104: {  	v17 =	vand.u32 $0x7E, v17;
	v14 =	vand.u32 $0x7F, v18;
	v9 =	vld.idx.msk [tilespmem:v10+s26+$0x0], $0xffff  }
0x105: {  	v17 =	vbroadcast v17, $0x0;
	s20 =	simm.s32 $0x2;
	v11 =	vimm.f32 $0.0e+00;
	v27 =	vbroadcast v14, $0x0;
	v14 =	vld.idx.msk [tilespmem:v20+s26+$0x0], $0xffff  }
0x106: {  	v18 =	vmov s20;
	v32 =	vmul.f32 v7, v12;
	v7 =	vmul.f32 v13, v22;
	v22 =	vld.idx.msk [tilespmem:v29+s25+$0x0], $0xffff  }
0x107: {  	s30 =	simm.s32 $0x43;
	v30 =	vand.u32 $0x7E, v18;
	v18 =	vor.u32 v0, v17;
	v17 =	vor.u32 v0, v31;
	v16 =	vld.idx.msk [tilespmem:v23+s26+$0x0], $0xffff  }
0x108: {  	s29 =	simm.s32 $0x3;
	v20 =	vmov s30;
	v12 =	vor.u32 v0, v27;
	v8 =	vmul.f32 v19, v8;
	v25 =	vld.idx.msk [tilespmem:v26+s25+$0x0], $0xffff  }
0x109: {  	v19 =	vmov s29;
	v13 =	vand.u32 $0x7F, v20;
	v20 =	vbroadcast v30, $0x0;
	v27 =	vld.idx.msk [tilespmem:v26+s26+$0x0], $0xffff  }
0x10a: {  	v30 =	vmul.f32 v15, v24;
	v13 =	vbroadcast v13, $0x0;
	v15 =	vadd.f32 v32, v11;
	v26 =	vld.idx.msk [tilespmem:v23+s25+$0x0], $0xffff  }
0x10b: {  	v24 =	vor.u32 v0, v20;
	v20 =	vimm.f32 $0.0e+00;
	v23 =	vld.idx.msk [tilespmem:v10+s25+$0x0], $0xffff;
	v10 =	vand.u32 $0x7F, v19  }
0x10c: {  	s23 =	simm.s32 $0x4;
	v19 =	vor.u32 v0, v13;
	v13 =	vimm.f32 $0.0e+00;
	v31 =	vbroadcast v10, $0x0;
	v10 =	vld.idx.msk [tilespmem:v17+s25+$0x0], $0xffff  }
.LBB2_4:
0x10d: {  	s11 =	sadd.s32 $0x20, s23  }
0x10e: {  	s17 =	sadd.s32 $0x40, s23;
	s30 =	sadd.s32 $0x60, s23;
	v11 =	vadd.f32 v30, v11;
	v29 =	vld.idx.msk [tilespmem:v29+s26+$0x0], $0xffff;
	v25 =	vmul.f32 v27, v25;
	v27 =	vor.u32 v0, v31;
	s19 =	smov.u32 s23  }
0x10f: {  	s21 =	sadd.s32 $0x61, s23;
	s20 =	sadd.s32 $0x2, s23;
	v14 =	vmul.f32 v14, v28;
	v30 =	vmov s11;
	v31 =	vmov s17;
	s17 =	sadd.s32 $0x22, s23;
	v28 =	vld.idx.msk [tilespmem:v21+s25+$0x0], $0xffff  }
0x110: {  	s2 =	sadd.s32 $0x41, s19;
	s1 =	sadd.s32 $0x42, s19;
	s11 =	sadd.s32 $0x4, s23;
	v16 =	vmul.f32 v16, v26;
	v30 =	vand.u32 $0x7C, v30;
	v31 =	vand.u32 $0x7C, v31;
	v21 =	vld.idx.msk [tilespmem:v21+s26+$0x0], $0xffff  }
0x111: {  	p0 =	slt.u32 s23, $0x1C;
	s13 =	sadd.s32 $0x21, s19;
	v32 =	vmov s1;
	s1 =	sadd.s32 $0x63, s19;
	v26 =	vbroadcast v30, $0x0;
	v30 =	vmov s2;
	v33 =	vld.idx.msk [tilespmem:v18+s25+$0x0], $0xffff  }
0x112: {  	v34 =	vmov s30;
	v35 =	vmov s1;
	v16 =	vadd.f32 v16, v20;
	v18 =	vld.idx.msk [tilespmem:v18+s26+$0x0], $0xffff  }
0x113: {  	v20 =	vor.u32 v0, v26;
	v26 =	vand.u32 $0x7D, v30;
	v30 =	vand.u32 $0x7F, v35;
	v35 =	vld.idx.msk [tilespmem:v27+s26+$0x0], $0xffff  }
0x114: {  	v36 =	vmov s13;
	v37 =	vmov s17;
	s1 =	sadd.s32 $0x23, s19;
	v30 =	vbroadcast v30, $0x0;
	v17 =	vld.idx.msk [tilespmem:v17+s26+$0x0], $0xffff  }
0x115: {  	v9 =	vmul.f32 v9, v23;
	v37 =	vand.u32 $0x7E, v37;
	v38 =	vmov s1;
	v23 =	vld.idx.msk [tilespmem:v12+s25+$0x0], $0xffff  }
0x116: {  	v31 =	vbroadcast v31, $0x0;
	v37 =	vbroadcast v37, $0x0;
	v38 =	vand.u32 $0x7F, v38;
	v12 =	vld.idx.msk [tilespmem:v12+s26+$0x0], $0xffff  }
0x117: {  	v39 =	vmov s19;
	v22 =	vmul.f32 v29, v22;
	v38 =	vbroadcast v38, $0x0;
	v29 =	vld.idx.msk [tilespmem:v24+s25+$0x0], $0xffff  }
0x118: {  	v39 =	vand.u32 $0x7C, v39;
	v37 =	vor.u32 v0, v37;
	v21 =	vmul.f32 v21, v28;
	v24 =	vld.idx.msk [tilespmem:v24+s26+$0x0], $0xffff  }
0x119: {  	v16 =	vadd.f32 v25, v16;
	v28 =	vbroadcast v39, $0x0;
	v38 =	vor.u32 v0, v38;
	v39 =	vld.idx.msk [tilespmem:v20+s25+$0x0], $0xffff  }
0x11a: {  	v9 =	vadd.f32 v9, v13;
	v25 =	vand.u32 $0x7D, v36;
	v36 =	vmov s21;
	v13 =	vld.idx.msk [tilespmem:v19+s25+$0x0], $0xffff  }
0x11b: {  	v36 =	vand.u32 $0x7D, v36;
	v28 =	vor.u32 v0, v28;
	v18 =	vmul.f32 v18, v33;
	v19 =	vld.idx.msk [tilespmem:v19+s26+$0x0], $0xffff  }
0x11c: {  	v14 =	vadd.f32 v14, v15;
	v25 =	vbroadcast v25, $0x0;
	v33 =	vbroadcast v36, $0x0;
	v20 =	vld.idx.msk [tilespmem:v20+s26+$0x0], $0xffff  }
0x11d: {  	v15 =	vor.u32 v0, v31;
	v31 =	vand.u32 $0x7C, v34;
	v16 =	vadd.f32 v21, v16;
	v34 =	vld.idx.msk [tilespmem:v37+s26+$0x0], $0xffff  }
0x11e: {  	v36 =	vor.u32 v0, v25;
	v21 =	vmov s20;
	v33 =	vor.u32 v0, v33;
	v37 =	vld.idx.msk [tilespmem:v37+s25+$0x0], $0xffff  }
0x11f: {  	s1 =	sadd.s32 $0x62, s19;
	v9 =	vadd.f32 v22, v9;
	v25 =	vbroadcast v31, $0x0;
	v31 =	vand.u32 $0x7E, v21;
	v40 =	vld.idx.msk [tilespmem:v38+s25+$0x0], $0xffff  }
0x120: {  	v22 =	vbroadcast v26, $0x0;
	v26 =	vadd.f32 v8, v14;
	v21 =	vmov s1;
	v8 =	vld.idx.msk [tilespmem:v27+s25+$0x0], $0xffff  }
0x121: {  	v42 =	vor.u32 v0, v25;
	v27 =	vadd.f32 v18, v9;
	v13 =	vmul.f32 v19, v13;
	v41 =	vld.idx.msk [tilespmem:v28+s25+$0x0], $0xffff  }
0x122: {  	v24 =	vmul.f32 v24, v29;
	v18 =	vand.u32 $0x7E, v21;
	v19 =	vmul.f32 v20, v39;
	v9 =	vld.idx.msk [tilespmem:v15+s26+$0x0], $0xffff  }
0x123: {  	s1 =	sadd.s32 $0x1, s19;
	v12 =	vmul.f32 v12, v23;
	v20 =	vand.u32 $0x7E, v32;
	v18 =	vbroadcast v18, $0x0;
	v14 =	vld.idx.msk [tilespmem:v36+s26+$0x0], $0xffff  }
0x124: {  	v10 =	vmul.f32 v17, v10;
	v21 =	vmov s1;
	v23 =	vbroadcast v20, $0x0;
	v32 =	vld.idx.msk [tilespmem:v38+s26+$0x0], $0xffff  }
0x125: {  	v17 =	vand.u32 $0x7D, v21;
	v20 =	vadd.f32 v12, v16;
	v21 =	vor.u32 v0, v18;
	v38 =	vld.idx.msk [tilespmem:v28+s26+$0x0], $0xffff  }
0x126: {  	v17 =	vbroadcast v17, $0x0;
	v18 =	vor.u32 v0, v23;
	v35 =	vmul.f32 v35, v8;
	v16 =	vld.idx.msk [tilespmem:v42+s26+$0x0], $0xffff  }
0x127: {  	v29 =	vor.u32 v0, v22;
	v12 =	vor.u32 v0, v30;
	v13 =	vadd.f32 v13, v27;
	v25 =	vld.idx.msk [tilespmem:v33+s25+$0x0], $0xffff  }
0x128: {  	s2 =	sadd.s32 $0x43, s19;
	v10 =	vadd.f32 v10, v11;
	s1 =	sadd.s32 $0x3, s19;
	v17 =	vor.u32 v0, v17;
	v8 =	vmul.f32 v34, v37;
	v27 =	vld.idx.msk [tilespmem:v33+s26+$0x0], $0xffff  }
.Ltmp5:
0x129: {  	v22 =	vmov s2;
	v11 =	vmov s1;
	v33 =	vadd.f32 v7, v26;
	v28 =	vld.idx.msk [tilespmem:v36+s25+$0x0], $0xffff;
	(pc) =	sbr.rel @p0 .LBB2_4-.Ltmp5, $4  }
0x12a: {  	v22 =	vand.u32 $0x7F, v22;
	v10 =	vadd.f32 v24, v10;
	v7 =	vmul.f32 v32, v40;
	v26 =	vld.idx.msk [tilespmem:v42+s25+$0x0], $0xffff  }
0x12b: {  	v24 =	vbroadcast v31, $0x0;
	v11 =	vand.u32 $0x7F, v11;
	v32 =	vbroadcast v22, $0x0;
	v23 =	vld.idx.msk [tilespmem:v15+s25+$0x0], $0xffff  }
0x12c: {  	v31 =	vbroadcast v11, $0x0;
	v11 =	vadd.f32 v35, v10;
	v30 =	vmul.f32 v38, v41;
	v22 =	vld.idx.msk [tilespmem:v29+s25+$0x0], $0xffff  }
0x12d: {  	s23 =	smov.u32 s11;
	v24 =	vor.u32 v0, v24;
	v15 =	vadd.f32 v19, v33;
	v19 =	vor.u32 v0, v32;
	v10 =	vld.idx.msk [tilespmem:v17+s25+$0x0], $0xffff  }
0x12e: {  	_ =	sdelay $0x3  }
0x12f: {  	v29 =	vld.idx.msk [tilespmem:v29+s26+$0x0], $0xffff  }
0x130: {  	v32 =	vld.idx.msk [tilespmem:v21+s25+$0x0], $0xffff  }
0x131: {  	v57 =	vld.idx.msk [tilespmem:v21+s26+$0x0], $0xffff  }
0x132: {  	v33 =	vld.idx.msk [tilespmem:v18+s25+$0x0], $0xffff  }
0x133: {  	v31 =	vor.u32 v0, v31;
	v58 =	vld.idx.msk [tilespmem:v18+s26+$0x0], $0xffff  }
0x134: {  	v17 =	vld.idx.msk [tilespmem:v17+s26+$0x0], $0xffff  }
0x135: {  	v35 =	vld.idx.msk [tilespmem:v24+s25+$0x0], $0xffff  }
0x136: {  	v59 =	vld.idx.msk [tilespmem:v24+s26+$0x0], $0xffff  }
0x137: {  	v36 =	vld.idx.msk [tilespmem:v12+s25+$0x0], $0xffff  }
0x138: {  	v34 =	vld.idx.msk [tilespmem:v31+s26+$0x0], $0xffff  }
0x139: {  	v9 =	vmul.f32 v9, v23;
	v60 =	vld.idx.msk [tilespmem:v31+s25+$0x0], $0xffff  }
0x13a: {  	v25 =	vmul.f32 v27, v25;
	v11 =	vadd.f32 v30, v11;
	v61 =	vld.idx.msk [tilespmem:v19+s25+$0x0], $0xffff;
	v10 =	vmul.f32 v17, v10  }
0x13b: {  	v14 =	vmul.f32 v14, v28;
	v62 =	vld.idx.msk [tilespmem:v19+s26+$0x0], $0xffff;
	v16 =	vmul.f32 v16, v26;
	v9 =	vadd.f32 v9, v13  }
0x13c: {  	v12 =	vld.idx.msk [tilespmem:v12+s26+$0x0], $0xffff;
	v22 =	vmul.f32 v29, v22;
	v13 =	vmul.f32 v59, v35;
	v10 =	vadd.f32 v10, v11  }
0x13d: {  	v14 =	vadd.f32 v14, v15;
	v63 =	vmul.f32 v58, v33;
	v11 =	vadd.f32 v16, v20  }
0x13e: {  	v9 =	vadd.f32 v22, v9;
	v10 =	vadd.f32 v13, v10;
	v15 =	vmul.f32 v34, v60  }
0x13f: {  	v8 =	vadd.f32 v8, v14;
	v13 =	vmul.f32 v57, v32;
	v11 =	vadd.f32 v25, v11  }
0x140: {  	v14 =	vmul.f32 v62, v61;
	v9 =	vadd.f32 v63, v9;
	v10 =	vadd.f32 v15, v10  }
0x141: {  	v12 =	vmul.f32 v12, v36;
	v7 =	vadd.f32 v7, v8;
	v11 =	vadd.f32 v13, v11  }
0x142: {  	v8 =	vadd.f32 v14, v9;
	v9 =	vmul.f32 $1.442695020e+00, v10  }
0x143: {  	v7 =	vmul.f32 $1.442695020e+00, v7;
	v10 =	vadd.f32 v12, v11  }
0x144: {  	v8 =	vmul.f32 $1.442695020e+00, v8;
	(erf) = vpow2.f32 v9  }
0x145: {  	(erf) = vpow2.f32 v7;
	v7 =	vmul.f32 $1.442695020e+00, v10  }
0x146: {  	(erf) = vpow2.f32 v8  }
0x147: {  	(erf) = vpow2.f32 v7  }
0x148: {  	s11 =	simm.s32 $0x0  }
0x149: {  	v7 =	vmov s11  }
0x14a: {  	v7 =	vand.u32 $0x7C, v7  }
0x14b: {  	v7 =	vbroadcast v7, $0x0;
	_ =	sdelay $0x1  }
0x14c: {  	v11 =	vor.u32 v0, v7;
	v10 =	vpop (erf)  }
0x14d: {  	v9 =	vpop (erf);
	[tilespmem:v0+s12+$0x0] =	vst.idx.msk $0xffff, v10  }
0x14e: {  	v8 =	vpop (erf);
	[tilespmem:v3+s12+$0x0] =	vst.idx.msk $0xffff, v9  }
0x14f: {  	s1 =	simm.s32 $0x20;
	v7 =	vpop (erf);
	[tilespmem:v4+s12+$0x0] =	vst.idx.msk $0xffff, v8  }
0x150: {  	v12 =	vmov s1;
	[tilespmem:v5+s12+$0x0] =	vst.idx.msk $0xffff, v7  }
0x151: {  	v12 =	vand.u32 $0x7C, v12;
	v13 =	vld.idx.msk [tilespmem:v11+s28+$0x0], $0xffff  }
0x152: {  	v12 =	vbroadcast v12, $0x0;
	_ =	sdelay $0x1  }
0x153: {  	v12 =	vor.u32 v0, v12;
	_ =	sdelay $0x1  }
0x154: {  	v13 =	vmul.f32 v13, v10  }
0x155: {  	s20 =	simm.s32 $0x40  }
0x156: {  	[tilespmem:v11+s28+$0x0] =	vst.idx.msk $0xffff, v13;
	v11 =	vmov s20  }
0x157: {  	v13 =	vld.idx.msk [tilespmem:v12+s28+$0x0], $0xffff;
	v11 =	vand.u32 $0x7C, v11  }
0x158: {  	v11 =	vbroadcast v11, $0x0;
	_ =	sdelay $0x1  }
0x159: {  	v11 =	vor.u32 v0, v11;
	_ =	sdelay $0x1  }
0x15a: {  	v13 =	vmul.f32 v13, v9  }
0x15b: {  	s21 =	simm.s32 $0x60  }
0x15c: {  	[tilespmem:v12+s28+$0x0] =	vst.idx.msk $0xffff, v13;
	v12 =	vmov s21  }
0x15d: {  	v13 =	vld.idx.msk [tilespmem:v11+s28+$0x0], $0xffff;
	v12 =	vand.u32 $0x7C, v12  }
0x15e: {  	v12 =	vbroadcast v12, $0x0;
	_ =	sdelay $0x1  }
0x15f: {  	v12 =	vor.u32 v0, v12;
	_ =	sdelay $0x1  }
0x160: {  	v13 =	vmul.f32 v13, v8  }
0x161: {  	s23 =	simm.s32 $0x1  }
0x162: {  	[tilespmem:v11+s28+$0x0] =	vst.idx.msk $0xffff, v13;
	v11 =	vmov s23  }
0x163: {  	v13 =	vld.idx.msk [tilespmem:v12+s28+$0x0], $0xffff;
	v11 =	vand.u32 $0x7D, v11  }
0x164: {  	v11 =	vbroadcast v11, $0x0;
	_ =	sdelay $0x1  }
0x165: {  	v11 =	vor.u32 v0, v11;
	_ =	sdelay $0x1  }
0x166: {  	v13 =	vmul.f32 v13, v7  }
0x167: {  	s29 =	simm.s32 $0x21  }
0x168: {  	[tilespmem:v12+s28+$0x0] =	vst.idx.msk $0xffff, v13;
	v12 =	vmov s29  }
0x169: {  	v13 =	vld.idx.msk [tilespmem:v11+s28+$0x0], $0xffff;
	v12 =	vand.u32 $0x7D, v12  }
0x16a: {  	v12 =	vbroadcast v12, $0x0;
	_ =	sdelay $0x1  }
0x16b: {  	v12 =	vor.u32 v0, v12;
	_ =	sdelay $0x1  }
0x16c: {  	v13 =	vmul.f32 v13, v10  }
0x16d: {  	s30 =	simm.s32 $0x41  }
0x16e: {  	[tilespmem:v11+s28+$0x0] =	vst.idx.msk $0xffff, v13;
	v11 =	vmov s30  }
0x16f: {  	v13 =	vld.idx.msk [tilespmem:v12+s28+$0x0], $0xffff;
	v11 =	vand.u32 $0x7D, v11  }
0x170: {  	v11 =	vbroadcast v11, $0x0;
	_ =	sdelay $0x1  }
0x171: {  	v11 =	vor.u32 v0, v11;
	_ =	sdelay $0x1  }
0x172: {  	v13 =	vmul.f32 v13, v9  }
0x173: {  	s2 =	simm.s32 $0x61  }
0x174: {  	[tilespmem:v12+s28+$0x0] =	vst.idx.msk $0xffff, v13;
	v12 =	vmov s2  }
0x175: {  	v13 =	vld.idx.msk [tilespmem:v11+s28+$0x0], $0xffff;
	v12 =	vand.u32 $0x7D, v12  }
0x176: {  	v12 =	vbroadcast v12, $0x0;
	_ =	sdelay $0x1  }
0x177: {  	v12 =	vor.u32 v0, v12;
	_ =	sdelay $0x1  }
0x178: {  	v13 =	vmul.f32 v13, v8  }
0x179: {  	s13 =	simm.s32 $0x2  }
0x17a: {  	[tilespmem:v11+s28+$0x0] =	vst.idx.msk $0xffff, v13;
	v11 =	vmov s13  }
0x17b: {  	v13 =	vld.idx.msk [tilespmem:v12+s28+$0x0], $0xffff;
	v11 =	vand.u32 $0x7E, v11  }
0x17c: {  	v11 =	vbroadcast v11, $0x0;
	_ =	sdelay $0x1  }
0x17d: {  	v11 =	vor.u32 v0, v11;
	_ =	sdelay $0x1  }
0x17e: {  	v13 =	vmul.f32 v13, v7  }
0x17f: {  	s17 =	simm.s32 $0x22  }
0x180: {  	[tilespmem:v12+s28+$0x0] =	vst.idx.msk $0xffff, v13;
	v12 =	vmov s17  }
0x181: {  	v13 =	vld.idx.msk [tilespmem:v11+s28+$0x0], $0xffff;
	v12 =	vand.u32 $0x7E, v12  }
0x182: {  	v12 =	vbroadcast v12, $0x0;
	_ =	sdelay $0x1  }
0x183: {  	v12 =	vor.u32 v0, v12;
	_ =	sdelay $0x1  }
0x184: {  	v13 =	vmul.f32 v13, v10  }
0x185: {  	s19 =	simm.s32 $0x42  }
0x186: {  	[tilespmem:v11+s28+$0x0] =	vst.idx.msk $0xffff, v13;
	v11 =	vmov s19  }
0x187: {  	v13 =	vld.idx.msk [tilespmem:v12+s28+$0x0], $0xffff;
	v11 =	vand.u32 $0x7E, v11  }
0x188: {  	v11 =	vbroadcast v11, $0x0;
	_ =	sdelay $0x1  }
0x189: {  	v11 =	vor.u32 v0, v11;
	_ =	sdelay $0x1  }
0x18a: {  	v13 =	vmul.f32 v13, v9  }
0x18b: {  	s20 =	simm.s32 $0x62  }
0x18c: {  	[tilespmem:v12+s28+$0x0] =	vst.idx.msk $0xffff, v13;
	v12 =	vmov s20  }
0x18d: {  	v13 =	vld.idx.msk [tilespmem:v11+s28+$0x0], $0xffff;
	v12 =	vand.u32 $0x7E, v12  }
0x18e: {  	v12 =	vbroadcast v12, $0x0;
	_ =	sdelay $0x1  }
0x18f: {  	v12 =	vor.u32 v0, v12;
	_ =	sdelay $0x1  }
0x190: {  	v13 =	vmul.f32 v13, v8  }
0x191: {  	s21 =	simm.s32 $0x3  }
0x192: {  	[tilespmem:v11+s28+$0x0] =	vst.idx.msk $0xffff, v13;
	v11 =	vmov s21  }
0x193: {  	v13 =	vld.idx.msk [tilespmem:v12+s28+$0x0], $0xffff;
	v11 =	vand.u32 $0x7F, v11  }
0x194: {  	v11 =	vbroadcast v11, $0x0;
	_ =	sdelay $0x1  }
0x195: {  	v11 =	vor.u32 v0, v11;
	_ =	sdelay $0x1  }
0x196: {  	v13 =	vmul.f32 v13, v7  }
0x197: {  	s23 =	simm.s32 $0x23  }
0x198: {  	[tilespmem:v12+s28+$0x0] =	vst.idx.msk $0xffff, v13;
	v12 =	vmov s23  }
0x199: {  	v13 =	vld.idx.msk [tilespmem:v11+s28+$0x0], $0xffff;
	v12 =	vand.u32 $0x7F, v12  }
0x19a: {  	v12 =	vbroadcast v12, $0x0;
	_ =	sdelay $0x1  }
0x19b: {  	v12 =	vor.u32 v0, v12;
	_ =	sdelay $0x1  }
0x19c: {  	v13 =	vmul.f32 v13, v10  }
0x19d: {  	s29 =	simm.s32 $0x43  }
0x19e: {  	[tilespmem:v11+s28+$0x0] =	vst.idx.msk $0xffff, v13;
	v11 =	vmov s29  }
0x19f: {  	v13 =	vld.idx.msk [tilespmem:v12+s28+$0x0], $0xffff;
	v11 =	vand.u32 $0x7F, v11  }
0x1a0: {  	v11 =	vbroadcast v11, $0x0;
	_ =	sdelay $0x1  }
0x1a1: {  	v11 =	vor.u32 v0, v11;
	_ =	sdelay $0x1  }
0x1a2: {  	v13 =	vmul.f32 v13, v9  }
0x1a3: {  	s30 =	simm.s32 $0x63  }
0x1a4: {  	[tilespmem:v12+s28+$0x0] =	vst.idx.msk $0xffff, v13;
	v12 =	vmov s30  }
0x1a5: {  	v13 =	vld.idx.msk [tilespmem:v11+s28+$0x0], $0xffff;
	v12 =	vand.u32 $0x7F, v12  }
0x1a6: {  	v12 =	vbroadcast v12, $0x0;
	_ =	sdelay $0x1  }
0x1a7: {  	v12 =	vor.u32 v0, v12;
	_ =	sdelay $0x1  }
0x1a8: {  	v13 =	vmul.f32 v13, v8  }
0x1a9: {  	s21 =	simm.s32 $0x4  }
0x1aa: {  	[tilespmem:v11+s28+$0x0] =	vst.idx.msk $0xffff, v13;
	v11 =	vmov s21  }
0x1ab: {  	v13 =	vld.idx.msk [tilespmem:v12+s28+$0x0], $0xffff;
	v11 =	vand.u32 $0x7C, v11  }
0x1ac: {  	v11 =	vbroadcast v11, $0x0;
	_ =	sdelay $0x1  }
0x1ad: {  	v11 =	vor.u32 v0, v11;
	_ =	sdelay $0x1  }
0x1ae: {  	s19 =	simm.s32 $0x4;
	s20 =	simm.s32 $0x8;
	v13 =	vmul.f32 v13, v7  }
.LBB2_6:
0x1af: {  	p0 =	slt.u32 s20, $0x1C  }
0x1b0: {  	s1 =	sadd.s32 $0x20, s19;
	s23 =	smov.u32 s20;
	s20 =	sadd.s32 $0x4, s20;
	[tilespmem:v12+s28+$0x0] =	vst.idx.msk $0xffff, v13  }
0x1b1: {  	v13 =	vmov s1;
	v12 =	vld.idx.msk [tilespmem:v11+s28+$0x0], $0xffff  }
0x1b2: {  	v13 =	vand.u32 $0x7C, v13  }
0x1b3: {  	v13 =	vbroadcast v13, $0x0;
	_ =	sdelay $0x1  }
0x1b4: {  	v13 =	vor.u32 v0, v13;
	_ =	sdelay $0x1  }
0x1b5: {  	v12 =	vmul.f32 v12, v10;
	_ =	sdelay $0x1  }
0x1b6: {  	s1 =	sadd.s32 $0x40, s19;
	[tilespmem:v11+s28+$0x0] =	vst.idx.msk $0xffff, v12  }
0x1b7: {  	v12 =	vmov s1;
	v11 =	vld.idx.msk [tilespmem:v13+s28+$0x0], $0xffff  }
0x1b8: {  	v12 =	vand.u32 $0x7C, v12  }
0x1b9: {  	v12 =	vbroadcast v12, $0x0;
	_ =	sdelay $0x1  }
0x1ba: {  	v12 =	vor.u32 v0, v12;
	_ =	sdelay $0x1  }
0x1bb: {  	v11 =	vmul.f32 v11, v9;
	_ =	sdelay $0x1  }
0x1bc: {  	s1 =	sadd.s32 $0x60, s19;
	[tilespmem:v13+s28+$0x0] =	vst.idx.msk $0xffff, v11  }
0x1bd: {  	v13 =	vmov s1;
	v11 =	vld.idx.msk [tilespmem:v12+s28+$0x0], $0xffff  }
0x1be: {  	v13 =	vand.u32 $0x7C, v13  }
0x1bf: {  	v13 =	vbroadcast v13, $0x0;
	_ =	sdelay $0x1  }
0x1c0: {  	v13 =	vor.u32 v0, v13;
	_ =	sdelay $0x1  }
0x1c1: {  	v11 =	vmul.f32 v11, v8;
	_ =	sdelay $0x1  }
0x1c2: {  	s1 =	sadd.s32 $0x1, s19;
	[tilespmem:v12+s28+$0x0] =	vst.idx.msk $0xffff, v11  }
0x1c3: {  	v12 =	vmov s1;
	v11 =	vld.idx.msk [tilespmem:v13+s28+$0x0], $0xffff  }
0x1c4: {  	v12 =	vand.u32 $0x7D, v12  }
0x1c5: {  	v12 =	vbroadcast v12, $0x0;
	_ =	sdelay $0x1  }
0x1c6: {  	v12 =	vor.u32 v0, v12;
	_ =	sdelay $0x1  }
0x1c7: {  	v11 =	vmul.f32 v11, v7;
	_ =	sdelay $0x1  }
0x1c8: {  	s1 =	sadd.s32 $0x21, s19;
	[tilespmem:v13+s28+$0x0] =	vst.idx.msk $0xffff, v11  }
0x1c9: {  	v13 =	vmov s1;
	v11 =	vld.idx.msk [tilespmem:v12+s28+$0x0], $0xffff  }
0x1ca: {  	v13 =	vand.u32 $0x7D, v13  }
0x1cb: {  	v13 =	vbroadcast v13, $0x0;
	_ =	sdelay $0x1  }
0x1cc: {  	v13 =	vor.u32 v0, v13;
	_ =	sdelay $0x1  }
0x1cd: {  	v11 =	vmul.f32 v11, v10;
	_ =	sdelay $0x1  }
0x1ce: {  	s1 =	sadd.s32 $0x41, s19;
	[tilespmem:v12+s28+$0x0] =	vst.idx.msk $0xffff, v11  }
0x1cf: {  	v12 =	vmov s1;
	v11 =	vld.idx.msk [tilespmem:v13+s28+$0x0], $0xffff  }
0x1d0: {  	v12 =	vand.u32 $0x7D, v12  }
0x1d1: {  	v12 =	vbroadcast v12, $0x0;
	_ =	sdelay $0x1  }
0x1d2: {  	v12 =	vor.u32 v0, v12;
	_ =	sdelay $0x1  }
0x1d3: {  	v11 =	vmul.f32 v11, v9;
	_ =	sdelay $0x1  }
0x1d4: {  	s1 =	sadd.s32 $0x61, s19;
	[tilespmem:v13+s28+$0x0] =	vst.idx.msk $0xffff, v11  }
0x1d5: {  	v13 =	vmov s1;
	v11 =	vld.idx.msk [tilespmem:v12+s28+$0x0], $0xffff  }
0x1d6: {  	v13 =	vand.u32 $0x7D, v13  }
0x1d7: {  	v13 =	vbroadcast v13, $0x0;
	_ =	sdelay $0x1  }
0x1d8: {  	v13 =	vor.u32 v0, v13;
	_ =	sdelay $0x1  }
0x1d9: {  	v11 =	vmul.f32 v11, v8;
	_ =	sdelay $0x1  }
0x1da: {  	s1 =	sadd.s32 $0x2, s19;
	[tilespmem:v12+s28+$0x0] =	vst.idx.msk $0xffff, v11  }
0x1db: {  	v12 =	vmov s1;
	v11 =	vld.idx.msk [tilespmem:v13+s28+$0x0], $0xffff  }
0x1dc: {  	v12 =	vand.u32 $0x7E, v12  }
0x1dd: {  	v12 =	vbroadcast v12, $0x0;
	_ =	sdelay $0x1  }
0x1de: {  	v12 =	vor.u32 v0, v12;
	_ =	sdelay $0x1  }
0x1df: {  	v11 =	vmul.f32 v11, v7;
	_ =	sdelay $0x1  }
0x1e0: {  	s1 =	sadd.s32 $0x22, s19;
	[tilespmem:v13+s28+$0x0] =	vst.idx.msk $0xffff, v11  }
0x1e1: {  	v13 =	vmov s1;
	v11 =	vld.idx.msk [tilespmem:v12+s28+$0x0], $0xffff  }
0x1e2: {  	v13 =	vand.u32 $0x7E, v13  }
0x1e3: {  	v13 =	vbroadcast v13, $0x0;
	_ =	sdelay $0x1  }
0x1e4: {  	v13 =	vor.u32 v0, v13;
	_ =	sdelay $0x1  }
0x1e5: {  	v11 =	vmul.f32 v11, v10;
	_ =	sdelay $0x1  }
0x1e6: {  	s1 =	sadd.s32 $0x42, s19;
	[tilespmem:v12+s28+$0x0] =	vst.idx.msk $0xffff, v11  }
0x1e7: {  	v12 =	vmov s1;
	v11 =	vld.idx.msk [tilespmem:v13+s28+$0x0], $0xffff  }
0x1e8: {  	v12 =	vand.u32 $0x7E, v12  }
0x1e9: {  	v12 =	vbroadcast v12, $0x0;
	_ =	sdelay $0x1  }
0x1ea: {  	v12 =	vor.u32 v0, v12;
	_ =	sdelay $0x1  }
0x1eb: {  	v11 =	vmul.f32 v11, v9;
	_ =	sdelay $0x1  }
0x1ec: {  	s1 =	sadd.s32 $0x62, s19;
	[tilespmem:v13+s28+$0x0] =	vst.idx.msk $0xffff, v11  }
0x1ed: {  	v13 =	vmov s1;
	v11 =	vld.idx.msk [tilespmem:v12+s28+$0x0], $0xffff  }
0x1ee: {  	v13 =	vand.u32 $0x7E, v13  }
0x1ef: {  	v13 =	vbroadcast v13, $0x0;
	_ =	sdelay $0x1  }
0x1f0: {  	v13 =	vor.u32 v0, v13;
	_ =	sdelay $0x1  }
0x1f1: {  	v11 =	vmul.f32 v11, v8;
	_ =	sdelay $0x1  }
0x1f2: {  	s1 =	sadd.s32 $0x3, s19;
	[tilespmem:v12+s28+$0x0] =	vst.idx.msk $0xffff, v11  }
0x1f3: {  	v12 =	vmov s1;
	v11 =	vld.idx.msk [tilespmem:v13+s28+$0x0], $0xffff  }
0x1f4: {  	v12 =	vand.u32 $0x7F, v12  }
0x1f5: {  	v12 =	vbroadcast v12, $0x0;
	_ =	sdelay $0x1  }
0x1f6: {  	v12 =	vor.u32 v0, v12;
	_ =	sdelay $0x1  }
0x1f7: {  	v11 =	vmul.f32 v11, v7;
	_ =	sdelay $0x1  }
0x1f8: {  	s1 =	sadd.s32 $0x23, s19;
	[tilespmem:v13+s28+$0x0] =	vst.idx.msk $0xffff, v11  }
0x1f9: {  	v13 =	vmov s1;
	v11 =	vld.idx.msk [tilespmem:v12+s28+$0x0], $0xffff  }
0x1fa: {  	v13 =	vand.u32 $0x7F, v13  }
0x1fb: {  	v13 =	vbroadcast v13, $0x0;
	_ =	sdelay $0x1  }
0x1fc: {  	v13 =	vor.u32 v0, v13;
	_ =	sdelay $0x1  }
0x1fd: {  	v11 =	vmul.f32 v11, v10;
	_ =	sdelay $0x1  }
0x1fe: {  	s1 =	sadd.s32 $0x43, s19;
	[tilespmem:v12+s28+$0x0] =	vst.idx.msk $0xffff, v11  }
0x1ff: {  	v12 =	vmov s1;
	v11 =	vld.idx.msk [tilespmem:v13+s28+$0x0], $0xffff  }
0x200: {  	v12 =	vand.u32 $0x7F, v12  }
0x201: {  	v12 =	vbroadcast v12, $0x0;
	_ =	sdelay $0x1  }
0x202: {  	v14 =	vor.u32 v0, v12;
	_ =	sdelay $0x1  }
0x203: {  	v11 =	vmul.f32 v11, v9;
	_ =	sdelay $0x1  }
0x204: {  	s1 =	sadd.s32 $0x63, s19;
	s19 =	smov.u32 s23;
	[tilespmem:v13+s28+$0x0] =	vst.idx.msk $0xffff, v11  }
0x205: {  	v12 =	vmov s1;
	v11 =	vld.idx.msk [tilespmem:v14+s28+$0x0], $0xffff  }
0x206: {  	v12 =	vand.u32 $0x7F, v12  }
0x207: {  	v12 =	vbroadcast v12, $0x0;
	_ =	sdelay $0x1  }
0x208: {  	v12 =	vor.u32 v0, v12;
	_ =	sdelay $0x1  }
0x209: {  	v11 =	vmul.f32 v11, v8;
	_ =	sdelay $0x1  }
0x20a: {  	[tilespmem:v14+s28+$0x0] =	vst.idx.msk $0xffff, v11  }
0x20b: {  	v11 =	vmov s19;
	v13 =	vld.idx.msk [tilespmem:v12+s28+$0x0], $0xffff  }
0x20c: {  	v11 =	vand.u32 $0x7C, v11  }
.Ltmp6:
0x20d: {  	v11 =	vbroadcast v11, $0x0;
	(pc) =	sbr.rel @p0 .LBB2_6-.Ltmp6, $3  }
0x20e: {  	_ = 	snop  }
0x20f: {  	v11 =	vor.u32 v0, v11;
	_ =	sdelay $0x1  }
0x210: {  	v13 =	vmul.f32 v13, v7  }
0x211: {  	_ =	sdelay $0x2  }
0x212: {  	s1 =	sadd.s32 $0x20, s19  }
0x213: {  	[tilespmem:v12+s28+$0x0] =	vst.idx.msk $0xffff, v13;
	v12 =	vmov s1  }
0x214: {  	v13 =	vld.idx.msk [tilespmem:v11+s28+$0x0], $0xffff;
	v12 =	vand.u32 $0x7C, v12  }
0x215: {  	v12 =	vbroadcast v12, $0x0;
	_ =	sdelay $0x1  }
0x216: {  	v12 =	vor.u32 v0, v12;
	_ =	sdelay $0x1  }
0x217: {  	v13 =	vmul.f32 v13, v10  }
0x218: {  	s17 =	sadd.s32 $0x40, s19  }
0x219: {  	[tilespmem:v11+s28+$0x0] =	vst.idx.msk $0xffff, v13;
	v11 =	vmov s17  }
0x21a: {  	v13 =	vld.idx.msk [tilespmem:v12+s28+$0x0], $0xffff;
	v11 =	vand.u32 $0x7C, v11  }
0x21b: {  	v11 =	vbroadcast v11, $0x0;
	_ =	sdelay $0x1  }
0x21c: {  	v11 =	vor.u32 v0, v11;
	_ =	sdelay $0x1  }
0x21d: {  	v13 =	vmul.f32 v13, v9  }
0x21e: {  	s20 =	sadd.s32 $0x60, s19  }
0x21f: {  	[tilespmem:v12+s28+$0x0] =	vst.idx.msk $0xffff, v13;
	v12 =	vmov s20  }
0x220: {  	v13 =	vld.idx.msk [tilespmem:v11+s28+$0x0], $0xffff;
	v12 =	vand.u32 $0x7C, v12  }
0x221: {  	v12 =	vbroadcast v12, $0x0;
	_ =	sdelay $0x1  }
0x222: {  	v12 =	vor.u32 v0, v12;
	_ =	sdelay $0x1  }
0x223: {  	v13 =	vmul.f32 v13, v8  }
0x224: {  	s23 =	sadd.s32 $0x1, s19  }
0x225: {  	[tilespmem:v11+s28+$0x0] =	vst.idx.msk $0xffff, v13;
	v11 =	vmov s23  }
0x226: {  	v13 =	vld.idx.msk [tilespmem:v12+s28+$0x0], $0xffff;
	v11 =	vand.u32 $0x7D, v11  }
0x227: {  	v11 =	vbroadcast v11, $0x0;
	_ =	sdelay $0x1  }
0x228: {  	v11 =	vor.u32 v0, v11;
	_ =	sdelay $0x1  }
0x229: {  	v13 =	vmul.f32 v13, v7  }
0x22a: {  	s29 =	sadd.s32 $0x21, s19  }
0x22b: {  	[tilespmem:v12+s28+$0x0] =	vst.idx.msk $0xffff, v13;
	v12 =	vmov s29  }
0x22c: {  	v13 =	vld.idx.msk [tilespmem:v11+s28+$0x0], $0xffff;
	v12 =	vand.u32 $0x7D, v12  }
0x22d: {  	v12 =	vbroadcast v12, $0x0;
	_ =	sdelay $0x1  }
0x22e: {  	v12 =	vor.u32 v0, v12;
	_ =	sdelay $0x1  }
0x22f: {  	v13 =	vmul.f32 v13, v10  }
0x230: {  	s30 =	sadd.s32 $0x41, s19  }
0x231: {  	[tilespmem:v11+s28+$0x0] =	vst.idx.msk $0xffff, v13;
	v11 =	vmov s30  }
0x232: {  	v13 =	vld.idx.msk [tilespmem:v12+s28+$0x0], $0xffff;
	v11 =	vand.u32 $0x7D, v11  }
0x233: {  	v11 =	vbroadcast v11, $0x0;
	_ =	sdelay $0x1  }
0x234: {  	v11 =	vor.u32 v0, v11;
	_ =	sdelay $0x1  }
0x235: {  	v13 =	vmul.f32 v13, v9  }
0x236: {  	s2 =	sadd.s32 $0x61, s19  }
0x237: {  	[tilespmem:v12+s28+$0x0] =	vst.idx.msk $0xffff, v13;
	v12 =	vmov s2  }
0x238: {  	v13 =	vld.idx.msk [tilespmem:v11+s28+$0x0], $0xffff;
	v12 =	vand.u32 $0x7D, v12  }
0x239: {  	v12 =	vbroadcast v12, $0x0;
	_ =	sdelay $0x1  }
0x23a: {  	v12 =	vor.u32 v0, v12;
	_ =	sdelay $0x1  }
0x23b: {  	v13 =	vmul.f32 v13, v8  }
0x23c: {  	s13 =	sadd.s32 $0x2, s19  }
0x23d: {  	[tilespmem:v11+s28+$0x0] =	vst.idx.msk $0xffff, v13;
	v11 =	vmov s13  }
0x23e: {  	v13 =	vld.idx.msk [tilespmem:v12+s28+$0x0], $0xffff;
	v11 =	vand.u32 $0x7E, v11  }
0x23f: {  	v11 =	vbroadcast v11, $0x0;
	_ =	sdelay $0x1  }
0x240: {  	v11 =	vor.u32 v0, v11;
	_ =	sdelay $0x1  }
0x241: {  	v13 =	vmul.f32 v13, v7  }
0x242: {  	s17 =	sadd.s32 $0x22, s19  }
0x243: {  	[tilespmem:v12+s28+$0x0] =	vst.idx.msk $0xffff, v13;
	v12 =	vmov s17  }
0x244: {  	v13 =	vld.idx.msk [tilespmem:v11+s28+$0x0], $0xffff;
	v12 =	vand.u32 $0x7E, v12  }
0x245: {  	v12 =	vbroadcast v12, $0x0;
	_ =	sdelay $0x1  }
0x246: {  	v12 =	vor.u32 v0, v12;
	_ =	sdelay $0x1  }
0x247: {  	v13 =	vmul.f32 v13, v10  }
0x248: {  	s20 =	sadd.s32 $0x42, s19  }
0x249: {  	[tilespmem:v11+s28+$0x0] =	vst.idx.msk $0xffff, v13;
	v11 =	vmov s20  }
0x24a: {  	v13 =	vld.idx.msk [tilespmem:v12+s28+$0x0], $0xffff;
	v11 =	vand.u32 $0x7E, v11  }
0x24b: {  	v11 =	vbroadcast v11, $0x0;
	_ =	sdelay $0x1  }
0x24c: {  	v11 =	vor.u32 v0, v11;
	_ =	sdelay $0x1  }
0x24d: {  	v13 =	vmul.f32 v13, v9  }
0x24e: {  	s23 =	sadd.s32 $0x62, s19  }
0x24f: {  	[tilespmem:v12+s28+$0x0] =	vst.idx.msk $0xffff, v13;
	v12 =	vmov s23  }
0x250: {  	v13 =	vld.idx.msk [tilespmem:v11+s28+$0x0], $0xffff;
	v12 =	vand.u32 $0x7E, v12  }
0x251: {  	v12 =	vbroadcast v12, $0x0;
	_ =	sdelay $0x1  }
0x252: {  	v12 =	vor.u32 v0, v12;
	_ =	sdelay $0x1  }
0x253: {  	v13 =	vmul.f32 v13, v8  }
0x254: {  	s29 =	sadd.s32 $0x3, s19  }
0x255: {  	[tilespmem:v11+s28+$0x0] =	vst.idx.msk $0xffff, v13;
	v11 =	vmov s29  }
0x256: {  	v13 =	vld.idx.msk [tilespmem:v12+s28+$0x0], $0xffff;
	v11 =	vand.u32 $0x7F, v11  }
0x257: {  	v11 =	vbroadcast v11, $0x0;
	_ =	sdelay $0x1  }
0x258: {  	v11 =	vor.u32 v0, v11;
	_ =	sdelay $0x1  }
0x259: {  	v13 =	vmul.f32 v13, v7  }
0x25a: {  	s30 =	sadd.s32 $0x23, s19  }
0x25b: {  	[tilespmem:v12+s28+$0x0] =	vst.idx.msk $0xffff, v13;
	v12 =	vmov s30  }
0x25c: {  	v13 =	vld.idx.msk [tilespmem:v11+s28+$0x0], $0xffff;
	v12 =	vand.u32 $0x7F, v12  }
0x25d: {  	v12 =	vbroadcast v12, $0x0;
	_ =	sdelay $0x1  }
0x25e: {  	v12 =	vor.u32 v0, v12;
	_ =	sdelay $0x1  }
0x25f: {  	v10 =	vmul.f32 v13, v10  }
0x260: {  	s2 =	sadd.s32 $0x43, s19  }
0x261: {  	[tilespmem:v11+s28+$0x0] =	vst.idx.msk $0xffff, v10;
	v10 =	vmov s2  }
0x262: {  	v11 =	vld.idx.msk [tilespmem:v12+s28+$0x0], $0xffff;
	v10 =	vand.u32 $0x7F, v10  }
0x263: {  	v10 =	vbroadcast v10, $0x0;
	_ =	sdelay $0x1  }
0x264: {  	v10 =	vor.u32 v0, v10;
	_ =	sdelay $0x1  }
0x265: {  	v9 =	vmul.f32 v11, v9  }
0x266: {  	s13 =	sadd.s32 $0x63, s19  }
0x267: {  	[tilespmem:v12+s28+$0x0] =	vst.idx.msk $0xffff, v9;
	v9 =	vmov s13  }
0x268: {  	v11 =	vld.idx.msk [tilespmem:v10+s28+$0x0], $0xffff;
	v9 =	vand.u32 $0x7F, v9  }
0x269: {  	v9 =	vbroadcast v9, $0x0;
	_ =	sdelay $0x1  }
0x26a: {  	v9 =	vor.u32 v0, v9;
	_ =	sdelay $0x1  }
0x26b: {  	v8 =	vmul.f32 v11, v8;
	_ =	sdelay $0x1  }
0x26c: {  	s17 =	simm.s32 $0x20;
	[tilespmem:v10+s28+$0x0] =	vst.idx.msk $0xffff, v8  }
0x26d: {  	v10 =	vmov s17;
	v8 =	vld.idx.msk [tilespmem:v9+s28+$0x0], $0xffff  }
0x26e: {  	v10 =	vand.u32 $0x7C, v10  }
0x26f: {  	v13 =	vmov s11;
	v10 =	vbroadcast v10, $0x0  }
0x270: {  	s19 =	simm.s32 $0x22;
	v13 =	vand.u32 $0x7C, v13  }
0x271: {  	v13 =	vbroadcast v13, $0x0;
	v11 =	vmov s19;
	v10 =	vor.u32 v6, v10  }
0x272: {  	s20 =	simm.s32 $0x23;
	v7 =	vmul.f32 v8, v7;
	v8 =	vand.u32 $0x7E, v11  }
0x273: {  	s23 =	simm.s32 $0x21;
	s2 =	simm.s32 $0x40;
	v13 =	vor.u32 v6, v13;
	v11 =	vmov s20;
	v8 =	vbroadcast v8, $0x0  }
0x274: {  	v14 =	vmov s23;
	v12 =	vmov s2;
	v11 =	vand.u32 $0x7F, v11  }
0x275: {  	s23 =	simm.s32 $0x1;
	v12 =	vand.u32 $0x7C, v12;
	v11 =	vbroadcast v11, $0x0;
	[tilespmem:v9+s28+$0x0] =	vst.idx.msk $0xffff, v7;
	v8 =	vor.u32 v6, v8  }
0x276: {  	v27 =	vmov s23;
	v7 =	vbroadcast v12, $0x0;
	v15 =	vld.idx.msk [tilespmem:v10+s25+$0x0], $0xffff  }
0x277: {  	v27 =	vand.u32 $0x7D, v27;
	s11 =	simm.s32 $0x41;
	v9 =	vand.u32 $0x7D, v14;
	v10 =	vld.idx.msk [tilespmem:v10+s26+$0x0], $0xffff;
	v12 =	vor.u32 v6, v11  }
0x278: {  	s29 =	simm.s32 $0x60;
	s30 =	simm.s32 $0x61;
	v14 =	vmov s11;
	v9 =	vbroadcast v9, $0x0;
	v24 =	vld.idx.msk [tilespmem:v13+s25+$0x0], $0xffff;
	v19 =	vor.u32 v6, v7  }
0x279: {  	v18 =	vand.u32 $0x7D, v14;
	v13 =	vld.idx.msk [tilespmem:v13+s26+$0x0], $0xffff;
	v11 =	vmov s29;
	v7 =	vmov s30  }
0x27a: {  	s13 =	simm.s32 $0x42;
	v18 =	vbroadcast v18, $0x0;
	v11 =	vand.u32 $0x7C, v11;
	v22 =	vor.u32 v6, v9;
	v20 =	vld.idx.msk [tilespmem:v8+s26+$0x0], $0xffff  }
0x27b: {  	v16 =	vmov s13;
	s19 =	simm.s32 $0x2;
	v7 =	vand.u32 $0x7D, v7;
	v9 =	vbroadcast v11, $0x0;
	v8 =	vld.idx.msk [tilespmem:v8+s25+$0x0], $0xffff  }
0x27c: {  	v21 =	vmov s19;
	s17 =	simm.s32 $0x63;
	s20 =	simm.s32 $0x62;
	v7 =	vbroadcast v7, $0x0;
	v29 =	vor.u32 v6, v18;
	v23 =	vld.idx.msk [tilespmem:v12+s25+$0x0], $0xffff  }
0x27d: {  	v17 =	vmov s17;
	v25 =	vmov s20;
	v26 =	vor.u32 v6, v9;
	v9 =	vld.idx.msk [tilespmem:v19+s26+$0x0], $0xffff  }
0x27e: {  	v25 =	vand.u32 $0x7E, v25;
	v14 =	vand.u32 $0x7F, v17;
	v7 =	vor.u32 v6, v7;
	v30 =	vld.idx.msk [tilespmem:v12+s26+$0x0], $0xffff  }
0x27f: {  	v25 =	vbroadcast v25, $0x0;
	v17 =	vbroadcast v14, $0x0;
	v12 =	vand.u32 $0x7E, v16;
	v14 =	vld.idx.msk [tilespmem:v22+s26+$0x0], $0xffff  }
0x280: {  	v27 =	vbroadcast v27, $0x0;
	v31 =	vand.u32 $0x7E, v21;
	s29 =	simm.s32 $0x3;
	v12 =	vbroadcast v12, $0x0;
	v28 =	vld.idx.msk [tilespmem:v22+s25+$0x0], $0xffff  }
0x281: {  	v21 =	vor.u32 v6, v25;
	v10 =	vmul.f32 v10, v15;
	v15 =	vmov s29;
	v22 =	vld.idx.msk [tilespmem:v29+s25+$0x0], $0xffff  }
0x282: {  	s30 =	simm.s32 $0x43;
	v18 =	vor.u32 v6, v12;
	v12 =	vor.u32 v6, v17;
	v17 =	vor.u32 v6, v27;
	v16 =	vld.idx.msk [tilespmem:v26+s26+$0x0], $0xffff  }
0x283: {  	v15 =	vand.u32 $0x7F, v15;
	v25 =	vld.idx.msk [tilespmem:v7+s25+$0x0], $0xffff;
	v8 =	vmul.f32 v20, v8;
	v20 =	vmov s30  }
0x284: {  	v32 =	vbroadcast v31, $0x0;
	v31 =	vbroadcast v15, $0x0;
	v27 =	vld.idx.msk [tilespmem:v7+s26+$0x0], $0xffff;
	v20 =	vand.u32 $0x7F, v20  }
0x285: {  	v11 =	vimm.f32 $0.0e+00;
	v7 =	vmul.f32 v30, v23;
	v23 =	vld.idx.msk [tilespmem:v19+s25+$0x0], $0xffff;
	v19 =	vbroadcast v20, $0x0  }
0x286: {  	v15 =	vadd.f32 v10, v11;
	v26 =	vld.idx.msk [tilespmem:v26+s25+$0x0], $0xffff;
	v30 =	vmul.f32 v13, v24;
	v24 =	vor.u32 v6, v32  }
0x287: {  	v13 =	vimm.f32 $0.0e+00;
	v20 =	vimm.f32 $0.0e+00;
	v10 =	vld.idx.msk [tilespmem:v17+s25+$0x0], $0xffff;
	v19 =	vor.u32 v6, v19  }
.LBB2_8:
0x288: {  	s1 =	sadd.s32 $0x20, s21  }
0x289: {  	s2 =	sadd.s32 $0x40, s21;
	s13 =	sadd.s32 $0x60, s21;
	v11 =	vadd.f32 v30, v11;
	v29 =	vld.idx.msk [tilespmem:v29+s26+$0x0], $0xffff;
	v25 =	vmul.f32 v27, v25;
	v27 =	vor.u32 v6, v31;
	s19 =	smov.u32 s21  }
0x28a: {  	s23 =	sadd.s32 $0x61, s21;
	s20 =	sadd.s32 $0x2, s21;
	v14 =	vmul.f32 v14, v28;
	v30 =	vmov s1;
	v31 =	vmov s2;
	s1 =	sadd.s32 $0x22, s21;
	v28 =	vld.idx.msk [tilespmem:v21+s25+$0x0], $0xffff  }
0x28b: {  	s11 =	sadd.s32 $0x4, s21;
	s2 =	sadd.s32 $0x41, s19;
	s17 =	sadd.s32 $0x42, s19;
	v16 =	vmul.f32 v16, v26;
	v30 =	vand.u32 $0x7C, v30;
	v31 =	vand.u32 $0x7C, v31;
	v21 =	vld.idx.msk [tilespmem:v21+s26+$0x0], $0xffff  }
0x28c: {  	p0 =	slt.u32 s21, $0x1C;
	s30 =	sadd.s32 $0x21, s19;
	v32 =	vmov s17;
	v26 =	vbroadcast v30, $0x0;
	v30 =	vmov s2;
	s2 =	sadd.s32 $0x63, s19;
	v33 =	vld.idx.msk [tilespmem:v18+s25+$0x0], $0xffff  }
0x28d: {  	v34 =	vmov s13;
	v16 =	vadd.f32 v16, v20;
	v35 =	vmov s2;
	v18 =	vld.idx.msk [tilespmem:v18+s26+$0x0], $0xffff  }
0x28e: {  	v20 =	vor.u32 v6, v26;
	v26 =	vand.u32 $0x7D, v30;
	v30 =	vand.u32 $0x7F, v35;
	v35 =	vld.idx.msk [tilespmem:v27+s26+$0x0], $0xffff  }
0x28f: {  	v36 =	vmov s30;
	v37 =	vmov s1;
	s1 =	sadd.s32 $0x23, s19;
	v30 =	vbroadcast v30, $0x0;
	v17 =	vld.idx.msk [tilespmem:v17+s26+$0x0], $0xffff  }
0x290: {  	v9 =	vmul.f32 v9, v23;
	v37 =	vand.u32 $0x7E, v37;
	v38 =	vmov s1;
	v23 =	vld.idx.msk [tilespmem:v12+s25+$0x0], $0xffff  }
0x291: {  	v31 =	vbroadcast v31, $0x0;
	v37 =	vbroadcast v37, $0x0;
	v38 =	vand.u32 $0x7F, v38;
	v12 =	vld.idx.msk [tilespmem:v12+s26+$0x0], $0xffff  }
0x292: {  	v39 =	vmov s19;
	v38 =	vbroadcast v38, $0x0;
	v22 =	vmul.f32 v29, v22;
	v29 =	vld.idx.msk [tilespmem:v24+s25+$0x0], $0xffff  }
0x293: {  	v39 =	vand.u32 $0x7C, v39;
	v37 =	vor.u32 v6, v37;
	v21 =	vmul.f32 v21, v28;
	v24 =	vld.idx.msk [tilespmem:v24+s26+$0x0], $0xffff  }
0x294: {  	v16 =	vadd.f32 v25, v16;
	v28 =	vbroadcast v39, $0x0;
	v38 =	vor.u32 v6, v38;
	v39 =	vld.idx.msk [tilespmem:v20+s25+$0x0], $0xffff  }
0x295: {  	v9 =	vadd.f32 v9, v13;
	v25 =	vand.u32 $0x7D, v36;
	v36 =	vmov s23;
	v13 =	vld.idx.msk [tilespmem:v19+s25+$0x0], $0xffff  }
0x296: {  	v36 =	vand.u32 $0x7D, v36;
	v28 =	vor.u32 v6, v28;
	v18 =	vmul.f32 v18, v33;
	v19 =	vld.idx.msk [tilespmem:v19+s26+$0x0], $0xffff  }
0x297: {  	v14 =	vadd.f32 v14, v15;
	v25 =	vbroadcast v25, $0x0;
	v33 =	vbroadcast v36, $0x0;
	v20 =	vld.idx.msk [tilespmem:v20+s26+$0x0], $0xffff  }
0x298: {  	v15 =	vor.u32 v6, v31;
	v31 =	vand.u32 $0x7C, v34;
	v16 =	vadd.f32 v21, v16;
	v34 =	vld.idx.msk [tilespmem:v37+s26+$0x0], $0xffff  }
0x299: {  	v36 =	vor.u32 v6, v25;
	v21 =	vmov s20;
	v33 =	vor.u32 v6, v33;
	v37 =	vld.idx.msk [tilespmem:v37+s25+$0x0], $0xffff  }
0x29a: {  	s1 =	sadd.s32 $0x62, s19;
	v9 =	vadd.f32 v22, v9;
	v25 =	vbroadcast v31, $0x0;
	v31 =	vand.u32 $0x7E, v21;
	v40 =	vld.idx.msk [tilespmem:v38+s25+$0x0], $0xffff  }
0x29b: {  	v22 =	vbroadcast v26, $0x0;
	v26 =	vadd.f32 v8, v14;
	v21 =	vmov s1;
	v8 =	vld.idx.msk [tilespmem:v27+s25+$0x0], $0xffff  }
0x29c: {  	v42 =	vor.u32 v6, v25;
	v27 =	vadd.f32 v18, v9;
	v13 =	vmul.f32 v19, v13;
	v41 =	vld.idx.msk [tilespmem:v28+s25+$0x0], $0xffff  }
0x29d: {  	v24 =	vmul.f32 v24, v29;
	v18 =	vand.u32 $0x7E, v21;
	v19 =	vmul.f32 v20, v39;
	v9 =	vld.idx.msk [tilespmem:v15+s26+$0x0], $0xffff  }
0x29e: {  	s1 =	sadd.s32 $0x1, s19;
	v12 =	vmul.f32 v12, v23;
	v20 =	vand.u32 $0x7E, v32;
	v18 =	vbroadcast v18, $0x0;
	v14 =	vld.idx.msk [tilespmem:v36+s26+$0x0], $0xffff  }
0x29f: {  	v10 =	vmul.f32 v17, v10;
	v21 =	vmov s1;
	v23 =	vbroadcast v20, $0x0;
	v32 =	vld.idx.msk [tilespmem:v38+s26+$0x0], $0xffff  }
0x2a0: {  	v17 =	vand.u32 $0x7D, v21;
	v20 =	vadd.f32 v12, v16;
	v21 =	vor.u32 v6, v18;
	v38 =	vld.idx.msk [tilespmem:v28+s26+$0x0], $0xffff  }
0x2a1: {  	v17 =	vbroadcast v17, $0x0;
	v18 =	vor.u32 v6, v23;
	v35 =	vmul.f32 v35, v8;
	v16 =	vld.idx.msk [tilespmem:v42+s26+$0x0], $0xffff  }
0x2a2: {  	v29 =	vor.u32 v6, v22;
	v12 =	vor.u32 v6, v30;
	v13 =	vadd.f32 v13, v27;
	v25 =	vld.idx.msk [tilespmem:v33+s25+$0x0], $0xffff  }
0x2a3: {  	s2 =	sadd.s32 $0x43, s19;
	v10 =	vadd.f32 v10, v11;
	s1 =	sadd.s32 $0x3, s19;
	v17 =	vor.u32 v6, v17;
	v8 =	vmul.f32 v34, v37;
	v27 =	vld.idx.msk [tilespmem:v33+s26+$0x0], $0xffff  }
.Ltmp7:
0x2a4: {  	v22 =	vmov s2;
	v11 =	vmov s1;
	v33 =	vadd.f32 v7, v26;
	v28 =	vld.idx.msk [tilespmem:v36+s25+$0x0], $0xffff;
	(pc) =	sbr.rel @p0 .LBB2_8-.Ltmp7, $4  }
0x2a5: {  	v22 =	vand.u32 $0x7F, v22;
	v10 =	vadd.f32 v24, v10;
	v7 =	vmul.f32 v32, v40;
	v26 =	vld.idx.msk [tilespmem:v42+s25+$0x0], $0xffff  }
0x2a6: {  	v24 =	vbroadcast v31, $0x0;
	v11 =	vand.u32 $0x7F, v11;
	v32 =	vbroadcast v22, $0x0;
	v23 =	vld.idx.msk [tilespmem:v15+s25+$0x0], $0xffff  }
0x2a7: {  	v31 =	vbroadcast v11, $0x0;
	v11 =	vadd.f32 v35, v10;
	v30 =	vmul.f32 v38, v41;
	v22 =	vld.idx.msk [tilespmem:v29+s25+$0x0], $0xffff  }
0x2a8: {  	s21 =	smov.u32 s11;
	v24 =	vor.u32 v6, v24;
	v15 =	vadd.f32 v19, v33;
	v19 =	vor.u32 v6, v32;
	v10 =	vld.idx.msk [tilespmem:v17+s25+$0x0], $0xffff  }
0x2a9: {  	_ =	sdelay $0x3  }
0x2aa: {  	v29 =	vld.idx.msk [tilespmem:v29+s26+$0x0], $0xffff  }
0x2ab: {  	v32 =	vld.idx.msk [tilespmem:v21+s25+$0x0], $0xffff  }
0x2ac: {  	v57 =	vld.idx.msk [tilespmem:v21+s26+$0x0], $0xffff  }
0x2ad: {  	v33 =	vld.idx.msk [tilespmem:v18+s25+$0x0], $0xffff  }
0x2ae: {  	v31 =	vor.u32 v6, v31;
	v58 =	vld.idx.msk [tilespmem:v18+s26+$0x0], $0xffff  }
0x2af: {  	v17 =	vld.idx.msk [tilespmem:v17+s26+$0x0], $0xffff  }
0x2b0: {  	v35 =	vld.idx.msk [tilespmem:v24+s25+$0x0], $0xffff  }
0x2b1: {  	v59 =	vld.idx.msk [tilespmem:v24+s26+$0x0], $0xffff  }
0x2b2: {  	v36 =	vld.idx.msk [tilespmem:v12+s25+$0x0], $0xffff  }
0x2b3: {  	v34 =	vld.idx.msk [tilespmem:v31+s26+$0x0], $0xffff  }
0x2b4: {  	v9 =	vmul.f32 v9, v23;
	v60 =	vld.idx.msk [tilespmem:v31+s25+$0x0], $0xffff  }
0x2b5: {  	v25 =	vmul.f32 v27, v25;
	v11 =	vadd.f32 v30, v11;
	v61 =	vld.idx.msk [tilespmem:v19+s25+$0x0], $0xffff;
	v10 =	vmul.f32 v17, v10  }
0x2b6: {  	v14 =	vmul.f32 v14, v28;
	v62 =	vld.idx.msk [tilespmem:v19+s26+$0x0], $0xffff;
	v16 =	vmul.f32 v16, v26;
	v9 =	vadd.f32 v9, v13  }
0x2b7: {  	v12 =	vld.idx.msk [tilespmem:v12+s26+$0x0], $0xffff;
	v22 =	vmul.f32 v29, v22;
	v13 =	vmul.f32 v59, v35;
	v10 =	vadd.f32 v10, v11  }
0x2b8: {  	v14 =	vadd.f32 v14, v15;
	v63 =	vmul.f32 v58, v33;
	v11 =	vadd.f32 v16, v20  }
0x2b9: {  	v9 =	vadd.f32 v22, v9;
	v10 =	vadd.f32 v13, v10;
	v15 =	vmul.f32 v34, v60  }
0x2ba: {  	v8 =	vadd.f32 v8, v14;
	v13 =	vmul.f32 v57, v32;
	v11 =	vadd.f32 v25, v11  }
0x2bb: {  	v14 =	vmul.f32 v62, v61;
	v9 =	vadd.f32 v63, v9;
	v10 =	vadd.f32 v15, v10  }
0x2bc: {  	v12 =	vmul.f32 v12, v36;
	v7 =	vadd.f32 v7, v8;
	v11 =	vadd.f32 v13, v11  }
0x2bd: {  	v8 =	vadd.f32 v14, v9;
	v9 =	vmul.f32 $1.442695020e+00, v10  }
0x2be: {  	v7 =	vmul.f32 $1.442695020e+00, v7;
	v10 =	vadd.f32 v12, v11  }
0x2bf: {  	v8 =	vmul.f32 $1.442695020e+00, v8;
	(erf) = vpow2.f32 v9  }
0x2c0: {  	(erf) = vpow2.f32 v7;
	v7 =	vmul.f32 $1.442695020e+00, v10  }
0x2c1: {  	(erf) = vpow2.f32 v8  }
0x2c2: {  	(erf) = vpow2.f32 v7  }
0x2c3: {  	s21 =	simm.s32 $0x0  }
0x2c4: {  	v7 =	vmov s21  }
0x2c5: {  	v8 =	vor.u32 $0x801, v0;
	v7 =	vand.u32 $0x7C, v7  }
0x2c6: {  	v11 =	vor.u32 $0x802, v0;
	v7 =	vbroadcast v7, $0x0  }
0x2c7: {  	v12 =	vor.u32 $0x803, v0  }
0x2c8: {  	v13 =	vor.u32 v6, v7;
	v10 =	vpop (erf)  }
0x2c9: {  	v9 =	vpop (erf);
	[tilespmem:v6+s12+$0x0] =	vst.idx.msk $0xffff, v10  }
0x2ca: {  	v7 =	vpop (erf);
	[tilespmem:v8+s12+$0x0] =	vst.idx.msk $0xffff, v9  }
0x2cb: {  	s1 =	simm.s32 $0x20;
	v8 =	vpop (erf);
	[tilespmem:v11+s12+$0x0] =	vst.idx.msk $0xffff, v7  }
0x2cc: {  	v11 =	vmov s1;
	[tilespmem:v12+s12+$0x0] =	vst.idx.msk $0xffff, v8  }
0x2cd: {  	v11 =	vand.u32 $0x7C, v11;
	v12 =	vld.idx.msk [tilespmem:v13+s28+$0x0], $0xffff  }
0x2ce: {  	v11 =	vbroadcast v11, $0x0;
	_ =	sdelay $0x1  }
0x2cf: {  	v11 =	vor.u32 v6, v11;
	_ =	sdelay $0x1  }
0x2d0: {  	v12 =	vmul.f32 v12, v10  }
0x2d1: {  	s19 =	simm.s32 $0x40  }
0x2d2: {  	[tilespmem:v13+s28+$0x0] =	vst.idx.msk $0xffff, v12;
	v12 =	vmov s19  }
0x2d3: {  	v13 =	vld.idx.msk [tilespmem:v11+s28+$0x0], $0xffff;
	v12 =	vand.u32 $0x7C, v12  }
0x2d4: {  	v12 =	vbroadcast v12, $0x0;
	_ =	sdelay $0x1  }
0x2d5: {  	v12 =	vor.u32 v6, v12;
	_ =	sdelay $0x1  }
0x2d6: {  	v13 =	vmul.f32 v13, v9  }
0x2d7: {  	s20 =	simm.s32 $0x60  }
0x2d8: {  	[tilespmem:v11+s28+$0x0] =	vst.idx.msk $0xffff, v13;
	v11 =	vmov s20  }
0x2d9: {  	v13 =	vld.idx.msk [tilespmem:v12+s28+$0x0], $0xffff;
	v11 =	vand.u32 $0x7C, v11  }
0x2da: {  	v11 =	vbroadcast v11, $0x0;
	_ =	sdelay $0x1  }
0x2db: {  	v11 =	vor.u32 v6, v11;
	_ =	sdelay $0x1  }
0x2dc: {  	v13 =	vmul.f32 v13, v7  }
0x2dd: {  	s23 =	simm.s32 $0x1  }
0x2de: {  	[tilespmem:v12+s28+$0x0] =	vst.idx.msk $0xffff, v13;
	v12 =	vmov s23  }
0x2df: {  	v13 =	vld.idx.msk [tilespmem:v11+s28+$0x0], $0xffff;
	v12 =	vand.u32 $0x7D, v12  }
0x2e0: {  	v12 =	vbroadcast v12, $0x0;
	_ =	sdelay $0x1  }
0x2e1: {  	v12 =	vor.u32 v6, v12;
	_ =	sdelay $0x1  }
0x2e2: {  	v13 =	vmul.f32 v13, v8  }
0x2e3: {  	s29 =	simm.s32 $0x21  }
0x2e4: {  	[tilespmem:v11+s28+$0x0] =	vst.idx.msk $0xffff, v13;
	v11 =	vmov s29  }
0x2e5: {  	v13 =	vld.idx.msk [tilespmem:v12+s28+$0x0], $0xffff;
	v11 =	vand.u32 $0x7D, v11  }
0x2e6: {  	v11 =	vbroadcast v11, $0x0;
	_ =	sdelay $0x1  }
0x2e7: {  	v11 =	vor.u32 v6, v11;
	_ =	sdelay $0x1  }
0x2e8: {  	v13 =	vmul.f32 v13, v10  }
0x2e9: {  	s30 =	simm.s32 $0x41  }
0x2ea: {  	[tilespmem:v12+s28+$0x0] =	vst.idx.msk $0xffff, v13;
	v12 =	vmov s30  }
0x2eb: {  	v13 =	vld.idx.msk [tilespmem:v11+s28+$0x0], $0xffff;
	v12 =	vand.u32 $0x7D, v12  }
0x2ec: {  	v12 =	vbroadcast v12, $0x0;
	_ =	sdelay $0x1  }
0x2ed: {  	v12 =	vor.u32 v6, v12;
	_ =	sdelay $0x1  }
0x2ee: {  	v13 =	vmul.f32 v13, v9  }
0x2ef: {  	s2 =	simm.s32 $0x61  }
0x2f0: {  	[tilespmem:v11+s28+$0x0] =	vst.idx.msk $0xffff, v13;
	v11 =	vmov s2  }
0x2f1: {  	v13 =	vld.idx.msk [tilespmem:v12+s28+$0x0], $0xffff;
	v11 =	vand.u32 $0x7D, v11  }
0x2f2: {  	v11 =	vbroadcast v11, $0x0;
	_ =	sdelay $0x1  }
0x2f3: {  	v11 =	vor.u32 v6, v11;
	_ =	sdelay $0x1  }
0x2f4: {  	v13 =	vmul.f32 v13, v7  }
0x2f5: {  	s11 =	simm.s32 $0x2  }
0x2f6: {  	[tilespmem:v12+s28+$0x0] =	vst.idx.msk $0xffff, v13;
	v12 =	vmov s11  }
0x2f7: {  	v13 =	vld.idx.msk [tilespmem:v11+s28+$0x0], $0xffff;
	v12 =	vand.u32 $0x7E, v12  }
0x2f8: {  	v12 =	vbroadcast v12, $0x0;
	_ =	sdelay $0x1  }
0x2f9: {  	v12 =	vor.u32 v6, v12;
	_ =	sdelay $0x1  }
0x2fa: {  	v13 =	vmul.f32 v13, v8  }
0x2fb: {  	s13 =	simm.s32 $0x22  }
0x2fc: {  	[tilespmem:v11+s28+$0x0] =	vst.idx.msk $0xffff, v13;
	v11 =	vmov s13  }
0x2fd: {  	v13 =	vld.idx.msk [tilespmem:v12+s28+$0x0], $0xffff;
	v11 =	vand.u32 $0x7E, v11  }
0x2fe: {  	v11 =	vbroadcast v11, $0x0;
	_ =	sdelay $0x1  }
0x2ff: {  	v11 =	vor.u32 v6, v11;
	_ =	sdelay $0x1  }
0x300: {  	v13 =	vmul.f32 v13, v10  }
0x301: {  	s17 =	simm.s32 $0x42  }
0x302: {  	[tilespmem:v12+s28+$0x0] =	vst.idx.msk $0xffff, v13;
	v12 =	vmov s17  }
0x303: {  	v13 =	vld.idx.msk [tilespmem:v11+s28+$0x0], $0xffff;
	v12 =	vand.u32 $0x7E, v12  }
0x304: {  	v12 =	vbroadcast v12, $0x0;
	_ =	sdelay $0x1  }
0x305: {  	v12 =	vor.u32 v6, v12;
	_ =	sdelay $0x1  }
0x306: {  	v13 =	vmul.f32 v13, v9  }
0x307: {  	s19 =	simm.s32 $0x62  }
0x308: {  	[tilespmem:v11+s28+$0x0] =	vst.idx.msk $0xffff, v13;
	v11 =	vmov s19  }
0x309: {  	v13 =	vld.idx.msk [tilespmem:v12+s28+$0x0], $0xffff;
	v11 =	vand.u32 $0x7E, v11  }
0x30a: {  	v11 =	vbroadcast v11, $0x0;
	_ =	sdelay $0x1  }
0x30b: {  	v11 =	vor.u32 v6, v11;
	_ =	sdelay $0x1  }
0x30c: {  	v13 =	vmul.f32 v13, v7  }
0x30d: {  	s20 =	simm.s32 $0x3  }
0x30e: {  	[tilespmem:v12+s28+$0x0] =	vst.idx.msk $0xffff, v13;
	v12 =	vmov s20  }
0x30f: {  	v13 =	vld.idx.msk [tilespmem:v11+s28+$0x0], $0xffff;
	v12 =	vand.u32 $0x7F, v12  }
0x310: {  	v12 =	vbroadcast v12, $0x0;
	_ =	sdelay $0x1  }
0x311: {  	v12 =	vor.u32 v6, v12;
	_ =	sdelay $0x1  }
0x312: {  	v13 =	vmul.f32 v13, v8  }
0x313: {  	s23 =	simm.s32 $0x23  }
0x314: {  	[tilespmem:v11+s28+$0x0] =	vst.idx.msk $0xffff, v13;
	v11 =	vmov s23  }
0x315: {  	v13 =	vld.idx.msk [tilespmem:v12+s28+$0x0], $0xffff;
	v11 =	vand.u32 $0x7F, v11  }
0x316: {  	v11 =	vbroadcast v11, $0x0;
	_ =	sdelay $0x1  }
0x317: {  	v11 =	vor.u32 v6, v11;
	_ =	sdelay $0x1  }
0x318: {  	v13 =	vmul.f32 v13, v10  }
0x319: {  	s29 =	simm.s32 $0x43  }
0x31a: {  	[tilespmem:v12+s28+$0x0] =	vst.idx.msk $0xffff, v13;
	v12 =	vmov s29  }
0x31b: {  	v13 =	vld.idx.msk [tilespmem:v11+s28+$0x0], $0xffff;
	v12 =	vand.u32 $0x7F, v12  }
0x31c: {  	v12 =	vbroadcast v12, $0x0;
	_ =	sdelay $0x1  }
0x31d: {  	v14 =	vor.u32 v6, v12;
	_ =	sdelay $0x1  }
0x31e: {  	v12 =	vmul.f32 v13, v9  }
0x31f: {  	s30 =	simm.s32 $0x63  }
0x320: {  	[tilespmem:v11+s28+$0x0] =	vst.idx.msk $0xffff, v12;
	v11 =	vmov s30  }
0x321: {  	v13 =	vld.idx.msk [tilespmem:v14+s28+$0x0], $0xffff;
	v11 =	vand.u32 $0x7F, v11  }
0x322: {  	v11 =	vbroadcast v11, $0x0;
	_ =	sdelay $0x1  }
0x323: {  	v12 =	vor.u32 v6, v11;
	_ =	sdelay $0x1  }
0x324: {  	v11 =	vmul.f32 v13, v7  }
0x325: {  	s11 =	simm.s32 $0x4  }
0x326: {  	[tilespmem:v14+s28+$0x0] =	vst.idx.msk $0xffff, v11;
	v11 =	vmov s11  }
0x327: {  	v13 =	vld.idx.msk [tilespmem:v12+s28+$0x0], $0xffff;
	v11 =	vand.u32 $0x7C, v11  }
0x328: {  	v11 =	vbroadcast v11, $0x0;
	_ =	sdelay $0x1  }
0x329: {  	v11 =	vor.u32 v6, v11;
	_ =	sdelay $0x1  }
0x32a: {  	s19 =	simm.s32 $0x4;
	s20 =	simm.s32 $0x8;
	v13 =	vmul.f32 v13, v8  }
.LBB2_10:
0x32b: {  	p0 =	slt.u32 s20, $0x1C  }
0x32c: {  	s1 =	sadd.s32 $0x20, s19;
	s23 =	smov.u32 s20;
	s20 =	sadd.s32 $0x4, s20;
	[tilespmem:v12+s28+$0x0] =	vst.idx.msk $0xffff, v13  }
0x32d: {  	v13 =	vmov s1;
	v12 =	vld.idx.msk [tilespmem:v11+s28+$0x0], $0xffff  }
0x32e: {  	v13 =	vand.u32 $0x7C, v13  }
0x32f: {  	v13 =	vbroadcast v13, $0x0;
	_ =	sdelay $0x1  }
0x330: {  	v13 =	vor.u32 v6, v13;
	_ =	sdelay $0x1  }
0x331: {  	v12 =	vmul.f32 v12, v10;
	_ =	sdelay $0x1  }
0x332: {  	s1 =	sadd.s32 $0x40, s19;
	[tilespmem:v11+s28+$0x0] =	vst.idx.msk $0xffff, v12  }
0x333: {  	v12 =	vmov s1;
	v11 =	vld.idx.msk [tilespmem:v13+s28+$0x0], $0xffff  }
0x334: {  	v12 =	vand.u32 $0x7C, v12  }
0x335: {  	v12 =	vbroadcast v12, $0x0;
	_ =	sdelay $0x1  }
0x336: {  	v12 =	vor.u32 v6, v12;
	_ =	sdelay $0x1  }
0x337: {  	v11 =	vmul.f32 v11, v9;
	_ =	sdelay $0x1  }
0x338: {  	s1 =	sadd.s32 $0x60, s19;
	[tilespmem:v13+s28+$0x0] =	vst.idx.msk $0xffff, v11  }
0x339: {  	v13 =	vmov s1;
	v11 =	vld.idx.msk [tilespmem:v12+s28+$0x0], $0xffff  }
0x33a: {  	v13 =	vand.u32 $0x7C, v13  }
0x33b: {  	v13 =	vbroadcast v13, $0x0;
	_ =	sdelay $0x1  }
0x33c: {  	v13 =	vor.u32 v6, v13;
	_ =	sdelay $0x1  }
0x33d: {  	v11 =	vmul.f32 v11, v7;
	_ =	sdelay $0x1  }
0x33e: {  	s1 =	sadd.s32 $0x1, s19;
	[tilespmem:v12+s28+$0x0] =	vst.idx.msk $0xffff, v11  }
0x33f: {  	v12 =	vmov s1;
	v11 =	vld.idx.msk [tilespmem:v13+s28+$0x0], $0xffff  }
0x340: {  	v12 =	vand.u32 $0x7D, v12  }
0x341: {  	v12 =	vbroadcast v12, $0x0;
	_ =	sdelay $0x1  }
0x342: {  	v12 =	vor.u32 v6, v12;
	_ =	sdelay $0x1  }
0x343: {  	v11 =	vmul.f32 v11, v8;
	_ =	sdelay $0x1  }
0x344: {  	s1 =	sadd.s32 $0x21, s19;
	[tilespmem:v13+s28+$0x0] =	vst.idx.msk $0xffff, v11  }
0x345: {  	v13 =	vmov s1;
	v11 =	vld.idx.msk [tilespmem:v12+s28+$0x0], $0xffff  }
0x346: {  	v13 =	vand.u32 $0x7D, v13  }
0x347: {  	v13 =	vbroadcast v13, $0x0;
	_ =	sdelay $0x1  }
0x348: {  	v13 =	vor.u32 v6, v13;
	_ =	sdelay $0x1  }
0x349: {  	v11 =	vmul.f32 v11, v10;
	_ =	sdelay $0x1  }
0x34a: {  	s1 =	sadd.s32 $0x41, s19;
	[tilespmem:v12+s28+$0x0] =	vst.idx.msk $0xffff, v11  }
0x34b: {  	v12 =	vmov s1;
	v11 =	vld.idx.msk [tilespmem:v13+s28+$0x0], $0xffff  }
0x34c: {  	v12 =	vand.u32 $0x7D, v12  }
0x34d: {  	v12 =	vbroadcast v12, $0x0;
	_ =	sdelay $0x1  }
0x34e: {  	v12 =	vor.u32 v6, v12;
	_ =	sdelay $0x1  }
0x34f: {  	v11 =	vmul.f32 v11, v9;
	_ =	sdelay $0x1  }
0x350: {  	s1 =	sadd.s32 $0x61, s19;
	[tilespmem:v13+s28+$0x0] =	vst.idx.msk $0xffff, v11  }
0x351: {  	v13 =	vmov s1;
	v11 =	vld.idx.msk [tilespmem:v12+s28+$0x0], $0xffff  }
0x352: {  	v13 =	vand.u32 $0x7D, v13  }
0x353: {  	v13 =	vbroadcast v13, $0x0;
	_ =	sdelay $0x1  }
0x354: {  	v13 =	vor.u32 v6, v13;
	_ =	sdelay $0x1  }
0x355: {  	v11 =	vmul.f32 v11, v7;
	_ =	sdelay $0x1  }
0x356: {  	s1 =	sadd.s32 $0x2, s19;
	[tilespmem:v12+s28+$0x0] =	vst.idx.msk $0xffff, v11  }
0x357: {  	v12 =	vmov s1;
	v11 =	vld.idx.msk [tilespmem:v13+s28+$0x0], $0xffff  }
0x358: {  	v12 =	vand.u32 $0x7E, v12  }
0x359: {  	v12 =	vbroadcast v12, $0x0;
	_ =	sdelay $0x1  }
0x35a: {  	v12 =	vor.u32 v6, v12;
	_ =	sdelay $0x1  }
0x35b: {  	v11 =	vmul.f32 v11, v8;
	_ =	sdelay $0x1  }
0x35c: {  	s1 =	sadd.s32 $0x22, s19;
	[tilespmem:v13+s28+$0x0] =	vst.idx.msk $0xffff, v11  }
0x35d: {  	v13 =	vmov s1;
	v11 =	vld.idx.msk [tilespmem:v12+s28+$0x0], $0xffff  }
0x35e: {  	v13 =	vand.u32 $0x7E, v13  }
0x35f: {  	v13 =	vbroadcast v13, $0x0;
	_ =	sdelay $0x1  }
0x360: {  	v13 =	vor.u32 v6, v13;
	_ =	sdelay $0x1  }
0x361: {  	v11 =	vmul.f32 v11, v10;
	_ =	sdelay $0x1  }
0x362: {  	s1 =	sadd.s32 $0x42, s19;
	[tilespmem:v12+s28+$0x0] =	vst.idx.msk $0xffff, v11  }
0x363: {  	v12 =	vmov s1;
	v11 =	vld.idx.msk [tilespmem:v13+s28+$0x0], $0xffff  }
0x364: {  	v12 =	vand.u32 $0x7E, v12  }
0x365: {  	v12 =	vbroadcast v12, $0x0;
	_ =	sdelay $0x1  }
0x366: {  	v12 =	vor.u32 v6, v12;
	_ =	sdelay $0x1  }
0x367: {  	v11 =	vmul.f32 v11, v9;
	_ =	sdelay $0x1  }
0x368: {  	s1 =	sadd.s32 $0x62, s19;
	[tilespmem:v13+s28+$0x0] =	vst.idx.msk $0xffff, v11  }
0x369: {  	v13 =	vmov s1;
	v11 =	vld.idx.msk [tilespmem:v12+s28+$0x0], $0xffff  }
0x36a: {  	v13 =	vand.u32 $0x7E, v13  }
0x36b: {  	v13 =	vbroadcast v13, $0x0;
	_ =	sdelay $0x1  }
0x36c: {  	v13 =	vor.u32 v6, v13;
	_ =	sdelay $0x1  }
0x36d: {  	v11 =	vmul.f32 v11, v7;
	_ =	sdelay $0x1  }
0x36e: {  	s1 =	sadd.s32 $0x3, s19;
	[tilespmem:v12+s28+$0x0] =	vst.idx.msk $0xffff, v11  }
0x36f: {  	v12 =	vmov s1;
	v11 =	vld.idx.msk [tilespmem:v13+s28+$0x0], $0xffff  }
0x370: {  	v12 =	vand.u32 $0x7F, v12  }
0x371: {  	v12 =	vbroadcast v12, $0x0;
	_ =	sdelay $0x1  }
0x372: {  	v12 =	vor.u32 v6, v12;
	_ =	sdelay $0x1  }
0x373: {  	v11 =	vmul.f32 v11, v8;
	_ =	sdelay $0x1  }
0x374: {  	s1 =	sadd.s32 $0x23, s19;
	[tilespmem:v13+s28+$0x0] =	vst.idx.msk $0xffff, v11  }
0x375: {  	v13 =	vmov s1;
	v11 =	vld.idx.msk [tilespmem:v12+s28+$0x0], $0xffff  }
0x376: {  	v13 =	vand.u32 $0x7F, v13  }
0x377: {  	v13 =	vbroadcast v13, $0x0;
	_ =	sdelay $0x1  }
0x378: {  	v13 =	vor.u32 v6, v13;
	_ =	sdelay $0x1  }
0x379: {  	v11 =	vmul.f32 v11, v10;
	_ =	sdelay $0x1  }
0x37a: {  	s1 =	sadd.s32 $0x43, s19;
	[tilespmem:v12+s28+$0x0] =	vst.idx.msk $0xffff, v11  }
0x37b: {  	v12 =	vmov s1;
	v11 =	vld.idx.msk [tilespmem:v13+s28+$0x0], $0xffff  }
0x37c: {  	v12 =	vand.u32 $0x7F, v12  }
0x37d: {  	v12 =	vbroadcast v12, $0x0;
	_ =	sdelay $0x1  }
0x37e: {  	v14 =	vor.u32 v6, v12;
	_ =	sdelay $0x1  }
0x37f: {  	v11 =	vmul.f32 v11, v9;
	_ =	sdelay $0x1  }
0x380: {  	s1 =	sadd.s32 $0x63, s19;
	s19 =	smov.u32 s23;
	[tilespmem:v13+s28+$0x0] =	vst.idx.msk $0xffff, v11  }
0x381: {  	v12 =	vmov s1;
	v11 =	vld.idx.msk [tilespmem:v14+s28+$0x0], $0xffff  }
0x382: {  	v12 =	vand.u32 $0x7F, v12  }
0x383: {  	v12 =	vbroadcast v12, $0x0;
	_ =	sdelay $0x1  }
0x384: {  	v12 =	vor.u32 v6, v12;
	_ =	sdelay $0x1  }
0x385: {  	v11 =	vmul.f32 v11, v7;
	_ =	sdelay $0x1  }
0x386: {  	[tilespmem:v14+s28+$0x0] =	vst.idx.msk $0xffff, v11  }
0x387: {  	v11 =	vmov s19;
	v13 =	vld.idx.msk [tilespmem:v12+s28+$0x0], $0xffff  }
0x388: {  	v11 =	vand.u32 $0x7C, v11  }
.Ltmp8:
0x389: {  	v11 =	vbroadcast v11, $0x0;
	(pc) =	sbr.rel @p0 .LBB2_10-.Ltmp8, $3  }
0x38a: {  	_ = 	snop  }
0x38b: {  	v11 =	vor.u32 v6, v11;
	_ =	sdelay $0x1  }
0x38c: {  	v13 =	vmul.f32 v13, v8  }
0x38d: {  	_ =	sdelay $0x2  }
0x38e: {  	s1 =	sadd.s32 $0x20, s19  }
0x38f: {  	[tilespmem:v12+s28+$0x0] =	vst.idx.msk $0xffff, v13;
	v12 =	vmov s1  }
0x390: {  	v13 =	vld.idx.msk [tilespmem:v11+s28+$0x0], $0xffff;
	v12 =	vand.u32 $0x7C, v12  }
0x391: {  	v12 =	vbroadcast v12, $0x0;
	_ =	sdelay $0x1  }
0x392: {  	v12 =	vor.u32 v6, v12;
	_ =	sdelay $0x1  }
0x393: {  	v13 =	vmul.f32 v13, v10  }
0x394: {  	s20 =	sadd.s32 $0x40, s19  }
0x395: {  	[tilespmem:v11+s28+$0x0] =	vst.idx.msk $0xffff, v13;
	v11 =	vmov s20  }
0x396: {  	v13 =	vld.idx.msk [tilespmem:v12+s28+$0x0], $0xffff;
	v11 =	vand.u32 $0x7C, v11  }
0x397: {  	v11 =	vbroadcast v11, $0x0;
	_ =	sdelay $0x1  }
0x398: {  	v11 =	vor.u32 v6, v11;
	_ =	sdelay $0x1  }
0x399: {  	v13 =	vmul.f32 v13, v9  }
0x39a: {  	s23 =	sadd.s32 $0x60, s19  }
0x39b: {  	[tilespmem:v12+s28+$0x0] =	vst.idx.msk $0xffff, v13;
	v12 =	vmov s23  }
0x39c: {  	v13 =	vld.idx.msk [tilespmem:v11+s28+$0x0], $0xffff;
	v12 =	vand.u32 $0x7C, v12  }
0x39d: {  	v12 =	vbroadcast v12, $0x0;
	_ =	sdelay $0x1  }
0x39e: {  	v12 =	vor.u32 v6, v12;
	_ =	sdelay $0x1  }
0x39f: {  	v13 =	vmul.f32 v13, v7  }
0x3a0: {  	s29 =	sadd.s32 $0x1, s19  }
0x3a1: {  	[tilespmem:v11+s28+$0x0] =	vst.idx.msk $0xffff, v13;
	v11 =	vmov s29  }
0x3a2: {  	v13 =	vld.idx.msk [tilespmem:v12+s28+$0x0], $0xffff;
	v11 =	vand.u32 $0x7D, v11  }
0x3a3: {  	v11 =	vbroadcast v11, $0x0;
	_ =	sdelay $0x1  }
0x3a4: {  	v11 =	vor.u32 v6, v11;
	_ =	sdelay $0x1  }
0x3a5: {  	v13 =	vmul.f32 v13, v8  }
0x3a6: {  	s30 =	sadd.s32 $0x21, s19  }
0x3a7: {  	[tilespmem:v12+s28+$0x0] =	vst.idx.msk $0xffff, v13;
	v12 =	vmov s30  }
0x3a8: {  	v13 =	vld.idx.msk [tilespmem:v11+s28+$0x0], $0xffff;
	v12 =	vand.u32 $0x7D, v12  }
0x3a9: {  	v12 =	vbroadcast v12, $0x0;
	_ =	sdelay $0x1  }
0x3aa: {  	v12 =	vor.u32 v6, v12;
	_ =	sdelay $0x1  }
0x3ab: {  	v13 =	vmul.f32 v13, v10  }
0x3ac: {  	s2 =	sadd.s32 $0x41, s19  }
0x3ad: {  	[tilespmem:v11+s28+$0x0] =	vst.idx.msk $0xffff, v13;
	v11 =	vmov s2  }
0x3ae: {  	v13 =	vld.idx.msk [tilespmem:v12+s28+$0x0], $0xffff;
	v11 =	vand.u32 $0x7D, v11  }
0x3af: {  	v11 =	vbroadcast v11, $0x0;
	_ =	sdelay $0x1  }
0x3b0: {  	v11 =	vor.u32 v6, v11;
	_ =	sdelay $0x1  }
0x3b1: {  	v13 =	vmul.f32 v13, v9  }
0x3b2: {  	s13 =	sadd.s32 $0x61, s19  }
0x3b3: {  	[tilespmem:v12+s28+$0x0] =	vst.idx.msk $0xffff, v13;
	v12 =	vmov s13  }
0x3b4: {  	v13 =	vld.idx.msk [tilespmem:v11+s28+$0x0], $0xffff;
	v12 =	vand.u32 $0x7D, v12  }
0x3b5: {  	v12 =	vbroadcast v12, $0x0;
	_ =	sdelay $0x1  }
0x3b6: {  	v12 =	vor.u32 v6, v12;
	_ =	sdelay $0x1  }
0x3b7: {  	v13 =	vmul.f32 v13, v7  }
0x3b8: {  	s17 =	sadd.s32 $0x2, s19  }
0x3b9: {  	[tilespmem:v11+s28+$0x0] =	vst.idx.msk $0xffff, v13;
	v11 =	vmov s17  }
0x3ba: {  	v13 =	vld.idx.msk [tilespmem:v12+s28+$0x0], $0xffff;
	v11 =	vand.u32 $0x7E, v11  }
0x3bb: {  	v11 =	vbroadcast v11, $0x0;
	_ =	sdelay $0x1  }
0x3bc: {  	v11 =	vor.u32 v6, v11;
	_ =	sdelay $0x1  }
0x3bd: {  	v13 =	vmul.f32 v13, v8  }
0x3be: {  	s20 =	sadd.s32 $0x22, s19  }
0x3bf: {  	[tilespmem:v12+s28+$0x0] =	vst.idx.msk $0xffff, v13;
	v12 =	vmov s20  }
0x3c0: {  	v13 =	vld.idx.msk [tilespmem:v11+s28+$0x0], $0xffff;
	v12 =	vand.u32 $0x7E, v12  }
0x3c1: {  	v12 =	vbroadcast v12, $0x0;
	_ =	sdelay $0x1  }
0x3c2: {  	v12 =	vor.u32 v6, v12;
	_ =	sdelay $0x1  }
0x3c3: {  	v13 =	vmul.f32 v13, v10  }
0x3c4: {  	s23 =	sadd.s32 $0x42, s19  }
0x3c5: {  	[tilespmem:v11+s28+$0x0] =	vst.idx.msk $0xffff, v13;
	v11 =	vmov s23  }
0x3c6: {  	v13 =	vld.idx.msk [tilespmem:v12+s28+$0x0], $0xffff;
	v11 =	vand.u32 $0x7E, v11  }
0x3c7: {  	v11 =	vbroadcast v11, $0x0;
	_ =	sdelay $0x1  }
0x3c8: {  	v11 =	vor.u32 v6, v11;
	_ =	sdelay $0x1  }
0x3c9: {  	v13 =	vmul.f32 v13, v9  }
0x3ca: {  	s29 =	sadd.s32 $0x62, s19  }
0x3cb: {  	[tilespmem:v12+s28+$0x0] =	vst.idx.msk $0xffff, v13;
	v12 =	vmov s29  }
0x3cc: {  	v13 =	vld.idx.msk [tilespmem:v11+s28+$0x0], $0xffff;
	v12 =	vand.u32 $0x7E, v12  }
0x3cd: {  	v12 =	vbroadcast v12, $0x0;
	_ =	sdelay $0x1  }
0x3ce: {  	v12 =	vor.u32 v6, v12;
	_ =	sdelay $0x1  }
0x3cf: {  	v13 =	vmul.f32 v13, v7  }
0x3d0: {  	s30 =	sadd.s32 $0x3, s19  }
0x3d1: {  	[tilespmem:v11+s28+$0x0] =	vst.idx.msk $0xffff, v13;
	v11 =	vmov s30  }
0x3d2: {  	v13 =	vld.idx.msk [tilespmem:v12+s28+$0x0], $0xffff;
	v11 =	vand.u32 $0x7F, v11  }
0x3d3: {  	v11 =	vbroadcast v11, $0x0;
	_ =	sdelay $0x1  }
0x3d4: {  	v11 =	vor.u32 v6, v11;
	_ =	sdelay $0x1  }
0x3d5: {  	v13 =	vmul.f32 v13, v8  }
0x3d6: {  	s2 =	sadd.s32 $0x23, s19  }
0x3d7: {  	[tilespmem:v12+s28+$0x0] =	vst.idx.msk $0xffff, v13;
	v12 =	vmov s2  }
0x3d8: {  	v13 =	vld.idx.msk [tilespmem:v11+s28+$0x0], $0xffff;
	v12 =	vand.u32 $0x7F, v12  }
0x3d9: {  	v12 =	vbroadcast v12, $0x0;
	_ =	sdelay $0x1  }
0x3da: {  	v12 =	vor.u32 v6, v12;
	_ =	sdelay $0x1  }
0x3db: {  	v10 =	vmul.f32 v13, v10  }
0x3dc: {  	s13 =	sadd.s32 $0x43, s19  }
0x3dd: {  	[tilespmem:v11+s28+$0x0] =	vst.idx.msk $0xffff, v10;
	v10 =	vmov s13  }
0x3de: {  	v11 =	vld.idx.msk [tilespmem:v12+s28+$0x0], $0xffff;
	v10 =	vand.u32 $0x7F, v10  }
0x3df: {  	v10 =	vbroadcast v10, $0x0;
	_ =	sdelay $0x1  }
0x3e0: {  	v10 =	vor.u32 v6, v10;
	_ =	sdelay $0x1  }
0x3e1: {  	v9 =	vmul.f32 v11, v9  }
0x3e2: {  	s17 =	sadd.s32 $0x63, s19  }
0x3e3: {  	[tilespmem:v12+s28+$0x0] =	vst.idx.msk $0xffff, v9;
	v9 =	vmov s17  }
0x3e4: {  	v11 =	vld.idx.msk [tilespmem:v10+s28+$0x0], $0xffff;
	v9 =	vand.u32 $0x7F, v9  }
0x3e5: {  	v9 =	vbroadcast v9, $0x0;
	_ =	sdelay $0x1  }
0x3e6: {  	v9 =	vor.u32 v6, v9;
	_ =	sdelay $0x1  }
0x3e7: {  	v7 =	vmul.f32 v11, v7  }
0x3e8: {  	s19 =	simm.s32 $0x20  }
0x3e9: {  	[tilespmem:v10+s28+$0x0] =	vst.idx.msk $0xffff, v7;
	v7 =	vmov s19  }
0x3ea: {  	s20 =	simm.s32 $0x21;
	v10 =	vld.idx.msk [tilespmem:v9+s28+$0x0], $0xffff;
	v7 =	vand.u32 $0x7C, v7  }
0x3eb: {  	v12 =	vmov s20;
	v11 =	vbroadcast v7, $0x0  }
0x3ec: {  	s23 =	simm.s32 $0x42;
	v12 =	vand.u32 $0x7D, v12;
	v7 =	vor.u32 $0x1000, v0  }
0x3ed: {  	v13 =	vmov s23;
	v12 =	vbroadcast v12, $0x0;
	v11 =	vor.u32 v7, v11  }
0x3ee: {  	v14 =	vmov s21;
	v13 =	vand.u32 $0x7E, v13  }
0x3ef: {  	s2 =	simm.s32 $0x41;
	v13 =	vbroadcast v13, $0x0;
	v12 =	vor.u32 v7, v12;
	v8 =	vmul.f32 v10, v8  }
0x3f0: {  	v14 =	vand.u32 $0x7C, v14;
	v10 =	vmov s2  }
0x3f1: {  	s29 =	simm.s32 $0x60;
	v10 =	vand.u32 $0x7D, v10;
	[tilespmem:v9+s28+$0x0] =	vst.idx.msk $0xffff, v8;
	v9 =	vor.u32 v7, v13;
	v13 =	vbroadcast v14, $0x0  }
0x3f2: {  	v24 =	vimm.f32 $0.0e+00;
	s30 =	simm.s32 $0x22;
	v8 =	vmov s29;
	v10 =	vbroadcast v10, $0x0;
	v15 =	vld.idx.msk [tilespmem:v11+s26+$0x0], $0xffff  }
0x3f3: {  	v14 =	vmov s30;
	v8 =	vand.u32 $0x7C, v8;
	v11 =	vld.idx.msk [tilespmem:v11+s25+$0x0], $0xffff;
	v16 =	vor.u32 v7, v13  }
0x3f4: {  	s17 =	simm.s32 $0x40;
	s19 =	simm.s32 $0x43;
	v14 =	vand.u32 $0x7E, v14;
	v20 =	vld.idx.msk [tilespmem:v12+s25+$0x0], $0xffff;
	v8 =	vbroadcast v8, $0x0;
	v19 =	vor.u32 v7, v10  }
0x3f5: {  	s13 =	simm.s32 $0x23;
	v18 =	vmov s17;
	v22 =	vmov s19;
	s2 =	simm.s32 $0x1;
	v12 =	vld.idx.msk [tilespmem:v12+s26+$0x0], $0xffff;
	v13 =	vbroadcast v14, $0x0  }
0x3f6: {  	v10 =	vmov s2;
	v14 =	vmov s13;
	v8 =	vor.u32 v7, v8;
	v21 =	vld.idx.msk [tilespmem:v9+s26+$0x0], $0xffff  }
0x3f7: {  	v22 =	vand.u32 $0x7F, v22;
	v10 =	vand.u32 $0x7D, v10;
	v14 =	vand.u32 $0x7F, v14;
	v9 =	vld.idx.msk [tilespmem:v9+s25+$0x0], $0xffff  }
0x3f8: {  	s21 =	simm.s32 $0x3;
	v13 =	vor.u32 v7, v13;
	v17 =	vbroadcast v10, $0x0;
	v14 =	vbroadcast v14, $0x0;
	v10 =	vld.idx.msk [tilespmem:v16+s25+$0x0], $0xffff  }
0x3f9: {  	v27 =	vmov s21;
	s20 =	simm.s32 $0x2;
	v18 =	vand.u32 $0x7C, v18;
	v22 =	vbroadcast v22, $0x0;
	v25 =	vld.idx.msk [tilespmem:v19+s25+$0x0], $0xffff  }
0x3fa: {  	v23 =	vor.u32 v7, v17;
	v17 =	vmov s20;
	v26 =	vor.u32 v7, v14;
	v32 =	vld.idx.msk [tilespmem:v19+s26+$0x0], $0xffff  }
0x3fb: {  	s23 =	simm.s32 $0x62;
	v14 =	vbroadcast v18, $0x0;
	v11 =	vmul.f32 v15, v11;
	v17 =	vand.u32 $0x7E, v17;
	v29 =	vld.idx.msk [tilespmem:v8+s25+$0x0], $0xffff  }
0x3fc: {  	s29 =	simm.s32 $0x61;
	v28 =	vbroadcast v17, $0x0;
	v17 =	vor.u32 v7, v22;
	v31 =	vld.idx.msk [tilespmem:v8+s26+$0x0], $0xffff;
	v8 =	vmov s23  }
0x3fd: {  	v22 =	vmov s29;
	v18 =	vld.idx.msk [tilespmem:v13+s25+$0x0], $0xffff;
	v33 =	vand.u32 $0x7E, v8;
	v8 =	vadd.f32 v11, v24  }
0x3fe: {  	v11 =	vmul.f32 v12, v20;
	v12 =	vand.u32 $0x7D, v22;
	v22 =	vand.u32 $0x7F, v27;
	v27 =	vld.idx.msk [tilespmem:v13+s26+$0x0], $0xffff  }
0x3ff: {  	s30 =	simm.s32 $0x63;
	v19 =	vor.u32 v7, v28;
	v15 =	vld.idx.msk [tilespmem:v23+s25+$0x0], $0xffff  }
0x400: {  	v14 =	vor.u32 v7, v14;
	v28 =	vmov s30;
	v20 =	vld.idx.msk [tilespmem:v26+s26+$0x0], $0xffff;
	v12 =	vbroadcast v12, $0x0  }
0x401: {  	v30 =	vand.u32 $0x7F, v28;
	v13 =	vadd.f32 v11, v8;
	v11 =	vbroadcast v22, $0x0;
	v22 =	vld.idx.msk [tilespmem:v26+s25+$0x0], $0xffff  }
0x402: {  	v26 =	vld.idx.msk [tilespmem:v16+s26+$0x0], $0xffff;
	v8 =	vmul.f32 v21, v9;
	v30 =	vbroadcast v30, $0x0;
	v28 =	vor.u32 v7, v12  }
0x403: {  	v12 =	vimm.f32 $0.0e+00;
	v21 =	vor.u32 v7, v11;
	v11 =	vmul.f32 v32, v25;
	v25 =	vld.idx.msk [tilespmem:v23+s26+$0x0], $0xffff  }
0x404: {  	v9 =	vmovc v7;
	v29 =	vmul.f32 v31, v29;
	v31 =	vbroadcast v33, $0x0;
	v23 =	vimm.f32 $0.0e+00;
	v16 =	vld.idx.msk [tilespmem:v19+s25+$0x0], $0xffff  }
.LBB2_12:
0x405: {  	s1 =	sadd.s32 $0x20, s11  }
0x406: {  	s2 =	sadd.s32 $0x40, s11;
	s13 =	sadd.s32 $0x60, s11;
	v32 =	vld.idx.msk [tilespmem:v14+s25+$0x0], $0xffff;
	v24 =	vadd.f32 v29, v24;
	v29 =	vor.u32 v9, v30;
	s20 =	smov.u32 s11  }
0x407: {  	s23 =	sadd.s32 $0x1, s11;
	s21 =	sadd.s32 $0x61, s11;
	v18 =	vmul.f32 v27, v18;
	v30 =	vmov s1;
	v33 =	vmov s2;
	s1 =	sadd.s32 $0x3, s11;
	v34 =	vld.idx.msk [tilespmem:v28+s26+$0x0], $0xffff  }
0x408: {  	s17 =	sadd.s32 $0x2, s11;
	s19 =	sadd.s32 $0x23, s11;
	s2 =	sadd.s32 $0x41, s11;
	v31 =	vor.u32 v9, v31;
	v9 =	vmovc v7;
	v27 =	vand.u32 $0x7C, v30;
	v30 =	vand.u32 $0x7C, v33;
	v33 =	vld.idx.msk [tilespmem:v17+s25+$0x0], $0xffff  }
0x409: {  	s30 =	sadd.s32 $0x21, s20;
	s29 =	sadd.s32 $0x22, s20;
	v36 =	vmov s19;
	s19 =	sadd.s32 $0x4, s11;
	v35 =	vmov s1;
	v27 =	vbroadcast v27, $0x0;
	v28 =	vld.idx.msk [tilespmem:v28+s25+$0x0], $0xffff  }
0x40a: {  	p0 =	slt.u32 s11, $0x1C;
	v20 =	vmul.f32 v20, v22;
	v37 =	vmov s30;
	v38 =	vmov s2;
	v39 =	vld.idx.msk [tilespmem:v21+s25+$0x0], $0xffff  }
0x40b: {  	v22 =	vor.u32 v9, v27;
	v27 =	vbroadcast v30, $0x0;
	v30 =	vmov s17;
	v14 =	vld.idx.msk [tilespmem:v14+s26+$0x0], $0xffff  }
0x40c: {  	v40 =	vmov s29;
	s1 =	sadd.s32 $0x42, s20;
	v10 =	vmul.f32 v26, v10;
	v37 =	vand.u32 $0x7D, v37;
	v17 =	vld.idx.msk [tilespmem:v17+s26+$0x0], $0xffff  }
0x40d: {  	v26 =	vand.u32 $0x7D, v38;
	v38 =	vmov s1;
	v30 =	vand.u32 $0x7E, v30;
	v19 =	vld.idx.msk [tilespmem:v19+s26+$0x0], $0xffff  }
0x40e: {  	v37 =	vbroadcast v37, $0x0;
	v38 =	vand.u32 $0x7E, v38;
	v23 =	vadd.f32 v10, v23;
	v10 =	vld.idx.msk [tilespmem:v29+s25+$0x0], $0xffff  }
0x40f: {  	v41 =	vmov s13;
	v36 =	vand.u32 $0x7F, v36;
	v38 =	vbroadcast v38, $0x0;
	v29 =	vld.idx.msk [tilespmem:v29+s26+$0x0], $0xffff  }
0x410: {  	v42 =	vmov s20;
	v15 =	vmul.f32 v25, v15;
	v37 =	vor.u32 v9, v37;
	v25 =	vld.idx.msk [tilespmem:v31+s25+$0x0], $0xffff  }
0x411: {  	v42 =	vand.u32 $0x7C, v42;
	v13 =	vadd.f32 v18, v13;
	v38 =	vor.u32 v9, v38;
	v18 =	vld.idx.msk [tilespmem:v21+s26+$0x0], $0xffff  }
0x412: {  	v41 =	vand.u32 $0x7C, v41;
	v28 =	vmul.f32 v34, v28;
	v21 =	vbroadcast v42, $0x0;
	v42 =	vld.idx.msk [tilespmem:v22+s26+$0x0], $0xffff  }
0x413: {  	v26 =	vbroadcast v26, $0x0;
	v13 =	vadd.f32 v20, v13;
	v34 =	vand.u32 $0x7E, v40;
	v22 =	vld.idx.msk [tilespmem:v22+s25+$0x0], $0xffff  }
0x414: {  	v20 =	vbroadcast v34, $0x0;
	v14 =	vmul.f32 v14, v32;
	v21 =	vor.u32 v9, v21;
	v31 =	vld.idx.msk [tilespmem:v31+s26+$0x0], $0xffff  }
0x415: {  	s1 =	sadd.s32 $0x43, s20;
	v26 =	vor.u32 v9, v26;
	v32 =	vbroadcast v41, $0x0;
	v40 =	vmul.f32 v29, v10;
	v34 =	vld.idx.msk [tilespmem:v37+s25+$0x0], $0xffff  }
0x416: {  	v30 =	vbroadcast v30, $0x0;
	v10 =	vmov s1;
	v29 =	vld.idx.msk [tilespmem:v37+s26+$0x0], $0xffff;
	v37 =	vor.u32 v9, v20  }
0x417: {  	v16 =	vmul.f32 v19, v16;
	v20 =	vor.u32 v9, v32;
	v32 =	vmov s23;
	v41 =	vld.idx.msk [tilespmem:v38+s26+$0x0], $0xffff  }
0x418: {  	v33 =	vmul.f32 v17, v33;
	v19 =	vand.u32 $0x7D, v32;
	v32 =	vld.idx.msk [tilespmem:v38+s25+$0x0], $0xffff;
	v38 =	vand.u32 $0x7F, v10  }
0x419: {  	v12 =	vadd.f32 v14, v12;
	v22 =	vmul.f32 v42, v22;
	v17 =	vbroadcast v19, $0x0;
	v10 =	vld.idx.msk [tilespmem:v21+s25+$0x0], $0xffff  }
0x41a: {  	v14 =	vor.u32 v9, v27;
	v19 =	vbroadcast v36, $0x0;
	v25 =	vmul.f32 v31, v25  }
0x41b: {  	v31 =	vor.u32 v9, v17;
	v17 =	vbroadcast v38, $0x0;
	v38 =	vmul.f32 v18, v39;
	v36 =	vld.idx.msk [tilespmem:v26+s25+$0x0], $0xffff  }
0x41c: {  	v23 =	vadd.f32 v15, v23;
	v24 =	vadd.f32 v28, v24;
	s1 =	sadd.s32 $0x62, s20;
	v42 =	vor.u32 v9, v19;
	v39 =	vld.idx.msk [tilespmem:v20+s25+$0x0], $0xffff  }
0x41d: {  	v11 =	vadd.f32 v11, v12;
	v15 =	vmov s1;
	v17 =	vor.u32 v9, v17;
	v18 =	vld.idx.msk [tilespmem:v37+s25+$0x0], $0xffff  }
0x41e: {  	v28 =	vand.u32 $0x7F, v35;
	v12 =	vmov s21;
	v44 =	vand.u32 $0x7E, v15;
	v43 =	vld.idx.msk [tilespmem:v20+s26+$0x0], $0xffff  }
0x41f: {  	v8 =	vadd.f32 v8, v11;
	v13 =	vadd.f32 v22, v13;
	v20 =	vmul.f32 v29, v34;
	v34 =	vld.idx.msk [tilespmem:v26+s26+$0x0], $0xffff  }
0x420: {  	v11 =	vand.u32 $0x7D, v12;
	v12 =	vadd.f32 v16, v23;
	v19 =	vor.u32 v9, v30;
	v15 =	vld.idx.msk [tilespmem:v31+s25+$0x0], $0xffff  }
0x421: {  	s1 =	sadd.s32 $0x63, s20;
	v11 =	vbroadcast v11, $0x0;
	v24 =	vadd.f32 v25, v24;
	v13 =	vadd.f32 v20, v13;
	v20 =	vld.idx.msk [tilespmem:v42+s26+$0x0], $0xffff  }
.Ltmp9:
0x422: {  	v16 =	vbroadcast v28, $0x0;
	v25 =	vmov s1;
	v23 =	vadd.f32 v38, v12;
	v27 =	vld.idx.msk [tilespmem:v37+s26+$0x0], $0xffff;
	(pc) =	sbr.rel @p0 .LBB2_12-.Ltmp9, $4  }
0x423: {  	v28 =	vor.u32 v9, v11;
	v11 =	vand.u32 $0x7F, v25;
	v12 =	vadd.f32 v33, v8;
	v22 =	vld.idx.msk [tilespmem:v42+s25+$0x0], $0xffff  }
0x424: {  	v8 =	vmul.f32 v41, v32;
	v30 =	vbroadcast v11, $0x0;
	v26 =	vld.idx.msk [tilespmem:v21+s26+$0x0], $0xffff;
	v21 =	vor.u32 v9, v16  }
0x425: {  	v24 =	vadd.f32 v40, v24;
	v29 =	vmul.f32 v43, v39;
	v11 =	vmul.f32 v34, v36;
	v16 =	vld.idx.msk [tilespmem:v19+s25+$0x0], $0xffff  }
0x426: {  	s11 =	smov.u32 s19;
	v25 =	vld.idx.msk [tilespmem:v31+s26+$0x0], $0xffff;
	v31 =	vbroadcast v44, $0x0  }
0x427: {  	_ =	sdelay $0x3  }
0x428: {  	v32 =	vld.idx.msk [tilespmem:v14+s25+$0x0], $0xffff  }
0x429: {  	v33 =	vld.idx.msk [tilespmem:v28+s26+$0x0], $0xffff  }
0x42a: {  	v34 =	vld.idx.msk [tilespmem:v17+s25+$0x0], $0xffff  }
0x42b: {  	v55 =	vld.idx.msk [tilespmem:v28+s25+$0x0], $0xffff  }
0x42c: {  	v35 =	vld.idx.msk [tilespmem:v21+s25+$0x0], $0xffff;
	v31 =	vor.u32 v9, v31  }
0x42d: {  	v14 =	vld.idx.msk [tilespmem:v14+s26+$0x0], $0xffff  }
0x42e: {  	v56 =	vld.idx.msk [tilespmem:v17+s26+$0x0], $0xffff;
	v9 =	vor.u32 v9, v30  }
0x42f: {  	v19 =	vld.idx.msk [tilespmem:v19+s26+$0x0], $0xffff  }
0x430: {  	v58 =	vld.idx.msk [tilespmem:v21+s26+$0x0], $0xffff;
	v10 =	vmul.f32 v26, v10  }
0x431: {  	v57 =	vld.idx.msk [tilespmem:v31+s25+$0x0], $0xffff  }
0x432: {  	v10 =	vadd.f32 v10, v23;
	v15 =	vmul.f32 v25, v15;
	v14 =	vmul.f32 v14, v32;
	v59 =	vld.idx.msk [tilespmem:v31+s26+$0x0], $0xffff  }
0x433: {  	v18 =	vmul.f32 v27, v18;
	v60 =	vld.idx.msk [tilespmem:v9+s25+$0x0], $0xffff  }
0x434: {  	v16 =	vmul.f32 v19, v16;
	v9 =	vld.idx.msk [tilespmem:v9+s26+$0x0], $0xffff;
	v10 =	vadd.f32 v15, v10;
	v12 =	vadd.f32 v14, v12  }
0x435: {  	v61 =	vmul.f32 v33, v55;
	v62 =	vmul.f32 v58, v35;
	v14 =	vadd.f32 v29, v24  }
0x436: {  	v15 =	vmul.f32 v20, v22;
	v10 =	vadd.f32 v16, v10;
	v11 =	vadd.f32 v11, v12  }
0x437: {  	v12 =	vadd.f32 v18, v13;
	v14 =	vadd.f32 v61, v14;
	v13 =	vmul.f32 v59, v57  }
0x438: {  	v63 =	vmul.f32 v56, v34;
	v10 =	vadd.f32 v62, v10;
	v8 =	vadd.f32 v8, v11  }
0x439: {  	v11 =	vadd.f32 v15, v12;
	v9 =	vmul.f32 v9, v60;
	v12 =	vadd.f32 v13, v14  }
0x43a: {  	v10 =	vmul.f32 $1.442695020e+00, v10;
	v8 =	vadd.f32 v63, v8  }
0x43b: {  	v11 =	vmul.f32 $1.442695020e+00, v11;
	v9 =	vadd.f32 v9, v12  }
0x43c: {  	(erf) = vpow2.f32 v10;
	v8 =	vmul.f32 $1.442695020e+00, v8  }
0x43d: {  	(erf) = vpow2.f32 v11;
	v9 =	vmul.f32 $1.442695020e+00, v9  }
0x43e: {  	(erf) = vpow2.f32 v8  }
0x43f: {  	(erf) = vpow2.f32 v9  }
0x440: {  	s1 =	simm.s32 $0x0  }
0x441: {  	v8 =	vmov s1  }
0x442: {  	v12 =	vor.u32 $0x1001, v0;
	v8 =	vand.u32 $0x7C, v8  }
0x443: {  	v13 =	vor.u32 $0x1002, v0;
	v8 =	vbroadcast v8, $0x0  }
0x444: {  	v14 =	vor.u32 $0x1003, v0  }
0x445: {  	v15 =	vor.u32 v7, v8;
	v11 =	vpop (erf)  }
0x446: {  	v10 =	vpop (erf);
	[tilespmem:v7+s12+$0x0] =	vst.idx.msk $0xffff, v11  }
0x447: {  	[tilespmem:v12+s12+$0x0] =	vst.idx.msk $0xffff, v10;
	v9 =	vpop (erf)  }
0x448: {  	s20 =	simm.s32 $0x20;
	[tilespmem:v13+s12+$0x0] =	vst.idx.msk $0xffff, v9;
	v8 =	vpop (erf)  }
0x449: {  	v12 =	vmov s20;
	[tilespmem:v14+s12+$0x0] =	vst.idx.msk $0xffff, v8  }
0x44a: {  	v12 =	vand.u32 $0x7C, v12;
	v13 =	vld.idx.msk [tilespmem:v15+s28+$0x0], $0xffff  }
0x44b: {  	v12 =	vbroadcast v12, $0x0;
	_ =	sdelay $0x1  }
0x44c: {  	v12 =	vor.u32 v7, v12;
	_ =	sdelay $0x1  }
0x44d: {  	v13 =	vmul.f32 v13, v11  }
0x44e: {  	s21 =	simm.s32 $0x40  }
0x44f: {  	[tilespmem:v15+s28+$0x0] =	vst.idx.msk $0xffff, v13;
	v13 =	vmov s21  }
0x450: {  	v14 =	vld.idx.msk [tilespmem:v12+s28+$0x0], $0xffff;
	v13 =	vand.u32 $0x7C, v13  }
0x451: {  	v13 =	vbroadcast v13, $0x0;
	_ =	sdelay $0x1  }
0x452: {  	v13 =	vor.u32 v7, v13;
	_ =	sdelay $0x1  }
0x453: {  	v14 =	vmul.f32 v14, v10  }
0x454: {  	s23 =	simm.s32 $0x60  }
0x455: {  	[tilespmem:v12+s28+$0x0] =	vst.idx.msk $0xffff, v14;
	v12 =	vmov s23  }
0x456: {  	v14 =	vld.idx.msk [tilespmem:v13+s28+$0x0], $0xffff;
	v12 =	vand.u32 $0x7C, v12  }
0x457: {  	v12 =	vbroadcast v12, $0x0;
	_ =	sdelay $0x1  }
0x458: {  	v12 =	vor.u32 v7, v12;
	_ =	sdelay $0x1  }
0x459: {  	v14 =	vmul.f32 v14, v9  }
0x45a: {  	s29 =	simm.s32 $0x1  }
0x45b: {  	[tilespmem:v13+s28+$0x0] =	vst.idx.msk $0xffff, v14;
	v13 =	vmov s29  }
0x45c: {  	v14 =	vld.idx.msk [tilespmem:v12+s28+$0x0], $0xffff;
	v13 =	vand.u32 $0x7D, v13  }
0x45d: {  	v13 =	vbroadcast v13, $0x0;
	_ =	sdelay $0x1  }
0x45e: {  	v13 =	vor.u32 v7, v13;
	_ =	sdelay $0x1  }
0x45f: {  	v14 =	vmul.f32 v14, v8  }
0x460: {  	s30 =	simm.s32 $0x21  }
0x461: {  	[tilespmem:v12+s28+$0x0] =	vst.idx.msk $0xffff, v14;
	v12 =	vmov s30  }
0x462: {  	v14 =	vld.idx.msk [tilespmem:v13+s28+$0x0], $0xffff;
	v12 =	vand.u32 $0x7D, v12  }
0x463: {  	v12 =	vbroadcast v12, $0x0;
	_ =	sdelay $0x1  }
0x464: {  	v12 =	vor.u32 v7, v12;
	_ =	sdelay $0x1  }
0x465: {  	v14 =	vmul.f32 v14, v11  }
0x466: {  	s2 =	simm.s32 $0x41  }
0x467: {  	[tilespmem:v13+s28+$0x0] =	vst.idx.msk $0xffff, v14;
	v13 =	vmov s2  }
0x468: {  	v14 =	vld.idx.msk [tilespmem:v12+s28+$0x0], $0xffff;
	v13 =	vand.u32 $0x7D, v13  }
0x469: {  	v13 =	vbroadcast v13, $0x0;
	_ =	sdelay $0x1  }
0x46a: {  	v13 =	vor.u32 v7, v13;
	_ =	sdelay $0x1  }
0x46b: {  	v14 =	vmul.f32 v14, v10  }
0x46c: {  	s11 =	simm.s32 $0x61  }
0x46d: {  	[tilespmem:v12+s28+$0x0] =	vst.idx.msk $0xffff, v14;
	v12 =	vmov s11  }
0x46e: {  	v14 =	vld.idx.msk [tilespmem:v13+s28+$0x0], $0xffff;
	v12 =	vand.u32 $0x7D, v12  }
0x46f: {  	v12 =	vbroadcast v12, $0x0;
	_ =	sdelay $0x1  }
0x470: {  	v12 =	vor.u32 v7, v12;
	_ =	sdelay $0x1  }
0x471: {  	v14 =	vmul.f32 v14, v9  }
0x472: {  	s13 =	simm.s32 $0x2  }
0x473: {  	[tilespmem:v13+s28+$0x0] =	vst.idx.msk $0xffff, v14;
	v13 =	vmov s13  }
0x474: {  	v14 =	vld.idx.msk [tilespmem:v12+s28+$0x0], $0xffff;
	v13 =	vand.u32 $0x7E, v13  }
0x475: {  	v13 =	vbroadcast v13, $0x0;
	_ =	sdelay $0x1  }
0x476: {  	v13 =	vor.u32 v7, v13;
	_ =	sdelay $0x1  }
0x477: {  	v14 =	vmul.f32 v14, v8  }
0x478: {  	s17 =	simm.s32 $0x22  }
0x479: {  	[tilespmem:v12+s28+$0x0] =	vst.idx.msk $0xffff, v14;
	v12 =	vmov s17  }
0x47a: {  	v14 =	vld.idx.msk [tilespmem:v13+s28+$0x0], $0xffff;
	v12 =	vand.u32 $0x7E, v12  }
0x47b: {  	v12 =	vbroadcast v12, $0x0;
	_ =	sdelay $0x1  }
0x47c: {  	v12 =	vor.u32 v7, v12;
	_ =	sdelay $0x1  }
0x47d: {  	v14 =	vmul.f32 v14, v11  }
0x47e: {  	s19 =	simm.s32 $0x42  }
0x47f: {  	[tilespmem:v13+s28+$0x0] =	vst.idx.msk $0xffff, v14;
	v13 =	vmov s19  }
0x480: {  	v14 =	vld.idx.msk [tilespmem:v12+s28+$0x0], $0xffff;
	v13 =	vand.u32 $0x7E, v13  }
0x481: {  	v13 =	vbroadcast v13, $0x0;
	_ =	sdelay $0x1  }
0x482: {  	v13 =	vor.u32 v7, v13;
	_ =	sdelay $0x1  }
0x483: {  	v14 =	vmul.f32 v14, v10  }
0x484: {  	s20 =	simm.s32 $0x62  }
0x485: {  	[tilespmem:v12+s28+$0x0] =	vst.idx.msk $0xffff, v14;
	v12 =	vmov s20  }
0x486: {  	v14 =	vld.idx.msk [tilespmem:v13+s28+$0x0], $0xffff;
	v12 =	vand.u32 $0x7E, v12  }
0x487: {  	v12 =	vbroadcast v12, $0x0;
	_ =	sdelay $0x1  }
0x488: {  	v12 =	vor.u32 v7, v12;
	_ =	sdelay $0x1  }
0x489: {  	v14 =	vmul.f32 v14, v9  }
0x48a: {  	s21 =	simm.s32 $0x3  }
0x48b: {  	[tilespmem:v13+s28+$0x0] =	vst.idx.msk $0xffff, v14;
	v13 =	vmov s21  }
0x48c: {  	v14 =	vld.idx.msk [tilespmem:v12+s28+$0x0], $0xffff;
	v13 =	vand.u32 $0x7F, v13  }
0x48d: {  	v13 =	vbroadcast v13, $0x0;
	_ =	sdelay $0x1  }
0x48e: {  	v13 =	vor.u32 v7, v13;
	_ =	sdelay $0x1  }
0x48f: {  	v14 =	vmul.f32 v14, v8  }
0x490: {  	s23 =	simm.s32 $0x23  }
0x491: {  	[tilespmem:v12+s28+$0x0] =	vst.idx.msk $0xffff, v14;
	v12 =	vmov s23  }
0x492: {  	v14 =	vld.idx.msk [tilespmem:v13+s28+$0x0], $0xffff;
	v12 =	vand.u32 $0x7F, v12  }
0x493: {  	v12 =	vbroadcast v12, $0x0;
	_ =	sdelay $0x1  }
0x494: {  	v12 =	vor.u32 v7, v12;
	_ =	sdelay $0x1  }
0x495: {  	v14 =	vmul.f32 v14, v11  }
0x496: {  	s29 =	simm.s32 $0x43  }
0x497: {  	[tilespmem:v13+s28+$0x0] =	vst.idx.msk $0xffff, v14;
	v13 =	vmov s29  }
0x498: {  	v14 =	vld.idx.msk [tilespmem:v12+s28+$0x0], $0xffff;
	v13 =	vand.u32 $0x7F, v13  }
0x499: {  	v13 =	vbroadcast v13, $0x0;
	_ =	sdelay $0x1  }
0x49a: {  	v15 =	vor.u32 v7, v13;
	_ =	sdelay $0x1  }
0x49b: {  	v13 =	vmul.f32 v14, v10  }
0x49c: {  	s30 =	simm.s32 $0x63  }
0x49d: {  	[tilespmem:v12+s28+$0x0] =	vst.idx.msk $0xffff, v13;
	v12 =	vmov s30  }
0x49e: {  	v14 =	vld.idx.msk [tilespmem:v15+s28+$0x0], $0xffff;
	v12 =	vand.u32 $0x7F, v12  }
0x49f: {  	v12 =	vbroadcast v12, $0x0;
	_ =	sdelay $0x1  }
0x4a0: {  	v13 =	vor.u32 v7, v12;
	_ =	sdelay $0x1  }
0x4a1: {  	v12 =	vmul.f32 v14, v9  }
0x4a2: {  	s11 =	simm.s32 $0x4  }
0x4a3: {  	[tilespmem:v15+s28+$0x0] =	vst.idx.msk $0xffff, v12;
	v12 =	vmov s11  }
0x4a4: {  	v14 =	vld.idx.msk [tilespmem:v13+s28+$0x0], $0xffff;
	v12 =	vand.u32 $0x7C, v12  }
0x4a5: {  	v12 =	vbroadcast v12, $0x0;
	_ =	sdelay $0x1  }
0x4a6: {  	v12 =	vor.u32 v7, v12;
	_ =	sdelay $0x1  }
0x4a7: {  	s19 =	simm.s32 $0x8;
	v14 =	vmul.f32 v14, v8  }
.LBB2_14:
0x4a8: {  	p0 =	slt.u32 s19, $0x1C  }
0x4a9: {  	s1 =	sadd.s32 $0x20, s11;
	s20 =	smov.u32 s19;
	s19 =	sadd.s32 $0x4, s19;
	[tilespmem:v13+s28+$0x0] =	vst.idx.msk $0xffff, v14  }
0x4aa: {  	v14 =	vmov s1;
	v13 =	vld.idx.msk [tilespmem:v12+s28+$0x0], $0xffff  }
0x4ab: {  	v14 =	vand.u32 $0x7C, v14  }
0x4ac: {  	v14 =	vbroadcast v14, $0x0;
	_ =	sdelay $0x1  }
0x4ad: {  	v14 =	vor.u32 v7, v14;
	_ =	sdelay $0x1  }
0x4ae: {  	v13 =	vmul.f32 v13, v11;
	_ =	sdelay $0x1  }
0x4af: {  	s1 =	sadd.s32 $0x40, s11;
	[tilespmem:v12+s28+$0x0] =	vst.idx.msk $0xffff, v13  }
0x4b0: {  	v13 =	vmov s1;
	v12 =	vld.idx.msk [tilespmem:v14+s28+$0x0], $0xffff  }
0x4b1: {  	v13 =	vand.u32 $0x7C, v13  }
0x4b2: {  	v13 =	vbroadcast v13, $0x0;
	_ =	sdelay $0x1  }
0x4b3: {  	v13 =	vor.u32 v7, v13;
	_ =	sdelay $0x1  }
0x4b4: {  	v12 =	vmul.f32 v12, v10;
	_ =	sdelay $0x1  }
0x4b5: {  	s1 =	sadd.s32 $0x60, s11;
	[tilespmem:v14+s28+$0x0] =	vst.idx.msk $0xffff, v12  }
0x4b6: {  	v14 =	vmov s1;
	v12 =	vld.idx.msk [tilespmem:v13+s28+$0x0], $0xffff  }
0x4b7: {  	v14 =	vand.u32 $0x7C, v14  }
0x4b8: {  	v14 =	vbroadcast v14, $0x0;
	_ =	sdelay $0x1  }
0x4b9: {  	v14 =	vor.u32 v7, v14;
	_ =	sdelay $0x1  }
0x4ba: {  	v12 =	vmul.f32 v12, v9;
	_ =	sdelay $0x1  }
0x4bb: {  	s1 =	sadd.s32 $0x1, s11;
	[tilespmem:v13+s28+$0x0] =	vst.idx.msk $0xffff, v12  }
0x4bc: {  	v13 =	vmov s1;
	v12 =	vld.idx.msk [tilespmem:v14+s28+$0x0], $0xffff  }
0x4bd: {  	v13 =	vand.u32 $0x7D, v13  }
0x4be: {  	v13 =	vbroadcast v13, $0x0;
	_ =	sdelay $0x1  }
0x4bf: {  	v13 =	vor.u32 v7, v13;
	_ =	sdelay $0x1  }
0x4c0: {  	v12 =	vmul.f32 v12, v8;
	_ =	sdelay $0x1  }
0x4c1: {  	s1 =	sadd.s32 $0x21, s11;
	[tilespmem:v14+s28+$0x0] =	vst.idx.msk $0xffff, v12  }
0x4c2: {  	v14 =	vmov s1;
	v12 =	vld.idx.msk [tilespmem:v13+s28+$0x0], $0xffff  }
0x4c3: {  	v14 =	vand.u32 $0x7D, v14  }
0x4c4: {  	v14 =	vbroadcast v14, $0x0;
	_ =	sdelay $0x1  }
0x4c5: {  	v14 =	vor.u32 v7, v14;
	_ =	sdelay $0x1  }
0x4c6: {  	v12 =	vmul.f32 v12, v11;
	_ =	sdelay $0x1  }
0x4c7: {  	s1 =	sadd.s32 $0x41, s11;
	[tilespmem:v13+s28+$0x0] =	vst.idx.msk $0xffff, v12  }
0x4c8: {  	v13 =	vmov s1;
	v12 =	vld.idx.msk [tilespmem:v14+s28+$0x0], $0xffff  }
0x4c9: {  	v13 =	vand.u32 $0x7D, v13  }
0x4ca: {  	v13 =	vbroadcast v13, $0x0;
	_ =	sdelay $0x1  }
0x4cb: {  	v13 =	vor.u32 v7, v13;
	_ =	sdelay $0x1  }
0x4cc: {  	v12 =	vmul.f32 v12, v10;
	_ =	sdelay $0x1  }
0x4cd: {  	s1 =	sadd.s32 $0x61, s11;
	[tilespmem:v14+s28+$0x0] =	vst.idx.msk $0xffff, v12  }
0x4ce: {  	v14 =	vmov s1;
	v12 =	vld.idx.msk [tilespmem:v13+s28+$0x0], $0xffff  }
0x4cf: {  	v14 =	vand.u32 $0x7D, v14  }
0x4d0: {  	v14 =	vbroadcast v14, $0x0;
	_ =	sdelay $0x1  }
0x4d1: {  	v14 =	vor.u32 v7, v14;
	_ =	sdelay $0x1  }
0x4d2: {  	v12 =	vmul.f32 v12, v9;
	_ =	sdelay $0x1  }
0x4d3: {  	s1 =	sadd.s32 $0x2, s11;
	[tilespmem:v13+s28+$0x0] =	vst.idx.msk $0xffff, v12  }
0x4d4: {  	v13 =	vmov s1;
	v12 =	vld.idx.msk [tilespmem:v14+s28+$0x0], $0xffff  }
0x4d5: {  	v13 =	vand.u32 $0x7E, v13  }
0x4d6: {  	v13 =	vbroadcast v13, $0x0;
	_ =	sdelay $0x1  }
0x4d7: {  	v13 =	vor.u32 v7, v13;
	_ =	sdelay $0x1  }
0x4d8: {  	v12 =	vmul.f32 v12, v8;
	_ =	sdelay $0x1  }
0x4d9: {  	s1 =	sadd.s32 $0x22, s11;
	[tilespmem:v14+s28+$0x0] =	vst.idx.msk $0xffff, v12  }
0x4da: {  	v14 =	vmov s1;
	v12 =	vld.idx.msk [tilespmem:v13+s28+$0x0], $0xffff  }
0x4db: {  	v14 =	vand.u32 $0x7E, v14  }
0x4dc: {  	v14 =	vbroadcast v14, $0x0;
	_ =	sdelay $0x1  }
0x4dd: {  	v14 =	vor.u32 v7, v14;
	_ =	sdelay $0x1  }
0x4de: {  	v12 =	vmul.f32 v12, v11;
	_ =	sdelay $0x1  }
0x4df: {  	s1 =	sadd.s32 $0x42, s11;
	[tilespmem:v13+s28+$0x0] =	vst.idx.msk $0xffff, v12  }
0x4e0: {  	v13 =	vmov s1;
	v12 =	vld.idx.msk [tilespmem:v14+s28+$0x0], $0xffff  }
0x4e1: {  	v13 =	vand.u32 $0x7E, v13  }
0x4e2: {  	v13 =	vbroadcast v13, $0x0;
	_ =	sdelay $0x1  }
0x4e3: {  	v13 =	vor.u32 v7, v13;
	_ =	sdelay $0x1  }
0x4e4: {  	v12 =	vmul.f32 v12, v10;
	_ =	sdelay $0x1  }
0x4e5: {  	s1 =	sadd.s32 $0x62, s11;
	[tilespmem:v14+s28+$0x0] =	vst.idx.msk $0xffff, v12  }
0x4e6: {  	v14 =	vmov s1;
	v12 =	vld.idx.msk [tilespmem:v13+s28+$0x0], $0xffff  }
0x4e7: {  	v14 =	vand.u32 $0x7E, v14  }
0x4e8: {  	v14 =	vbroadcast v14, $0x0;
	_ =	sdelay $0x1  }
0x4e9: {  	v14 =	vor.u32 v7, v14;
	_ =	sdelay $0x1  }
0x4ea: {  	v12 =	vmul.f32 v12, v9;
	_ =	sdelay $0x1  }
0x4eb: {  	s1 =	sadd.s32 $0x3, s11;
	[tilespmem:v13+s28+$0x0] =	vst.idx.msk $0xffff, v12  }
0x4ec: {  	v13 =	vmov s1;
	v12 =	vld.idx.msk [tilespmem:v14+s28+$0x0], $0xffff  }
0x4ed: {  	v13 =	vand.u32 $0x7F, v13  }
0x4ee: {  	v13 =	vbroadcast v13, $0x0;
	_ =	sdelay $0x1  }
0x4ef: {  	v13 =	vor.u32 v7, v13;
	_ =	sdelay $0x1  }
0x4f0: {  	v12 =	vmul.f32 v12, v8;
	_ =	sdelay $0x1  }
0x4f1: {  	s1 =	sadd.s32 $0x23, s11;
	[tilespmem:v14+s28+$0x0] =	vst.idx.msk $0xffff, v12  }
0x4f2: {  	v14 =	vmov s1;
	v12 =	vld.idx.msk [tilespmem:v13+s28+$0x0], $0xffff  }
0x4f3: {  	v14 =	vand.u32 $0x7F, v14  }
0x4f4: {  	v14 =	vbroadcast v14, $0x0;
	_ =	sdelay $0x1  }
0x4f5: {  	v14 =	vor.u32 v7, v14;
	_ =	sdelay $0x1  }
0x4f6: {  	v12 =	vmul.f32 v12, v11;
	_ =	sdelay $0x1  }
0x4f7: {  	s1 =	sadd.s32 $0x43, s11;
	[tilespmem:v13+s28+$0x0] =	vst.idx.msk $0xffff, v12  }
0x4f8: {  	v13 =	vmov s1;
	v12 =	vld.idx.msk [tilespmem:v14+s28+$0x0], $0xffff  }
0x4f9: {  	v13 =	vand.u32 $0x7F, v13  }
0x4fa: {  	v13 =	vbroadcast v13, $0x0;
	_ =	sdelay $0x1  }
0x4fb: {  	v15 =	vor.u32 v7, v13;
	_ =	sdelay $0x1  }
0x4fc: {  	v12 =	vmul.f32 v12, v10;
	_ =	sdelay $0x1  }
0x4fd: {  	s1 =	sadd.s32 $0x63, s11;
	s11 =	smov.u32 s20;
	[tilespmem:v14+s28+$0x0] =	vst.idx.msk $0xffff, v12  }
0x4fe: {  	v13 =	vmov s1;
	v12 =	vld.idx.msk [tilespmem:v15+s28+$0x0], $0xffff  }
0x4ff: {  	v13 =	vand.u32 $0x7F, v13  }
0x500: {  	v13 =	vbroadcast v13, $0x0;
	_ =	sdelay $0x1  }
0x501: {  	v13 =	vor.u32 v7, v13;
	_ =	sdelay $0x1  }
0x502: {  	v12 =	vmul.f32 v12, v9;
	_ =	sdelay $0x1  }
0x503: {  	[tilespmem:v15+s28+$0x0] =	vst.idx.msk $0xffff, v12  }
0x504: {  	v12 =	vmov s11;
	v14 =	vld.idx.msk [tilespmem:v13+s28+$0x0], $0xffff  }
0x505: {  	v12 =	vand.u32 $0x7C, v12  }
.Ltmp10:
0x506: {  	v12 =	vbroadcast v12, $0x0;
	(pc) =	sbr.rel @p0 .LBB2_14-.Ltmp10, $3  }
0x507: {  	_ = 	snop  }
0x508: {  	v12 =	vor.u32 v7, v12;
	_ =	sdelay $0x1  }
0x509: {  	v14 =	vmul.f32 v14, v8  }
0x50a: {  	_ =	sdelay $0x2  }
0x50b: {  	s1 =	sadd.s32 $0x20, s11  }
0x50c: {  	[tilespmem:v13+s28+$0x0] =	vst.idx.msk $0xffff, v14;
	v45 =	vmov s1  }
0x50d: {  	v14 =	vld.idx.msk [tilespmem:v12+s28+$0x0], $0xffff;
	v13 =	vand.u32 $0x7C, v45  }
0x50e: {  	v13 =	vbroadcast v13, $0x0;
	_ =	sdelay $0x1  }
0x50f: {  	v13 =	vor.u32 v7, v13;
	_ =	sdelay $0x1  }
0x510: {  	v14 =	vmul.f32 v14, v11  }
0x511: {  	s19 =	sadd.s32 $0x40, s11  }
0x512: {  	v46 =	vmov s19;
	[tilespmem:v12+s28+$0x0] =	vst.idx.msk $0xffff, v14  }
0x513: {  	v12 =	vand.u32 $0x7C, v46;
	v14 =	vld.idx.msk [tilespmem:v13+s28+$0x0], $0xffff  }
0x514: {  	v12 =	vbroadcast v12, $0x0;
	_ =	sdelay $0x1  }
0x515: {  	v12 =	vor.u32 v7, v12;
	_ =	sdelay $0x1  }
0x516: {  	v14 =	vmul.f32 v14, v10  }
0x517: {  	s20 =	sadd.s32 $0x60, s11  }
0x518: {  	v47 =	vmov s20;
	[tilespmem:v13+s28+$0x0] =	vst.idx.msk $0xffff, v14  }
0x519: {  	v13 =	vand.u32 $0x7C, v47;
	v14 =	vld.idx.msk [tilespmem:v12+s28+$0x0], $0xffff  }
0x51a: {  	v13 =	vbroadcast v13, $0x0;
	_ =	sdelay $0x1  }
0x51b: {  	v13 =	vor.u32 v7, v13;
	_ =	sdelay $0x1  }
0x51c: {  	v14 =	vmul.f32 v14, v9  }
0x51d: {  	s21 =	sadd.s32 $0x1, s11  }
0x51e: {  	v48 =	vmov s21;
	[tilespmem:v12+s28+$0x0] =	vst.idx.msk $0xffff, v14  }
0x51f: {  	v12 =	vand.u32 $0x7D, v48;
	v14 =	vld.idx.msk [tilespmem:v13+s28+$0x0], $0xffff  }
0x520: {  	v12 =	vbroadcast v12, $0x0;
	_ =	sdelay $0x1  }
0x521: {  	v12 =	vor.u32 v7, v12;
	_ =	sdelay $0x1  }
0x522: {  	v14 =	vmul.f32 v14, v8  }
0x523: {  	s23 =	sadd.s32 $0x21, s11  }
0x524: {  	v49 =	vmov s23;
	[tilespmem:v13+s28+$0x0] =	vst.idx.msk $0xffff, v14  }
0x525: {  	v13 =	vand.u32 $0x7D, v49;
	v14 =	vld.idx.msk [tilespmem:v12+s28+$0x0], $0xffff  }
0x526: {  	v13 =	vbroadcast v13, $0x0;
	_ =	sdelay $0x1  }
0x527: {  	v13 =	vor.u32 v7, v13;
	_ =	sdelay $0x1  }
0x528: {  	v14 =	vmul.f32 v14, v11  }
0x529: {  	s29 =	sadd.s32 $0x41, s11  }
0x52a: {  	v50 =	vmov s29;
	[tilespmem:v12+s28+$0x0] =	vst.idx.msk $0xffff, v14  }
0x52b: {  	v12 =	vand.u32 $0x7D, v50;
	v14 =	vld.idx.msk [tilespmem:v13+s28+$0x0], $0xffff  }
0x52c: {  	v12 =	vbroadcast v12, $0x0;
	_ =	sdelay $0x1  }
0x52d: {  	v12 =	vor.u32 v7, v12;
	_ =	sdelay $0x1  }
0x52e: {  	v14 =	vmul.f32 v14, v10  }
0x52f: {  	s30 =	sadd.s32 $0x61, s11  }
0x530: {  	v51 =	vmov s30;
	[tilespmem:v13+s28+$0x0] =	vst.idx.msk $0xffff, v14  }
0x531: {  	v13 =	vand.u32 $0x7D, v51;
	v14 =	vld.idx.msk [tilespmem:v12+s28+$0x0], $0xffff  }
0x532: {  	v13 =	vbroadcast v13, $0x0;
	_ =	sdelay $0x1  }
0x533: {  	v13 =	vor.u32 v7, v13;
	_ =	sdelay $0x1  }
0x534: {  	v14 =	vmul.f32 v14, v9  }
0x535: {  	s2 =	sadd.s32 $0x2, s11  }
0x536: {  	v52 =	vmov s2;
	[tilespmem:v12+s28+$0x0] =	vst.idx.msk $0xffff, v14  }
0x537: {  	v12 =	vand.u32 $0x7E, v52;
	v14 =	vld.idx.msk [tilespmem:v13+s28+$0x0], $0xffff  }
0x538: {  	v12 =	vbroadcast v12, $0x0;
	_ =	sdelay $0x1  }
0x539: {  	v12 =	vor.u32 v7, v12;
	_ =	sdelay $0x1  }
0x53a: {  	v14 =	vmul.f32 v14, v8  }
0x53b: {  	s13 =	sadd.s32 $0x22, s11  }
0x53c: {  	v53 =	vmov s13;
	[tilespmem:v13+s28+$0x0] =	vst.idx.msk $0xffff, v14  }
0x53d: {  	v13 =	vand.u32 $0x7E, v53;
	v14 =	vld.idx.msk [tilespmem:v12+s28+$0x0], $0xffff  }
0x53e: {  	v13 =	vbroadcast v13, $0x0;
	_ =	sdelay $0x1  }
0x53f: {  	v13 =	vor.u32 v7, v13;
	_ =	sdelay $0x1  }
0x540: {  	v14 =	vmul.f32 v14, v11  }
0x541: {  	s17 =	sadd.s32 $0x42, s11  }
0x542: {  	v54 =	vmov s17;
	[tilespmem:v12+s28+$0x0] =	vst.idx.msk $0xffff, v14  }
0x543: {  	v12 =	vand.u32 $0x7E, v54;
	v14 =	vld.idx.msk [tilespmem:v13+s28+$0x0], $0xffff  }
0x544: {  	v12 =	vbroadcast v12, $0x0;
	_ =	sdelay $0x1  }
0x545: {  	v12 =	vor.u32 v7, v12;
	_ =	sdelay $0x1  }
0x546: {  	v14 =	vmul.f32 v14, v10  }
0x547: {  	s19 =	sadd.s32 $0x62, s11  }
0x548: {  	v55 =	vmov s19;
	[tilespmem:v13+s28+$0x0] =	vst.idx.msk $0xffff, v14  }
0x549: {  	v13 =	vand.u32 $0x7E, v55;
	v14 =	vld.idx.msk [tilespmem:v12+s28+$0x0], $0xffff  }
0x54a: {  	v13 =	vbroadcast v13, $0x0;
	_ =	sdelay $0x1  }
0x54b: {  	v13 =	vor.u32 v7, v13;
	_ =	sdelay $0x1  }
0x54c: {  	v14 =	vmul.f32 v14, v9  }
0x54d: {  	s20 =	sadd.s32 $0x3, s11  }
0x54e: {  	v56 =	vmov s20;
	[tilespmem:v12+s28+$0x0] =	vst.idx.msk $0xffff, v14  }
0x54f: {  	v12 =	vand.u32 $0x7F, v56;
	v14 =	vld.idx.msk [tilespmem:v13+s28+$0x0], $0xffff  }
0x550: {  	v12 =	vbroadcast v12, $0x0;
	_ =	sdelay $0x1  }
0x551: {  	v12 =	vor.u32 v7, v12;
	_ =	sdelay $0x1  }
0x552: {  	v14 =	vmul.f32 v14, v8  }
0x553: {  	s21 =	sadd.s32 $0x23, s11  }
0x554: {  	v57 =	vmov s21;
	[tilespmem:v13+s28+$0x0] =	vst.idx.msk $0xffff, v14  }
0x555: {  	v13 =	vand.u32 $0x7F, v57;
	v14 =	vld.idx.msk [tilespmem:v12+s28+$0x0], $0xffff  }
0x556: {  	v13 =	vbroadcast v13, $0x0;
	_ =	sdelay $0x1  }
0x557: {  	v13 =	vor.u32 v7, v13;
	_ =	sdelay $0x1  }
0x558: {  	v58 =	vmul.f32 v14, v11  }
0x559: {  	s23 =	sadd.s32 $0x43, s11  }
0x55a: {  	v59 =	vmov s23;
	[tilespmem:v12+s28+$0x0] =	vst.idx.msk $0xffff, v58  }
0x55b: {  	v11 =	vand.u32 $0x7F, v59;
	v12 =	vld.idx.msk [tilespmem:v13+s28+$0x0], $0xffff  }
0x55c: {  	v11 =	vbroadcast v11, $0x0;
	_ =	sdelay $0x1  }
0x55d: {  	v11 =	vor.u32 v7, v11;
	_ =	sdelay $0x1  }
0x55e: {  	v60 =	vmul.f32 v12, v10  }
0x55f: {  	s29 =	sadd.s32 $0x63, s11  }
0x560: {  	v61 =	vmov s29;
	[tilespmem:v13+s28+$0x0] =	vst.idx.msk $0xffff, v60  }
0x561: {  	v10 =	vand.u32 $0x7F, v61;
	v62 =	vld.idx.msk [tilespmem:v11+s28+$0x0], $0xffff  }
0x562: {  	v10 =	vbroadcast v10, $0x0;
	_ =	sdelay $0x1  }
0x563: {  	v7 =	vor.u32 v7, v10;
	_ =	sdelay $0x1  }
0x564: {  	v63 =	vmul.f32 v62, v9;
	_ =	sdelay $0x1  }
0x565: {  	[tilespmem:v11+s28+$0x0] =	vst.idx.msk $0xffff, v63  }
0x566: {  	v9 =	vld.idx.msk [tilespmem:v7+s28+$0x0], $0xffff;
	_ =	sdelay $0x3  }
.Ltmp11:
0x567: {  	_ = 	snop;
	(pc) =	sbr.rel .LBB2_29-.Ltmp11, $3  }
0x568: {  	v8 =	vmul.f32 v9, v8;
	_ =	sdelay $0x1  }
0x569: {  	s30 =	rddreg [dreg:$0x2];
	s2 =	simm.s32 $0x13E00;
	s11 =	simm.s32 $0x6;
	[tilespmem:v7+s28+$0x0] =	vst.idx.msk $0xffff, v8  }
0x56a: {  	[spmem:s30] =	stream.indirect.scatter.add.f32 [tilespmem:s28], [sflag:$0x6], $0x80, s2, s24, $0xb8;
	[tilespmem:$0x1E680] =	vst v63  }
.LBB2_16:
0x56b: {  	p0 =	seq.s32 s18, $0x1AD  }
0x56c: {  	s1 =	simm.s32 @!p0 $0x1  }
0x56d: {  	_ =	swait.ge @!p0 [sflag:s1], $0x80  }
0x56e: {  	[sflag:s1] =	ssyncset.done @!p0 $0x0  }
0x56f: {  	[sflag:s1] =	ssyncadd.s32 @!p0 $0xFFFFFF80  }
0x570: {  	_ =	swait.ge @!p0 [sflag:s1], $0x80  }
0x571: {  	s2 =	simm.s32 @!p0 $0x13D00;
	[sflag:s1] =	ssyncset.done @!p0 $0x0  }
0x572: {  	s11 =	simm.s32 @!p0 $0x13E80;
	[sflag:s1] =	ssyncadd.s32 @!p0 $0xFFFFFF80;
	s1 =	simm.s32 @!p0 $0x30  }
0x573: {  	[tilespmem:s11], [sflag:$0x3] =	stream.indirect.gather @!p0 [hbm4b:s5+s1], $0x80, s2, s1, $0xb8;
	[tilespmem:$0x1E680] =	vst v63  }
0x574: {  	s2 =	simm.s32 @!p0 $0x13C00;
	s11 =	simm.s32 @!p0 $0x16E80  }
0x575: {  	[tilespmem:s11], [sflag:$0x3] =	stream.indirect.gather @!p0 [hbm4b:s6+s1], $0x80, s2, s1, $0xb8;
	[tilespmem:$0x1E680] =	vst v63  }
0x576: {  	s11 =	simm.s32 @!p0 $0x19E80  }
0x577: {  	[tilespmem:s11], [sflag:$0x3] =	stream.indirect.gather @!p0 [hbm4b:s7+s1], $0x80, s2, s1, $0xb8;
	[tilespmem:$0x1E680] =	vst v63  }
0x578: {  	v7 =	vld [tilespmem:$0x13D80]  }
0x579: {  	v8 =	vld [tilespmem:$0x13D90]  }
0x57a: {  	v9 =	vld [tilespmem:$0x13DA0];
	_ =	sdelay $0x2  }
0x57b: {  	v7 =	vsub.s32 v7, v1  }
0x57c: {  	[tilespmem:$0x13E00] =	vst v7;
	v7 =	vsub.s32 v8, v1  }
0x57d: {  	[tilespmem:$0x13E10] =	vst v7;
	v7 =	vsub.s32 v9, v1  }
0x57e: {  	[tilespmem:$0x13E20] =	vst v7  }
0x57f: {  	_ =	swait.ge [sflag:s15], $0x1800  }
0x580: {  	p0 =	sgt.u32 s18, $0x1AB;
	[sflag:s15] =	ssyncset.done $0x0  }
0x581: {  	s23 =	simm.s32 $0x20;
	s1 =	sshll.u32 @!p0 s18, $0x7;
	[sflag:s15] =	ssyncadd.s32 $0xFFFFE800  }
0x582: {  	s29 =	simm.s32 $0x22;
	s1 =	sadd.s32 @!p0 $0x100, s1;
	_ =	swait.ge [sflag:s15], $0x1800  }
0x583: {  	s13 =	simm.s32 $0x23;
	s2 =	sand.u32 @!p0 $0x1FC00, s1;
	v7 =	vmov s23;
	[sflag:s15] =	ssyncset.done $0x0  }
0x584: {  	s1 =	sand.u32 @!p0 $0x380, s1;
	s2 =	sadd.s32 @!p0 s10, s2;
	v7 =	vand.u32 $0x7C, v7;
	[sflag:s15] =	ssyncadd.s32 $0xFFFFE800  }
0x585: {  	s19 =	simm.s32 $0x0;
	s1 =	sor.u32 @!p0 s1, s2;
	v8 =	vmov s29;
	v7 =	vbroadcast v7, $0x0;
	_ =	swait.ge [sflag:s15], $0x1800  }
0x586: {  	s11 =	simm.s32 @!p0 $0x0;
	s1 =	sshrl.u32 @!p0 s1, $0x3;
	v8 =	vand.u32 $0x7E, v8;
	[sflag:s15] =	ssyncset.done $0x0  }
0x587: {  	s17 =	simm.s32 @!p0 $0x13C80;
	s2 =	sadd.s32 @!p0 s8, s1;
	v9 =	vmov s13;
	v8 =	vbroadcast v8, $0x0;
	v7 =	vor.u32 v0, v7;
	[sflag:s15] =	ssyncadd.s32 $0xFFFFE800  }
0x588: {  	v11 =	vmov s19;
	v9 =	vand.u32 $0x7F, v9;
	[tilespmem:s17], [sflag:$0x2] =	stream.linear.gather @!p0 [hbm4b:s2+s11], $0x80, $0x38;
	[tilespmem:$0x1E680] =	vst v63  }
0x589: {  	s20 =	simm.s32 $0x40;
	v11 =	vand.u32 $0x7C, v11;
	v9 =	vbroadcast v9, $0x0;
	v8 =	vor.u32 v0, v8;
	s13 =	rddreg [dreg:$0x1]  }
0x58a: {  	s30 =	simm.s32 $0x21;
	v10 =	vmov s20;
	v11 =	vbroadcast v11, $0x0;
	s1 =	sadd.s32 @!p0 s13, s1;
	s13 =	simm.s32 @!p0 $0x13D80  }
0x58b: {  	v12 =	vmov s30;
	v10 =	vand.u32 $0x7C, v10;
	v13 =	vor.u32 v0, v9;
	[tilespmem:s13], [sflag:$0x2] =	stream.linear.gather @!p0 [hbm4b:s1+s11], $0x80, $0x38;
	[tilespmem:$0x1E680] =	vst v63  }
0x58c: {  	s21 =	simm.s32 $0x62;
	v10 =	vbroadcast v10, $0x0;
	v15 =	vor.u32 v0, v11;
	v9 =	vand.u32 $0x7D, v12;
	v12 =	vld.idx.msk [tilespmem:v7+s0+$0x0], $0xffff  }
0x58d: {  	s19 =	simm.s32 $0x63;
	v21 =	vmov s21;
	v9 =	vbroadcast v9, $0x0;
	s2 =	simm.s32 $0x60;
	v7 =	vld.idx.msk [tilespmem:v7+s3+$0x0], $0xffff  }
0x58e: {  	v18 =	vmov s19;
	v10 =	vor.u32 v0, v10;
	v11 =	vmov s2;
	s11 =	simm.s32 $0x61;
	v19 =	vld.idx.msk [tilespmem:v8+s3+$0x0], $0xffff  }
0x58f: {  	v20 =	vor.u32 v0, v9;
	s17 =	simm.s32 $0x42;
	v11 =	vand.u32 $0x7C, v11;
	v14 =	vmov s11;
	v8 =	vld.idx.msk [tilespmem:v8+s0+$0x0], $0xffff  }
0x590: {  	v17 =	vmov s17;
	s13 =	simm.s32 $0x41;
	v22 =	vld.idx.msk [tilespmem:v13+s0+$0x0], $0xffff;
	v9 =	vand.u32 $0x7D, v14;
	v14 =	vbroadcast v11, $0x0  }
0x591: {  	v17 =	vand.u32 $0x7E, v17;
	v16 =	vmov s13;
	v24 =	vld.idx.msk [tilespmem:v15+s0+$0x0], $0xffff;
	v9 =	vbroadcast v9, $0x0  }
0x592: {  	v13 =	vld.idx.msk [tilespmem:v13+s3+$0x0], $0xffff;
	v17 =	vbroadcast v17, $0x0;
	v16 =	vand.u32 $0x7D, v16;
	v23 =	vor.u32 v0, v14  }
0x593: {  	s23 =	simm.s32 $0x1;
	v15 =	vld.idx.msk [tilespmem:v15+s3+$0x0], $0xffff;
	v25 =	vbroadcast v16, $0x0;
	v16 =	vand.u32 $0x7E, v21;
	v26 =	vor.u32 v0, v9  }
0x594: {  	v21 =	vmov s23;
	v14 =	vand.u32 $0x7F, v18;
	v28 =	vbroadcast v16, $0x0;
	v9 =	vld.idx.msk [tilespmem:v10+s3+$0x0], $0xffff  }
0x595: {  	s20 =	simm.s32 $0x2;
	v11 =	vimm.f32 $0.0e+00;
	v21 =	vand.u32 $0x7D, v21;
	v27 =	vbroadcast v14, $0x0;
	v14 =	vld.idx.msk [tilespmem:v20+s3+$0x0], $0xffff  }
0x596: {  	v18 =	vmov s20;
	v31 =	vbroadcast v21, $0x0;
	v21 =	vor.u32 v0, v28;
	v28 =	vld.idx.msk [tilespmem:v20+s0+$0x0], $0xffff  }
0x597: {  	v30 =	vand.u32 $0x7E, v18;
	v29 =	vor.u32 v0, v25;
	v18 =	vor.u32 v0, v17;
	v16 =	vld.idx.msk [tilespmem:v23+s3+$0x0], $0xffff  }
0x598: {  	s30 =	simm.s32 $0x43;
	s29 =	simm.s32 $0x3;
	v32 =	vmul.f32 v7, v12;
	v8 =	vmul.f32 v19, v8;
	v17 =	vor.u32 v0, v31;
	v25 =	vld.idx.msk [tilespmem:v26+s0+$0x0], $0xffff  }
0x599: {  	v19 =	vmov s29;
	v20 =	vmov s30;
	v12 =	vor.u32 v0, v27;
	v27 =	vld.idx.msk [tilespmem:v26+s3+$0x0], $0xffff  }
0x59a: {  	v7 =	vmul.f32 v13, v22;
	v13 =	vand.u32 $0x7F, v20;
	v20 =	vbroadcast v30, $0x0;
	v26 =	vld.idx.msk [tilespmem:v23+s0+$0x0], $0xffff  }
0x59b: {  	v30 =	vmul.f32 v15, v24;
	v13 =	vbroadcast v13, $0x0;
	v15 =	vadd.f32 v32, v11;
	v23 =	vld.idx.msk [tilespmem:v10+s0+$0x0], $0xffff  }
0x59c: {  	v24 =	vor.u32 v0, v20;
	v20 =	vimm.f32 $0.0e+00;
	v10 =	vand.u32 $0x7F, v19;
	v22 =	vld.idx.msk [tilespmem:v29+s0+$0x0], $0xffff  }
0x59d: {  	s23 =	simm.s32 $0x4;
	v19 =	vor.u32 v0, v13;
	v13 =	vimm.f32 $0.0e+00;
	v31 =	vbroadcast v10, $0x0;
	v10 =	vld.idx.msk [tilespmem:v17+s0+$0x0], $0xffff  }
.LBB2_17:
0x59e: {  	s1 =	sadd.s32 $0x20, s23  }
0x59f: {  	s2 =	sadd.s32 $0x40, s23;
	s13 =	sadd.s32 $0x60, s23;
	v11 =	vadd.f32 v30, v11;
	v29 =	vld.idx.msk [tilespmem:v29+s3+$0x0], $0xffff;
	v25 =	vmul.f32 v27, v25;
	v27 =	vor.u32 v0, v31;
	s19 =	smov.u32 s23  }
0x5a0: {  	s21 =	sadd.s32 $0x61, s23;
	s20 =	sadd.s32 $0x2, s23;
	v14 =	vmul.f32 v14, v28;
	v30 =	vmov s1;
	v31 =	vmov s2;
	s1 =	sadd.s32 $0x22, s23;
	v28 =	vld.idx.msk [tilespmem:v21+s0+$0x0], $0xffff  }
0x5a1: {  	s11 =	sadd.s32 $0x4, s23;
	s2 =	sadd.s32 $0x41, s19;
	s17 =	sadd.s32 $0x42, s19;
	v16 =	vmul.f32 v16, v26;
	v30 =	vand.u32 $0x7C, v30;
	v31 =	vand.u32 $0x7C, v31;
	v21 =	vld.idx.msk [tilespmem:v21+s3+$0x0], $0xffff  }
0x5a2: {  	p0 =	slt.u32 s23, $0x1C;
	s29 =	sadd.s32 $0x21, s19;
	v32 =	vmov s17;
	v26 =	vbroadcast v30, $0x0;
	v30 =	vmov s2;
	s2 =	sadd.s32 $0x63, s19;
	v33 =	vld.idx.msk [tilespmem:v18+s0+$0x0], $0xffff  }
0x5a3: {  	v34 =	vmov s13;
	v16 =	vadd.f32 v16, v20;
	v35 =	vmov s2;
	v18 =	vld.idx.msk [tilespmem:v18+s3+$0x0], $0xffff  }
0x5a4: {  	v20 =	vor.u32 v0, v26;
	v26 =	vand.u32 $0x7D, v30;
	v30 =	vand.u32 $0x7F, v35;
	v35 =	vld.idx.msk [tilespmem:v27+s3+$0x0], $0xffff  }
0x5a5: {  	v36 =	vmov s29;
	v37 =	vmov s1;
	s1 =	sadd.s32 $0x23, s19;
	v30 =	vbroadcast v30, $0x0;
	v17 =	vld.idx.msk [tilespmem:v17+s3+$0x0], $0xffff  }
0x5a6: {  	v9 =	vmul.f32 v9, v23;
	v37 =	vand.u32 $0x7E, v37;
	v38 =	vmov s1;
	v23 =	vld.idx.msk [tilespmem:v12+s0+$0x0], $0xffff  }
0x5a7: {  	v31 =	vbroadcast v31, $0x0;
	v37 =	vbroadcast v37, $0x0;
	v38 =	vand.u32 $0x7F, v38;
	v12 =	vld.idx.msk [tilespmem:v12+s3+$0x0], $0xffff  }
0x5a8: {  	v39 =	vmov s19;
	v38 =	vbroadcast v38, $0x0;
	v22 =	vmul.f32 v29, v22;
	v29 =	vld.idx.msk [tilespmem:v24+s0+$0x0], $0xffff  }
0x5a9: {  	v39 =	vand.u32 $0x7C, v39;
	v37 =	vor.u32 v0, v37;
	v21 =	vmul.f32 v21, v28;
	v24 =	vld.idx.msk [tilespmem:v24+s3+$0x0], $0xffff  }
0x5aa: {  	v16 =	vadd.f32 v25, v16;
	v28 =	vbroadcast v39, $0x0;
	v38 =	vor.u32 v0, v38;
	v39 =	vld.idx.msk [tilespmem:v20+s0+$0x0], $0xffff  }
0x5ab: {  	v9 =	vadd.f32 v9, v13;
	v25 =	vand.u32 $0x7D, v36;
	v36 =	vmov s21;
	v13 =	vld.idx.msk [tilespmem:v19+s0+$0x0], $0xffff  }
0x5ac: {  	v36 =	vand.u32 $0x7D, v36;
	v28 =	vor.u32 v0, v28;
	v18 =	vmul.f32 v18, v33;
	v19 =	vld.idx.msk [tilespmem:v19+s3+$0x0], $0xffff  }
0x5ad: {  	v14 =	vadd.f32 v14, v15;
	v25 =	vbroadcast v25, $0x0;
	v33 =	vbroadcast v36, $0x0;
	v20 =	vld.idx.msk [tilespmem:v20+s3+$0x0], $0xffff  }
0x5ae: {  	v15 =	vor.u32 v0, v31;
	v31 =	vand.u32 $0x7C, v34;
	v16 =	vadd.f32 v21, v16;
	v34 =	vld.idx.msk [tilespmem:v37+s3+$0x0], $0xffff  }
0x5af: {  	v36 =	vor.u32 v0, v25;
	v21 =	vmov s20;
	v33 =	vor.u32 v0, v33;
	v37 =	vld.idx.msk [tilespmem:v37+s0+$0x0], $0xffff  }
0x5b0: {  	s1 =	sadd.s32 $0x62, s19;
	v9 =	vadd.f32 v22, v9;
	v25 =	vbroadcast v31, $0x0;
	v31 =	vand.u32 $0x7E, v21;
	v40 =	vld.idx.msk [tilespmem:v38+s0+$0x0], $0xffff  }
0x5b1: {  	v22 =	vbroadcast v26, $0x0;
	v26 =	vadd.f32 v8, v14;
	v21 =	vmov s1;
	v8 =	vld.idx.msk [tilespmem:v27+s0+$0x0], $0xffff  }
0x5b2: {  	v42 =	vor.u32 v0, v25;
	v27 =	vadd.f32 v18, v9;
	v13 =	vmul.f32 v19, v13;
	v41 =	vld.idx.msk [tilespmem:v28+s0+$0x0], $0xffff  }
0x5b3: {  	v24 =	vmul.f32 v24, v29;
	v18 =	vand.u32 $0x7E, v21;
	v19 =	vmul.f32 v20, v39;
	v9 =	vld.idx.msk [tilespmem:v15+s3+$0x0], $0xffff  }
0x5b4: {  	s1 =	sadd.s32 $0x1, s19;
	v12 =	vmul.f32 v12, v23;
	v20 =	vand.u32 $0x7E, v32;
	v18 =	vbroadcast v18, $0x0;
	v14 =	vld.idx.msk [tilespmem:v36+s3+$0x0], $0xffff  }
0x5b5: {  	v10 =	vmul.f32 v17, v10;
	v21 =	vmov s1;
	v23 =	vbroadcast v20, $0x0;
	v32 =	vld.idx.msk [tilespmem:v38+s3+$0x0], $0xffff  }
0x5b6: {  	v17 =	vand.u32 $0x7D, v21;
	v20 =	vadd.f32 v12, v16;
	v21 =	vor.u32 v0, v18;
	v38 =	vld.idx.msk [tilespmem:v28+s3+$0x0], $0xffff  }
0x5b7: {  	v17 =	vbroadcast v17, $0x0;
	v18 =	vor.u32 v0, v23;
	v35 =	vmul.f32 v35, v8;
	v16 =	vld.idx.msk [tilespmem:v42+s3+$0x0], $0xffff  }
0x5b8: {  	v29 =	vor.u32 v0, v22;
	v12 =	vor.u32 v0, v30;
	v13 =	vadd.f32 v13, v27;
	v25 =	vld.idx.msk [tilespmem:v33+s0+$0x0], $0xffff  }
0x5b9: {  	s2 =	sadd.s32 $0x43, s19;
	v10 =	vadd.f32 v10, v11;
	s1 =	sadd.s32 $0x3, s19;
	v17 =	vor.u32 v0, v17;
	v8 =	vmul.f32 v34, v37;
	v27 =	vld.idx.msk [tilespmem:v33+s3+$0x0], $0xffff  }
.Ltmp12:
0x5ba: {  	v22 =	vmov s2;
	v11 =	vmov s1;
	v33 =	vadd.f32 v7, v26;
	v28 =	vld.idx.msk [tilespmem:v36+s0+$0x0], $0xffff;
	(pc) =	sbr.rel @p0 .LBB2_17-.Ltmp12, $4  }
0x5bb: {  	v22 =	vand.u32 $0x7F, v22;
	v10 =	vadd.f32 v24, v10;
	v7 =	vmul.f32 v32, v40;
	v26 =	vld.idx.msk [tilespmem:v42+s0+$0x0], $0xffff  }
0x5bc: {  	v24 =	vbroadcast v31, $0x0;
	v11 =	vand.u32 $0x7F, v11;
	v32 =	vbroadcast v22, $0x0;
	v23 =	vld.idx.msk [tilespmem:v15+s0+$0x0], $0xffff  }
0x5bd: {  	v31 =	vbroadcast v11, $0x0;
	v11 =	vadd.f32 v35, v10;
	v30 =	vmul.f32 v38, v41;
	v22 =	vld.idx.msk [tilespmem:v29+s0+$0x0], $0xffff  }
0x5be: {  	s23 =	smov.u32 s11;
	v24 =	vor.u32 v0, v24;
	v15 =	vadd.f32 v19, v33;
	v19 =	vor.u32 v0, v32;
	v10 =	vld.idx.msk [tilespmem:v17+s0+$0x0], $0xffff  }
0x5bf: {  	_ =	sdelay $0x3  }
0x5c0: {  	v29 =	vld.idx.msk [tilespmem:v29+s3+$0x0], $0xffff  }
0x5c1: {  	v32 =	vld.idx.msk [tilespmem:v21+s0+$0x0], $0xffff  }
0x5c2: {  	v57 =	vld.idx.msk [tilespmem:v21+s3+$0x0], $0xffff  }
0x5c3: {  	v33 =	vld.idx.msk [tilespmem:v18+s0+$0x0], $0xffff  }
0x5c4: {  	v31 =	vor.u32 v0, v31;
	v58 =	vld.idx.msk [tilespmem:v18+s3+$0x0], $0xffff  }
0x5c5: {  	v17 =	vld.idx.msk [tilespmem:v17+s3+$0x0], $0xffff  }
0x5c6: {  	v35 =	vld.idx.msk [tilespmem:v24+s0+$0x0], $0xffff  }
0x5c7: {  	v59 =	vld.idx.msk [tilespmem:v24+s3+$0x0], $0xffff  }
0x5c8: {  	v36 =	vld.idx.msk [tilespmem:v12+s0+$0x0], $0xffff  }
0x5c9: {  	v34 =	vld.idx.msk [tilespmem:v31+s3+$0x0], $0xffff  }
0x5ca: {  	v9 =	vmul.f32 v9, v23;
	v60 =	vld.idx.msk [tilespmem:v31+s0+$0x0], $0xffff  }
0x5cb: {  	v25 =	vmul.f32 v27, v25;
	v11 =	vadd.f32 v30, v11;
	v61 =	vld.idx.msk [tilespmem:v19+s0+$0x0], $0xffff;
	v10 =	vmul.f32 v17, v10  }
0x5cc: {  	v14 =	vmul.f32 v14, v28;
	v62 =	vld.idx.msk [tilespmem:v19+s3+$0x0], $0xffff;
	v16 =	vmul.f32 v16, v26;
	v9 =	vadd.f32 v9, v13  }
0x5cd: {  	v12 =	vld.idx.msk [tilespmem:v12+s3+$0x0], $0xffff;
	v22 =	vmul.f32 v29, v22;
	v13 =	vmul.f32 v59, v35;
	v10 =	vadd.f32 v10, v11  }
0x5ce: {  	v14 =	vadd.f32 v14, v15;
	v63 =	vmul.f32 v58, v33;
	v11 =	vadd.f32 v16, v20  }
0x5cf: {  	v9 =	vadd.f32 v22, v9;
	v10 =	vadd.f32 v13, v10;
	v15 =	vmul.f32 v34, v60  }
0x5d0: {  	v8 =	vadd.f32 v8, v14;
	v13 =	vmul.f32 v57, v32;
	v11 =	vadd.f32 v25, v11  }
0x5d1: {  	v14 =	vmul.f32 v62, v61;
	v9 =	vadd.f32 v63, v9;
	v10 =	vadd.f32 v15, v10  }
0x5d2: {  	v12 =	vmul.f32 v12, v36;
	v7 =	vadd.f32 v7, v8;
	v11 =	vadd.f32 v13, v11  }
0x5d3: {  	v8 =	vadd.f32 v14, v9;
	v9 =	vmul.f32 $1.442695020e+00, v10  }
0x5d4: {  	v7 =	vmul.f32 $1.442695020e+00, v7;
	v10 =	vadd.f32 v12, v11  }
0x5d5: {  	v8 =	vmul.f32 $1.442695020e+00, v8;
	(erf) = vpow2.f32 v9  }
0x5d6: {  	(erf) = vpow2.f32 v7;
	v7 =	vmul.f32 $1.442695020e+00, v10  }
0x5d7: {  	(erf) = vpow2.f32 v8  }
0x5d8: {  	(erf) = vpow2.f32 v7  }
0x5d9: {  	s11 =	simm.s32 $0x0  }
0x5da: {  	v7 =	vmov s11  }
0x5db: {  	v7 =	vand.u32 $0x7C, v7  }
0x5dc: {  	v7 =	vbroadcast v7, $0x0;
	_ =	sdelay $0x1  }
0x5dd: {  	v11 =	vor.u32 v0, v7;
	v10 =	vpop (erf)  }
0x5de: {  	v9 =	vpop (erf);
	[tilespmem:v0+s12+$0x0] =	vst.idx.msk $0xffff, v10  }
0x5df: {  	v8 =	vpop (erf);
	[tilespmem:v3+s12+$0x0] =	vst.idx.msk $0xffff, v9  }
0x5e0: {  	s1 =	simm.s32 $0x20;
	v7 =	vpop (erf);
	[tilespmem:v4+s12+$0x0] =	vst.idx.msk $0xffff, v8  }
0x5e1: {  	v12 =	vmov s1;
	[tilespmem:v5+s12+$0x0] =	vst.idx.msk $0xffff, v7  }
0x5e2: {  	v12 =	vand.u32 $0x7C, v12;
	v13 =	vld.idx.msk [tilespmem:v11+s22+$0x0], $0xffff  }
0x5e3: {  	v12 =	vbroadcast v12, $0x0;
	_ =	sdelay $0x1  }
0x5e4: {  	v12 =	vor.u32 v0, v12;
	_ =	sdelay $0x1  }
0x5e5: {  	v13 =	vmul.f32 v13, v10  }
0x5e6: {  	s20 =	simm.s32 $0x40  }
0x5e7: {  	[tilespmem:v11+s22+$0x0] =	vst.idx.msk $0xffff, v13;
	v11 =	vmov s20  }
0x5e8: {  	v13 =	vld.idx.msk [tilespmem:v12+s22+$0x0], $0xffff;
	v11 =	vand.u32 $0x7C, v11  }
0x5e9: {  	v11 =	vbroadcast v11, $0x0;
	_ =	sdelay $0x1  }
0x5ea: {  	v11 =	vor.u32 v0, v11;
	_ =	sdelay $0x1  }
0x5eb: {  	v13 =	vmul.f32 v13, v9  }
0x5ec: {  	s21 =	simm.s32 $0x60  }
0x5ed: {  	[tilespmem:v12+s22+$0x0] =	vst.idx.msk $0xffff, v13;
	v12 =	vmov s21  }
0x5ee: {  	v13 =	vld.idx.msk [tilespmem:v11+s22+$0x0], $0xffff;
	v12 =	vand.u32 $0x7C, v12  }
0x5ef: {  	v12 =	vbroadcast v12, $0x0;
	_ =	sdelay $0x1  }
0x5f0: {  	v12 =	vor.u32 v0, v12;
	_ =	sdelay $0x1  }
0x5f1: {  	v13 =	vmul.f32 v13, v8  }
0x5f2: {  	s23 =	simm.s32 $0x1  }
0x5f3: {  	[tilespmem:v11+s22+$0x0] =	vst.idx.msk $0xffff, v13;
	v11 =	vmov s23  }
0x5f4: {  	v13 =	vld.idx.msk [tilespmem:v12+s22+$0x0], $0xffff;
	v11 =	vand.u32 $0x7D, v11  }
0x5f5: {  	v11 =	vbroadcast v11, $0x0;
	_ =	sdelay $0x1  }
0x5f6: {  	v11 =	vor.u32 v0, v11;
	_ =	sdelay $0x1  }
0x5f7: {  	v13 =	vmul.f32 v13, v7  }
0x5f8: {  	s29 =	simm.s32 $0x21  }
0x5f9: {  	[tilespmem:v12+s22+$0x0] =	vst.idx.msk $0xffff, v13;
	v12 =	vmov s29  }
0x5fa: {  	v13 =	vld.idx.msk [tilespmem:v11+s22+$0x0], $0xffff;
	v12 =	vand.u32 $0x7D, v12  }
0x5fb: {  	v12 =	vbroadcast v12, $0x0;
	_ =	sdelay $0x1  }
0x5fc: {  	v12 =	vor.u32 v0, v12;
	_ =	sdelay $0x1  }
0x5fd: {  	v13 =	vmul.f32 v13, v10  }
0x5fe: {  	s30 =	simm.s32 $0x41  }
0x5ff: {  	[tilespmem:v11+s22+$0x0] =	vst.idx.msk $0xffff, v13;
	v11 =	vmov s30  }
0x600: {  	v13 =	vld.idx.msk [tilespmem:v12+s22+$0x0], $0xffff;
	v11 =	vand.u32 $0x7D, v11  }
0x601: {  	v11 =	vbroadcast v11, $0x0;
	_ =	sdelay $0x1  }
0x602: {  	v11 =	vor.u32 v0, v11;
	_ =	sdelay $0x1  }
0x603: {  	v13 =	vmul.f32 v13, v9  }
0x604: {  	s2 =	simm.s32 $0x61  }
0x605: {  	[tilespmem:v12+s22+$0x0] =	vst.idx.msk $0xffff, v13;
	v12 =	vmov s2  }
0x606: {  	v13 =	vld.idx.msk [tilespmem:v11+s22+$0x0], $0xffff;
	v12 =	vand.u32 $0x7D, v12  }
0x607: {  	v12 =	vbroadcast v12, $0x0;
	_ =	sdelay $0x1  }
0x608: {  	v12 =	vor.u32 v0, v12;
	_ =	sdelay $0x1  }
0x609: {  	v13 =	vmul.f32 v13, v8  }
0x60a: {  	s13 =	simm.s32 $0x2  }
0x60b: {  	[tilespmem:v11+s22+$0x0] =	vst.idx.msk $0xffff, v13;
	v11 =	vmov s13  }
0x60c: {  	v13 =	vld.idx.msk [tilespmem:v12+s22+$0x0], $0xffff;
	v11 =	vand.u32 $0x7E, v11  }
0x60d: {  	v11 =	vbroadcast v11, $0x0;
	_ =	sdelay $0x1  }
0x60e: {  	v11 =	vor.u32 v0, v11;
	_ =	sdelay $0x1  }
0x60f: {  	v13 =	vmul.f32 v13, v7  }
0x610: {  	s17 =	simm.s32 $0x22  }
0x611: {  	[tilespmem:v12+s22+$0x0] =	vst.idx.msk $0xffff, v13;
	v12 =	vmov s17  }
0x612: {  	v13 =	vld.idx.msk [tilespmem:v11+s22+$0x0], $0xffff;
	v12 =	vand.u32 $0x7E, v12  }
0x613: {  	v12 =	vbroadcast v12, $0x0;
	_ =	sdelay $0x1  }
0x614: {  	v12 =	vor.u32 v0, v12;
	_ =	sdelay $0x1  }
0x615: {  	v13 =	vmul.f32 v13, v10  }
0x616: {  	s19 =	simm.s32 $0x42  }
0x617: {  	[tilespmem:v11+s22+$0x0] =	vst.idx.msk $0xffff, v13;
	v11 =	vmov s19  }
0x618: {  	v13 =	vld.idx.msk [tilespmem:v12+s22+$0x0], $0xffff;
	v11 =	vand.u32 $0x7E, v11  }
0x619: {  	v11 =	vbroadcast v11, $0x0;
	_ =	sdelay $0x1  }
0x61a: {  	v11 =	vor.u32 v0, v11;
	_ =	sdelay $0x1  }
0x61b: {  	v13 =	vmul.f32 v13, v9  }
0x61c: {  	s20 =	simm.s32 $0x62  }
0x61d: {  	[tilespmem:v12+s22+$0x0] =	vst.idx.msk $0xffff, v13;
	v12 =	vmov s20  }
0x61e: {  	v13 =	vld.idx.msk [tilespmem:v11+s22+$0x0], $0xffff;
	v12 =	vand.u32 $0x7E, v12  }
0x61f: {  	v12 =	vbroadcast v12, $0x0;
	_ =	sdelay $0x1  }
0x620: {  	v12 =	vor.u32 v0, v12;
	_ =	sdelay $0x1  }
0x621: {  	v13 =	vmul.f32 v13, v8  }
0x622: {  	s21 =	simm.s32 $0x3  }
0x623: {  	[tilespmem:v11+s22+$0x0] =	vst.idx.msk $0xffff, v13;
	v11 =	vmov s21  }
0x624: {  	v13 =	vld.idx.msk [tilespmem:v12+s22+$0x0], $0xffff;
	v11 =	vand.u32 $0x7F, v11  }
0x625: {  	v11 =	vbroadcast v11, $0x0;
	_ =	sdelay $0x1  }
0x626: {  	v11 =	vor.u32 v0, v11;
	_ =	sdelay $0x1  }
0x627: {  	v13 =	vmul.f32 v13, v7  }
0x628: {  	s23 =	simm.s32 $0x23  }
0x629: {  	[tilespmem:v12+s22+$0x0] =	vst.idx.msk $0xffff, v13;
	v12 =	vmov s23  }
0x62a: {  	v13 =	vld.idx.msk [tilespmem:v11+s22+$0x0], $0xffff;
	v12 =	vand.u32 $0x7F, v12  }
0x62b: {  	v12 =	vbroadcast v12, $0x0;
	_ =	sdelay $0x1  }
0x62c: {  	v12 =	vor.u32 v0, v12;
	_ =	sdelay $0x1  }
0x62d: {  	v13 =	vmul.f32 v13, v10  }
0x62e: {  	s29 =	simm.s32 $0x43  }
0x62f: {  	[tilespmem:v11+s22+$0x0] =	vst.idx.msk $0xffff, v13;
	v11 =	vmov s29  }
0x630: {  	v13 =	vld.idx.msk [tilespmem:v12+s22+$0x0], $0xffff;
	v11 =	vand.u32 $0x7F, v11  }
0x631: {  	v11 =	vbroadcast v11, $0x0;
	_ =	sdelay $0x1  }
0x632: {  	v11 =	vor.u32 v0, v11;
	_ =	sdelay $0x1  }
0x633: {  	v13 =	vmul.f32 v13, v9  }
0x634: {  	s30 =	simm.s32 $0x63  }
0x635: {  	[tilespmem:v12+s22+$0x0] =	vst.idx.msk $0xffff, v13;
	v12 =	vmov s30  }
0x636: {  	v13 =	vld.idx.msk [tilespmem:v11+s22+$0x0], $0xffff;
	v12 =	vand.u32 $0x7F, v12  }
0x637: {  	v12 =	vbroadcast v12, $0x0;
	_ =	sdelay $0x1  }
0x638: {  	v12 =	vor.u32 v0, v12;
	_ =	sdelay $0x1  }
0x639: {  	v13 =	vmul.f32 v13, v8  }
0x63a: {  	s21 =	simm.s32 $0x4  }
0x63b: {  	[tilespmem:v11+s22+$0x0] =	vst.idx.msk $0xffff, v13;
	v11 =	vmov s21  }
0x63c: {  	v13 =	vld.idx.msk [tilespmem:v12+s22+$0x0], $0xffff;
	v11 =	vand.u32 $0x7C, v11  }
0x63d: {  	v11 =	vbroadcast v11, $0x0;
	_ =	sdelay $0x1  }
0x63e: {  	v11 =	vor.u32 v0, v11;
	_ =	sdelay $0x1  }
0x63f: {  	s19 =	simm.s32 $0x4;
	s20 =	simm.s32 $0x8;
	v13 =	vmul.f32 v13, v7  }
.LBB2_19:
0x640: {  	p0 =	slt.u32 s20, $0x1C  }
0x641: {  	s1 =	sadd.s32 $0x20, s19;
	s23 =	smov.u32 s20;
	s20 =	sadd.s32 $0x4, s20;
	[tilespmem:v12+s22+$0x0] =	vst.idx.msk $0xffff, v13  }
0x642: {  	v13 =	vmov s1;
	v12 =	vld.idx.msk [tilespmem:v11+s22+$0x0], $0xffff  }
0x643: {  	v13 =	vand.u32 $0x7C, v13  }
0x644: {  	v13 =	vbroadcast v13, $0x0;
	_ =	sdelay $0x1  }
0x645: {  	v13 =	vor.u32 v0, v13;
	_ =	sdelay $0x1  }
0x646: {  	v12 =	vmul.f32 v12, v10;
	_ =	sdelay $0x1  }
0x647: {  	s1 =	sadd.s32 $0x40, s19;
	[tilespmem:v11+s22+$0x0] =	vst.idx.msk $0xffff, v12  }
0x648: {  	v12 =	vmov s1;
	v11 =	vld.idx.msk [tilespmem:v13+s22+$0x0], $0xffff  }
0x649: {  	v12 =	vand.u32 $0x7C, v12  }
0x64a: {  	v12 =	vbroadcast v12, $0x0;
	_ =	sdelay $0x1  }
0x64b: {  	v12 =	vor.u32 v0, v12;
	_ =	sdelay $0x1  }
0x64c: {  	v11 =	vmul.f32 v11, v9;
	_ =	sdelay $0x1  }
0x64d: {  	s1 =	sadd.s32 $0x60, s19;
	[tilespmem:v13+s22+$0x0] =	vst.idx.msk $0xffff, v11  }
0x64e: {  	v13 =	vmov s1;
	v11 =	vld.idx.msk [tilespmem:v12+s22+$0x0], $0xffff  }
0x64f: {  	v13 =	vand.u32 $0x7C, v13  }
0x650: {  	v13 =	vbroadcast v13, $0x0;
	_ =	sdelay $0x1  }
0x651: {  	v13 =	vor.u32 v0, v13;
	_ =	sdelay $0x1  }
0x652: {  	v11 =	vmul.f32 v11, v8;
	_ =	sdelay $0x1  }
0x653: {  	s1 =	sadd.s32 $0x1, s19;
	[tilespmem:v12+s22+$0x0] =	vst.idx.msk $0xffff, v11  }
0x654: {  	v12 =	vmov s1;
	v11 =	vld.idx.msk [tilespmem:v13+s22+$0x0], $0xffff  }
0x655: {  	v12 =	vand.u32 $0x7D, v12  }
0x656: {  	v12 =	vbroadcast v12, $0x0;
	_ =	sdelay $0x1  }
0x657: {  	v12 =	vor.u32 v0, v12;
	_ =	sdelay $0x1  }
0x658: {  	v11 =	vmul.f32 v11, v7;
	_ =	sdelay $0x1  }
0x659: {  	s1 =	sadd.s32 $0x21, s19;
	[tilespmem:v13+s22+$0x0] =	vst.idx.msk $0xffff, v11  }
0x65a: {  	v13 =	vmov s1;
	v11 =	vld.idx.msk [tilespmem:v12+s22+$0x0], $0xffff  }
0x65b: {  	v13 =	vand.u32 $0x7D, v13  }
0x65c: {  	v13 =	vbroadcast v13, $0x0;
	_ =	sdelay $0x1  }
0x65d: {  	v13 =	vor.u32 v0, v13;
	_ =	sdelay $0x1  }
0x65e: {  	v11 =	vmul.f32 v11, v10;
	_ =	sdelay $0x1  }
0x65f: {  	s1 =	sadd.s32 $0x41, s19;
	[tilespmem:v12+s22+$0x0] =	vst.idx.msk $0xffff, v11  }
0x660: {  	v12 =	vmov s1;
	v11 =	vld.idx.msk [tilespmem:v13+s22+$0x0], $0xffff  }
0x661: {  	v12 =	vand.u32 $0x7D, v12  }
0x662: {  	v12 =	vbroadcast v12, $0x0;
	_ =	sdelay $0x1  }
0x663: {  	v12 =	vor.u32 v0, v12;
	_ =	sdelay $0x1  }
0x664: {  	v11 =	vmul.f32 v11, v9;
	_ =	sdelay $0x1  }
0x665: {  	s1 =	sadd.s32 $0x61, s19;
	[tilespmem:v13+s22+$0x0] =	vst.idx.msk $0xffff, v11  }
0x666: {  	v13 =	vmov s1;
	v11 =	vld.idx.msk [tilespmem:v12+s22+$0x0], $0xffff  }
0x667: {  	v13 =	vand.u32 $0x7D, v13  }
0x668: {  	v13 =	vbroadcast v13, $0x0;
	_ =	sdelay $0x1  }
0x669: {  	v13 =	vor.u32 v0, v13;
	_ =	sdelay $0x1  }
0x66a: {  	v11 =	vmul.f32 v11, v8;
	_ =	sdelay $0x1  }
0x66b: {  	s1 =	sadd.s32 $0x2, s19;
	[tilespmem:v12+s22+$0x0] =	vst.idx.msk $0xffff, v11  }
0x66c: {  	v12 =	vmov s1;
	v11 =	vld.idx.msk [tilespmem:v13+s22+$0x0], $0xffff  }
0x66d: {  	v12 =	vand.u32 $0x7E, v12  }
0x66e: {  	v12 =	vbroadcast v12, $0x0;
	_ =	sdelay $0x1  }
0x66f: {  	v12 =	vor.u32 v0, v12;
	_ =	sdelay $0x1  }
0x670: {  	v11 =	vmul.f32 v11, v7;
	_ =	sdelay $0x1  }
0x671: {  	s1 =	sadd.s32 $0x22, s19;
	[tilespmem:v13+s22+$0x0] =	vst.idx.msk $0xffff, v11  }
0x672: {  	v13 =	vmov s1;
	v11 =	vld.idx.msk [tilespmem:v12+s22+$0x0], $0xffff  }
0x673: {  	v13 =	vand.u32 $0x7E, v13  }
0x674: {  	v13 =	vbroadcast v13, $0x0;
	_ =	sdelay $0x1  }
0x675: {  	v13 =	vor.u32 v0, v13;
	_ =	sdelay $0x1  }
0x676: {  	v11 =	vmul.f32 v11, v10;
	_ =	sdelay $0x1  }
0x677: {  	s1 =	sadd.s32 $0x42, s19;
	[tilespmem:v12+s22+$0x0] =	vst.idx.msk $0xffff, v11  }
0x678: {  	v12 =	vmov s1;
	v11 =	vld.idx.msk [tilespmem:v13+s22+$0x0], $0xffff  }
0x679: {  	v12 =	vand.u32 $0x7E, v12  }
0x67a: {  	v12 =	vbroadcast v12, $0x0;
	_ =	sdelay $0x1  }
0x67b: {  	v12 =	vor.u32 v0, v12;
	_ =	sdelay $0x1  }
0x67c: {  	v11 =	vmul.f32 v11, v9;
	_ =	sdelay $0x1  }
0x67d: {  	s1 =	sadd.s32 $0x62, s19;
	[tilespmem:v13+s22+$0x0] =	vst.idx.msk $0xffff, v11  }
0x67e: {  	v13 =	vmov s1;
	v11 =	vld.idx.msk [tilespmem:v12+s22+$0x0], $0xffff  }
0x67f: {  	v13 =	vand.u32 $0x7E, v13  }
0x680: {  	v13 =	vbroadcast v13, $0x0;
	_ =	sdelay $0x1  }
0x681: {  	v13 =	vor.u32 v0, v13;
	_ =	sdelay $0x1  }
0x682: {  	v11 =	vmul.f32 v11, v8;
	_ =	sdelay $0x1  }
0x683: {  	s1 =	sadd.s32 $0x3, s19;
	[tilespmem:v12+s22+$0x0] =	vst.idx.msk $0xffff, v11  }
0x684: {  	v12 =	vmov s1;
	v11 =	vld.idx.msk [tilespmem:v13+s22+$0x0], $0xffff  }
0x685: {  	v12 =	vand.u32 $0x7F, v12  }
0x686: {  	v12 =	vbroadcast v12, $0x0;
	_ =	sdelay $0x1  }
0x687: {  	v12 =	vor.u32 v0, v12;
	_ =	sdelay $0x1  }
0x688: {  	v11 =	vmul.f32 v11, v7;
	_ =	sdelay $0x1  }
0x689: {  	s1 =	sadd.s32 $0x23, s19;
	[tilespmem:v13+s22+$0x0] =	vst.idx.msk $0xffff, v11  }
0x68a: {  	v13 =	vmov s1;
	v11 =	vld.idx.msk [tilespmem:v12+s22+$0x0], $0xffff  }
0x68b: {  	v13 =	vand.u32 $0x7F, v13  }
0x68c: {  	v13 =	vbroadcast v13, $0x0;
	_ =	sdelay $0x1  }
0x68d: {  	v13 =	vor.u32 v0, v13;
	_ =	sdelay $0x1  }
0x68e: {  	v11 =	vmul.f32 v11, v10;
	_ =	sdelay $0x1  }
0x68f: {  	s1 =	sadd.s32 $0x43, s19;
	[tilespmem:v12+s22+$0x0] =	vst.idx.msk $0xffff, v11  }
0x690: {  	v12 =	vmov s1;
	v11 =	vld.idx.msk [tilespmem:v13+s22+$0x0], $0xffff  }
0x691: {  	v12 =	vand.u32 $0x7F, v12  }
0x692: {  	v12 =	vbroadcast v12, $0x0;
	_ =	sdelay $0x1  }
0x693: {  	v14 =	vor.u32 v0, v12;
	_ =	sdelay $0x1  }
0x694: {  	v11 =	vmul.f32 v11, v9;
	_ =	sdelay $0x1  }
0x695: {  	s1 =	sadd.s32 $0x63, s19;
	s19 =	smov.u32 s23;
	[tilespmem:v13+s22+$0x0] =	vst.idx.msk $0xffff, v11  }
0x696: {  	v12 =	vmov s1;
	v11 =	vld.idx.msk [tilespmem:v14+s22+$0x0], $0xffff  }
0x697: {  	v12 =	vand.u32 $0x7F, v12  }
0x698: {  	v12 =	vbroadcast v12, $0x0;
	_ =	sdelay $0x1  }
0x699: {  	v12 =	vor.u32 v0, v12;
	_ =	sdelay $0x1  }
0x69a: {  	v11 =	vmul.f32 v11, v8;
	_ =	sdelay $0x1  }
0x69b: {  	[tilespmem:v14+s22+$0x0] =	vst.idx.msk $0xffff, v11  }
0x69c: {  	v11 =	vmov s19;
	v13 =	vld.idx.msk [tilespmem:v12+s22+$0x0], $0xffff  }
0x69d: {  	v11 =	vand.u32 $0x7C, v11  }
.Ltmp13:
0x69e: {  	v11 =	vbroadcast v11, $0x0;
	(pc) =	sbr.rel @p0 .LBB2_19-.Ltmp13, $3  }
0x69f: {  	_ = 	snop  }
0x6a0: {  	v11 =	vor.u32 v0, v11;
	_ =	sdelay $0x1  }
0x6a1: {  	v13 =	vmul.f32 v13, v7  }
0x6a2: {  	_ =	sdelay $0x2  }
0x6a3: {  	s1 =	sadd.s32 $0x20, s19  }
0x6a4: {  	[tilespmem:v12+s22+$0x0] =	vst.idx.msk $0xffff, v13;
	v12 =	vmov s1  }
0x6a5: {  	v13 =	vld.idx.msk [tilespmem:v11+s22+$0x0], $0xffff;
	v12 =	vand.u32 $0x7C, v12  }
0x6a6: {  	v12 =	vbroadcast v12, $0x0;
	_ =	sdelay $0x1  }
0x6a7: {  	v12 =	vor.u32 v0, v12;
	_ =	sdelay $0x1  }
0x6a8: {  	v13 =	vmul.f32 v13, v10  }
0x6a9: {  	s17 =	sadd.s32 $0x40, s19  }
0x6aa: {  	[tilespmem:v11+s22+$0x0] =	vst.idx.msk $0xffff, v13;
	v11 =	vmov s17  }
0x6ab: {  	v13 =	vld.idx.msk [tilespmem:v12+s22+$0x0], $0xffff;
	v11 =	vand.u32 $0x7C, v11  }
0x6ac: {  	v11 =	vbroadcast v11, $0x0;
	_ =	sdelay $0x1  }
0x6ad: {  	v11 =	vor.u32 v0, v11;
	_ =	sdelay $0x1  }
0x6ae: {  	v13 =	vmul.f32 v13, v9  }
0x6af: {  	s20 =	sadd.s32 $0x60, s19  }
0x6b0: {  	[tilespmem:v12+s22+$0x0] =	vst.idx.msk $0xffff, v13;
	v12 =	vmov s20  }
0x6b1: {  	v13 =	vld.idx.msk [tilespmem:v11+s22+$0x0], $0xffff;
	v12 =	vand.u32 $0x7C, v12  }
0x6b2: {  	v12 =	vbroadcast v12, $0x0;
	_ =	sdelay $0x1  }
0x6b3: {  	v12 =	vor.u32 v0, v12;
	_ =	sdelay $0x1  }
0x6b4: {  	v13 =	vmul.f32 v13, v8  }
0x6b5: {  	s23 =	sadd.s32 $0x1, s19  }
0x6b6: {  	[tilespmem:v11+s22+$0x0] =	vst.idx.msk $0xffff, v13;
	v11 =	vmov s23  }
0x6b7: {  	v13 =	vld.idx.msk [tilespmem:v12+s22+$0x0], $0xffff;
	v11 =	vand.u32 $0x7D, v11  }
0x6b8: {  	v11 =	vbroadcast v11, $0x0;
	_ =	sdelay $0x1  }
0x6b9: {  	v11 =	vor.u32 v0, v11;
	_ =	sdelay $0x1  }
0x6ba: {  	v13 =	vmul.f32 v13, v7  }
0x6bb: {  	s29 =	sadd.s32 $0x21, s19  }
0x6bc: {  	[tilespmem:v12+s22+$0x0] =	vst.idx.msk $0xffff, v13;
	v12 =	vmov s29  }
0x6bd: {  	v13 =	vld.idx.msk [tilespmem:v11+s22+$0x0], $0xffff;
	v12 =	vand.u32 $0x7D, v12  }
0x6be: {  	v12 =	vbroadcast v12, $0x0;
	_ =	sdelay $0x1  }
0x6bf: {  	v12 =	vor.u32 v0, v12;
	_ =	sdelay $0x1  }
0x6c0: {  	v13 =	vmul.f32 v13, v10  }
0x6c1: {  	s30 =	sadd.s32 $0x41, s19  }
0x6c2: {  	[tilespmem:v11+s22+$0x0] =	vst.idx.msk $0xffff, v13;
	v11 =	vmov s30  }
0x6c3: {  	v13 =	vld.idx.msk [tilespmem:v12+s22+$0x0], $0xffff;
	v11 =	vand.u32 $0x7D, v11  }
0x6c4: {  	v11 =	vbroadcast v11, $0x0;
	_ =	sdelay $0x1  }
0x6c5: {  	v11 =	vor.u32 v0, v11;
	_ =	sdelay $0x1  }
0x6c6: {  	v13 =	vmul.f32 v13, v9  }
0x6c7: {  	s2 =	sadd.s32 $0x61, s19  }
0x6c8: {  	[tilespmem:v12+s22+$0x0] =	vst.idx.msk $0xffff, v13;
	v12 =	vmov s2  }
0x6c9: {  	v13 =	vld.idx.msk [tilespmem:v11+s22+$0x0], $0xffff;
	v12 =	vand.u32 $0x7D, v12  }
0x6ca: {  	v12 =	vbroadcast v12, $0x0;
	_ =	sdelay $0x1  }
0x6cb: {  	v12 =	vor.u32 v0, v12;
	_ =	sdelay $0x1  }
0x6cc: {  	v13 =	vmul.f32 v13, v8  }
0x6cd: {  	s13 =	sadd.s32 $0x2, s19  }
0x6ce: {  	[tilespmem:v11+s22+$0x0] =	vst.idx.msk $0xffff, v13;
	v11 =	vmov s13  }
0x6cf: {  	v13 =	vld.idx.msk [tilespmem:v12+s22+$0x0], $0xffff;
	v11 =	vand.u32 $0x7E, v11  }
0x6d0: {  	v11 =	vbroadcast v11, $0x0;
	_ =	sdelay $0x1  }
0x6d1: {  	v11 =	vor.u32 v0, v11;
	_ =	sdelay $0x1  }
0x6d2: {  	v13 =	vmul.f32 v13, v7  }
0x6d3: {  	s17 =	sadd.s32 $0x22, s19  }
0x6d4: {  	[tilespmem:v12+s22+$0x0] =	vst.idx.msk $0xffff, v13;
	v12 =	vmov s17  }
0x6d5: {  	v13 =	vld.idx.msk [tilespmem:v11+s22+$0x0], $0xffff;
	v12 =	vand.u32 $0x7E, v12  }
0x6d6: {  	v12 =	vbroadcast v12, $0x0;
	_ =	sdelay $0x1  }
0x6d7: {  	v12 =	vor.u32 v0, v12;
	_ =	sdelay $0x1  }
0x6d8: {  	v13 =	vmul.f32 v13, v10  }
0x6d9: {  	s20 =	sadd.s32 $0x42, s19  }
0x6da: {  	[tilespmem:v11+s22+$0x0] =	vst.idx.msk $0xffff, v13;
	v11 =	vmov s20  }
0x6db: {  	v13 =	vld.idx.msk [tilespmem:v12+s22+$0x0], $0xffff;
	v11 =	vand.u32 $0x7E, v11  }
0x6dc: {  	v11 =	vbroadcast v11, $0x0;
	_ =	sdelay $0x1  }
0x6dd: {  	v11 =	vor.u32 v0, v11;
	_ =	sdelay $0x1  }
0x6de: {  	v13 =	vmul.f32 v13, v9  }
0x6df: {  	s23 =	sadd.s32 $0x62, s19  }
0x6e0: {  	[tilespmem:v12+s22+$0x0] =	vst.idx.msk $0xffff, v13;
	v12 =	vmov s23  }
0x6e1: {  	v13 =	vld.idx.msk [tilespmem:v11+s22+$0x0], $0xffff;
	v12 =	vand.u32 $0x7E, v12  }
0x6e2: {  	v12 =	vbroadcast v12, $0x0;
	_ =	sdelay $0x1  }
0x6e3: {  	v12 =	vor.u32 v0, v12;
	_ =	sdelay $0x1  }
0x6e4: {  	v13 =	vmul.f32 v13, v8  }
0x6e5: {  	s29 =	sadd.s32 $0x3, s19  }
0x6e6: {  	[tilespmem:v11+s22+$0x0] =	vst.idx.msk $0xffff, v13;
	v11 =	vmov s29  }
0x6e7: {  	v13 =	vld.idx.msk [tilespmem:v12+s22+$0x0], $0xffff;
	v11 =	vand.u32 $0x7F, v11  }
0x6e8: {  	v11 =	vbroadcast v11, $0x0;
	_ =	sdelay $0x1  }
0x6e9: {  	v11 =	vor.u32 v0, v11;
	_ =	sdelay $0x1  }
0x6ea: {  	v13 =	vmul.f32 v13, v7  }
0x6eb: {  	s30 =	sadd.s32 $0x23, s19  }
0x6ec: {  	[tilespmem:v12+s22+$0x0] =	vst.idx.msk $0xffff, v13;
	v12 =	vmov s30  }
0x6ed: {  	v13 =	vld.idx.msk [tilespmem:v11+s22+$0x0], $0xffff;
	v12 =	vand.u32 $0x7F, v12  }
0x6ee: {  	v12 =	vbroadcast v12, $0x0;
	_ =	sdelay $0x1  }
0x6ef: {  	v12 =	vor.u32 v0, v12;
	_ =	sdelay $0x1  }
0x6f0: {  	v10 =	vmul.f32 v13, v10  }
0x6f1: {  	s2 =	sadd.s32 $0x43, s19  }
0x6f2: {  	[tilespmem:v11+s22+$0x0] =	vst.idx.msk $0xffff, v10;
	v10 =	vmov s2  }
0x6f3: {  	v11 =	vld.idx.msk [tilespmem:v12+s22+$0x0], $0xffff;
	v10 =	vand.u32 $0x7F, v10  }
0x6f4: {  	v10 =	vbroadcast v10, $0x0;
	_ =	sdelay $0x1  }
0x6f5: {  	v10 =	vor.u32 v0, v10;
	_ =	sdelay $0x1  }
0x6f6: {  	v9 =	vmul.f32 v11, v9  }
0x6f7: {  	s13 =	sadd.s32 $0x63, s19  }
0x6f8: {  	[tilespmem:v12+s22+$0x0] =	vst.idx.msk $0xffff, v9;
	v9 =	vmov s13  }
0x6f9: {  	v11 =	vld.idx.msk [tilespmem:v10+s22+$0x0], $0xffff;
	v9 =	vand.u32 $0x7F, v9  }
0x6fa: {  	v9 =	vbroadcast v9, $0x0;
	_ =	sdelay $0x1  }
0x6fb: {  	v9 =	vor.u32 v0, v9;
	_ =	sdelay $0x1  }
0x6fc: {  	v8 =	vmul.f32 v11, v8;
	_ =	sdelay $0x1  }
0x6fd: {  	s17 =	simm.s32 $0x20;
	[tilespmem:v10+s22+$0x0] =	vst.idx.msk $0xffff, v8  }
0x6fe: {  	v10 =	vmov s17;
	v8 =	vld.idx.msk [tilespmem:v9+s22+$0x0], $0xffff  }
0x6ff: {  	v10 =	vand.u32 $0x7C, v10  }
0x700: {  	v13 =	vmov s11;
	v10 =	vbroadcast v10, $0x0  }
0x701: {  	s19 =	simm.s32 $0x22;
	v13 =	vand.u32 $0x7C, v13  }
0x702: {  	v13 =	vbroadcast v13, $0x0;
	v11 =	vmov s19;
	v10 =	vor.u32 v6, v10  }
0x703: {  	s20 =	simm.s32 $0x23;
	v7 =	vmul.f32 v8, v7;
	v8 =	vand.u32 $0x7E, v11  }
0x704: {  	s23 =	simm.s32 $0x21;
	s2 =	simm.s32 $0x40;
	v13 =	vor.u32 v6, v13;
	v11 =	vmov s20;
	v8 =	vbroadcast v8, $0x0  }
0x705: {  	v14 =	vmov s23;
	v12 =	vmov s2;
	v11 =	vand.u32 $0x7F, v11  }
0x706: {  	s23 =	simm.s32 $0x1;
	v12 =	vand.u32 $0x7C, v12;
	v11 =	vbroadcast v11, $0x0;
	[tilespmem:v9+s22+$0x0] =	vst.idx.msk $0xffff, v7;
	v8 =	vor.u32 v6, v8  }
0x707: {  	v27 =	vmov s23;
	v7 =	vbroadcast v12, $0x0;
	v15 =	vld.idx.msk [tilespmem:v10+s0+$0x0], $0xffff  }
0x708: {  	v27 =	vand.u32 $0x7D, v27;
	s11 =	simm.s32 $0x41;
	v9 =	vand.u32 $0x7D, v14;
	v10 =	vld.idx.msk [tilespmem:v10+s3+$0x0], $0xffff;
	v12 =	vor.u32 v6, v11  }
0x709: {  	s29 =	simm.s32 $0x60;
	s30 =	simm.s32 $0x61;
	v14 =	vmov s11;
	v9 =	vbroadcast v9, $0x0;
	v24 =	vld.idx.msk [tilespmem:v13+s0+$0x0], $0xffff;
	v19 =	vor.u32 v6, v7  }
0x70a: {  	v18 =	vand.u32 $0x7D, v14;
	v13 =	vld.idx.msk [tilespmem:v13+s3+$0x0], $0xffff;
	v11 =	vmov s29;
	v7 =	vmov s30  }
0x70b: {  	s13 =	simm.s32 $0x42;
	v18 =	vbroadcast v18, $0x0;
	v11 =	vand.u32 $0x7C, v11;
	v22 =	vor.u32 v6, v9;
	v20 =	vld.idx.msk [tilespmem:v8+s3+$0x0], $0xffff  }
0x70c: {  	v16 =	vmov s13;
	s19 =	simm.s32 $0x2;
	v7 =	vand.u32 $0x7D, v7;
	v9 =	vbroadcast v11, $0x0;
	v8 =	vld.idx.msk [tilespmem:v8+s0+$0x0], $0xffff  }
0x70d: {  	v21 =	vmov s19;
	s17 =	simm.s32 $0x63;
	s20 =	simm.s32 $0x62;
	v7 =	vbroadcast v7, $0x0;
	v29 =	vor.u32 v6, v18;
	v23 =	vld.idx.msk [tilespmem:v12+s0+$0x0], $0xffff  }
0x70e: {  	v17 =	vmov s17;
	v25 =	vmov s20;
	v26 =	vor.u32 v6, v9;
	v9 =	vld.idx.msk [tilespmem:v19+s3+$0x0], $0xffff  }
0x70f: {  	v25 =	vand.u32 $0x7E, v25;
	v14 =	vand.u32 $0x7F, v17;
	v7 =	vor.u32 v6, v7;
	v30 =	vld.idx.msk [tilespmem:v12+s3+$0x0], $0xffff  }
0x710: {  	v25 =	vbroadcast v25, $0x0;
	v17 =	vbroadcast v14, $0x0;
	v12 =	vand.u32 $0x7E, v16;
	v14 =	vld.idx.msk [tilespmem:v22+s3+$0x0], $0xffff  }
0x711: {  	v27 =	vbroadcast v27, $0x0;
	v31 =	vand.u32 $0x7E, v21;
	s29 =	simm.s32 $0x3;
	v12 =	vbroadcast v12, $0x0;
	v28 =	vld.idx.msk [tilespmem:v22+s0+$0x0], $0xffff  }
0x712: {  	v21 =	vor.u32 v6, v25;
	v10 =	vmul.f32 v10, v15;
	v15 =	vmov s29;
	v22 =	vld.idx.msk [tilespmem:v29+s0+$0x0], $0xffff  }
0x713: {  	s30 =	simm.s32 $0x43;
	v18 =	vor.u32 v6, v12;
	v12 =	vor.u32 v6, v17;
	v17 =	vor.u32 v6, v27;
	v16 =	vld.idx.msk [tilespmem:v26+s3+$0x0], $0xffff  }
0x714: {  	v15 =	vand.u32 $0x7F, v15;
	v25 =	vld.idx.msk [tilespmem:v7+s0+$0x0], $0xffff;
	v8 =	vmul.f32 v20, v8;
	v20 =	vmov s30  }
0x715: {  	v32 =	vbroadcast v31, $0x0;
	v31 =	vbroadcast v15, $0x0;
	v27 =	vld.idx.msk [tilespmem:v7+s3+$0x0], $0xffff;
	v20 =	vand.u32 $0x7F, v20  }
0x716: {  	v11 =	vimm.f32 $0.0e+00;
	v7 =	vmul.f32 v30, v23;
	v23 =	vld.idx.msk [tilespmem:v19+s0+$0x0], $0xffff;
	v19 =	vbroadcast v20, $0x0  }
0x717: {  	v15 =	vadd.f32 v10, v11;
	v26 =	vld.idx.msk [tilespmem:v26+s0+$0x0], $0xffff;
	v30 =	vmul.f32 v13, v24;
	v24 =	vor.u32 v6, v32  }
0x718: {  	v13 =	vimm.f32 $0.0e+00;
	v20 =	vimm.f32 $0.0e+00;
	v10 =	vld.idx.msk [tilespmem:v17+s0+$0x0], $0xffff;
	v19 =	vor.u32 v6, v19  }
.LBB2_21:
0x719: {  	s1 =	sadd.s32 $0x20, s21  }
0x71a: {  	s2 =	sadd.s32 $0x40, s21;
	s13 =	sadd.s32 $0x60, s21;
	v11 =	vadd.f32 v30, v11;
	v29 =	vld.idx.msk [tilespmem:v29+s3+$0x0], $0xffff;
	v25 =	vmul.f32 v27, v25;
	v27 =	vor.u32 v6, v31;
	s19 =	smov.u32 s21  }
0x71b: {  	s23 =	sadd.s32 $0x61, s21;
	s20 =	sadd.s32 $0x2, s21;
	v14 =	vmul.f32 v14, v28;
	v30 =	vmov s1;
	v31 =	vmov s2;
	s1 =	sadd.s32 $0x22, s21;
	v28 =	vld.idx.msk [tilespmem:v21+s0+$0x0], $0xffff  }
0x71c: {  	s11 =	sadd.s32 $0x4, s21;
	s2 =	sadd.s32 $0x41, s19;
	s17 =	sadd.s32 $0x42, s19;
	v16 =	vmul.f32 v16, v26;
	v30 =	vand.u32 $0x7C, v30;
	v31 =	vand.u32 $0x7C, v31;
	v21 =	vld.idx.msk [tilespmem:v21+s3+$0x0], $0xffff  }
0x71d: {  	p0 =	slt.u32 s21, $0x1C;
	s29 =	sadd.s32 $0x21, s19;
	v32 =	vmov s17;
	v26 =	vbroadcast v30, $0x0;
	v30 =	vmov s2;
	s2 =	sadd.s32 $0x63, s19;
	v33 =	vld.idx.msk [tilespmem:v18+s0+$0x0], $0xffff  }
0x71e: {  	v34 =	vmov s13;
	v16 =	vadd.f32 v16, v20;
	v35 =	vmov s2;
	v18 =	vld.idx.msk [tilespmem:v18+s3+$0x0], $0xffff  }
0x71f: {  	v20 =	vor.u32 v6, v26;
	v26 =	vand.u32 $0x7D, v30;
	v30 =	vand.u32 $0x7F, v35;
	v35 =	vld.idx.msk [tilespmem:v27+s3+$0x0], $0xffff  }
0x720: {  	v36 =	vmov s29;
	v37 =	vmov s1;
	s1 =	sadd.s32 $0x23, s19;
	v30 =	vbroadcast v30, $0x0;
	v17 =	vld.idx.msk [tilespmem:v17+s3+$0x0], $0xffff  }
0x721: {  	v9 =	vmul.f32 v9, v23;
	v37 =	vand.u32 $0x7E, v37;
	v38 =	vmov s1;
	v23 =	vld.idx.msk [tilespmem:v12+s0+$0x0], $0xffff  }
0x722: {  	v31 =	vbroadcast v31, $0x0;
	v37 =	vbroadcast v37, $0x0;
	v38 =	vand.u32 $0x7F, v38;
	v12 =	vld.idx.msk [tilespmem:v12+s3+$0x0], $0xffff  }
0x723: {  	v39 =	vmov s19;
	v38 =	vbroadcast v38, $0x0;
	v22 =	vmul.f32 v29, v22;
	v29 =	vld.idx.msk [tilespmem:v24+s0+$0x0], $0xffff  }
0x724: {  	v39 =	vand.u32 $0x7C, v39;
	v37 =	vor.u32 v6, v37;
	v21 =	vmul.f32 v21, v28;
	v24 =	vld.idx.msk [tilespmem:v24+s3+$0x0], $0xffff  }
0x725: {  	v16 =	vadd.f32 v25, v16;
	v28 =	vbroadcast v39, $0x0;
	v38 =	vor.u32 v6, v38;
	v39 =	vld.idx.msk [tilespmem:v20+s0+$0x0], $0xffff  }
0x726: {  	v9 =	vadd.f32 v9, v13;
	v25 =	vand.u32 $0x7D, v36;
	v36 =	vmov s23;
	v13 =	vld.idx.msk [tilespmem:v19+s0+$0x0], $0xffff  }
0x727: {  	v36 =	vand.u32 $0x7D, v36;
	v28 =	vor.u32 v6, v28;
	v18 =	vmul.f32 v18, v33;
	v19 =	vld.idx.msk [tilespmem:v19+s3+$0x0], $0xffff  }
0x728: {  	v14 =	vadd.f32 v14, v15;
	v25 =	vbroadcast v25, $0x0;
	v33 =	vbroadcast v36, $0x0;
	v20 =	vld.idx.msk [tilespmem:v20+s3+$0x0], $0xffff  }
0x729: {  	v15 =	vor.u32 v6, v31;
	v31 =	vand.u32 $0x7C, v34;
	v16 =	vadd.f32 v21, v16;
	v34 =	vld.idx.msk [tilespmem:v37+s3+$0x0], $0xffff  }
0x72a: {  	v36 =	vor.u32 v6, v25;
	v21 =	vmov s20;
	v33 =	vor.u32 v6, v33;
	v37 =	vld.idx.msk [tilespmem:v37+s0+$0x0], $0xffff  }
0x72b: {  	s1 =	sadd.s32 $0x62, s19;
	v9 =	vadd.f32 v22, v9;
	v25 =	vbroadcast v31, $0x0;
	v31 =	vand.u32 $0x7E, v21;
	v40 =	vld.idx.msk [tilespmem:v38+s0+$0x0], $0xffff  }
0x72c: {  	v22 =	vbroadcast v26, $0x0;
	v26 =	vadd.f32 v8, v14;
	v21 =	vmov s1;
	v8 =	vld.idx.msk [tilespmem:v27+s0+$0x0], $0xffff  }
0x72d: {  	v42 =	vor.u32 v6, v25;
	v27 =	vadd.f32 v18, v9;
	v13 =	vmul.f32 v19, v13;
	v41 =	vld.idx.msk [tilespmem:v28+s0+$0x0], $0xffff  }
0x72e: {  	v24 =	vmul.f32 v24, v29;
	v18 =	vand.u32 $0x7E, v21;
	v19 =	vmul.f32 v20, v39;
	v9 =	vld.idx.msk [tilespmem:v15+s3+$0x0], $0xffff  }
0x72f: {  	s1 =	sadd.s32 $0x1, s19;
	v12 =	vmul.f32 v12, v23;
	v20 =	vand.u32 $0x7E, v32;
	v18 =	vbroadcast v18, $0x0;
	v14 =	vld.idx.msk [tilespmem:v36+s3+$0x0], $0xffff  }
0x730: {  	v10 =	vmul.f32 v17, v10;
	v21 =	vmov s1;
	v23 =	vbroadcast v20, $0x0;
	v32 =	vld.idx.msk [tilespmem:v38+s3+$0x0], $0xffff  }
0x731: {  	v17 =	vand.u32 $0x7D, v21;
	v20 =	vadd.f32 v12, v16;
	v21 =	vor.u32 v6, v18;
	v38 =	vld.idx.msk [tilespmem:v28+s3+$0x0], $0xffff  }
0x732: {  	v17 =	vbroadcast v17, $0x0;
	v18 =	vor.u32 v6, v23;
	v35 =	vmul.f32 v35, v8;
	v16 =	vld.idx.msk [tilespmem:v42+s3+$0x0], $0xffff  }
0x733: {  	v29 =	vor.u32 v6, v22;
	v12 =	vor.u32 v6, v30;
	v13 =	vadd.f32 v13, v27;
	v25 =	vld.idx.msk [tilespmem:v33+s0+$0x0], $0xffff  }
0x734: {  	s2 =	sadd.s32 $0x43, s19;
	v10 =	vadd.f32 v10, v11;
	s1 =	sadd.s32 $0x3, s19;
	v17 =	vor.u32 v6, v17;
	v8 =	vmul.f32 v34, v37;
	v27 =	vld.idx.msk [tilespmem:v33+s3+$0x0], $0xffff  }
.Ltmp14:
0x735: {  	v22 =	vmov s2;
	v11 =	vmov s1;
	v33 =	vadd.f32 v7, v26;
	v28 =	vld.idx.msk [tilespmem:v36+s0+$0x0], $0xffff;
	(pc) =	sbr.rel @p0 .LBB2_21-.Ltmp14, $4  }
0x736: {  	v22 =	vand.u32 $0x7F, v22;
	v10 =	vadd.f32 v24, v10;
	v7 =	vmul.f32 v32, v40;
	v26 =	vld.idx.msk [tilespmem:v42+s0+$0x0], $0xffff  }
0x737: {  	v24 =	vbroadcast v31, $0x0;
	v11 =	vand.u32 $0x7F, v11;
	v32 =	vbroadcast v22, $0x0;
	v23 =	vld.idx.msk [tilespmem:v15+s0+$0x0], $0xffff  }
0x738: {  	v31 =	vbroadcast v11, $0x0;
	v11 =	vadd.f32 v35, v10;
	v30 =	vmul.f32 v38, v41;
	v22 =	vld.idx.msk [tilespmem:v29+s0+$0x0], $0xffff  }
0x739: {  	s21 =	smov.u32 s11;
	v24 =	vor.u32 v6, v24;
	v15 =	vadd.f32 v19, v33;
	v19 =	vor.u32 v6, v32;
	v10 =	vld.idx.msk [tilespmem:v17+s0+$0x0], $0xffff  }
0x73a: {  	_ =	sdelay $0x3  }
0x73b: {  	v29 =	vld.idx.msk [tilespmem:v29+s3+$0x0], $0xffff  }
0x73c: {  	v32 =	vld.idx.msk [tilespmem:v21+s0+$0x0], $0xffff  }
0x73d: {  	v57 =	vld.idx.msk [tilespmem:v21+s3+$0x0], $0xffff  }
0x73e: {  	v33 =	vld.idx.msk [tilespmem:v18+s0+$0x0], $0xffff  }
0x73f: {  	v31 =	vor.u32 v6, v31;
	v58 =	vld.idx.msk [tilespmem:v18+s3+$0x0], $0xffff  }
0x740: {  	v17 =	vld.idx.msk [tilespmem:v17+s3+$0x0], $0xffff  }
0x741: {  	v35 =	vld.idx.msk [tilespmem:v24+s0+$0x0], $0xffff  }
0x742: {  	v59 =	vld.idx.msk [tilespmem:v24+s3+$0x0], $0xffff  }
0x743: {  	v36 =	vld.idx.msk [tilespmem:v12+s0+$0x0], $0xffff  }
0x744: {  	v34 =	vld.idx.msk [tilespmem:v31+s3+$0x0], $0xffff  }
0x745: {  	v9 =	vmul.f32 v9, v23;
	v60 =	vld.idx.msk [tilespmem:v31+s0+$0x0], $0xffff  }
0x746: {  	v25 =	vmul.f32 v27, v25;
	v11 =	vadd.f32 v30, v11;
	v61 =	vld.idx.msk [tilespmem:v19+s0+$0x0], $0xffff;
	v10 =	vmul.f32 v17, v10  }
0x747: {  	v14 =	vmul.f32 v14, v28;
	v62 =	vld.idx.msk [tilespmem:v19+s3+$0x0], $0xffff;
	v16 =	vmul.f32 v16, v26;
	v9 =	vadd.f32 v9, v13  }
0x748: {  	v12 =	vld.idx.msk [tilespmem:v12+s3+$0x0], $0xffff;
	v22 =	vmul.f32 v29, v22;
	v13 =	vmul.f32 v59, v35;
	v10 =	vadd.f32 v10, v11  }
0x749: {  	v14 =	vadd.f32 v14, v15;
	v63 =	vmul.f32 v58, v33;
	v11 =	vadd.f32 v16, v20  }
0x74a: {  	v9 =	vadd.f32 v22, v9;
	v10 =	vadd.f32 v13, v10;
	v15 =	vmul.f32 v34, v60  }
0x74b: {  	v8 =	vadd.f32 v8, v14;
	v13 =	vmul.f32 v57, v32;
	v11 =	vadd.f32 v25, v11  }
0x74c: {  	v14 =	vmul.f32 v62, v61;
	v9 =	vadd.f32 v63, v9;
	v10 =	vadd.f32 v15, v10  }
0x74d: {  	v12 =	vmul.f32 v12, v36;
	v7 =	vadd.f32 v7, v8;
	v11 =	vadd.f32 v13, v11  }
0x74e: {  	v8 =	vadd.f32 v14, v9;
	v9 =	vmul.f32 $1.442695020e+00, v10  }
0x74f: {  	v7 =	vmul.f32 $1.442695020e+00, v7;
	v10 =	vadd.f32 v12, v11  }
0x750: {  	v8 =	vmul.f32 $1.442695020e+00, v8;
	(erf) = vpow2.f32 v9  }
0x751: {  	(erf) = vpow2.f32 v7;
	v7 =	vmul.f32 $1.442695020e+00, v10  }
0x752: {  	(erf) = vpow2.f32 v8  }
0x753: {  	(erf) = vpow2.f32 v7  }
0x754: {  	s21 =	simm.s32 $0x0  }
0x755: {  	v7 =	vmov s21  }
0x756: {  	v8 =	vor.u32 $0x801, v0;
	v7 =	vand.u32 $0x7C, v7  }
0x757: {  	v11 =	vor.u32 $0x802, v0;
	v7 =	vbroadcast v7, $0x0  }
0x758: {  	v12 =	vor.u32 $0x803, v0  }
0x759: {  	v13 =	vor.u32 v6, v7;
	v10 =	vpop (erf)  }
0x75a: {  	v9 =	vpop (erf);
	[tilespmem:v6+s12+$0x0] =	vst.idx.msk $0xffff, v10  }
0x75b: {  	v7 =	vpop (erf);
	[tilespmem:v8+s12+$0x0] =	vst.idx.msk $0xffff, v9  }
0x75c: {  	s1 =	simm.s32 $0x20;
	v8 =	vpop (erf);
	[tilespmem:v11+s12+$0x0] =	vst.idx.msk $0xffff, v7  }
0x75d: {  	v11 =	vmov s1;
	[tilespmem:v12+s12+$0x0] =	vst.idx.msk $0xffff, v8  }
0x75e: {  	v11 =	vand.u32 $0x7C, v11;
	v12 =	vld.idx.msk [tilespmem:v13+s22+$0x0], $0xffff  }
0x75f: {  	v11 =	vbroadcast v11, $0x0;
	_ =	sdelay $0x1  }
0x760: {  	v11 =	vor.u32 v6, v11;
	_ =	sdelay $0x1  }
0x761: {  	v12 =	vmul.f32 v12, v10  }
0x762: {  	s19 =	simm.s32 $0x40  }
0x763: {  	[tilespmem:v13+s22+$0x0] =	vst.idx.msk $0xffff, v12;
	v12 =	vmov s19  }
0x764: {  	v13 =	vld.idx.msk [tilespmem:v11+s22+$0x0], $0xffff;
	v12 =	vand.u32 $0x7C, v12  }
0x765: {  	v12 =	vbroadcast v12, $0x0;
	_ =	sdelay $0x1  }
0x766: {  	v12 =	vor.u32 v6, v12;
	_ =	sdelay $0x1  }
0x767: {  	v13 =	vmul.f32 v13, v9  }
0x768: {  	s20 =	simm.s32 $0x60  }
0x769: {  	[tilespmem:v11+s22+$0x0] =	vst.idx.msk $0xffff, v13;
	v11 =	vmov s20  }
0x76a: {  	v13 =	vld.idx.msk [tilespmem:v12+s22+$0x0], $0xffff;
	v11 =	vand.u32 $0x7C, v11  }
0x76b: {  	v11 =	vbroadcast v11, $0x0;
	_ =	sdelay $0x1  }
0x76c: {  	v11 =	vor.u32 v6, v11;
	_ =	sdelay $0x1  }
0x76d: {  	v13 =	vmul.f32 v13, v7  }
0x76e: {  	s23 =	simm.s32 $0x1  }
0x76f: {  	[tilespmem:v12+s22+$0x0] =	vst.idx.msk $0xffff, v13;
	v12 =	vmov s23  }
0x770: {  	v13 =	vld.idx.msk [tilespmem:v11+s22+$0x0], $0xffff;
	v12 =	vand.u32 $0x7D, v12  }
0x771: {  	v12 =	vbroadcast v12, $0x0;
	_ =	sdelay $0x1  }
0x772: {  	v12 =	vor.u32 v6, v12;
	_ =	sdelay $0x1  }
0x773: {  	v13 =	vmul.f32 v13, v8  }
0x774: {  	s29 =	simm.s32 $0x21  }
0x775: {  	[tilespmem:v11+s22+$0x0] =	vst.idx.msk $0xffff, v13;
	v11 =	vmov s29  }
0x776: {  	v13 =	vld.idx.msk [tilespmem:v12+s22+$0x0], $0xffff;
	v11 =	vand.u32 $0x7D, v11  }
0x777: {  	v11 =	vbroadcast v11, $0x0;
	_ =	sdelay $0x1  }
0x778: {  	v11 =	vor.u32 v6, v11;
	_ =	sdelay $0x1  }
0x779: {  	v13 =	vmul.f32 v13, v10  }
0x77a: {  	s30 =	simm.s32 $0x41  }
0x77b: {  	[tilespmem:v12+s22+$0x0] =	vst.idx.msk $0xffff, v13;
	v12 =	vmov s30  }
0x77c: {  	v13 =	vld.idx.msk [tilespmem:v11+s22+$0x0], $0xffff;
	v12 =	vand.u32 $0x7D, v12  }
0x77d: {  	v12 =	vbroadcast v12, $0x0;
	_ =	sdelay $0x1  }
0x77e: {  	v12 =	vor.u32 v6, v12;
	_ =	sdelay $0x1  }
0x77f: {  	v13 =	vmul.f32 v13, v9  }
0x780: {  	s2 =	simm.s32 $0x61  }
0x781: {  	[tilespmem:v11+s22+$0x0] =	vst.idx.msk $0xffff, v13;
	v11 =	vmov s2  }
0x782: {  	v13 =	vld.idx.msk [tilespmem:v12+s22+$0x0], $0xffff;
	v11 =	vand.u32 $0x7D, v11  }
0x783: {  	v11 =	vbroadcast v11, $0x0;
	_ =	sdelay $0x1  }
0x784: {  	v11 =	vor.u32 v6, v11;
	_ =	sdelay $0x1  }
0x785: {  	v13 =	vmul.f32 v13, v7  }
0x786: {  	s11 =	simm.s32 $0x2  }
0x787: {  	[tilespmem:v12+s22+$0x0] =	vst.idx.msk $0xffff, v13;
	v12 =	vmov s11  }
0x788: {  	v13 =	vld.idx.msk [tilespmem:v11+s22+$0x0], $0xffff;
	v12 =	vand.u32 $0x7E, v12  }
0x789: {  	v12 =	vbroadcast v12, $0x0;
	_ =	sdelay $0x1  }
0x78a: {  	v12 =	vor.u32 v6, v12;
	_ =	sdelay $0x1  }
0x78b: {  	v13 =	vmul.f32 v13, v8  }
0x78c: {  	s13 =	simm.s32 $0x22  }
0x78d: {  	[tilespmem:v11+s22+$0x0] =	vst.idx.msk $0xffff, v13;
	v11 =	vmov s13  }
0x78e: {  	v13 =	vld.idx.msk [tilespmem:v12+s22+$0x0], $0xffff;
	v11 =	vand.u32 $0x7E, v11  }
0x78f: {  	v11 =	vbroadcast v11, $0x0;
	_ =	sdelay $0x1  }
0x790: {  	v11 =	vor.u32 v6, v11;
	_ =	sdelay $0x1  }
0x791: {  	v13 =	vmul.f32 v13, v10  }
0x792: {  	s17 =	simm.s32 $0x42  }
0x793: {  	[tilespmem:v12+s22+$0x0] =	vst.idx.msk $0xffff, v13;
	v12 =	vmov s17  }
0x794: {  	v13 =	vld.idx.msk [tilespmem:v11+s22+$0x0], $0xffff;
	v12 =	vand.u32 $0x7E, v12  }
0x795: {  	v12 =	vbroadcast v12, $0x0;
	_ =	sdelay $0x1  }
0x796: {  	v12 =	vor.u32 v6, v12;
	_ =	sdelay $0x1  }
0x797: {  	v13 =	vmul.f32 v13, v9  }
0x798: {  	s19 =	simm.s32 $0x62  }
0x799: {  	[tilespmem:v11+s22+$0x0] =	vst.idx.msk $0xffff, v13;
	v11 =	vmov s19  }
0x79a: {  	v13 =	vld.idx.msk [tilespmem:v12+s22+$0x0], $0xffff;
	v11 =	vand.u32 $0x7E, v11  }
0x79b: {  	v11 =	vbroadcast v11, $0x0;
	_ =	sdelay $0x1  }
0x79c: {  	v11 =	vor.u32 v6, v11;
	_ =	sdelay $0x1  }
0x79d: {  	v13 =	vmul.f32 v13, v7  }
0x79e: {  	s20 =	simm.s32 $0x3  }
0x79f: {  	[tilespmem:v12+s22+$0x0] =	vst.idx.msk $0xffff, v13;
	v12 =	vmov s20  }
0x7a0: {  	v13 =	vld.idx.msk [tilespmem:v11+s22+$0x0], $0xffff;
	v12 =	vand.u32 $0x7F, v12  }
0x7a1: {  	v12 =	vbroadcast v12, $0x0;
	_ =	sdelay $0x1  }
0x7a2: {  	v12 =	vor.u32 v6, v12;
	_ =	sdelay $0x1  }
0x7a3: {  	v13 =	vmul.f32 v13, v8  }
0x7a4: {  	s23 =	simm.s32 $0x23  }
0x7a5: {  	[tilespmem:v11+s22+$0x0] =	vst.idx.msk $0xffff, v13;
	v11 =	vmov s23  }
0x7a6: {  	v13 =	vld.idx.msk [tilespmem:v12+s22+$0x0], $0xffff;
	v11 =	vand.u32 $0x7F, v11  }
0x7a7: {  	v11 =	vbroadcast v11, $0x0;
	_ =	sdelay $0x1  }
0x7a8: {  	v11 =	vor.u32 v6, v11;
	_ =	sdelay $0x1  }
0x7a9: {  	v13 =	vmul.f32 v13, v10  }
0x7aa: {  	s29 =	simm.s32 $0x43  }
0x7ab: {  	[tilespmem:v12+s22+$0x0] =	vst.idx.msk $0xffff, v13;
	v12 =	vmov s29  }
0x7ac: {  	v13 =	vld.idx.msk [tilespmem:v11+s22+$0x0], $0xffff;
	v12 =	vand.u32 $0x7F, v12  }
0x7ad: {  	v12 =	vbroadcast v12, $0x0;
	_ =	sdelay $0x1  }
0x7ae: {  	v14 =	vor.u32 v6, v12;
	_ =	sdelay $0x1  }
0x7af: {  	v12 =	vmul.f32 v13, v9  }
0x7b0: {  	s30 =	simm.s32 $0x63  }
0x7b1: {  	[tilespmem:v11+s22+$0x0] =	vst.idx.msk $0xffff, v12;
	v11 =	vmov s30  }
0x7b2: {  	v13 =	vld.idx.msk [tilespmem:v14+s22+$0x0], $0xffff;
	v11 =	vand.u32 $0x7F, v11  }
0x7b3: {  	v11 =	vbroadcast v11, $0x0;
	_ =	sdelay $0x1  }
0x7b4: {  	v12 =	vor.u32 v6, v11;
	_ =	sdelay $0x1  }
0x7b5: {  	v11 =	vmul.f32 v13, v7  }
0x7b6: {  	s11 =	simm.s32 $0x4  }
0x7b7: {  	[tilespmem:v14+s22+$0x0] =	vst.idx.msk $0xffff, v11;
	v11 =	vmov s11  }
0x7b8: {  	v13 =	vld.idx.msk [tilespmem:v12+s22+$0x0], $0xffff;
	v11 =	vand.u32 $0x7C, v11  }
0x7b9: {  	v11 =	vbroadcast v11, $0x0;
	_ =	sdelay $0x1  }
0x7ba: {  	v11 =	vor.u32 v6, v11;
	_ =	sdelay $0x1  }
0x7bb: {  	s19 =	simm.s32 $0x4;
	s20 =	simm.s32 $0x8;
	v13 =	vmul.f32 v13, v8  }
.LBB2_23:
0x7bc: {  	p0 =	slt.u32 s20, $0x1C  }
0x7bd: {  	s1 =	sadd.s32 $0x20, s19;
	s23 =	smov.u32 s20;
	s20 =	sadd.s32 $0x4, s20;
	[tilespmem:v12+s22+$0x0] =	vst.idx.msk $0xffff, v13  }
0x7be: {  	v13 =	vmov s1;
	v12 =	vld.idx.msk [tilespmem:v11+s22+$0x0], $0xffff  }
0x7bf: {  	v13 =	vand.u32 $0x7C, v13  }
0x7c0: {  	v13 =	vbroadcast v13, $0x0;
	_ =	sdelay $0x1  }
0x7c1: {  	v13 =	vor.u32 v6, v13;
	_ =	sdelay $0x1  }
0x7c2: {  	v12 =	vmul.f32 v12, v10;
	_ =	sdelay $0x1  }
0x7c3: {  	s1 =	sadd.s32 $0x40, s19;
	[tilespmem:v11+s22+$0x0] =	vst.idx.msk $0xffff, v12  }
0x7c4: {  	v12 =	vmov s1;
	v11 =	vld.idx.msk [tilespmem:v13+s22+$0x0], $0xffff  }
0x7c5: {  	v12 =	vand.u32 $0x7C, v12  }
0x7c6: {  	v12 =	vbroadcast v12, $0x0;
	_ =	sdelay $0x1  }
0x7c7: {  	v12 =	vor.u32 v6, v12;
	_ =	sdelay $0x1  }
0x7c8: {  	v11 =	vmul.f32 v11, v9;
	_ =	sdelay $0x1  }
0x7c9: {  	s1 =	sadd.s32 $0x60, s19;
	[tilespmem:v13+s22+$0x0] =	vst.idx.msk $0xffff, v11  }
0x7ca: {  	v13 =	vmov s1;
	v11 =	vld.idx.msk [tilespmem:v12+s22+$0x0], $0xffff  }
0x7cb: {  	v13 =	vand.u32 $0x7C, v13  }
0x7cc: {  	v13 =	vbroadcast v13, $0x0;
	_ =	sdelay $0x1  }
0x7cd: {  	v13 =	vor.u32 v6, v13;
	_ =	sdelay $0x1  }
0x7ce: {  	v11 =	vmul.f32 v11, v7;
	_ =	sdelay $0x1  }
0x7cf: {  	s1 =	sadd.s32 $0x1, s19;
	[tilespmem:v12+s22+$0x0] =	vst.idx.msk $0xffff, v11  }
0x7d0: {  	v12 =	vmov s1;
	v11 =	vld.idx.msk [tilespmem:v13+s22+$0x0], $0xffff  }
0x7d1: {  	v12 =	vand.u32 $0x7D, v12  }
0x7d2: {  	v12 =	vbroadcast v12, $0x0;
	_ =	sdelay $0x1  }
0x7d3: {  	v12 =	vor.u32 v6, v12;
	_ =	sdelay $0x1  }
0x7d4: {  	v11 =	vmul.f32 v11, v8;
	_ =	sdelay $0x1  }
0x7d5: {  	s1 =	sadd.s32 $0x21, s19;
	[tilespmem:v13+s22+$0x0] =	vst.idx.msk $0xffff, v11  }
0x7d6: {  	v13 =	vmov s1;
	v11 =	vld.idx.msk [tilespmem:v12+s22+$0x0], $0xffff  }
0x7d7: {  	v13 =	vand.u32 $0x7D, v13  }
0x7d8: {  	v13 =	vbroadcast v13, $0x0;
	_ =	sdelay $0x1  }
0x7d9: {  	v13 =	vor.u32 v6, v13;
	_ =	sdelay $0x1  }
0x7da: {  	v11 =	vmul.f32 v11, v10;
	_ =	sdelay $0x1  }
0x7db: {  	s1 =	sadd.s32 $0x41, s19;
	[tilespmem:v12+s22+$0x0] =	vst.idx.msk $0xffff, v11  }
0x7dc: {  	v12 =	vmov s1;
	v11 =	vld.idx.msk [tilespmem:v13+s22+$0x0], $0xffff  }
0x7dd: {  	v12 =	vand.u32 $0x7D, v12  }
0x7de: {  	v12 =	vbroadcast v12, $0x0;
	_ =	sdelay $0x1  }
0x7df: {  	v12 =	vor.u32 v6, v12;
	_ =	sdelay $0x1  }
0x7e0: {  	v11 =	vmul.f32 v11, v9;
	_ =	sdelay $0x1  }
0x7e1: {  	s1 =	sadd.s32 $0x61, s19;
	[tilespmem:v13+s22+$0x0] =	vst.idx.msk $0xffff, v11  }
0x7e2: {  	v13 =	vmov s1;
	v11 =	vld.idx.msk [tilespmem:v12+s22+$0x0], $0xffff  }
0x7e3: {  	v13 =	vand.u32 $0x7D, v13  }
0x7e4: {  	v13 =	vbroadcast v13, $0x0;
	_ =	sdelay $0x1  }
0x7e5: {  	v13 =	vor.u32 v6, v13;
	_ =	sdelay $0x1  }
0x7e6: {  	v11 =	vmul.f32 v11, v7;
	_ =	sdelay $0x1  }
0x7e7: {  	s1 =	sadd.s32 $0x2, s19;
	[tilespmem:v12+s22+$0x0] =	vst.idx.msk $0xffff, v11  }
0x7e8: {  	v12 =	vmov s1;
	v11 =	vld.idx.msk [tilespmem:v13+s22+$0x0], $0xffff  }
0x7e9: {  	v12 =	vand.u32 $0x7E, v12  }
0x7ea: {  	v12 =	vbroadcast v12, $0x0;
	_ =	sdelay $0x1  }
0x7eb: {  	v12 =	vor.u32 v6, v12;
	_ =	sdelay $0x1  }
0x7ec: {  	v11 =	vmul.f32 v11, v8;
	_ =	sdelay $0x1  }
0x7ed: {  	s1 =	sadd.s32 $0x22, s19;
	[tilespmem:v13+s22+$0x0] =	vst.idx.msk $0xffff, v11  }
0x7ee: {  	v13 =	vmov s1;
	v11 =	vld.idx.msk [tilespmem:v12+s22+$0x0], $0xffff  }
0x7ef: {  	v13 =	vand.u32 $0x7E, v13  }
0x7f0: {  	v13 =	vbroadcast v13, $0x0;
	_ =	sdelay $0x1  }
0x7f1: {  	v13 =	vor.u32 v6, v13;
	_ =	sdelay $0x1  }
0x7f2: {  	v11 =	vmul.f32 v11, v10;
	_ =	sdelay $0x1  }
0x7f3: {  	s1 =	sadd.s32 $0x42, s19;
	[tilespmem:v12+s22+$0x0] =	vst.idx.msk $0xffff, v11  }
0x7f4: {  	v12 =	vmov s1;
	v11 =	vld.idx.msk [tilespmem:v13+s22+$0x0], $0xffff  }
0x7f5: {  	v12 =	vand.u32 $0x7E, v12  }
0x7f6: {  	v12 =	vbroadcast v12, $0x0;
	_ =	sdelay $0x1  }
0x7f7: {  	v12 =	vor.u32 v6, v12;
	_ =	sdelay $0x1  }
0x7f8: {  	v11 =	vmul.f32 v11, v9;
	_ =	sdelay $0x1  }
0x7f9: {  	s1 =	sadd.s32 $0x62, s19;
	[tilespmem:v13+s22+$0x0] =	vst.idx.msk $0xffff, v11  }
0x7fa: {  	v13 =	vmov s1;
	v11 =	vld.idx.msk [tilespmem:v12+s22+$0x0], $0xffff  }
0x7fb: {  	v13 =	vand.u32 $0x7E, v13  }
0x7fc: {  	v13 =	vbroadcast v13, $0x0;
	_ =	sdelay $0x1  }
0x7fd: {  	v13 =	vor.u32 v6, v13;
	_ =	sdelay $0x1  }
0x7fe: {  	v11 =	vmul.f32 v11, v7;
	_ =	sdelay $0x1  }
0x7ff: {  	s1 =	sadd.s32 $0x3, s19;
	[tilespmem:v12+s22+$0x0] =	vst.idx.msk $0xffff, v11  }
0x800: {  	v12 =	vmov s1;
	v11 =	vld.idx.msk [tilespmem:v13+s22+$0x0], $0xffff  }
0x801: {  	v12 =	vand.u32 $0x7F, v12  }
0x802: {  	v12 =	vbroadcast v12, $0x0;
	_ =	sdelay $0x1  }
0x803: {  	v12 =	vor.u32 v6, v12;
	_ =	sdelay $0x1  }
0x804: {  	v11 =	vmul.f32 v11, v8;
	_ =	sdelay $0x1  }
0x805: {  	s1 =	sadd.s32 $0x23, s19;
	[tilespmem:v13+s22+$0x0] =	vst.idx.msk $0xffff, v11  }
0x806: {  	v13 =	vmov s1;
	v11 =	vld.idx.msk [tilespmem:v12+s22+$0x0], $0xffff  }
0x807: {  	v13 =	vand.u32 $0x7F, v13  }
0x808: {  	v13 =	vbroadcast v13, $0x0;
	_ =	sdelay $0x1  }
0x809: {  	v13 =	vor.u32 v6, v13;
	_ =	sdelay $0x1  }
0x80a: {  	v11 =	vmul.f32 v11, v10;
	_ =	sdelay $0x1  }
0x80b: {  	s1 =	sadd.s32 $0x43, s19;
	[tilespmem:v12+s22+$0x0] =	vst.idx.msk $0xffff, v11  }
0x80c: {  	v12 =	vmov s1;
	v11 =	vld.idx.msk [tilespmem:v13+s22+$0x0], $0xffff  }
0x80d: {  	v12 =	vand.u32 $0x7F, v12  }
0x80e: {  	v12 =	vbroadcast v12, $0x0;
	_ =	sdelay $0x1  }
0x80f: {  	v14 =	vor.u32 v6, v12;
	_ =	sdelay $0x1  }
0x810: {  	v11 =	vmul.f32 v11, v9;
	_ =	sdelay $0x1  }
0x811: {  	s1 =	sadd.s32 $0x63, s19;
	s19 =	smov.u32 s23;
	[tilespmem:v13+s22+$0x0] =	vst.idx.msk $0xffff, v11  }
0x812: {  	v12 =	vmov s1;
	v11 =	vld.idx.msk [tilespmem:v14+s22+$0x0], $0xffff  }
0x813: {  	v12 =	vand.u32 $0x7F, v12  }
0x814: {  	v12 =	vbroadcast v12, $0x0;
	_ =	sdelay $0x1  }
0x815: {  	v12 =	vor.u32 v6, v12;
	_ =	sdelay $0x1  }
0x816: {  	v11 =	vmul.f32 v11, v7;
	_ =	sdelay $0x1  }
0x817: {  	[tilespmem:v14+s22+$0x0] =	vst.idx.msk $0xffff, v11  }
0x818: {  	v11 =	vmov s19;
	v13 =	vld.idx.msk [tilespmem:v12+s22+$0x0], $0xffff  }
0x819: {  	v11 =	vand.u32 $0x7C, v11  }
.Ltmp15:
0x81a: {  	v11 =	vbroadcast v11, $0x0;
	(pc) =	sbr.rel @p0 .LBB2_23-.Ltmp15, $3  }
0x81b: {  	_ = 	snop  }
0x81c: {  	v11 =	vor.u32 v6, v11;
	_ =	sdelay $0x1  }
0x81d: {  	v13 =	vmul.f32 v13, v8  }
0x81e: {  	_ =	sdelay $0x2  }
0x81f: {  	s1 =	sadd.s32 $0x20, s19  }
0x820: {  	[tilespmem:v12+s22+$0x0] =	vst.idx.msk $0xffff, v13;
	v12 =	vmov s1  }
0x821: {  	v13 =	vld.idx.msk [tilespmem:v11+s22+$0x0], $0xffff;
	v12 =	vand.u32 $0x7C, v12  }
0x822: {  	v12 =	vbroadcast v12, $0x0;
	_ =	sdelay $0x1  }
0x823: {  	v12 =	vor.u32 v6, v12;
	_ =	sdelay $0x1  }
0x824: {  	v13 =	vmul.f32 v13, v10  }
0x825: {  	s20 =	sadd.s32 $0x40, s19  }
0x826: {  	[tilespmem:v11+s22+$0x0] =	vst.idx.msk $0xffff, v13;
	v11 =	vmov s20  }
0x827: {  	v13 =	vld.idx.msk [tilespmem:v12+s22+$0x0], $0xffff;
	v11 =	vand.u32 $0x7C, v11  }
0x828: {  	v11 =	vbroadcast v11, $0x0;
	_ =	sdelay $0x1  }
0x829: {  	v11 =	vor.u32 v6, v11;
	_ =	sdelay $0x1  }
0x82a: {  	v13 =	vmul.f32 v13, v9  }
0x82b: {  	s23 =	sadd.s32 $0x60, s19  }
0x82c: {  	[tilespmem:v12+s22+$0x0] =	vst.idx.msk $0xffff, v13;
	v12 =	vmov s23  }
0x82d: {  	v13 =	vld.idx.msk [tilespmem:v11+s22+$0x0], $0xffff;
	v12 =	vand.u32 $0x7C, v12  }
0x82e: {  	v12 =	vbroadcast v12, $0x0;
	_ =	sdelay $0x1  }
0x82f: {  	v12 =	vor.u32 v6, v12;
	_ =	sdelay $0x1  }
0x830: {  	v13 =	vmul.f32 v13, v7  }
0x831: {  	s29 =	sadd.s32 $0x1, s19  }
0x832: {  	[tilespmem:v11+s22+$0x0] =	vst.idx.msk $0xffff, v13;
	v11 =	vmov s29  }
0x833: {  	v13 =	vld.idx.msk [tilespmem:v12+s22+$0x0], $0xffff;
	v11 =	vand.u32 $0x7D, v11  }
0x834: {  	v11 =	vbroadcast v11, $0x0;
	_ =	sdelay $0x1  }
0x835: {  	v11 =	vor.u32 v6, v11;
	_ =	sdelay $0x1  }
0x836: {  	v13 =	vmul.f32 v13, v8  }
0x837: {  	s30 =	sadd.s32 $0x21, s19  }
0x838: {  	[tilespmem:v12+s22+$0x0] =	vst.idx.msk $0xffff, v13;
	v12 =	vmov s30  }
0x839: {  	v13 =	vld.idx.msk [tilespmem:v11+s22+$0x0], $0xffff;
	v12 =	vand.u32 $0x7D, v12  }
0x83a: {  	v12 =	vbroadcast v12, $0x0;
	_ =	sdelay $0x1  }
0x83b: {  	v12 =	vor.u32 v6, v12;
	_ =	sdelay $0x1  }
0x83c: {  	v13 =	vmul.f32 v13, v10  }
0x83d: {  	s2 =	sadd.s32 $0x41, s19  }
0x83e: {  	[tilespmem:v11+s22+$0x0] =	vst.idx.msk $0xffff, v13;
	v11 =	vmov s2  }
0x83f: {  	v13 =	vld.idx.msk [tilespmem:v12+s22+$0x0], $0xffff;
	v11 =	vand.u32 $0x7D, v11  }
0x840: {  	v11 =	vbroadcast v11, $0x0;
	_ =	sdelay $0x1  }
0x841: {  	v11 =	vor.u32 v6, v11;
	_ =	sdelay $0x1  }
0x842: {  	v13 =	vmul.f32 v13, v9  }
0x843: {  	s13 =	sadd.s32 $0x61, s19  }
0x844: {  	[tilespmem:v12+s22+$0x0] =	vst.idx.msk $0xffff, v13;
	v12 =	vmov s13  }
0x845: {  	v13 =	vld.idx.msk [tilespmem:v11+s22+$0x0], $0xffff;
	v12 =	vand.u32 $0x7D, v12  }
0x846: {  	v12 =	vbroadcast v12, $0x0;
	_ =	sdelay $0x1  }
0x847: {  	v12 =	vor.u32 v6, v12;
	_ =	sdelay $0x1  }
0x848: {  	v13 =	vmul.f32 v13, v7  }
0x849: {  	s17 =	sadd.s32 $0x2, s19  }
0x84a: {  	[tilespmem:v11+s22+$0x0] =	vst.idx.msk $0xffff, v13;
	v11 =	vmov s17  }
0x84b: {  	v13 =	vld.idx.msk [tilespmem:v12+s22+$0x0], $0xffff;
	v11 =	vand.u32 $0x7E, v11  }
0x84c: {  	v11 =	vbroadcast v11, $0x0;
	_ =	sdelay $0x1  }
0x84d: {  	v11 =	vor.u32 v6, v11;
	_ =	sdelay $0x1  }
0x84e: {  	v13 =	vmul.f32 v13, v8  }
0x84f: {  	s20 =	sadd.s32 $0x22, s19  }
0x850: {  	[tilespmem:v12+s22+$0x0] =	vst.idx.msk $0xffff, v13;
	v12 =	vmov s20  }
0x851: {  	v13 =	vld.idx.msk [tilespmem:v11+s22+$0x0], $0xffff;
	v12 =	vand.u32 $0x7E, v12  }
0x852: {  	v12 =	vbroadcast v12, $0x0;
	_ =	sdelay $0x1  }
0x853: {  	v12 =	vor.u32 v6, v12;
	_ =	sdelay $0x1  }
0x854: {  	v13 =	vmul.f32 v13, v10  }
0x855: {  	s23 =	sadd.s32 $0x42, s19  }
0x856: {  	[tilespmem:v11+s22+$0x0] =	vst.idx.msk $0xffff, v13;
	v11 =	vmov s23  }
0x857: {  	v13 =	vld.idx.msk [tilespmem:v12+s22+$0x0], $0xffff;
	v11 =	vand.u32 $0x7E, v11  }
0x858: {  	v11 =	vbroadcast v11, $0x0;
	_ =	sdelay $0x1  }
0x859: {  	v11 =	vor.u32 v6, v11;
	_ =	sdelay $0x1  }
0x85a: {  	v13 =	vmul.f32 v13, v9  }
0x85b: {  	s29 =	sadd.s32 $0x62, s19  }
0x85c: {  	[tilespmem:v12+s22+$0x0] =	vst.idx.msk $0xffff, v13;
	v12 =	vmov s29  }
0x85d: {  	v13 =	vld.idx.msk [tilespmem:v11+s22+$0x0], $0xffff;
	v12 =	vand.u32 $0x7E, v12  }
0x85e: {  	v12 =	vbroadcast v12, $0x0;
	_ =	sdelay $0x1  }
0x85f: {  	v12 =	vor.u32 v6, v12;
	_ =	sdelay $0x1  }
0x860: {  	v13 =	vmul.f32 v13, v7  }
0x861: {  	s30 =	sadd.s32 $0x3, s19  }
0x862: {  	[tilespmem:v11+s22+$0x0] =	vst.idx.msk $0xffff, v13;
	v11 =	vmov s30  }
0x863: {  	v13 =	vld.idx.msk [tilespmem:v12+s22+$0x0], $0xffff;
	v11 =	vand.u32 $0x7F, v11  }
0x864: {  	v11 =	vbroadcast v11, $0x0;
	_ =	sdelay $0x1  }
0x865: {  	v11 =	vor.u32 v6, v11;
	_ =	sdelay $0x1  }
0x866: {  	v13 =	vmul.f32 v13, v8  }
0x867: {  	s2 =	sadd.s32 $0x23, s19  }
0x868: {  	[tilespmem:v12+s22+$0x0] =	vst.idx.msk $0xffff, v13;
	v12 =	vmov s2  }
0x869: {  	v13 =	vld.idx.msk [tilespmem:v11+s22+$0x0], $0xffff;
	v12 =	vand.u32 $0x7F, v12  }
0x86a: {  	v12 =	vbroadcast v12, $0x0;
	_ =	sdelay $0x1  }
0x86b: {  	v12 =	vor.u32 v6, v12;
	_ =	sdelay $0x1  }
0x86c: {  	v10 =	vmul.f32 v13, v10  }
0x86d: {  	s13 =	sadd.s32 $0x43, s19  }
0x86e: {  	[tilespmem:v11+s22+$0x0] =	vst.idx.msk $0xffff, v10;
	v10 =	vmov s13  }
0x86f: {  	v11 =	vld.idx.msk [tilespmem:v12+s22+$0x0], $0xffff;
	v10 =	vand.u32 $0x7F, v10  }
0x870: {  	v10 =	vbroadcast v10, $0x0;
	_ =	sdelay $0x1  }
0x871: {  	v10 =	vor.u32 v6, v10;
	_ =	sdelay $0x1  }
0x872: {  	v9 =	vmul.f32 v11, v9  }
0x873: {  	s17 =	sadd.s32 $0x63, s19  }
0x874: {  	[tilespmem:v12+s22+$0x0] =	vst.idx.msk $0xffff, v9;
	v9 =	vmov s17  }
0x875: {  	v11 =	vld.idx.msk [tilespmem:v10+s22+$0x0], $0xffff;
	v9 =	vand.u32 $0x7F, v9  }
0x876: {  	v9 =	vbroadcast v9, $0x0;
	_ =	sdelay $0x1  }
0x877: {  	v9 =	vor.u32 v6, v9;
	_ =	sdelay $0x1  }
0x878: {  	v7 =	vmul.f32 v11, v7  }
0x879: {  	s19 =	simm.s32 $0x20  }
0x87a: {  	[tilespmem:v10+s22+$0x0] =	vst.idx.msk $0xffff, v7;
	v7 =	vmov s19  }
0x87b: {  	s20 =	simm.s32 $0x21;
	v10 =	vld.idx.msk [tilespmem:v9+s22+$0x0], $0xffff;
	v7 =	vand.u32 $0x7C, v7  }
0x87c: {  	v12 =	vmov s20;
	v11 =	vbroadcast v7, $0x0  }
0x87d: {  	s23 =	simm.s32 $0x42;
	v12 =	vand.u32 $0x7D, v12;
	v7 =	vor.u32 $0x1000, v0  }
0x87e: {  	v13 =	vmov s23;
	v12 =	vbroadcast v12, $0x0;
	v11 =	vor.u32 v7, v11  }
0x87f: {  	v14 =	vmov s21;
	v13 =	vand.u32 $0x7E, v13  }
0x880: {  	s2 =	simm.s32 $0x41;
	v13 =	vbroadcast v13, $0x0;
	v12 =	vor.u32 v7, v12;
	v8 =	vmul.f32 v10, v8  }
0x881: {  	v14 =	vand.u32 $0x7C, v14;
	v10 =	vmov s2  }
0x882: {  	s29 =	simm.s32 $0x60;
	v10 =	vand.u32 $0x7D, v10;
	[tilespmem:v9+s22+$0x0] =	vst.idx.msk $0xffff, v8;
	v9 =	vor.u32 v7, v13;
	v13 =	vbroadcast v14, $0x0  }
0x883: {  	v24 =	vimm.f32 $0.0e+00;
	s30 =	simm.s32 $0x22;
	v8 =	vmov s29;
	v10 =	vbroadcast v10, $0x0;
	v15 =	vld.idx.msk [tilespmem:v11+s3+$0x0], $0xffff  }
0x884: {  	v14 =	vmov s30;
	v8 =	vand.u32 $0x7C, v8;
	v11 =	vld.idx.msk [tilespmem:v11+s0+$0x0], $0xffff;
	v16 =	vor.u32 v7, v13  }
0x885: {  	s17 =	simm.s32 $0x40;
	s19 =	simm.s32 $0x43;
	v14 =	vand.u32 $0x7E, v14;
	v20 =	vld.idx.msk [tilespmem:v12+s0+$0x0], $0xffff;
	v8 =	vbroadcast v8, $0x0;
	v19 =	vor.u32 v7, v10  }
0x886: {  	s13 =	simm.s32 $0x23;
	v18 =	vmov s17;
	v22 =	vmov s19;
	s2 =	simm.s32 $0x1;
	v12 =	vld.idx.msk [tilespmem:v12+s3+$0x0], $0xffff;
	v13 =	vbroadcast v14, $0x0  }
0x887: {  	v10 =	vmov s2;
	v14 =	vmov s13;
	v8 =	vor.u32 v7, v8;
	v21 =	vld.idx.msk [tilespmem:v9+s3+$0x0], $0xffff  }
0x888: {  	v22 =	vand.u32 $0x7F, v22;
	v10 =	vand.u32 $0x7D, v10;
	v14 =	vand.u32 $0x7F, v14;
	v9 =	vld.idx.msk [tilespmem:v9+s0+$0x0], $0xffff  }
0x889: {  	s21 =	simm.s32 $0x3;
	v13 =	vor.u32 v7, v13;
	v17 =	vbroadcast v10, $0x0;
	v14 =	vbroadcast v14, $0x0;
	v10 =	vld.idx.msk [tilespmem:v16+s0+$0x0], $0xffff  }
0x88a: {  	v27 =	vmov s21;
	s20 =	simm.s32 $0x2;
	v18 =	vand.u32 $0x7C, v18;
	v22 =	vbroadcast v22, $0x0;
	v25 =	vld.idx.msk [tilespmem:v19+s0+$0x0], $0xffff  }
0x88b: {  	v23 =	vor.u32 v7, v17;
	v17 =	vmov s20;
	v26 =	vor.u32 v7, v14;
	v32 =	vld.idx.msk [tilespmem:v19+s3+$0x0], $0xffff  }
0x88c: {  	s23 =	simm.s32 $0x62;
	v14 =	vbroadcast v18, $0x0;
	v11 =	vmul.f32 v15, v11;
	v17 =	vand.u32 $0x7E, v17;
	v29 =	vld.idx.msk [tilespmem:v8+s0+$0x0], $0xffff  }
0x88d: {  	s29 =	simm.s32 $0x61;
	v28 =	vbroadcast v17, $0x0;
	v17 =	vor.u32 v7, v22;
	v31 =	vld.idx.msk [tilespmem:v8+s3+$0x0], $0xffff;
	v8 =	vmov s23  }
0x88e: {  	v22 =	vmov s29;
	v18 =	vld.idx.msk [tilespmem:v13+s0+$0x0], $0xffff;
	v33 =	vand.u32 $0x7E, v8;
	v8 =	vadd.f32 v11, v24  }
0x88f: {  	v11 =	vmul.f32 v12, v20;
	v12 =	vand.u32 $0x7D, v22;
	v22 =	vand.u32 $0x7F, v27;
	v27 =	vld.idx.msk [tilespmem:v13+s3+$0x0], $0xffff  }
0x890: {  	s30 =	simm.s32 $0x63;
	v19 =	vor.u32 v7, v28;
	v15 =	vld.idx.msk [tilespmem:v23+s0+$0x0], $0xffff  }
0x891: {  	v14 =	vor.u32 v7, v14;
	v28 =	vmov s30;
	v20 =	vld.idx.msk [tilespmem:v26+s3+$0x0], $0xffff;
	v12 =	vbroadcast v12, $0x0  }
0x892: {  	v30 =	vand.u32 $0x7F, v28;
	v13 =	vadd.f32 v11, v8;
	v11 =	vbroadcast v22, $0x0;
	v22 =	vld.idx.msk [tilespmem:v26+s0+$0x0], $0xffff  }
0x893: {  	v26 =	vld.idx.msk [tilespmem:v16+s3+$0x0], $0xffff;
	v8 =	vmul.f32 v21, v9;
	v30 =	vbroadcast v30, $0x0;
	v28 =	vor.u32 v7, v12  }
0x894: {  	v12 =	vimm.f32 $0.0e+00;
	v21 =	vor.u32 v7, v11;
	v11 =	vmul.f32 v32, v25;
	v25 =	vld.idx.msk [tilespmem:v23+s3+$0x0], $0xffff  }
0x895: {  	v9 =	vmovc v7;
	v29 =	vmul.f32 v31, v29;
	v31 =	vbroadcast v33, $0x0;
	v23 =	vimm.f32 $0.0e+00;
	v16 =	vld.idx.msk [tilespmem:v19+s0+$0x0], $0xffff  }
.LBB2_25:
0x896: {  	s1 =	sadd.s32 $0x20, s11  }
0x897: {  	s2 =	sadd.s32 $0x40, s11;
	s13 =	sadd.s32 $0x60, s11;
	v32 =	vld.idx.msk [tilespmem:v14+s0+$0x0], $0xffff;
	v24 =	vadd.f32 v29, v24;
	v29 =	vor.u32 v9, v30;
	s20 =	smov.u32 s11  }
0x898: {  	s23 =	sadd.s32 $0x1, s11;
	s21 =	sadd.s32 $0x61, s11;
	v18 =	vmul.f32 v27, v18;
	v30 =	vmov s1;
	v33 =	vmov s2;
	s1 =	sadd.s32 $0x3, s11;
	v34 =	vld.idx.msk [tilespmem:v28+s3+$0x0], $0xffff  }
0x899: {  	s17 =	sadd.s32 $0x2, s11;
	s19 =	sadd.s32 $0x23, s11;
	s2 =	sadd.s32 $0x41, s11;
	v31 =	vor.u32 v9, v31;
	v9 =	vmovc v7;
	v27 =	vand.u32 $0x7C, v30;
	v30 =	vand.u32 $0x7C, v33;
	v33 =	vld.idx.msk [tilespmem:v17+s0+$0x0], $0xffff  }
0x89a: {  	s29 =	sadd.s32 $0x21, s20;
	s30 =	sadd.s32 $0x22, s20;
	v36 =	vmov s19;
	s19 =	sadd.s32 $0x4, s11;
	v35 =	vmov s1;
	v27 =	vbroadcast v27, $0x0;
	v28 =	vld.idx.msk [tilespmem:v28+s0+$0x0], $0xffff  }
0x89b: {  	p0 =	slt.u32 s11, $0x1C;
	v20 =	vmul.f32 v20, v22;
	v37 =	vmov s29;
	v38 =	vmov s2;
	v39 =	vld.idx.msk [tilespmem:v21+s0+$0x0], $0xffff  }
0x89c: {  	v22 =	vor.u32 v9, v27;
	v27 =	vbroadcast v30, $0x0;
	v30 =	vmov s17;
	v14 =	vld.idx.msk [tilespmem:v14+s3+$0x0], $0xffff  }
0x89d: {  	v40 =	vmov s30;
	s1 =	sadd.s32 $0x42, s20;
	v10 =	vmul.f32 v26, v10;
	v37 =	vand.u32 $0x7D, v37;
	v17 =	vld.idx.msk [tilespmem:v17+s3+$0x0], $0xffff  }
0x89e: {  	v26 =	vand.u32 $0x7D, v38;
	v38 =	vmov s1;
	v30 =	vand.u32 $0x7E, v30;
	v19 =	vld.idx.msk [tilespmem:v19+s3+$0x0], $0xffff  }
0x89f: {  	v37 =	vbroadcast v37, $0x0;
	v38 =	vand.u32 $0x7E, v38;
	v23 =	vadd.f32 v10, v23;
	v10 =	vld.idx.msk [tilespmem:v29+s0+$0x0], $0xffff  }
0x8a0: {  	v41 =	vmov s13;
	v36 =	vand.u32 $0x7F, v36;
	v38 =	vbroadcast v38, $0x0;
	v29 =	vld.idx.msk [tilespmem:v29+s3+$0x0], $0xffff  }
0x8a1: {  	v42 =	vmov s20;
	v15 =	vmul.f32 v25, v15;
	v37 =	vor.u32 v9, v37;
	v25 =	vld.idx.msk [tilespmem:v31+s0+$0x0], $0xffff  }
0x8a2: {  	v42 =	vand.u32 $0x7C, v42;
	v13 =	vadd.f32 v18, v13;
	v38 =	vor.u32 v9, v38;
	v18 =	vld.idx.msk [tilespmem:v21+s3+$0x0], $0xffff  }
0x8a3: {  	v41 =	vand.u32 $0x7C, v41;
	v28 =	vmul.f32 v34, v28;
	v21 =	vbroadcast v42, $0x0;
	v42 =	vld.idx.msk [tilespmem:v22+s3+$0x0], $0xffff  }
0x8a4: {  	v26 =	vbroadcast v26, $0x0;
	v13 =	vadd.f32 v20, v13;
	v34 =	vand.u32 $0x7E, v40;
	v22 =	vld.idx.msk [tilespmem:v22+s0+$0x0], $0xffff  }
0x8a5: {  	v20 =	vbroadcast v34, $0x0;
	v14 =	vmul.f32 v14, v32;
	v21 =	vor.u32 v9, v21;
	v31 =	vld.idx.msk [tilespmem:v31+s3+$0x0], $0xffff  }
0x8a6: {  	s1 =	sadd.s32 $0x43, s20;
	v26 =	vor.u32 v9, v26;
	v32 =	vbroadcast v41, $0x0;
	v40 =	vmul.f32 v29, v10;
	v34 =	vld.idx.msk [tilespmem:v37+s0+$0x0], $0xffff  }
0x8a7: {  	v30 =	vbroadcast v30, $0x0;
	v10 =	vmov s1;
	v29 =	vld.idx.msk [tilespmem:v37+s3+$0x0], $0xffff;
	v37 =	vor.u32 v9, v20  }
0x8a8: {  	v16 =	vmul.f32 v19, v16;
	v20 =	vor.u32 v9, v32;
	v32 =	vmov s23;
	v41 =	vld.idx.msk [tilespmem:v38+s3+$0x0], $0xffff  }
0x8a9: {  	v33 =	vmul.f32 v17, v33;
	v19 =	vand.u32 $0x7D, v32;
	v32 =	vld.idx.msk [tilespmem:v38+s0+$0x0], $0xffff;
	v38 =	vand.u32 $0x7F, v10  }
0x8aa: {  	v12 =	vadd.f32 v14, v12;
	v22 =	vmul.f32 v42, v22;
	v17 =	vbroadcast v19, $0x0;
	v10 =	vld.idx.msk [tilespmem:v21+s0+$0x0], $0xffff  }
0x8ab: {  	v14 =	vor.u32 v9, v27;
	v19 =	vbroadcast v36, $0x0;
	v25 =	vmul.f32 v31, v25  }
0x8ac: {  	v31 =	vor.u32 v9, v17;
	v17 =	vbroadcast v38, $0x0;
	v38 =	vmul.f32 v18, v39;
	v36 =	vld.idx.msk [tilespmem:v26+s0+$0x0], $0xffff  }
0x8ad: {  	v23 =	vadd.f32 v15, v23;
	v24 =	vadd.f32 v28, v24;
	s1 =	sadd.s32 $0x62, s20;
	v42 =	vor.u32 v9, v19;
	v39 =	vld.idx.msk [tilespmem:v20+s0+$0x0], $0xffff  }
0x8ae: {  	v11 =	vadd.f32 v11, v12;
	v15 =	vmov s1;
	v17 =	vor.u32 v9, v17;
	v18 =	vld.idx.msk [tilespmem:v37+s0+$0x0], $0xffff  }
0x8af: {  	v28 =	vand.u32 $0x7F, v35;
	v12 =	vmov s21;
	v44 =	vand.u32 $0x7E, v15;
	v43 =	vld.idx.msk [tilespmem:v20+s3+$0x0], $0xffff  }
0x8b0: {  	v8 =	vadd.f32 v8, v11;
	v13 =	vadd.f32 v22, v13;
	v20 =	vmul.f32 v29, v34;
	v34 =	vld.idx.msk [tilespmem:v26+s3+$0x0], $0xffff  }
0x8b1: {  	v11 =	vand.u32 $0x7D, v12;
	v12 =	vadd.f32 v16, v23;
	v19 =	vor.u32 v9, v30;
	v15 =	vld.idx.msk [tilespmem:v31+s0+$0x0], $0xffff  }
0x8b2: {  	s1 =	sadd.s32 $0x63, s20;
	v11 =	vbroadcast v11, $0x0;
	v24 =	vadd.f32 v25, v24;
	v13 =	vadd.f32 v20, v13;
	v20 =	vld.idx.msk [tilespmem:v42+s3+$0x0], $0xffff  }
.Ltmp16:
0x8b3: {  	v16 =	vbroadcast v28, $0x0;
	v25 =	vmov s1;
	v23 =	vadd.f32 v38, v12;
	v27 =	vld.idx.msk [tilespmem:v37+s3+$0x0], $0xffff;
	(pc) =	sbr.rel @p0 .LBB2_25-.Ltmp16, $4  }
0x8b4: {  	v28 =	vor.u32 v9, v11;
	v11 =	vand.u32 $0x7F, v25;
	v12 =	vadd.f32 v33, v8;
	v22 =	vld.idx.msk [tilespmem:v42+s0+$0x0], $0xffff  }
0x8b5: {  	v8 =	vmul.f32 v41, v32;
	v30 =	vbroadcast v11, $0x0;
	v26 =	vld.idx.msk [tilespmem:v21+s3+$0x0], $0xffff;
	v21 =	vor.u32 v9, v16  }
0x8b6: {  	v24 =	vadd.f32 v40, v24;
	v29 =	vmul.f32 v43, v39;
	v11 =	vmul.f32 v34, v36;
	v16 =	vld.idx.msk [tilespmem:v19+s0+$0x0], $0xffff  }
0x8b7: {  	s11 =	smov.u32 s19;
	v25 =	vld.idx.msk [tilespmem:v31+s3+$0x0], $0xffff;
	v31 =	vbroadcast v44, $0x0  }
0x8b8: {  	_ =	sdelay $0x3  }
0x8b9: {  	v32 =	vld.idx.msk [tilespmem:v14+s0+$0x0], $0xffff  }
0x8ba: {  	v33 =	vld.idx.msk [tilespmem:v28+s3+$0x0], $0xffff  }
0x8bb: {  	v34 =	vld.idx.msk [tilespmem:v17+s0+$0x0], $0xffff  }
0x8bc: {  	v55 =	vld.idx.msk [tilespmem:v28+s0+$0x0], $0xffff  }
0x8bd: {  	v35 =	vld.idx.msk [tilespmem:v21+s0+$0x0], $0xffff;
	v31 =	vor.u32 v9, v31  }
0x8be: {  	v14 =	vld.idx.msk [tilespmem:v14+s3+$0x0], $0xffff  }
0x8bf: {  	v56 =	vld.idx.msk [tilespmem:v17+s3+$0x0], $0xffff;
	v9 =	vor.u32 v9, v30  }
0x8c0: {  	v19 =	vld.idx.msk [tilespmem:v19+s3+$0x0], $0xffff  }
0x8c1: {  	v58 =	vld.idx.msk [tilespmem:v21+s3+$0x0], $0xffff;
	v10 =	vmul.f32 v26, v10  }
0x8c2: {  	v57 =	vld.idx.msk [tilespmem:v31+s0+$0x0], $0xffff  }
0x8c3: {  	v10 =	vadd.f32 v10, v23;
	v15 =	vmul.f32 v25, v15;
	v14 =	vmul.f32 v14, v32;
	v59 =	vld.idx.msk [tilespmem:v31+s3+$0x0], $0xffff  }
0x8c4: {  	v18 =	vmul.f32 v27, v18;
	v60 =	vld.idx.msk [tilespmem:v9+s0+$0x0], $0xffff  }
0x8c5: {  	v16 =	vmul.f32 v19, v16;
	v9 =	vld.idx.msk [tilespmem:v9+s3+$0x0], $0xffff;
	v10 =	vadd.f32 v15, v10;
	v12 =	vadd.f32 v14, v12  }
0x8c6: {  	v61 =	vmul.f32 v33, v55;
	v62 =	vmul.f32 v58, v35;
	v14 =	vadd.f32 v29, v24  }
0x8c7: {  	v15 =	vmul.f32 v20, v22;
	v10 =	vadd.f32 v16, v10;
	v11 =	vadd.f32 v11, v12  }
0x8c8: {  	v12 =	vadd.f32 v18, v13;
	v14 =	vadd.f32 v61, v14;
	v13 =	vmul.f32 v59, v57  }
0x8c9: {  	v63 =	vmul.f32 v56, v34;
	v10 =	vadd.f32 v62, v10;
	v8 =	vadd.f32 v8, v11  }
0x8ca: {  	v11 =	vadd.f32 v15, v12;
	v9 =	vmul.f32 v9, v60;
	v12 =	vadd.f32 v13, v14  }
0x8cb: {  	v10 =	vmul.f32 $1.442695020e+00, v10;
	v8 =	vadd.f32 v63, v8  }
0x8cc: {  	v11 =	vmul.f32 $1.442695020e+00, v11;
	v9 =	vadd.f32 v9, v12  }
0x8cd: {  	(erf) = vpow2.f32 v10;
	v8 =	vmul.f32 $1.442695020e+00, v8  }
0x8ce: {  	(erf) = vpow2.f32 v11;
	v9 =	vmul.f32 $1.442695020e+00, v9  }
0x8cf: {  	(erf) = vpow2.f32 v8  }
0x8d0: {  	(erf) = vpow2.f32 v9  }
0x8d1: {  	s1 =	simm.s32 $0x0  }
0x8d2: {  	v8 =	vmov s1  }
0x8d3: {  	v12 =	vor.u32 $0x1001, v0;
	v8 =	vand.u32 $0x7C, v8  }
0x8d4: {  	v13 =	vor.u32 $0x1002, v0;
	v8 =	vbroadcast v8, $0x0  }
0x8d5: {  	v14 =	vor.u32 $0x1003, v0  }
0x8d6: {  	v15 =	vor.u32 v7, v8;
	v11 =	vpop (erf)  }
0x8d7: {  	v10 =	vpop (erf);
	[tilespmem:v7+s12+$0x0] =	vst.idx.msk $0xffff, v11  }
0x8d8: {  	[tilespmem:v12+s12+$0x0] =	vst.idx.msk $0xffff, v10;
	v9 =	vpop (erf)  }
0x8d9: {  	s20 =	simm.s32 $0x20;
	[tilespmem:v13+s12+$0x0] =	vst.idx.msk $0xffff, v9;
	v8 =	vpop (erf)  }
0x8da: {  	v12 =	vmov s20;
	[tilespmem:v14+s12+$0x0] =	vst.idx.msk $0xffff, v8  }
0x8db: {  	v12 =	vand.u32 $0x7C, v12;
	v13 =	vld.idx.msk [tilespmem:v15+s22+$0x0], $0xffff  }
0x8dc: {  	v12 =	vbroadcast v12, $0x0;
	_ =	sdelay $0x1  }
0x8dd: {  	v12 =	vor.u32 v7, v12;
	_ =	sdelay $0x1  }
0x8de: {  	v13 =	vmul.f32 v13, v11  }
0x8df: {  	s21 =	simm.s32 $0x40  }
0x8e0: {  	[tilespmem:v15+s22+$0x0] =	vst.idx.msk $0xffff, v13;
	v13 =	vmov s21  }
0x8e1: {  	v14 =	vld.idx.msk [tilespmem:v12+s22+$0x0], $0xffff;
	v13 =	vand.u32 $0x7C, v13  }
0x8e2: {  	v13 =	vbroadcast v13, $0x0;
	_ =	sdelay $0x1  }
0x8e3: {  	v13 =	vor.u32 v7, v13;
	_ =	sdelay $0x1  }
0x8e4: {  	v14 =	vmul.f32 v14, v10  }
0x8e5: {  	s23 =	simm.s32 $0x60  }
0x8e6: {  	[tilespmem:v12+s22+$0x0] =	vst.idx.msk $0xffff, v14;
	v12 =	vmov s23  }
0x8e7: {  	v14 =	vld.idx.msk [tilespmem:v13+s22+$0x0], $0xffff;
	v12 =	vand.u32 $0x7C, v12  }
0x8e8: {  	v12 =	vbroadcast v12, $0x0;
	_ =	sdelay $0x1  }
0x8e9: {  	v12 =	vor.u32 v7, v12;
	_ =	sdelay $0x1  }
0x8ea: {  	v14 =	vmul.f32 v14, v9  }
0x8eb: {  	s29 =	simm.s32 $0x1  }
0x8ec: {  	[tilespmem:v13+s22+$0x0] =	vst.idx.msk $0xffff, v14;
	v13 =	vmov s29  }
0x8ed: {  	v14 =	vld.idx.msk [tilespmem:v12+s22+$0x0], $0xffff;
	v13 =	vand.u32 $0x7D, v13  }
0x8ee: {  	v13 =	vbroadcast v13, $0x0;
	_ =	sdelay $0x1  }
0x8ef: {  	v13 =	vor.u32 v7, v13;
	_ =	sdelay $0x1  }
0x8f0: {  	v14 =	vmul.f32 v14, v8  }
0x8f1: {  	s30 =	simm.s32 $0x21  }
0x8f2: {  	[tilespmem:v12+s22+$0x0] =	vst.idx.msk $0xffff, v14;
	v12 =	vmov s30  }
0x8f3: {  	v14 =	vld.idx.msk [tilespmem:v13+s22+$0x0], $0xffff;
	v12 =	vand.u32 $0x7D, v12  }
0x8f4: {  	v12 =	vbroadcast v12, $0x0;
	_ =	sdelay $0x1  }
0x8f5: {  	v12 =	vor.u32 v7, v12;
	_ =	sdelay $0x1  }
0x8f6: {  	v14 =	vmul.f32 v14, v11  }
0x8f7: {  	s2 =	simm.s32 $0x41  }
0x8f8: {  	[tilespmem:v13+s22+$0x0] =	vst.idx.msk $0xffff, v14;
	v13 =	vmov s2  }
0x8f9: {  	v14 =	vld.idx.msk [tilespmem:v12+s22+$0x0], $0xffff;
	v13 =	vand.u32 $0x7D, v13  }
0x8fa: {  	v13 =	vbroadcast v13, $0x0;
	_ =	sdelay $0x1  }
0x8fb: {  	v13 =	vor.u32 v7, v13;
	_ =	sdelay $0x1  }
0x8fc: {  	v14 =	vmul.f32 v14, v10  }
0x8fd: {  	s11 =	simm.s32 $0x61  }
0x8fe: {  	[tilespmem:v12+s22+$0x0] =	vst.idx.msk $0xffff, v14;
	v12 =	vmov s11  }
0x8ff: {  	v14 =	vld.idx.msk [tilespmem:v13+s22+$0x0], $0xffff;
	v12 =	vand.u32 $0x7D, v12  }
0x900: {  	v12 =	vbroadcast v12, $0x0;
	_ =	sdelay $0x1  }
0x901: {  	v12 =	vor.u32 v7, v12;
	_ =	sdelay $0x1  }
0x902: {  	v14 =	vmul.f32 v14, v9  }
0x903: {  	s13 =	simm.s32 $0x2  }
0x904: {  	[tilespmem:v13+s22+$0x0] =	vst.idx.msk $0xffff, v14;
	v13 =	vmov s13  }
0x905: {  	v14 =	vld.idx.msk [tilespmem:v12+s22+$0x0], $0xffff;
	v13 =	vand.u32 $0x7E, v13  }
0x906: {  	v13 =	vbroadcast v13, $0x0;
	_ =	sdelay $0x1  }
0x907: {  	v13 =	vor.u32 v7, v13;
	_ =	sdelay $0x1  }
0x908: {  	v14 =	vmul.f32 v14, v8  }
0x909: {  	s17 =	simm.s32 $0x22  }
0x90a: {  	[tilespmem:v12+s22+$0x0] =	vst.idx.msk $0xffff, v14;
	v12 =	vmov s17  }
0x90b: {  	v14 =	vld.idx.msk [tilespmem:v13+s22+$0x0], $0xffff;
	v12 =	vand.u32 $0x7E, v12  }
0x90c: {  	v12 =	vbroadcast v12, $0x0;
	_ =	sdelay $0x1  }
0x90d: {  	v12 =	vor.u32 v7, v12;
	_ =	sdelay $0x1  }
0x90e: {  	v14 =	vmul.f32 v14, v11  }
0x90f: {  	s19 =	simm.s32 $0x42  }
0x910: {  	[tilespmem:v13+s22+$0x0] =	vst.idx.msk $0xffff, v14;
	v13 =	vmov s19  }
0x911: {  	v14 =	vld.idx.msk [tilespmem:v12+s22+$0x0], $0xffff;
	v13 =	vand.u32 $0x7E, v13  }
0x912: {  	v13 =	vbroadcast v13, $0x0;
	_ =	sdelay $0x1  }
0x913: {  	v13 =	vor.u32 v7, v13;
	_ =	sdelay $0x1  }
0x914: {  	v14 =	vmul.f32 v14, v10  }
0x915: {  	s20 =	simm.s32 $0x62  }
0x916: {  	[tilespmem:v12+s22+$0x0] =	vst.idx.msk $0xffff, v14;
	v12 =	vmov s20  }
0x917: {  	v14 =	vld.idx.msk [tilespmem:v13+s22+$0x0], $0xffff;
	v12 =	vand.u32 $0x7E, v12  }
0x918: {  	v12 =	vbroadcast v12, $0x0;
	_ =	sdelay $0x1  }
0x919: {  	v12 =	vor.u32 v7, v12;
	_ =	sdelay $0x1  }
0x91a: {  	v14 =	vmul.f32 v14, v9  }
0x91b: {  	s21 =	simm.s32 $0x3  }
0x91c: {  	[tilespmem:v13+s22+$0x0] =	vst.idx.msk $0xffff, v14;
	v13 =	vmov s21  }
0x91d: {  	v14 =	vld.idx.msk [tilespmem:v12+s22+$0x0], $0xffff;
	v13 =	vand.u32 $0x7F, v13  }
0x91e: {  	v13 =	vbroadcast v13, $0x0;
	_ =	sdelay $0x1  }
0x91f: {  	v13 =	vor.u32 v7, v13;
	_ =	sdelay $0x1  }
0x920: {  	v14 =	vmul.f32 v14, v8  }
0x921: {  	s23 =	simm.s32 $0x23  }
0x922: {  	[tilespmem:v12+s22+$0x0] =	vst.idx.msk $0xffff, v14;
	v12 =	vmov s23  }
0x923: {  	v14 =	vld.idx.msk [tilespmem:v13+s22+$0x0], $0xffff;
	v12 =	vand.u32 $0x7F, v12  }
0x924: {  	v12 =	vbroadcast v12, $0x0;
	_ =	sdelay $0x1  }
0x925: {  	v12 =	vor.u32 v7, v12;
	_ =	sdelay $0x1  }
0x926: {  	v14 =	vmul.f32 v14, v11  }
0x927: {  	s29 =	simm.s32 $0x43  }
0x928: {  	[tilespmem:v13+s22+$0x0] =	vst.idx.msk $0xffff, v14;
	v13 =	vmov s29  }
0x929: {  	v14 =	vld.idx.msk [tilespmem:v12+s22+$0x0], $0xffff;
	v13 =	vand.u32 $0x7F, v13  }
0x92a: {  	v13 =	vbroadcast v13, $0x0;
	_ =	sdelay $0x1  }
0x92b: {  	v15 =	vor.u32 v7, v13;
	_ =	sdelay $0x1  }
0x92c: {  	v13 =	vmul.f32 v14, v10  }
0x92d: {  	s30 =	simm.s32 $0x63  }
0x92e: {  	[tilespmem:v12+s22+$0x0] =	vst.idx.msk $0xffff, v13;
	v12 =	vmov s30  }
0x92f: {  	v14 =	vld.idx.msk [tilespmem:v15+s22+$0x0], $0xffff;
	v12 =	vand.u32 $0x7F, v12  }
0x930: {  	v12 =	vbroadcast v12, $0x0;
	_ =	sdelay $0x1  }
0x931: {  	v13 =	vor.u32 v7, v12;
	_ =	sdelay $0x1  }
0x932: {  	v12 =	vmul.f32 v14, v9  }
0x933: {  	s11 =	simm.s32 $0x4  }
0x934: {  	[tilespmem:v15+s22+$0x0] =	vst.idx.msk $0xffff, v12;
	v12 =	vmov s11  }
0x935: {  	v14 =	vld.idx.msk [tilespmem:v13+s22+$0x0], $0xffff;
	v12 =	vand.u32 $0x7C, v12  }
0x936: {  	v12 =	vbroadcast v12, $0x0;
	_ =	sdelay $0x1  }
0x937: {  	v12 =	vor.u32 v7, v12;
	_ =	sdelay $0x1  }
0x938: {  	s19 =	simm.s32 $0x8;
	v14 =	vmul.f32 v14, v8  }
.LBB2_27:
0x939: {  	p0 =	slt.u32 s19, $0x1C  }
0x93a: {  	s1 =	sadd.s32 $0x20, s11;
	[tilespmem:v13+s22+$0x0] =	vst.idx.msk $0xffff, v14;
	s20 =	smov.u32 s19;
	s19 =	sadd.s32 $0x4, s19  }
0x93b: {  	v13 =	vld.idx.msk [tilespmem:v12+s22+$0x0], $0xffff;
	v14 =	vmov s1  }
0x93c: {  	v14 =	vand.u32 $0x7C, v14  }
0x93d: {  	v14 =	vbroadcast v14, $0x0;
	_ =	sdelay $0x1  }
0x93e: {  	v14 =	vor.u32 v7, v14;
	_ =	sdelay $0x1  }
0x93f: {  	v13 =	vmul.f32 v13, v11;
	_ =	sdelay $0x1  }
0x940: {  	s1 =	sadd.s32 $0x40, s11;
	[tilespmem:v12+s22+$0x0] =	vst.idx.msk $0xffff, v13  }
0x941: {  	v13 =	vmov s1;
	v12 =	vld.idx.msk [tilespmem:v14+s22+$0x0], $0xffff  }
0x942: {  	v13 =	vand.u32 $0x7C, v13  }
0x943: {  	v13 =	vbroadcast v13, $0x0;
	_ =	sdelay $0x1  }
0x944: {  	v13 =	vor.u32 v7, v13;
	_ =	sdelay $0x1  }
0x945: {  	v12 =	vmul.f32 v12, v10;
	_ =	sdelay $0x1  }
0x946: {  	s1 =	sadd.s32 $0x60, s11;
	[tilespmem:v14+s22+$0x0] =	vst.idx.msk $0xffff, v12  }
0x947: {  	v14 =	vmov s1;
	v12 =	vld.idx.msk [tilespmem:v13+s22+$0x0], $0xffff  }
0x948: {  	v14 =	vand.u32 $0x7C, v14  }
0x949: {  	v14 =	vbroadcast v14, $0x0;
	_ =	sdelay $0x1  }
0x94a: {  	v14 =	vor.u32 v7, v14;
	_ =	sdelay $0x1  }
0x94b: {  	v12 =	vmul.f32 v12, v9;
	_ =	sdelay $0x1  }
0x94c: {  	s1 =	sadd.s32 $0x1, s11;
	[tilespmem:v13+s22+$0x0] =	vst.idx.msk $0xffff, v12  }
0x94d: {  	v13 =	vmov s1;
	v12 =	vld.idx.msk [tilespmem:v14+s22+$0x0], $0xffff  }
0x94e: {  	v13 =	vand.u32 $0x7D, v13  }
0x94f: {  	v13 =	vbroadcast v13, $0x0;
	_ =	sdelay $0x1  }
0x950: {  	v13 =	vor.u32 v7, v13;
	_ =	sdelay $0x1  }
0x951: {  	v12 =	vmul.f32 v12, v8;
	_ =	sdelay $0x1  }
0x952: {  	s1 =	sadd.s32 $0x21, s11;
	[tilespmem:v14+s22+$0x0] =	vst.idx.msk $0xffff, v12  }
0x953: {  	v14 =	vmov s1;
	v12 =	vld.idx.msk [tilespmem:v13+s22+$0x0], $0xffff  }
0x954: {  	v14 =	vand.u32 $0x7D, v14  }
0x955: {  	v14 =	vbroadcast v14, $0x0;
	_ =	sdelay $0x1  }
0x956: {  	v14 =	vor.u32 v7, v14;
	_ =	sdelay $0x1  }
0x957: {  	v12 =	vmul.f32 v12, v11;
	_ =	sdelay $0x1  }
0x958: {  	s1 =	sadd.s32 $0x41, s11;
	[tilespmem:v13+s22+$0x0] =	vst.idx.msk $0xffff, v12  }
0x959: {  	v13 =	vmov s1;
	v12 =	vld.idx.msk [tilespmem:v14+s22+$0x0], $0xffff  }
0x95a: {  	v13 =	vand.u32 $0x7D, v13  }
0x95b: {  	v13 =	vbroadcast v13, $0x0;
	_ =	sdelay $0x1  }
0x95c: {  	v13 =	vor.u32 v7, v13;
	_ =	sdelay $0x1  }
0x95d: {  	v12 =	vmul.f32 v12, v10;
	_ =	sdelay $0x1  }
0x95e: {  	s1 =	sadd.s32 $0x61, s11;
	[tilespmem:v14+s22+$0x0] =	vst.idx.msk $0xffff, v12  }
0x95f: {  	v14 =	vmov s1;
	v12 =	vld.idx.msk [tilespmem:v13+s22+$0x0], $0xffff  }
0x960: {  	v14 =	vand.u32 $0x7D, v14  }
0x961: {  	v14 =	vbroadcast v14, $0x0;
	_ =	sdelay $0x1  }
0x962: {  	v14 =	vor.u32 v7, v14;
	_ =	sdelay $0x1  }
0x963: {  	v12 =	vmul.f32 v12, v9;
	_ =	sdelay $0x1  }
0x964: {  	s1 =	sadd.s32 $0x2, s11;
	[tilespmem:v13+s22+$0x0] =	vst.idx.msk $0xffff, v12  }
0x965: {  	v13 =	vmov s1;
	v12 =	vld.idx.msk [tilespmem:v14+s22+$0x0], $0xffff  }
0x966: {  	v13 =	vand.u32 $0x7E, v13  }
0x967: {  	v13 =	vbroadcast v13, $0x0;
	_ =	sdelay $0x1  }
0x968: {  	v13 =	vor.u32 v7, v13;
	_ =	sdelay $0x1  }
0x969: {  	v12 =	vmul.f32 v12, v8;
	_ =	sdelay $0x1  }
0x96a: {  	s1 =	sadd.s32 $0x22, s11;
	[tilespmem:v14+s22+$0x0] =	vst.idx.msk $0xffff, v12  }
0x96b: {  	v14 =	vmov s1;
	v12 =	vld.idx.msk [tilespmem:v13+s22+$0x0], $0xffff  }
0x96c: {  	v14 =	vand.u32 $0x7E, v14  }
0x96d: {  	v14 =	vbroadcast v14, $0x0;
	_ =	sdelay $0x1  }
0x96e: {  	v14 =	vor.u32 v7, v14;
	_ =	sdelay $0x1  }
0x96f: {  	v12 =	vmul.f32 v12, v11;
	_ =	sdelay $0x1  }
0x970: {  	s1 =	sadd.s32 $0x42, s11;
	[tilespmem:v13+s22+$0x0] =	vst.idx.msk $0xffff, v12  }
0x971: {  	v13 =	vmov s1;
	v12 =	vld.idx.msk [tilespmem:v14+s22+$0x0], $0xffff  }
0x972: {  	v13 =	vand.u32 $0x7E, v13  }
0x973: {  	v13 =	vbroadcast v13, $0x0;
	_ =	sdelay $0x1  }
0x974: {  	v13 =	vor.u32 v7, v13;
	_ =	sdelay $0x1  }
0x975: {  	v12 =	vmul.f32 v12, v10;
	_ =	sdelay $0x1  }
0x976: {  	s1 =	sadd.s32 $0x62, s11;
	[tilespmem:v14+s22+$0x0] =	vst.idx.msk $0xffff, v12  }
0x977: {  	v14 =	vmov s1;
	v12 =	vld.idx.msk [tilespmem:v13+s22+$0x0], $0xffff  }
0x978: {  	v14 =	vand.u32 $0x7E, v14  }
0x979: {  	v14 =	vbroadcast v14, $0x0;
	_ =	sdelay $0x1  }
0x97a: {  	v14 =	vor.u32 v7, v14;
	_ =	sdelay $0x1  }
0x97b: {  	v12 =	vmul.f32 v12, v9;
	_ =	sdelay $0x1  }
0x97c: {  	s1 =	sadd.s32 $0x3, s11;
	[tilespmem:v13+s22+$0x0] =	vst.idx.msk $0xffff, v12  }
0x97d: {  	v13 =	vmov s1;
	v12 =	vld.idx.msk [tilespmem:v14+s22+$0x0], $0xffff  }
0x97e: {  	v13 =	vand.u32 $0x7F, v13  }
0x97f: {  	v13 =	vbroadcast v13, $0x0;
	_ =	sdelay $0x1  }
0x980: {  	v13 =	vor.u32 v7, v13;
	_ =	sdelay $0x1  }
0x981: {  	v12 =	vmul.f32 v12, v8;
	_ =	sdelay $0x1  }
0x982: {  	s1 =	sadd.s32 $0x23, s11;
	[tilespmem:v14+s22+$0x0] =	vst.idx.msk $0xffff, v12  }
0x983: {  	v14 =	vmov s1;
	v12 =	vld.idx.msk [tilespmem:v13+s22+$0x0], $0xffff  }
0x984: {  	v14 =	vand.u32 $0x7F, v14  }
0x985: {  	v14 =	vbroadcast v14, $0x0;
	_ =	sdelay $0x1  }
0x986: {  	v14 =	vor.u32 v7, v14;
	_ =	sdelay $0x1  }
0x987: {  	v12 =	vmul.f32 v12, v11;
	_ =	sdelay $0x1  }
0x988: {  	s1 =	sadd.s32 $0x43, s11;
	[tilespmem:v13+s22+$0x0] =	vst.idx.msk $0xffff, v12  }
0x989: {  	v13 =	vmov s1;
	v12 =	vld.idx.msk [tilespmem:v14+s22+$0x0], $0xffff  }
0x98a: {  	v13 =	vand.u32 $0x7F, v13  }
0x98b: {  	v13 =	vbroadcast v13, $0x0;
	_ =	sdelay $0x1  }
0x98c: {  	v15 =	vor.u32 v7, v13;
	_ =	sdelay $0x1  }
0x98d: {  	v12 =	vmul.f32 v12, v10;
	_ =	sdelay $0x1  }
0x98e: {  	s1 =	sadd.s32 $0x63, s11;
	s11 =	smov.u32 s20;
	[tilespmem:v14+s22+$0x0] =	vst.idx.msk $0xffff, v12  }
0x98f: {  	v13 =	vmov s1;
	v12 =	vld.idx.msk [tilespmem:v15+s22+$0x0], $0xffff  }
0x990: {  	v13 =	vand.u32 $0x7F, v13  }
0x991: {  	v13 =	vbroadcast v13, $0x0;
	_ =	sdelay $0x1  }
0x992: {  	v13 =	vor.u32 v7, v13;
	_ =	sdelay $0x1  }
0x993: {  	v12 =	vmul.f32 v12, v9;
	_ =	sdelay $0x1  }
0x994: {  	[tilespmem:v15+s22+$0x0] =	vst.idx.msk $0xffff, v12  }
0x995: {  	v12 =	vmov s11;
	v14 =	vld.idx.msk [tilespmem:v13+s22+$0x0], $0xffff  }
0x996: {  	v12 =	vand.u32 $0x7C, v12  }
.Ltmp17:
0x997: {  	v12 =	vbroadcast v12, $0x0;
	(pc) =	sbr.rel @p0 .LBB2_27-.Ltmp17, $3  }
0x998: {  	_ = 	snop  }
0x999: {  	v12 =	vor.u32 v7, v12;
	_ =	sdelay $0x1  }
0x99a: {  	v14 =	vmul.f32 v14, v8  }
.Ltmp18:
0x99b: {  	_ = 	snop;
	(pc) =	sbr.rel .LBB2_28-.Ltmp18, $1  }
0x99c: {  	_ =	sdelay $0x3  }
.LBB2_31:
0x99d: {  	_ =	sfence.sel $0x180000  }
0x99e: {  	[bflag:$0x0] =	sbarrier.arrive $0xFFFF  }
0x99f: {  	_ =	strace $0x90000047  }
0x9a0: {  	s0 =	stileid.u32;
	[bflag:$0x2] =	sbarrier.arrive $0xFFFF  }
0x9a1: {  	p0 =	sne.s32 s0, $0x0;
	s0 =	rddreg [dreg:$0x3]  }
0x9a2: {  	s0 =	sadd.s32 @!p0 $0x100000, s0  }
0x9a3: {  	[sflag:s0] =	ssyncadd.tile.s32 @!p0 $0x1;
	_ =	shalt  }
.Lfunc_end2:
_tile_overlayer_lowered:
.L_overlay_start_2:
0x9a4: {  	(tag) =	ssettag $0x2  }
0x9a5: {  	s0 =	rddreg [dreg:$0x0];
	s2 =	stileid.u32  }
0x9a6: {  	s1 =	rddreg [dreg:$0x1];
	p0 =	sne.s32 s2, $0x0  }
0x9a7: {  	s3 =	rddreg [dreg:$0x2];
	[bflag:$0x3] =	sbarrier.arrive $0xFFFF;
	s2 =	simm.s32 @!p0 $0x1C05  }
0x9a8: {  	[timem:s3], [sflag:s2] =	dma.local @!p0 [hbm:s0], s1  }
0x9a9: {  	s0 =	simm.s32 @!p0 $0x5  }
0x9aa: {  	_ =	swait.ge @!p0 [sflag:s0], s1  }
0x9ab: {  	s1 =	ssub.s32 @!p0 $0x0, s1;
	[sflag:s0] =	ssyncset.done @!p0 $0x0  }
0x9ac: {  	[sflag:s0] =	ssyncadd.s32 @!p0 s1  }
0x9ad: {  	[bflag:$0x3] =	sbarrier.arrive $0xFFFF  }
0x9ae: {  	_ =	shalt  }

// kernel: kernel.9.cloned.1.call-start
scs
__scs_entry_jumppad:
0x0: {  	(pc) =	sbr.rel $0x88, $3  }
0x1: {  	(tag) =	ssettag $0x0;
	lr =	simm.s32 $0x1  }
0x2: {  	[smem:$0x3F99] =	sst lr;
	_ =	strace $0xD0000000  }
0x3: {  	_ = 	snop  }
0x4: {  	_ = 	snop  }
0x5: {  	_ = 	snop  }
0x6: {  	_ = 	snop  }
0x7: {  	_ = 	snop  }
__scs_overlays_trampoline_lowered:
0x8: {  	[smem:$0x3FA8] =	sst s0  }
0x9: {  	[smem:$0x3FA9] =	sst s1  }
0xa: {  	[smem:$0x3FAA] =	sst s2  }
0xb: {  	[smem:$0x3FAB] =	sst s3  }
0xc: {  	[smem:$0x3FAC] =	sst s4  }
0xd: {  	[smem:$0x3FAD] =	sst s5  }
0xe: {  	[smem:$0x3FAE] =	sst s6  }
0xf: {  	[smem:$0x3FAF] =	sst s7  }
0x10: {  	[smem:$0x3FB0] =	sst s8  }
0x11: {  	[smem:$0x3FB1] =	sst s9;
	s0 =	simm.s32 @!p0 $0x0  }
0x12: {  	s1 =	sld [smem:$0x3F97];
	s0 =	simm.s32 @p0 $0x1  }
0x13: {  	[smem:$0x3FB2] =	sst s0;
	s0 =	simm.s32 @!p1 $0x0  }
0x14: {  	s2 =	sld [smem:$0x3F96];
	s0 =	simm.s32 @p1 $0x1  }
0x15: {  	[smem:$0x3FB3] =	sst s0;
	s0 =	simm.s32 @!p2 $0x0  }
0x16: {  	s3 =	sld [smem:$0x3FDB];
	s0 =	simm.s32 @p2 $0x1  }
0x17: {  	s4 =	simm.s32 $0x1BF5;
	[smem:$0x3FB5] =	sst s0  }
0x18: {  	s0 =	sld [smem:$0x3F98];
	_ =	swait.ge [sflag:s4], $0x0  }
0x19: {  	s7 =	sld [smem:$0x3F99]  }
0x1a: {  	s8 =	sadd.s32 $0xFFFFE003, lr  }
0x1b: {  	s9 =	sadd.s32 $0xFFFFFEF7, lr;
	s5 =	simm.s32 $0xFFFFFFFF;
	p2 =	slt.u32 s8, $0xFFFFF086  }
0x1c: {  	p1 =	slt.u32 s9, $0xF7A;
	s5 =	simm.s32 @!p2 $0x0  }
0x1d: {  	s5 =	simm.s32 @p1 $0x1;
	p0 =	seq.s32 s7, s2  }
0x1e: {  	s7 =	smul.u32 @!p0 $0xF7A, s2;
	p2 =	seq.s32 @!p0 s5, $0x0  }
0x1f: {  	s9 =	smul.u32 $0xF7A, s1;
	s8 =	simm.s32 @!p0 $0x1BF5;
	p2 =	por !p2, p0  }
0x20: {  	[sflag:s8] =	ssyncset.s32 @!p0 $0xFFFFF086;
	s6 =	sadd.s32 @!p0 s3, s7;
	s7 =	simm.s32 @!p0 $0x108  }
0x21: {  	s3 =	sadd.s32 s3, s9;
	s6 =	sadd.s32 @!p0 $0x88, s6;
	s7 =	simm.s32 @p2 $0x1082  }
0x22: {  	[simem:s7], [sflag:s8] =	dma.local @!p0 [hbm:s6], $0xF7A  }
0x23: {  	s9 =	sor.u32 $0xD0000000, s2;
	s6 =	simm.s32 $0x108;
	_ =	swait.ge @!p0 [sflag:s8], $0x0  }
0x24: {  	s3 =	sadd.s32 $0x88, s3;
	s6 =	simm.s32 @!p1 $0x1082;
	[sflag:s4] =	ssyncset.s32 $0xFFFFF086  }
0x25: {  	[simem:s6], [sflag:s4] =	dma.local [hbm:s3], $0xF7A  }
0x26: {  	[smem:$0x3F99] =	sst s1;
	(tag) =	ssettag s2;
	_ =	strace s9  }
0x27: {  	s1 =	sld [smem:$0x3FA9]  }
0x28: {  	s2 =	sld [smem:$0x3FAA]  }
0x29: {  	s4 =	sld [smem:$0x3FAC]  }
0x2a: {  	p0 =	seq.s32 s5, $0x0;
	s5 =	sld [smem:$0x3FAD]  }
0x2b: {  	s6 =	sld [smem:$0x3FAE]  }
0x2c: {  	s7 =	sld [smem:$0x3FAF]  }
0x2d: {  	s3 =	simm.s32 $0x108;
	s8 =	sld [smem:$0x3FB0]  }
0x2e: {  	s3 =	simm.s32 @!p0 $0x1082;
	s9 =	sld [smem:$0x3FB1]  }
0x2f: {  	lr =	sadd.s32 s0, s3;
	s0 =	sld [smem:$0x3FA8]  }
0x30: {  	s3 =	sld [smem:$0x3FAB]  }
0x31: {  	[smem:$0x3FB4] =	sst s10  }
0x32: {  	s10 =	sld [smem:$0x3FB2];
	_ =	sdelay $0x3  }
0x33: {  	p0 =	seq.s32 s10, $0x1;
	s10 =	sld [smem:$0x3FB4];
	_ =	sdelay $0x3  }
0x34: {  	[smem:$0x3FB4] =	sst s10  }
0x35: {  	s10 =	sld [smem:$0x3FB3];
	_ =	sdelay $0x3  }
0x36: {  	p1 =	seq.s32 s10, $0x1;
	s10 =	sld [smem:$0x3FB4];
	_ =	sdelay $0x3  }
0x37: {  	[smem:$0x3FB4] =	sst s10  }
0x38: {  	s10 =	sld [smem:$0x3FB5]  }
0x39: {  	_ = 	snop;
	(pc) =	sbr.ind lr, $3  }
0x3a: {  	_ = 	snop  }
0x3b: {  	_ = 	snop  }
0x3c: {  	p2 =	seq.s32 s10, $0x1;
	s10 =	sld [smem:$0x3FB4]  }
0x3d: {  	_ =	shalt  }
0x3e: {  	_ =	shalt  }
0x3f: {  	_ =	shalt  }
0x40: {  	_ =	shalt  }
0x41: {  	_ =	shalt  }
0x42: {  	_ =	shalt  }
0x43: {  	_ =	shalt  }
0x44: {  	_ =	shalt  }
0x45: {  	_ =	shalt  }
0x46: {  	_ =	shalt  }
0x47: {  	_ =	shalt  }
0x48: {  	_ =	shalt  }
0x49: {  	_ =	shalt  }
0x4a: {  	_ =	shalt  }
0x4b: {  	_ =	shalt  }
0x4c: {  	_ =	shalt  }
0x4d: {  	_ =	shalt  }
0x4e: {  	_ =	shalt  }
0x4f: {  	_ =	shalt  }
0x50: {  	_ =	shalt  }
0x51: {  	_ =	shalt  }
0x52: {  	_ =	shalt  }
0x53: {  	_ =	shalt  }
0x54: {  	_ =	shalt  }
0x55: {  	_ =	shalt  }
0x56: {  	_ =	shalt  }
0x57: {  	_ =	shalt  }
0x58: {  	_ =	shalt  }
0x59: {  	_ =	shalt  }
0x5a: {  	_ =	shalt  }
0x5b: {  	_ =	shalt  }
0x5c: {  	_ =	shalt  }
0x5d: {  	_ =	shalt  }
0x5e: {  	_ =	shalt  }
0x5f: {  	_ =	shalt  }
0x60: {  	_ =	shalt  }
0x61: {  	_ =	shalt  }
0x62: {  	_ =	shalt  }
0x63: {  	_ =	shalt  }
0x64: {  	_ =	shalt  }
0x65: {  	_ =	shalt  }
0x66: {  	_ =	shalt  }
0x67: {  	_ =	shalt  }
0x68: {  	_ =	shalt  }
0x69: {  	_ =	shalt  }
0x6a: {  	_ =	shalt  }
0x6b: {  	_ =	shalt  }
0x6c: {  	_ =	shalt  }
0x6d: {  	_ =	shalt  }
0x6e: {  	_ =	shalt  }
0x6f: {  	_ =	shalt  }
0x70: {  	_ =	shalt  }
0x71: {  	_ =	shalt  }
0x72: {  	_ =	shalt  }
0x73: {  	_ =	shalt  }
0x74: {  	_ =	shalt  }
0x75: {  	_ =	shalt  }
0x76: {  	_ =	shalt  }
0x77: {  	_ =	shalt  }
0x78: {  	_ =	shalt  }
0x79: {  	_ =	shalt  }
0x7a: {  	_ =	shalt  }
0x7b: {  	_ =	shalt  }
0x7c: {  	_ =	shalt  }
0x7d: {  	_ =	shalt  }
0x7e: {  	_ =	shalt  }
0x7f: {  	_ =	shalt  }
0x80: {  	_ =	shalt  }
0x81: {  	_ =	shalt  }
0x82: {  	_ =	shalt  }
0x83: {  	_ =	shalt  }
0x84: {  	_ =	shalt  }
0x85: {  	_ =	shalt  }
0x86: {  	_ =	shalt  }
0x87: {  	_ =	shalt  }
.Lfunc_end0:
.L_simem_size_0:
called_computation.1_lowered:
.L_overlay_start_0:
0x88: {  	s2 =	sld [smem:$0x3FD9]  }
0x89: {  	s3 =	sld [smem:$0x3FFE];
	_ =	sdelay $0x1  }
0x8a: {  	s1 =	srdreg.scid  }
0x8b: {  	s0 =	sand.u32 $0x1, s1  }
0x8c: {  	s16 =	sshll.u32 s0, $0xA;
	s2 =	sadd.s32 s3, s2  }
0x8d: {  	s2 =	sadd.s32 s2, s16  }
0x8e: {  	[smem:$0x3FC0] =	sst s2  }
0x8f: {  	_ = 	snop  }
0x90: {  	(tm) =	ssettm $0x1  }
0x91: {  	s17 =	sld [smem:$0x3FFB];
	_ =	sdelay $0x3  }
0x92: {  	_ =	strace s17  }
0x93: {  	s2 =	sld [smem:$0x3FFC];
	_ =	sdelay $0x3  }
0x94: {  	_ =	strace s2  }
0x95: {  	s2 =	sld [smem:$0x3FFD];
	_ =	sdelay $0x3  }
0x96: {  	_ =	strace s2  }
0x97: {  	_ =	strace $0x8FFFFFFF  }
0x98: {  	s18 =	sld [smem:$0x3FDB];
	_ =	sdelay $0x1  }
0x99: {  	s19 =	simm.s32 $_scs_section_size  }
0x9a: {  	s4 =	simm.s32 $_size__tile_overlayer_lowered;
	s5 =	simm.s32 $_tile_overlayer_lowered  }
0x9b: {  	s22 =	simm.s32 $0x1BFF;
	s21 =	sshll.u32 s5, $0x1;
	s2 =	sadd.s32 s19, s18  }
0x9c: {  	s6 =	simm.s32 $0x0;
	s20 =	sshll.u32 s4, $0x1;
	s4 =	sadd.s32 s21, s2  }
0x9d: {  	[timem:s6], [sflag:s22] =	dma.local [hbm:s4], s20  }
0x9e: {  	_ =	swait.ge [sflag:s22], s20  }
0x9f: {  	s3 =	ssub.s32 $0x0, s20;
	[sflag:s22] =	ssyncset.done $0x0  }
0xa0: {  	[sflag:s22] =	ssyncadd.s32 s3;
	_ =	sdelay $0x1  }
0xa1: {  	s23 =	simm.s32 $0x1B8B  }
0xa2: {  	_ =	swait.ge [sflag:s23], $0x1  }
0xa3: {  	[sflag:s23] =	ssyncset.done $0x0  }
0xa4: {  	s25 =	simm.s32 $0x1B8E;
	s24 =	sld [smem:$0x3FFE];
	[sflag:s23] =	ssyncadd.s32 $0xFFFFFFFF  }
0xa5: {  	s26 =	simm.s32 $execute0_lowered;
	[smem:$0x3FD2] =	sst s25  }
0xa6: {  	s4 =	sshll.u32 s26, $0x1;
	_ =	strace $0x80000049;
	[dreg:$0x1] =	wrdreg $0xFFFFFFFF  }
0xa7: {  	s28 =	simm.s32 $_size_execute0_lowered;
	s2 =	sadd.s32 s2, s4;
	[dreg:$0x0] =	wrdreg $0x0  }
0xa8: {  	s4 =	sshll.u32 s28, $0x1;
	[dreg:$0x2] =	wrdreg s2  }
0xa9: {  	[dreg:$0x3] =	wrdreg s4  }
0xaa: {  	[dreg:$0x4] =	wrdreg $0xC0  }
0xab: {  	_ =	task [dreg:s6], $0x5FFFF  }
0xac: {  	[dreg:$0x1] =	wrdreg $0xFFFFFFFF  }
0xad: {  	[dreg:$0x0] =	wrdreg $0x60  }
0xae: {  	[dreg:$0x2] =	wrdreg s24  }
0xaf: {  	[dreg:$0x3] =	wrdreg $0x0  }
0xb0: {  	[dreg:$0x4] =	wrdreg $0x9  }
0xb1: {  	_ =	task.clear_ibuf [dreg:s6], $0x5FFFF;
	_ =	strace $0x90000049  }
0xb2: {  	s29 =	simm.s32 $0x9;
	_ =	strace $0x8000004B  }
0xb3: {  	_ =	swait.ge [sflag:s29], $0x1  }
0xb4: {  	[sflag:s29] =	ssyncadd.s32 $0xFFFFFFFF  }
0xb5: {  	_ =	strace $0x9000004B  }
0xb6: {  	_ =	sfence  }
0xb7: {  	s30 =	sld [smem:$0x0];
	_ =	sdelay $0x2  }
0xb8: {  	s31 =	sshll.u32 s1, $0xD;
	s1 =	sshrl.u32 s1, $0x2  }
0xb9: {  	s3 =	sand.u32 $0x4000, s31;
	s1 =	sadd.s32 s1, s30  }
0xba: {  	s0 =	sor.u32 s3, s0;
	s1 =	sshll.u32 s1, $0x11  }
0xbb: {  	s0 =	sor.u32 s1, s0  }
0xbc: {  	s0 =	sadd.s32 $0x8F2B, s0  }
0xbd: {  	[sflag:s0] =	ssyncadd.remote.s32 $0x1  }
0xbe: {  	_ =	sfence.sel $0xFFFF  }
0xbf: {  	[dreg:$0x0] =	wrdreg $0xFFFFFFFF;
	(pc) =	sbr.abs _section_cstart, $3  }
0xc0: {  	[dreg:$0x1] =	wrdreg $0xFFFFFFFF  }
0xc1: {  	_ =	task.clear_ibuf [dreg:s6], $0x2FFFF;
	_ =	strace $0x9FFFFFFF  }
0xc2: {  	(tm) =	ssettm $0x7FFFFFFF  }
0xc3: {  	_ =	shalt  }
tec
execute0_lowered:
.L_overlay_start_1:
0x0: {  	(tag) =	ssettag $0x1  }
0x1: {  	s7 =	rddreg [dreg:$0x0]  }
0x2: {  	s2 =	rddreg [dreg:$0x1]  }
0x3: {  	s0 =	rddreg [dreg:$0x2];
	s3 =	simm.s32 $0x0  }
0x4: {  	s4 =	srdreg.scid;
	s1 =	stileid.u32;
	s15 =	simm.s32 $0x13C80  }
0x5: {  	s16 =	simm.s32 $0x30;
	s17 =	simm.s32 $0x15480;
	[smem:$0x7FF] =	sst s3  }
0x6: {  	s9 =	sand.u32 $0x1, s4;
	s6 =	smul.u32 $0x2780, s1;
	s4 =	sadd.s32 $0x286A00, s7  }
0x7: {  	s5 =	sadd.s32 $0x1CC00, s7;
	s11 =	smul.u32 $0x4F000, s1;
	s31 =	sshll.u32 s1, $0x6  }
0x8: {  	_ =	strace $0x8000004A;
	s8 =	smul.u32 $0x27800, s9;
	s10 =	ssub.s32 $0x2, s9  }
0x9: {  	s9 =	smul.u32 $0x50A00, s9;
	s29 =	sshrl.u32 s10, $0x1;
	s30 =	sshrl.u32 s11, $0x2  }
0xa: {  	s8 =	sadd.s32 s6, s8;
	s6 =	sadd.s32 $0x1C00, s7;
	s13 =	ssub.s32 s10, s29  }
0xb: {  	s14 =	sadd.s32 s30, s2;
	s12 =	sadd.s32 s8, s7;
	s7 =	sor.u32 $0x1C01, s31  }
0xc: {  	s8 =	smul.u32 $0x50A0, s1;
	s11 =	smax.u32 s13, $0x1;
	s13 =	simm.s32 $0x1  }
0xd: {  	v0 =	vimm.f32 $0.0e+00;
	s10 =	sadd.s32 $0x116E00, s12;
	s12 =	sshrl.u32 s14, $0x3;
	s14 =	simm.s32 $0x13C00  }
.LBB2_1:
0xe: {  	[spmem:s12], [sflag:s7] =	dma.local [hbm:s6], $0x2780  }
0xf: {  	_ =	swait.ge [sflag:s13], $0x2780  }
0x10: {  	[sflag:s13] =	ssyncset.done $0x0  }
0x11: {  	s18 =	simm.s32 $0x0;
	s19 =	simm.s32 $0x200;
	[sflag:s13] =	ssyncadd.s32 $0xFFFFD880  }
.LBB2_2:
0x12: {  	p0 =	sne.s32 s19, $0x5E00;
	[tilespmem:s18+$0x154F0] =	vst v0  }
0x13: {  	[tilespmem:s18+$0x15480] =	vst v0  }
0x14: {  	[tilespmem:s18+$0x15490] =	vst v0  }
.Ltmp0:
0x15: {  	[tilespmem:s18+$0x154A0] =	vst v0;
	(pc) =	sbr.rel @p0 .LBB2_2-.Ltmp0, $4  }
0x16: {  	[tilespmem:s18+$0x154B0] =	vst v0  }
0x17: {  	[tilespmem:s18+$0x154C0] =	vst v0  }
0x18: {  	[tilespmem:s18+$0x154D0] =	vst v0  }
0x19: {  	[tilespmem:s18+$0x154E0] =	vst v0;
	s18 =	sshra.s32 s19, $0x2;
	s19 =	sadd.s32 $0x200, s19  }
0x1a: {  	[tilespmem:s18+$0x154F0] =	vst v0  }
0x1b: {  	[tilespmem:s18+$0x15480] =	vst v0  }
0x1c: {  	[tilespmem:s18+$0x15490] =	vst v0  }
0x1d: {  	[tilespmem:s18+$0x154A0] =	vst v0  }
0x1e: {  	[tilespmem:s18+$0x154B0] =	vst v0  }
0x1f: {  	[tilespmem:s18+$0x154C0] =	vst v0  }
0x20: {  	[tilespmem:s18+$0x154D0] =	vst v0  }
0x21: {  	[tilespmem:s18+$0x154E0] =	vst v0  }
0x22: {  	s18 =	simm.s32 $0x0;
	s19 =	simm.s32 $0x0;
	[bflag:$0x0] =	sbarrier.arrive $0xFFFF  }
.LBB2_4:
0x23: {  	s20 =	smul.u32 $0x30, s19;
	_ =	sdelay $0x1  }
0x24: {  	s20 =	sadd.s32 s8, s20  }
0x25: {  	s21 =	sshrl.u32 s20, $0x3  }
0x26: {  	s21 =	sadd.s32 s5, s21  }
0x27: {  	[tilespmem:s14], [sflag:$0x1] =	stream.linear.gather [hbm4b:s21+s18], $0x30, $0x38;
	[tilespmem:$0x16C80] =	vst v63  }
0x28: {  	s20 =	sadd.s32 s9, s20;
	_ =	swait.ge [sflag:s13], $0x30  }
0x29: {  	s20 =	sshll.u32 s20, $0x4;
	[sflag:s13] =	ssyncset.done $0x0  }
0x2a: {  	s20 =	sadd.s32 s4, s20;
	[sflag:s13] =	ssyncadd.s32 $0xFFFFFFD0  }
0x2b: {  	[tilespmem:s15], [sflag:$0x1] =	stream.linear.gather [hbm4b:s20+s18], $0x1800, $0x38;
	[tilespmem:$0x16C80] =	vst v63  }
0x2c: {  	_ =	swait.ge [sflag:s13], $0x1800  }
0x2d: {  	[sflag:s13] =	ssyncset.done $0x0  }
0x2e: {  	s20 =	simm.s32 $0x0;
	[sflag:s13] =	ssyncadd.s32 $0xFFFFE800  }
0x2f: {  	s21 =	simm.s32 $0x200;
	v1 =	vld [tilespmem:s20+$0x13C80]  }
.LBB2_5:
0x30: {  	p0 =	sne.s32 s21, $0x5E00  }
.Ltmp1:
0x31: {  	_ = 	snop;
	(pc) =	sbr.rel @p0 .LBB2_5-.Ltmp1, $3  }
0x32: {  	_ =	sdelay $0x1  }
0x33: {  	[tilespmem:s20+$0x15480] =	vst v1;
	s20 =	sshra.s32 s21, $0x2;
	s21 =	sadd.s32 $0x200, s21  }
0x34: {  	v1 =	vld [tilespmem:s20+$0x13C80]  }
0x35: {  	_ =	sdelay $0x1  }
0x36: {  	s19 =	sadd.s32 $0x1, s19  }
0x37: {  	p0 =	sne.s32 s19, $0x1AE  }
.Ltmp2:
0x38: {  	[tilespmem:s20+$0x15480] =	vst v1;
	(pc) =	sbr.rel @p0 .LBB2_4-.Ltmp2, $4  }
0x39: {  	[spmem:s2] =	stream.indirect.scatter.add.f32 [tilespmem:s17], [sflag:$0x1], $0x80, s14, s16, $0xb8;
	[tilespmem:$0x16C80] =	vst v63  }
0x3a: {  	_ =	swait.ge [sflag:s13], $0x1800  }
0x3b: {  	[sflag:s13] =	ssyncset.done $0x0  }
0x3c: {  	[sflag:s13] =	ssyncadd.s32 $0xFFFFE800  }
0x3d: {  	s3 =	sadd.s32 $0x1, s3  }
0x3e: {  	p0 =	sne.s32 s3, s11  }
.Ltmp3:
0x3f: {  	[bflag:$0x0] =	sbarrier.arrive $0xFFFF;
	(pc) =	sbr.rel @p0 .LBB2_1-.Ltmp3, $4  }
0x40: {  	[hbm:s10], [sflag:s7] =	dma.local [spmem:s12], $0x2780  }
0x41: {  	_ =	swait.ge [sflag:s13], $0x2780  }
0x42: {  	[sflag:s13] =	ssyncset.done $0x0  }
0x43: {  	[sflag:s13] =	ssyncadd.s32 $0xFFFFD880  }
0x44: {  	_ =	sfence.sel $0x180000  }
0x45: {  	[bflag:$0x0] =	sbarrier.arrive $0xFFFF  }
0x46: {  	p0 =	sne.s32 s1, $0x0;
	_ =	strace $0x9000004A  }
0x47: {  	s0 =	sadd.s32 @!p0 $0x100000, s0;
	[bflag:$0x2] =	sbarrier.arrive $0xFFFF  }
0x48: {  	[sflag:s0] =	ssyncadd.tile.s32 @!p0 $0x1;
	_ =	shalt  }
.Lfunc_end2:
_tile_overlayer_lowered:
.L_overlay_start_2:
0x49: {  	(tag) =	ssettag $0x2  }
0x4a: {  	s0 =	rddreg [dreg:$0x0];
	s2 =	stileid.u32  }
0x4b: {  	s1 =	rddreg [dreg:$0x1];
	p0 =	sne.s32 s2, $0x0  }
0x4c: {  	s3 =	rddreg [dreg:$0x2];
	[bflag:$0x3] =	sbarrier.arrive $0xFFFF;
	s2 =	simm.s32 @!p0 $0x1C01  }
0x4d: {  	[timem:s3], [sflag:s2] =	dma.local @!p0 [hbm:s0], s1  }
0x4e: {  	s0 =	simm.s32 @!p0 $0x1  }
0x4f: {  	_ =	swait.ge @!p0 [sflag:s0], s1  }
0x50: {  	s1 =	ssub.s32 @!p0 $0x0, s1;
	[sflag:s0] =	ssyncset.done @!p0 $0x0  }
0x51: {  	[sflag:s0] =	ssyncadd.s32 @!p0 s1  }
0x52: {  	[bflag:$0x3] =	sbarrier.arrive $0xFFFF  }
0x53: {  	_ =	shalt  }

</sc_bundles>
